<compile_context>
chip_gen: v7x
topology: tpu7x:2x2x1
jax: 0.10.2.dev20260603
libtpu: 0.0.44.dev20260713+nightly
codegen_flags: <defaults>
</compile_context>

<pallas_src>
import functools

import jax
import jax.numpy as jnp
import numpy as np
from jax import lax
from jax.experimental import pallas as pl
from jax.experimental.pallas import tpu as pltpu
from jax.experimental.pallas import tpu_sc as plsc

_NUM_CLASSES = 80
_A = 5
_H = 32
_W = 32
_N = _A * _H * _W
_HW = _H * _W
_STRIDE = 16.0
_CONF_T = 0.5
_IOU_T = 0.45
_ANCHORS = np.array(
    [[1.3221, 1.73145], [3.19275, 4.00944], [5.05587, 8.09892],
     [9.47112, 4.84053], [11.2364, 10.0071]], dtype=np.float32)
_BLK = 1024
_NB = _N // _BLK
_SUB = 256
_NS = _BLK // _SUB
_REC = 128


def _decode_kernel(x_ref, rec_ref, srow_ref):
    pos = jax.lax.broadcasted_iota(jnp.int32, (1, _HW), 1)
    gx = (pos % _W).astype(jnp.float32)
    gy = (pos // _W).astype(jnp.float32)
    for a in range(_A):
        base = a * (5 + _NUM_CLASSES)
        blk = x_ref[base:base + 5 + _NUM_CLASSES, :]
        cx = (jax.nn.sigmoid(blk[0:1, :]) + gx) * _STRIDE
        cy = (jax.nn.sigmoid(blk[1:2, :]) + gy) * _STRIDE
        w = jnp.exp(blk[2:3, :]) * float(_ANCHORS[a, 0]) * _STRIDE
        h = jnp.exp(blk[3:4, :]) * float(_ANCHORS[a, 1]) * _STRIDE
        conf = jax.nn.sigmoid(blk[4:5, :])
        pcls = jax.nn.sigmoid(blk[5:, :])
        best = pcls[0:1, :]
        bidx = jnp.zeros((1, _HW), jnp.float32)
        for c in range(1, _NUM_CLASSES):
            cur = pcls[c:c + 1, :]
            gt = cur > best
            best = jnp.where(gt, cur, best)
            bidx = jnp.where(gt, jnp.float32(c), bidx)
        x1 = cx - w / 2.0
        y1 = cy - h / 2.0
        x2 = cx + w / 2.0
        y2 = cy + h / 2.0
        area = jnp.maximum(x2 - x1, 0.0) * jnp.maximum(y2 - y1, 0.0)
        zero = jnp.zeros((_REC - 11, _HW), jnp.float32)
        rows = jnp.concatenate(
            [cx, cy, w, h, conf, bidx, x1, y1, x2, y2, area, zero], axis=0)
        rec_ref[a * _HW:(a + 1) * _HW, :] = rows.T
        srow_ref[0:1, a * _HW:(a + 1) * _HW] = conf


def _rank_kernel(rec_ref, srow_ref, rank_ref):
    j = pl.program_id(0)
    s_col = rec_ref[:, 4:5]
    ridx = jax.lax.broadcasted_iota(jnp.int32, (_BLK, 1), 0) + j * _BLK
    ones = jnp.ones((_BLK, 1), jnp.float32)
    acc = jnp.zeros((_BLK, 1), jnp.float32)
    for c in range(_NB):
        s_all = srow_ref[0:1, c * _BLK:(c + 1) * _BLK]
        cidx = jax.lax.broadcasted_iota(jnp.int32, (1, _BLK), 1) + c * _BLK
        ahead = (s_all > s_col) | ((s_all == s_col) & (cidx < ridx))
        acc = acc + jax.lax.dot_general(
            ahead.astype(jnp.float32), ones, (((1,), (0,)), ((), ())),
            preferred_element_type=jnp.float32)
    rank_ref[:, :] = acc.astype(jnp.int32)


_SC_WORKERS = 32
_SC_PER_W = _N // _SC_WORKERS
_SC_CHUNK = 80


def _sc_scatter_body(rank_hbm, rec_hbm, out_hbm, idx_v, rows_v, sem):
    wid = lax.axis_index("s") * 2 + lax.axis_index("c")
    base = wid * _SC_PER_W
    for t in range(_SC_PER_W // _SC_CHUNK):
        off = base + t * _SC_CHUNK
        pltpu.sync_copy(rank_hbm.at[pl.ds(off, _SC_CHUNK)], idx_v.at[t])
        pltpu.sync_copy(rec_hbm.at[pl.ds(off, _SC_CHUNK)], rows_v.at[t])
        pltpu.async_copy(rows_v.at[t], out_hbm.at[idx_v.at[t]], sem).wait()


def _sc_scatter(rank_flat, rec):
    mesh = plsc.VectorSubcoreMesh(core_axis_name="c", subcore_axis_name="s")
    f = functools.partial(
        pl.kernel,
        out_type=jax.ShapeDtypeStruct((_N, _REC), jnp.float32),
        mesh=mesh,
        scratch_types=[
            pltpu.VMEM((_SC_PER_W // _SC_CHUNK, _SC_CHUNK), jnp.int32),
            pltpu.VMEM((_SC_PER_W // _SC_CHUNK, _SC_CHUNK, _REC),
                       jnp.float32),
            pltpu.SemaphoreType.DMA,
        ],
    )(_sc_scatter_body)
    return f(rank_flat, rec)


_STARTS = [b * _NB - b * (b - 1) // 2 for b in range(_NB)]


def _b_of(i):
    b = jnp.int32(0)
    for k in range(1, _NB):
        b = b + (i >= _STARTS[k]).astype(jnp.int32)
    return b


def _bc_of(i):
    b = _b_of(i)
    start = b * _NB - (b * (b - 1)) // 2
    return b, i - start + b


def _iou_tile(rec_ref, x1r, y1r, x2r, y2r, ar):
    x1c = rec_ref[:, 6:7]
    y1c = rec_ref[:, 7:8]
    x2c = rec_ref[:, 8:9]
    y2c = rec_ref[:, 9:10]
    ac = rec_ref[:, 10:11]
    xx1 = jnp.maximum(x1c, x1r)
    yy1 = jnp.maximum(y1c, y1r)
    xx2 = jnp.minimum(x2c, x2r)
    yy2 = jnp.minimum(y2c, y2r)
    inter = jnp.maximum(xx2 - xx1, 0.0) * jnp.maximum(yy2 - yy1, 0.0)
    return inter / (ac + ar - inter + 1e-9)


def _nms_kernel(rec_ref, out_ref, srT_ref, kcol_ref, keff_ref, kany_ref):
    b, c = _bc_of(pl.program_id(0))

    @pl.when(pl.program_id(0) == 0)
    def _init():
        for cc in range(_NB):
            blk = rec_ref[cc * _BLK:(cc + 1) * _BLK, :]
            srT_ref[:, cc * _BLK:(cc + 1) * _BLK] = blk.T
        for cc in range(_NB):
            k0 = (srT_ref[4:5, cc * _BLK:(cc + 1) * _BLK]
                  > _CONF_T).astype(jnp.float32)
            keff_ref[8 * cc:8 * cc + 1, :] = k0

    recb = rec_ref[pl.ds(b * _BLK, _BLK), :]

    @pl.when(c == b)
    def _diag():
        k0e = keff_ref[pl.ds(8 * b, 8), :][0:1, :]
        kcol_ref[:, :] = jnp.zeros((_BLK, 1), jnp.float32)
        kany_ref[0, 0] = jnp.max(k0e)

        @pl.when(kany_ref[0, 0] > 0.0)
        def _active():
            x1r = srT_ref[6:7, pl.ds(b * _BLK, _BLK)]
            y1r = srT_ref[7:8, pl.ds(b * _BLK, _BLK)]
            x2r = srT_ref[8:9, pl.ds(b * _BLK, _BLK)]
            y2r = srT_ref[9:10, pl.ds(b * _BLK, _BLK)]
            ar = srT_ref[10:11, pl.ds(b * _BLK, _BLK)]
            iou = _iou_tile(recb, x1r, y1r, x2r, y2r, ar)
            jl = jax.lax.broadcasted_iota(jnp.int32, (_BLK, 1), 0)
            il = jax.lax.broadcasted_iota(jnp.int32, (1, _BLK), 1)
            miou = iou * (jl < il).astype(jnp.float32)

            def cond(carry):
                return carry[1] > 0.0

            def body(carry):
                krow, _ = carry
                supp = jnp.max(miou * krow.T, axis=0, keepdims=True)
                knew = k0e * (1.0 - (supp > _IOU_T).astype(jnp.float32))
                chg = jnp.max(jnp.abs(knew - krow))
                return knew, chg

            kfin, _ = jax.lax.while_loop(cond, body, (k0e, jnp.float32(1.0)))
            kcol_ref[:, :] = kfin.T

    old8 = keff_ref[pl.ds(8 * c, 8), :]
    tgt_any = jnp.max(old8[0:1, :])

    @pl.when((c > b) & (kany_ref[0, 0] > 0.0) & (tgt_any > 0.0))
    def _offdiag():
        x1r = srT_ref[6:7, pl.ds(c * _BLK, _BLK)]
        y1r = srT_ref[7:8, pl.ds(c * _BLK, _BLK)]
        x2r = srT_ref[8:9, pl.ds(c * _BLK, _BLK)]
        y2r = srT_ref[9:10, pl.ds(c * _BLK, _BLK)]
        ar = srT_ref[10:11, pl.ds(c * _BLK, _BLK)]
        iou = _iou_tile(recb, x1r, y1r, x2r, y2r, ar)
        supp = jnp.max(iou * kcol_ref[:, :], axis=0, keepdims=True)
        keff_ref[pl.ds(8 * c, 8), :] = old8 * (
            1.0 - (supp > _IOU_T).astype(jnp.float32))

    @pl.when(c == _NB - 1)
    def _emit():
        out_ref[:, :] = recb[:, 0:6] * kcol_ref[:, :]


def kernel(x):
    X = x.reshape(_A * (5 + _NUM_CLASSES), _HW)

    rec, srow = pl.pallas_call(
        _decode_kernel,
        out_shape=[
            jax.ShapeDtypeStruct((_N, _REC), jnp.float32),
            jax.ShapeDtypeStruct((1, _N), jnp.float32),
        ],
    )(X)

    rank = pl.pallas_call(
        _rank_kernel,
        grid=(_NB,),
        in_specs=[
            pl.BlockSpec((_BLK, _REC), lambda j: (j, 0)),
            pl.BlockSpec((1, _N), lambda j: (0, 0)),
        ],
        out_specs=pl.BlockSpec((_BLK, 1), lambda j: (j, 0)),
        out_shape=jax.ShapeDtypeStruct((_N, 1), jnp.int32),
    )(rec, srow)

    srec = _sc_scatter(rank.reshape(_N), rec)

    out = pl.pallas_call(
        _nms_kernel,
        grid=(_STARTS[-1] + 1,),
        in_specs=[pl.BlockSpec((_N, _REC), lambda i: (0, 0))],
        out_specs=pl.BlockSpec((_BLK, 6), lambda i: (_b_of(i), 0)),
        out_shape=jax.ShapeDtypeStruct((_N, 6), jnp.float32),
        scratch_shapes=[
            pltpu.VMEM((_REC, _N), jnp.float32),
            pltpu.VMEM((_BLK, 1), jnp.float32),
            pltpu.VMEM((8 * _NB, _BLK), jnp.float32),
            pltpu.SMEM((1, 1), jnp.float32),
        ],
    )(srec)
    return out

# --- scband reference (transcript-rebuilt; emitter-appended) ---
"""Pipeline reference for scband-decode-yolo-v2-22694607192621 (READ-ONLY COPY).

The authoritative reference and input builder live on the scoring server;
editing this copy changes nothing except your own understanding.
"""

import jax, jax.numpy as jnp
import numpy as np

NUM_CLASSES = 80
SCALED_ANCHORS = np.array([[1.3221, 1.73145], [3.19275, 4.00944], [5.05587, 8.09892], [9.47112, 4.84053], [11.2364, 10.0071]], dtype=np.float32)
INPUT_SIZE = 512
CONF_THRESHOLD = 0.5
IOU_THRESHOLD = 0.45


def setup_inputs(seed: int = 0) -> dict:
    key = jax.random.key(seed)
    x = jax.random.normal(key, (1, 425, 32, 32), dtype=jnp.float32)
    return {"x": x}


def _decode(x):
    batch, _, H, W = x.shape
    A = SCALED_ANCHORS.shape[0]
    stride_w = INPUT_SIZE / W
    stride_h = INPUT_SIZE / H
    pred = x.reshape(batch, A, -1, H, W).transpose(0, 1, 3, 4, 2)  # (B, A, H, W, 5+C)
    anchors = jnp.asarray(SCALED_ANCHORS).reshape(1, A, 1, 1, 2)
    gx = jnp.broadcast_to(jnp.arange(W, dtype=jnp.float32).reshape(1, 1, 1, W), (batch, A, H, W))
    gy = jnp.broadcast_to(jnp.arange(H, dtype=jnp.float32).reshape(1, 1, H, 1), (batch, A, H, W))
    grid_xy = jnp.stack([gx, gy], axis=-1)  # (B, A, H, W, 2)
    pxy = jax.nn.sigmoid(pred[..., 0:2]) + grid_xy
    pwh = jnp.exp(pred[..., 2:4]) * anchors
    pbox = jnp.concatenate([pxy, pwh], axis=-1).reshape(batch, -1, 4)
    stride = jnp.asarray([stride_w, stride_h, stride_w, stride_h], dtype=jnp.float32)
    pbox = pbox * stride
    pconf = jax.nn.sigmoid(pred[..., 4:5]).reshape(batch, -1, 1)
    pcls = jax.nn.sigmoid(pred[..., 5:]).reshape(batch, -1, NUM_CLASSES)
    cls_idx = jnp.argmax(jax.lax.stop_gradient(pcls), axis=-1, keepdims=True).astype(jnp.float32)
    return jnp.concatenate([pbox, pconf, cls_idx], axis=-1)  # (B, N, 6)


def _nms_keep(d):
    # d: (N, 6) sorted by score desc; boxes are [cx, cy, w, h]
    b = d[:, :4]
    scores = d[:, 4]
    x1 = b[:, 0] - b[:, 2] / 2.0
    y1 = b[:, 1] - b[:, 3] / 2.0
    x2 = b[:, 0] + b[:, 2] / 2.0
    y2 = b[:, 1] + b[:, 3] / 2.0
    areas = jnp.maximum(x2 - x1, 0.0) * jnp.maximum(y2 - y1, 0.0)
    xx1 = jnp.maximum(x1[:, None], x1[None, :])
    yy1 = jnp.maximum(y1[:, None], y1[None, :])
    xx2 = jnp.minimum(x2[:, None], x2[None, :])
    yy2 = jnp.minimum(y2[:, None], y2[None, :])
    inter = jnp.maximum(xx2 - xx1, 0.0) * jnp.maximum(yy2 - yy1, 0.0)
    iou = inter / (areas[:, None] + areas[None, :] - inter + 1e-9)
    N = d.shape[0]
    idx = jnp.arange(N)
    keep0 = scores > CONF_THRESHOLD

    def body(i, keep):
        sup = (iou[i] > IOU_THRESHOLD) & (idx > i) & keep[i]
        return keep & (~sup)

    keep = jax.lax.fori_loop(0, N, body, keep0)
    return keep


def reference(x):
    dec = _decode(x)[0]  # (N, 6)
    order = jnp.argsort(-dec[:, 4])
    d = dec[order]
    keep = _nms_keep(jax.lax.stop_gradient(d))
    return d * keep.astype(d.dtype)[:, None]

if __name__ == "__main__":
    import jax
    _d = setup_inputs()
    print(jax.jit(kernel)(*tuple(_d.values())))

</pallas_src>

<mosaic_0001>
#map = affine_map<(d0, d1) -> (0)>
#map1 = affine_map<(d0, d1) -> (0, 0)>
module attributes {stable_mosaic.version = 14 : i64} {
  func.func @_sc_scatter_body(%arg0: i32, %arg1: i32, %arg2: memref<5120xi32, #tpu.memory_space<hbm>>, %arg3: memref<5120x128xf32, #tpu.memory_space<hbm>>, %arg4: memref<5120x128xf32, #tpu.memory_space<hbm>>, %arg5: memref<2x80xi32, #tpu.memory_space<vmem>>, %arg6: memref<2x80x128xf32, #tpu.memory_space<vmem>>, %arg7: memref<!tpu.dma_semaphore, #tpu.memory_space<semaphore_mem>>) attributes {dimension_semantics = [#tpu.dimension_semantics<core_parallel>, #tpu.dimension_semantics<subcore_parallel>], iteration_bounds = array<i64: 2, 16>, scalar_prefetch = 0 : i64, scratch_operands = 3 : i64, tpu.core_type = #tpu.core_type<sc_vector_subcore>, window_params = [{transform_indices = #map}, {transform_indices = #map1}, {transform_indices = #map1}]} {
    %mul3A = arith.constant 2 : i32
    %mul3A_0 = arith.muli %arg1, %mul3A : i32
    %add3A = arith.addi %mul3A_0, %arg0 : i32
    %mul3A_1 = arith.constant 160 : i32
    %mul3A_2 = arith.muli %add3A, %mul3A_1 : i32
    %add3A_3 = arith.constant 0 : i32
    %add3A_4 = arith.addi %mul3A_2, %add3A_3 : i32
    %run_scoped3A = arith.constant 0 : i32
    "tpu.region"() ({
      %run_scoped3A_56 = tpu.sem_alloc : memref<!tpu.dma_semaphore, #tpu.memory_space<semaphore_mem>>
      %dma_start3A_57 = arith.constant 0 : i32
      %dma_start3A_58 = tpu.memref_slice %arg5[%run_scoped3A, %dma_start3A_57] : memref<2x80xi32, #tpu.memory_space<vmem>> -> memref<1x80xi32, #tpu.memory_space<vmem>>
      %dma_start3A_59 = tpu.memref_squeeze %dma_start3A_58 : memref<1x80xi32, #tpu.memory_space<vmem>> -> memref<80xi32, #tpu.memory_space<vmem>>
      %dma_start3A_60 = tpu.memref_slice %arg2[%add3A_4] : memref<5120xi32, #tpu.memory_space<hbm>> -> memref<80xi32, #tpu.memory_space<hbm>>
      %dma_start3A_61 = arith.constant 0 : i32
      %dma_start3A_62 = tpu.memref_slice %arg5[%run_scoped3A, %dma_start3A_61] : memref<2x80xi32, #tpu.memory_space<vmem>> -> memref<1x80xi32, #tpu.memory_space<vmem>>
      %dma_start3A_63 = tpu.memref_squeeze %dma_start3A_62 : memref<1x80xi32, #tpu.memory_space<vmem>> -> memref<80xi32, #tpu.memory_space<vmem>>
      %dma_start3A_64 = tpu.memref_slice %arg2[%add3A_4] : memref<5120xi32, #tpu.memory_space<hbm>> -> memref<80xi32, #tpu.memory_space<hbm>>
      tpu.enqueue_dma source(%dma_start3A_64 : memref<80xi32, #tpu.memory_space<hbm>>) target(%dma_start3A_63 : memref<80xi32, #tpu.memory_space<vmem>>) target_semaphore(%run_scoped3A_56 : memref<!tpu.dma_semaphore, #tpu.memory_space<semaphore_mem>>)
      %dma_wait3A_65 = arith.constant 0 : i32
      %dma_wait3A_66 = tpu.memref_slice %arg5[%run_scoped3A, %dma_wait3A_65] : memref<2x80xi32, #tpu.memory_space<vmem>> -> memref<1x80xi32, #tpu.memory_space<vmem>>
      %dma_wait3A_67 = tpu.memref_squeeze %dma_wait3A_66 : memref<1x80xi32, #tpu.memory_space<vmem>> -> memref<80xi32, #tpu.memory_space<vmem>>
      %dma_wait3A_68 = tpu.memref_slice %arg2[%add3A_4] : memref<5120xi32, #tpu.memory_space<hbm>> -> memref<80xi32, #tpu.memory_space<hbm>>
      %dma_wait3A_69 = arith.constant 0 : i32
      %dma_wait3A_70 = tpu.memref_slice %arg5[%run_scoped3A, %dma_wait3A_69] : memref<2x80xi32, #tpu.memory_space<vmem>> -> memref<1x80xi32, #tpu.memory_space<vmem>>
      %dma_wait3A_71 = tpu.memref_squeeze %dma_wait3A_70 : memref<1x80xi32, #tpu.memory_space<vmem>> -> memref<80xi32, #tpu.memory_space<vmem>>
      %dma_wait3A_72 = tpu.memref_slice %arg2[%add3A_4] : memref<5120xi32, #tpu.memory_space<hbm>> -> memref<80xi32, #tpu.memory_space<hbm>>
      tpu.wait_dma2 semaphore(%run_scoped3A_56 : memref<!tpu.dma_semaphore, #tpu.memory_space<semaphore_mem>>) src(%dma_wait3A_72 : memref<80xi32, #tpu.memory_space<hbm>>) dst(%dma_wait3A_71 : memref<80xi32, #tpu.memory_space<vmem>>)
      tpu.yield
    }) : () -> ()
    %run_scoped3A_5 = arith.constant 0 : i32
    "tpu.region"() ({
      %run_scoped3A_56 = tpu.sem_alloc : memref<!tpu.dma_semaphore, #tpu.memory_space<semaphore_mem>>
      %dma_start3A_57 = arith.constant 0 : i32
      %dma_start3A_58 = arith.constant 0 : i32
      %dma_start3A_59 = tpu.memref_slice %arg6[%run_scoped3A_5, %dma_start3A_57, %dma_start3A_58] : memref<2x80x128xf32, #tpu.memory_space<vmem>> -> memref<1x80x128xf32, #tpu.memory_space<vmem>>
      %dma_start3A_60 = tpu.memref_squeeze %dma_start3A_59 : memref<1x80x128xf32, #tpu.memory_space<vmem>> -> memref<80x128xf32, #tpu.memory_space<vmem>>
      %dma_start3A_61 = arith.constant 0 : i32
      %dma_start3A_62 = tpu.memref_slice %arg3[%add3A_4, %dma_start3A_61] : memref<5120x128xf32, #tpu.memory_space<hbm>> -> memref<80x128xf32, #tpu.memory_space<hbm>>
      %dma_start3A_63 = arith.constant 0 : i32
      %dma_start3A_64 = arith.constant 0 : i32
      %dma_start3A_65 = tpu.memref_slice %arg6[%run_scoped3A_5, %dma_start3A_63, %dma_start3A_64] : memref<2x80x128xf32, #tpu.memory_space<vmem>> -> memref<1x80x128xf32, #tpu.memory_space<vmem>>
      %dma_start3A_66 = tpu.memref_squeeze %dma_start3A_65 : memref<1x80x128xf32, #tpu.memory_space<vmem>> -> memref<80x128xf32, #tpu.memory_space<vmem>>
      %dma_start3A_67 = arith.constant 0 : i32
      %dma_start3A_68 = tpu.memref_slice %arg3[%add3A_4, %dma_start3A_67] : memref<5120x128xf32, #tpu.memory_space<hbm>> -> memref<80x128xf32, #tpu.memory_space<hbm>>
      tpu.enqueue_dma source(%dma_start3A_68 : memref<80x128xf32, #tpu.memory_space<hbm>>) target(%dma_start3A_66 : memref<80x128xf32, #tpu.memory_space<vmem>>) target_semaphore(%run_scoped3A_56 : memref<!tpu.dma_semaphore, #tpu.memory_space<semaphore_mem>>)
      %dma_wait3A_69 = arith.constant 0 : i32
      %dma_wait3A_70 = arith.constant 0 : i32
      %dma_wait3A_71 = tpu.memref_slice %arg6[%run_scoped3A_5, %dma_wait3A_69, %dma_wait3A_70] : memref<2x80x128xf32, #tpu.memory_space<vmem>> -> memref<1x80x128xf32, #tpu.memory_space<vmem>>
      %dma_wait3A_72 = tpu.memref_squeeze %dma_wait3A_71 : memref<1x80x128xf32, #tpu.memory_space<vmem>> -> memref<80x128xf32, #tpu.memory_space<vmem>>
      %dma_wait3A_73 = arith.constant 0 : i32
      %dma_wait3A_74 = tpu.memref_slice %arg3[%add3A_4, %dma_wait3A_73] : memref<5120x128xf32, #tpu.memory_space<hbm>> -> memref<80x128xf32, #tpu.memory_space<hbm>>
      %dma_wait3A_75 = arith.constant 0 : i32
      %dma_wait3A_76 = arith.constant 0 : i32
      %dma_wait3A_77 = tpu.memref_slice %arg6[%run_scoped3A_5, %dma_wait3A_75, %dma_wait3A_76] : memref<2x80x128xf32, #tpu.memory_space<vmem>> -> memref<1x80x128xf32, #tpu.memory_space<vmem>>
      %dma_wait3A_78 = tpu.memref_squeeze %dma_wait3A_77 : memref<1x80x128xf32, #tpu.memory_space<vmem>> -> memref<80x128xf32, #tpu.memory_space<vmem>>
      %dma_wait3A_79 = arith.constant 0 : i32
      %dma_wait3A_80 = tpu.memref_slice %arg3[%add3A_4, %dma_wait3A_79] : memref<5120x128xf32, #tpu.memory_space<hbm>> -> memref<80x128xf32, #tpu.memory_space<hbm>>
      tpu.wait_dma2 semaphore(%run_scoped3A_56 : memref<!tpu.dma_semaphore, #tpu.memory_space<semaphore_mem>>) src(%dma_wait3A_80 : memref<80x128xf32, #tpu.memory_space<hbm>>) dst(%dma_wait3A_78 : memref<80x128xf32, #tpu.memory_space<vmem>>)
      tpu.yield
    }) : () -> ()
    %dma_start3A = arith.constant 0 : i32
    %dma_start3A_6 = arith.constant 0 : i32
    %dma_start3A_7 = arith.constant 0 : i32
    %dma_start3A_8 = arith.constant 0 : i32
    %dma_start3A_9 = tpu.memref_slice %arg6[%dma_start3A, %dma_start3A_7, %dma_start3A_8] : memref<2x80x128xf32, #tpu.memory_space<vmem>> -> memref<1x80x128xf32, #tpu.memory_space<vmem>>
    %dma_start3A_10 = tpu.memref_squeeze %dma_start3A_9 : memref<1x80x128xf32, #tpu.memory_space<vmem>> -> memref<80x128xf32, #tpu.memory_space<vmem>>
    %dma_start3A_11 = arith.constant 0 : i32
    %dma_start3A_12 = tpu.memref_slice %arg5[%dma_start3A_6, %dma_start3A_11] : memref<2x80xi32, #tpu.memory_space<vmem>> -> memref<1x80xi32, #tpu.memory_space<vmem>>
    %dma_start3A_13 = tpu.memref_squeeze %dma_start3A_12 : memref<1x80xi32, #tpu.memory_space<vmem>> -> memref<80xi32, #tpu.memory_space<vmem>>
    %dma_start3A_14 = arith.constant 0 : i32
    %dma_start3A_15 = arith.constant 0 : i32
    %dma_start3A_16 = tpu.memref_slice %arg4[%dma_start3A_14, %dma_start3A_15] : memref<5120x128xf32, #tpu.memory_space<hbm>> -> memref<5120x128xf32, #tpu.memory_space<hbm>>
    tpu.enqueue_indirect_dma source(%dma_start3A_10 : memref<80x128xf32, #tpu.memory_space<vmem>>) target(%dma_start3A_16 : memref<5120x128xf32, #tpu.memory_space<hbm>>) offsets(%dma_start3A_13 : memref<80xi32, #tpu.memory_space<vmem>>) semaphore(%arg7 : memref<!tpu.dma_semaphore, #tpu.memory_space<semaphore_mem>>)
    %dma_wait3A = arith.constant 0 : i32
    %dma_wait3A_17 = arith.constant 0 : i32
    %dma_wait3A_18 = arith.constant 0 : i32
    %dma_wait3A_19 = arith.constant 0 : i32
    %dma_wait3A_20 = tpu.memref_slice %arg6[%dma_wait3A, %dma_wait3A_18, %dma_wait3A_19] : memref<2x80x128xf32, #tpu.memory_space<vmem>> -> memref<1x80x128xf32, #tpu.memory_space<vmem>>
    %dma_wait3A_21 = tpu.memref_squeeze %dma_wait3A_20 : memref<1x80x128xf32, #tpu.memory_space<vmem>> -> memref<80x128xf32, #tpu.memory_space<vmem>>
    %dma_wait3A_22 = arith.constant 0 : i32
    %dma_wait3A_23 = tpu.memref_slice %arg5[%dma_wait3A_17, %dma_wait3A_22] : memref<2x80xi32, #tpu.memory_space<vmem>> -> memref<1x80xi32, #tpu.memory_space<vmem>>
    %dma_wait3A_24 = tpu.memref_squeeze %dma_wait3A_23 : memref<1x80xi32, #tpu.memory_space<vmem>> -> memref<80xi32, #tpu.memory_space<vmem>>
    %dma_wait3A_25 = arith.constant 0 : i32
    %dma_wait3A_26 = arith.constant 0 : i32
    %dma_wait3A_27 = tpu.memref_slice %arg4[%dma_wait3A_25, %dma_wait3A_26] : memref<5120x128xf32, #tpu.memory_space<hbm>> -> memref<5120x128xf32, #tpu.memory_space<hbm>>
    tpu.wait_indirect_dma semaphore(%arg7 : memref<!tpu.dma_semaphore, #tpu.memory_space<semaphore_mem>>) src(%dma_wait3A_21 : memref<80x128xf32, #tpu.memory_space<vmem>>) dst(%dma_wait3A_27 : memref<5120x128xf32, #tpu.memory_space<hbm>>)
    %add3A_28 = arith.constant 80 : i32
    %add3A_29 = arith.addi %mul3A_2, %add3A_28 : i32
    %run_scoped3A_30 = arith.constant 1 : i32
    "tpu.region"() ({
      %run_scoped3A_56 = tpu.sem_alloc : memref<!tpu.dma_semaphore, #tpu.memory_space<semaphore_mem>>
      %dma_start3A_57 = arith.constant 0 : i32
      %dma_start3A_58 = tpu.memref_slice %arg5[%run_scoped3A_30, %dma_start3A_57] : memref<2x80xi32, #tpu.memory_space<vmem>> -> memref<1x80xi32, #tpu.memory_space<vmem>>
      %dma_start3A_59 = tpu.memref_squeeze %dma_start3A_58 : memref<1x80xi32, #tpu.memory_space<vmem>> -> memref<80xi32, #tpu.memory_space<vmem>>
      %dma_start3A_60 = tpu.memref_slice %arg2[%add3A_29] : memref<5120xi32, #tpu.memory_space<hbm>> -> memref<80xi32, #tpu.memory_space<hbm>>
      %dma_start3A_61 = arith.constant 0 : i32
      %dma_start3A_62 = tpu.memref_slice %arg5[%run_scoped3A_30, %dma_start3A_61] : memref<2x80xi32, #tpu.memory_space<vmem>> -> memref<1x80xi32, #tpu.memory_space<vmem>>
      %dma_start3A_63 = tpu.memref_squeeze %dma_start3A_62 : memref<1x80xi32, #tpu.memory_space<vmem>> -> memref<80xi32, #tpu.memory_space<vmem>>
      %dma_start3A_64 = tpu.memref_slice %arg2[%add3A_29] : memref<5120xi32, #tpu.memory_space<hbm>> -> memref<80xi32, #tpu.memory_space<hbm>>
      tpu.enqueue_dma source(%dma_start3A_64 : memref<80xi32, #tpu.memory_space<hbm>>) target(%dma_start3A_63 : memref<80xi32, #tpu.memory_space<vmem>>) target_semaphore(%run_scoped3A_56 : memref<!tpu.dma_semaphore, #tpu.memory_space<semaphore_mem>>)
      %dma_wait3A_65 = arith.constant 0 : i32
      %dma_wait3A_66 = tpu.memref_slice %arg5[%run_scoped3A_30, %dma_wait3A_65] : memref<2x80xi32, #tpu.memory_space<vmem>> -> memref<1x80xi32, #tpu.memory_space<vmem>>
      %dma_wait3A_67 = tpu.memref_squeeze %dma_wait3A_66 : memref<1x80xi32, #tpu.memory_space<vmem>> -> memref<80xi32, #tpu.memory_space<vmem>>
      %dma_wait3A_68 = tpu.memref_slice %arg2[%add3A_29] : memref<5120xi32, #tpu.memory_space<hbm>> -> memref<80xi32, #tpu.memory_space<hbm>>
      %dma_wait3A_69 = arith.constant 0 : i32
      %dma_wait3A_70 = tpu.memref_slice %arg5[%run_scoped3A_30, %dma_wait3A_69] : memref<2x80xi32, #tpu.memory_space<vmem>> -> memref<1x80xi32, #tpu.memory_space<vmem>>
      %dma_wait3A_71 = tpu.memref_squeeze %dma_wait3A_70 : memref<1x80xi32, #tpu.memory_space<vmem>> -> memref<80xi32, #tpu.memory_space<vmem>>
      %dma_wait3A_72 = tpu.memref_slice %arg2[%add3A_29] : memref<5120xi32, #tpu.memory_space<hbm>> -> memref<80xi32, #tpu.memory_space<hbm>>
      tpu.wait_dma2 semaphore(%run_scoped3A_56 : memref<!tpu.dma_semaphore, #tpu.memory_space<semaphore_mem>>) src(%dma_wait3A_72 : memref<80xi32, #tpu.memory_space<hbm>>) dst(%dma_wait3A_71 : memref<80xi32, #tpu.memory_space<vmem>>)
      tpu.yield
    }) : () -> ()
    %run_scoped3A_31 = arith.constant 1 : i32
    "tpu.region"() ({
      %run_scoped3A_56 = tpu.sem_alloc : memref<!tpu.dma_semaphore, #tpu.memory_space<semaphore_mem>>
      %dma_start3A_57 = arith.constant 0 : i32
      %dma_start3A_58 = arith.constant 0 : i32
      %dma_start3A_59 = tpu.memref_slice %arg6[%run_scoped3A_31, %dma_start3A_57, %dma_start3A_58] : memref<2x80x128xf32, #tpu.memory_space<vmem>> -> memref<1x80x128xf32, #tpu.memory_space<vmem>>
      %dma_start3A_60 = tpu.memref_squeeze %dma_start3A_59 : memref<1x80x128xf32, #tpu.memory_space<vmem>> -> memref<80x128xf32, #tpu.memory_space<vmem>>
      %dma_start3A_61 = arith.constant 0 : i32
      %dma_start3A_62 = tpu.memref_slice %arg3[%add3A_29, %dma_start3A_61] : memref<5120x128xf32, #tpu.memory_space<hbm>> -> memref<80x128xf32, #tpu.memory_space<hbm>>
      %dma_start3A_63 = arith.constant 0 : i32
      %dma_start3A_64 = arith.constant 0 : i32
      %dma_start3A_65 = tpu.memref_slice %arg6[%run_scoped3A_31, %dma_start3A_63, %dma_start3A_64] : memref<2x80x128xf32, #tpu.memory_space<vmem>> -> memref<1x80x128xf32, #tpu.memory_space<vmem>>
      %dma_start3A_66 = tpu.memref_squeeze %dma_start3A_65 : memref<1x80x128xf32, #tpu.memory_space<vmem>> -> memref<80x128xf32, #tpu.memory_space<vmem>>
      %dma_start3A_67 = arith.constant 0 : i32
      %dma_start3A_68 = tpu.memref_slice %arg3[%add3A_29, %dma_start3A_67] : memref<5120x128xf32, #tpu.memory_space<hbm>> -> memref<80x128xf32, #tpu.memory_space<hbm>>
      tpu.enqueue_dma source(%dma_start3A_68 : memref<80x128xf32, #tpu.memory_space<hbm>>) target(%dma_start3A_66 : memref<80x128xf32, #tpu.memory_space<vmem>>) target_semaphore(%run_scoped3A_56 : memref<!tpu.dma_semaphore, #tpu.memory_space<semaphore_mem>>)
      %dma_wait3A_69 = arith.constant 0 : i32
      %dma_wait3A_70 = arith.constant 0 : i32
      %dma_wait3A_71 = tpu.memref_slice %arg6[%run_scoped3A_31, %dma_wait3A_69, %dma_wait3A_70] : memref<2x80x128xf32, #tpu.memory_space<vmem>> -> memref<1x80x128xf32, #tpu.memory_space<vmem>>
      %dma_wait3A_72 = tpu.memref_squeeze %dma_wait3A_71 : memref<1x80x128xf32, #tpu.memory_space<vmem>> -> memref<80x128xf32, #tpu.memory_space<vmem>>
      %dma_wait3A_73 = arith.constant 0 : i32
      %dma_wait3A_74 = tpu.memref_slice %arg3[%add3A_29, %dma_wait3A_73] : memref<5120x128xf32, #tpu.memory_space<hbm>> -> memref<80x128xf32, #tpu.memory_space<hbm>>
      %dma_wait3A_75 = arith.constant 0 : i32
      %dma_wait3A_76 = arith.constant 0 : i32
      %dma_wait3A_77 = tpu.memref_slice %arg6[%run_scoped3A_31, %dma_wait3A_75, %dma_wait3A_76] : memref<2x80x128xf32, #tpu.memory_space<vmem>> -> memref<1x80x128xf32, #tpu.memory_space<vmem>>
      %dma_wait3A_78 = tpu.memref_squeeze %dma_wait3A_77 : memref<1x80x128xf32, #tpu.memory_space<vmem>> -> memref<80x128xf32, #tpu.memory_space<vmem>>
      %dma_wait3A_79 = arith.constant 0 : i32
      %dma_wait3A_80 = tpu.memref_slice %arg3[%add3A_29, %dma_wait3A_79] : memref<5120x128xf32, #tpu.memory_space<hbm>> -> memref<80x128xf32, #tpu.memory_space<hbm>>
      tpu.wait_dma2 semaphore(%run_scoped3A_56 : memref<!tpu.dma_semaphore, #tpu.memory_space<semaphore_mem>>) src(%dma_wait3A_80 : memref<80x128xf32, #tpu.memory_space<hbm>>) dst(%dma_wait3A_78 : memref<80x128xf32, #tpu.memory_space<vmem>>)
      tpu.yield
    }) : () -> ()
    %dma_start3A_32 = arith.constant 1 : i32
    %dma_start3A_33 = arith.constant 1 : i32
    %dma_start3A_34 = arith.constant 0 : i32
    %dma_start3A_35 = arith.constant 0 : i32
    %dma_start3A_36 = tpu.memref_slice %arg6[%dma_start3A_32, %dma_start3A_34, %dma_start3A_35] : memref<2x80x128xf32, #tpu.memory_space<vmem>> -> memref<1x80x128xf32, #tpu.memory_space<vmem>>
    %dma_start3A_37 = tpu.memref_squeeze %dma_start3A_36 : memref<1x80x128xf32, #tpu.memory_space<vmem>> -> memref<80x128xf32, #tpu.memory_space<vmem>>
    %dma_start3A_38 = arith.constant 0 : i32
    %dma_start3A_39 = tpu.memref_slice %arg5[%dma_start3A_33, %dma_start3A_38] : memref<2x80xi32, #tpu.memory_space<vmem>> -> memref<1x80xi32, #tpu.memory_space<vmem>>
    %dma_start3A_40 = tpu.memref_squeeze %dma_start3A_39 : memref<1x80xi32, #tpu.memory_space<vmem>> -> memref<80xi32, #tpu.memory_space<vmem>>
    %dma_start3A_41 = arith.constant 0 : i32
    %dma_start3A_42 = arith.constant 0 : i32
    %dma_start3A_43 = tpu.memref_slice %arg4[%dma_start3A_41, %dma_start3A_42] : memref<5120x128xf32, #tpu.memory_space<hbm>> -> memref<5120x128xf32, #tpu.memory_space<hbm>>
    tpu.enqueue_indirect_dma source(%dma_start3A_37 : memref<80x128xf32, #tpu.memory_space<vmem>>) target(%dma_start3A_43 : memref<5120x128xf32, #tpu.memory_space<hbm>>) offsets(%dma_start3A_40 : memref<80xi32, #tpu.memory_space<vmem>>) semaphore(%arg7 : memref<!tpu.dma_semaphore, #tpu.memory_space<semaphore_mem>>)
    %dma_wait3A_44 = arith.constant 1 : i32
    %dma_wait3A_45 = arith.constant 1 : i32
    %dma_wait3A_46 = arith.constant 0 : i32
    %dma_wait3A_47 = arith.constant 0 : i32
    %dma_wait3A_48 = tpu.memref_slice %arg6[%dma_wait3A_44, %dma_wait3A_46, %dma_wait3A_47] : memref<2x80x128xf32, #tpu.memory_space<vmem>> -> memref<1x80x128xf32, #tpu.memory_space<vmem>>
    %dma_wait3A_49 = tpu.memref_squeeze %dma_wait3A_48 : memref<1x80x128xf32, #tpu.memory_space<vmem>> -> memref<80x128xf32, #tpu.memory_space<vmem>>
    %dma_wait3A_50 = arith.constant 0 : i32
    %dma_wait3A_51 = tpu.memref_slice %arg5[%dma_wait3A_45, %dma_wait3A_50] : memref<2x80xi32, #tpu.memory_space<vmem>> -> memref<1x80xi32, #tpu.memory_space<vmem>>
    %dma_wait3A_52 = tpu.memref_squeeze %dma_wait3A_51 : memref<1x80xi32, #tpu.memory_space<vmem>> -> memref<80xi32, #tpu.memory_space<vmem>>
    %dma_wait3A_53 = arith.constant 0 : i32
    %dma_wait3A_54 = arith.constant 0 : i32
    %dma_wait3A_55 = tpu.memref_slice %arg4[%dma_wait3A_53, %dma_wait3A_54] : memref<5120x128xf32, #tpu.memory_space<hbm>> -> memref<5120x128xf32, #tpu.memory_space<hbm>>
    tpu.wait_indirect_dma semaphore(%arg7 : memref<!tpu.dma_semaphore, #tpu.memory_space<semaphore_mem>>) src(%dma_wait3A_49 : memref<80x128xf32, #tpu.memory_space<vmem>>) dst(%dma_wait3A_55 : memref<5120x128xf32, #tpu.memory_space<hbm>>)
    return
  }
}

module attributes {stable_mosaic.version = 14 : i64} {
  func.func @_decode_kernel(%arg0: memref<425x1024xf32, #tpu.memory_space<vmem>>, %arg1: memref<5120x128xf32, #tpu.memory_space<vmem>>, %arg2: memref<1x5120xf32, #tpu.memory_space<vmem>>) attributes {dimension_semantics = [], scalar_prefetch = 0 : i64, scratch_operands = 0 : i64, tpu.core_type = #tpu.core_type<tc>} {
    %iota3A = tpu.iota {dimensions = array<i32: 1>} : vector<1x1024xi32>
    %jit3A = arith.constant 32 : i32
    %eq3A = arith.constant 0 : i32
    %eq3A_0 = arith.cmpi eq, %jit3A, %eq3A : i32
    %jit3A_1 = arith.constant 1 : i32
    %select_n3A = arith.select %eq3A_0, %jit3A_1, %jit3A : i32
    %rem3A = vector.broadcast %select_n3A : i32 to vector<1x1024xi32>
    %rem3A_2 = arith.remsi %iota3A, %rem3A : vector<1x1024xi32>
    %ne3A = arith.constant 0 : i32
    %ne3A_3 = vector.broadcast %ne3A : i32 to vector<1x1024xi32>
    %ne3A_4 = arith.cmpi ne, %rem3A_2, %ne3A_3 : vector<1x1024xi32>
    %lt3A = arith.constant 0 : i32
    %lt3A_5 = vector.broadcast %lt3A : i32 to vector<1x1024xi32>
    %lt3A_6 = arith.cmpi slt, %rem3A_2, %lt3A_5 : vector<1x1024xi32>
    %lt3A_7 = arith.constant 0 : i32
    %lt3A_8 = arith.cmpi slt, %select_n3A, %lt3A_7 : i32
    %ne3A_9 = vector.broadcast %lt3A_8 : i1 to vector<1x1024xi1>
    %ne3A_10 = vector.broadcast %ne3A_9 : vector<1x1024xi1> to vector<1x1024xi1>
    %ne3A_11 = arith.xori %lt3A_6, %ne3A_10 : vector<1x1024xi1>
    %and3A = arith.andi %ne3A_11, %ne3A_4 : vector<1x1024xi1>
    %add3A = vector.broadcast %select_n3A : i32 to vector<1x1024xi32>
    %add3A_12 = arith.addi %rem3A_2, %add3A : vector<1x1024xi32>
    %select_n3A_13 = arith.select %and3A, %add3A_12, %rem3A_2 : vector<1x1024xi1>, vector<1x1024xi32>
    %convert_element_type3A = arith.sitofp %select_n3A_13 : vector<1x1024xi32> to vector<1x1024xf32>
    %jit3A_14 = arith.constant 32 : i32
    %div3A = vector.broadcast %jit3A_14 : i32 to vector<1x1024xi32>
    %div3A_15 = arith.divsi %iota3A, %div3A : vector<1x1024xi32>
    %sign3A = arith.constant 0 : i32
    %sign3A_16 = vector.broadcast %sign3A : i32 to vector<1x1024xi32>
    %sign3A_17 = arith.cmpi sgt, %iota3A, %sign3A_16 : vector<1x1024xi32>
    %sign3A_18 = arith.extui %sign3A_17 : vector<1x1024xi1> to vector<1x1024xi32>
    %sign3A_19 = arith.constant 0 : i32
    %sign3A_20 = vector.broadcast %sign3A_19 : i32 to vector<1x1024xi32>
    %sign3A_21 = arith.cmpi slt, %iota3A, %sign3A_20 : vector<1x1024xi32>
    %sign3A_22 = arith.extui %sign3A_21 : vector<1x1024xi1> to vector<1x1024xi32>
    %sign3A_23 = arith.subi %sign3A_18, %sign3A_22 : vector<1x1024xi32>
    %sign3A_24 = arith.constant 0 : i32
    %sign3A_25 = arith.cmpi sgt, %jit3A_14, %sign3A_24 : i32
    %sign3A_26 = arith.extui %sign3A_25 : i1 to i32
    %sign3A_27 = arith.constant 0 : i32
    %sign3A_28 = arith.cmpi slt, %jit3A_14, %sign3A_27 : i32
    %sign3A_29 = arith.extui %sign3A_28 : i1 to i32
    %sign3A_30 = arith.subi %sign3A_26, %sign3A_29 : i32
    %ne3A_31 = vector.broadcast %sign3A_30 : i32 to vector<1x1024xi32>
    %ne3A_32 = arith.cmpi ne, %sign3A_23, %ne3A_31 : vector<1x1024xi32>
    %rem3A_33 = vector.broadcast %jit3A_14 : i32 to vector<1x1024xi32>
    %rem3A_34 = arith.remsi %iota3A, %rem3A_33 : vector<1x1024xi32>
    %ne3A_35 = arith.constant 0 : i32
    %ne3A_36 = vector.broadcast %ne3A_35 : i32 to vector<1x1024xi32>
    %ne3A_37 = arith.cmpi ne, %rem3A_34, %ne3A_36 : vector<1x1024xi32>
    %and3A_38 = arith.andi %ne3A_32, %ne3A_37 : vector<1x1024xi1>
    %sub3A = arith.constant 1 : i32
    %sub3A_39 = vector.broadcast %sub3A : i32 to vector<1x1024xi32>
    %sub3A_40 = arith.subi %div3A_15, %sub3A_39 : vector<1x1024xi32>
    %select_n3A_41 = arith.select %and3A_38, %sub3A_40, %div3A_15 : vector<1x1024xi1>, vector<1x1024xi32>
    %convert_element_type3A_42 = arith.sitofp %select_n3A_41 : vector<1x1024xi32> to vector<1x1024xf32>
    %get3A = arith.constant 0 : index
    %get3A_43 = arith.constant 0 : index
    %get3A_44 = vector.load %arg0[%get3A, %get3A_43] : memref<425x1024xf32, #tpu.memory_space<vmem>>, vector<85x1024xf32>
    %slice3A = vector.extract_strided_slice %get3A_44 {offsets = [0, 0], sizes = [1, 1024], strides = [1, 1]} : vector<85x1024xf32> to vector<1x1024xf32>
    %logistic3A = arith.negf %slice3A : vector<1x1024xf32>
    %logistic3A_45 = math.exp %logistic3A : vector<1x1024xf32>
    %logistic3A_46 = arith.constant 1.000000e+00 : f32
    %logistic3A_47 = vector.broadcast %logistic3A_46 : f32 to vector<1x1024xf32>
    %logistic3A_48 = arith.addf %logistic3A_47, %logistic3A_45 : vector<1x1024xf32>
    %logistic3A_49 = arith.divf %logistic3A_47, %logistic3A_48 : vector<1x1024xf32>
    %add3A_50 = arith.addf %logistic3A_49, %convert_element_type3A : vector<1x1024xf32>
    %mul3A = arith.constant 1.600000e+01 : f32
    %mul3A_51 = vector.broadcast %mul3A : f32 to vector<1x1024xf32>
    %mul3A_52 = arith.mulf %add3A_50, %mul3A_51 : vector<1x1024xf32>
    %slice3A_53 = vector.extract_strided_slice %get3A_44 {offsets = [1, 0], sizes = [1, 1024], strides = [1, 1]} : vector<85x1024xf32> to vector<1x1024xf32>
    %logistic3A_54 = arith.negf %slice3A_53 : vector<1x1024xf32>
    %logistic3A_55 = math.exp %logistic3A_54 : vector<1x1024xf32>
    %logistic3A_56 = arith.constant 1.000000e+00 : f32
    %logistic3A_57 = vector.broadcast %logistic3A_56 : f32 to vector<1x1024xf32>
    %logistic3A_58 = arith.addf %logistic3A_57, %logistic3A_55 : vector<1x1024xf32>
    %logistic3A_59 = arith.divf %logistic3A_57, %logistic3A_58 : vector<1x1024xf32>
    %add3A_60 = arith.addf %logistic3A_59, %convert_element_type3A_42 : vector<1x1024xf32>
    %mul3A_61 = arith.constant 1.600000e+01 : f32
    %mul3A_62 = vector.broadcast %mul3A_61 : f32 to vector<1x1024xf32>
    %mul3A_63 = arith.mulf %add3A_60, %mul3A_62 : vector<1x1024xf32>
    %slice3A_64 = vector.extract_strided_slice %get3A_44 {offsets = [2, 0], sizes = [1, 1024], strides = [1, 1]} : vector<85x1024xf32> to vector<1x1024xf32>
    %exp3A = math.exp %slice3A_64 : vector<1x1024xf32>
    %mul3A_65 = arith.constant 1.322100e+00 : f32
    %mul3A_66 = vector.broadcast %mul3A_65 : f32 to vector<1x1024xf32>
    %mul3A_67 = arith.mulf %exp3A, %mul3A_66 : vector<1x1024xf32>
    %mul3A_68 = arith.constant 1.600000e+01 : f32
    %mul3A_69 = vector.broadcast %mul3A_68 : f32 to vector<1x1024xf32>
    %mul3A_70 = arith.mulf %mul3A_67, %mul3A_69 : vector<1x1024xf32>
    %slice3A_71 = vector.extract_strided_slice %get3A_44 {offsets = [3, 0], sizes = [1, 1024], strides = [1, 1]} : vector<85x1024xf32> to vector<1x1024xf32>
    %exp3A_72 = math.exp %slice3A_71 : vector<1x1024xf32>
    %mul3A_73 = arith.constant 1.731450e+00 : f32
    %mul3A_74 = vector.broadcast %mul3A_73 : f32 to vector<1x1024xf32>
    %mul3A_75 = arith.mulf %exp3A_72, %mul3A_74 : vector<1x1024xf32>
    %mul3A_76 = arith.constant 1.600000e+01 : f32
    %mul3A_77 = vector.broadcast %mul3A_76 : f32 to vector<1x1024xf32>
    %mul3A_78 = arith.mulf %mul3A_75, %mul3A_77 : vector<1x1024xf32>
    %slice3A_79 = vector.extract_strided_slice %get3A_44 {offsets = [4, 0], sizes = [1, 1024], strides = [1, 1]} : vector<85x1024xf32> to vector<1x1024xf32>
    %logistic3A_80 = arith.negf %slice3A_79 : vector<1x1024xf32>
    %logistic3A_81 = math.exp %logistic3A_80 : vector<1x1024xf32>
    %logistic3A_82 = arith.constant 1.000000e+00 : f32
    %logistic3A_83 = vector.broadcast %logistic3A_82 : f32 to vector<1x1024xf32>
    %logistic3A_84 = arith.addf %logistic3A_83, %logistic3A_81 : vector<1x1024xf32>
    %logistic3A_85 = arith.divf %logistic3A_83, %logistic3A_84 : vector<1x1024xf32>
    %slice3A_86 = vector.extract_strided_slice %get3A_44 {offsets = [5, 0], sizes = [80, 1024], strides = [1, 1]} : vector<85x1024xf32> to vector<80x1024xf32>
    %logistic3A_87 = arith.negf %slice3A_86 : vector<80x1024xf32>
    %logistic3A_88 = math.exp %logistic3A_87 : vector<80x1024xf32>
    %logistic3A_89 = arith.constant 1.000000e+00 : f32
    %logistic3A_90 = vector.broadcast %logistic3A_89 : f32 to vector<80x1024xf32>
    %logistic3A_91 = arith.addf %logistic3A_90, %logistic3A_88 : vector<80x1024xf32>
    %logistic3A_92 = arith.divf %logistic3A_90, %logistic3A_91 : vector<80x1024xf32>
    %slice3A_93 = vector.extract_strided_slice %logistic3A_92 {offsets = [0, 0], sizes = [1, 1024], strides = [1, 1]} : vector<80x1024xf32> to vector<1x1024xf32>
    %broadcast_in_dim3A = arith.constant 0.000000e+00 : f32
    %broadcast_in_dim3A_94 = vector.broadcast %broadcast_in_dim3A : f32 to vector<1x1024xf32>
    %slice3A_95 = vector.extract_strided_slice %logistic3A_92 {offsets = [1, 0], sizes = [1, 1024], strides = [1, 1]} : vector<80x1024xf32> to vector<1x1024xf32>
    %gt3A = arith.cmpf ogt, %slice3A_95, %slice3A_93 : vector<1x1024xf32>
    %select_n3A_96 = arith.select %gt3A, %slice3A_95, %slice3A_93 : vector<1x1024xi1>, vector<1x1024xf32>
    %jit3A_97 = arith.constant 1.000000e+00 : f32
    %broadcast_in_dim3A_98 = vector.broadcast %jit3A_97 : f32 to vector<1x1024xf32>
    %select_n3A_99 = arith.select %gt3A, %broadcast_in_dim3A_98, %broadcast_in_dim3A_94 : vector<1x1024xi1>, vector<1x1024xf32>
    %slice3A_100 = vector.extract_strided_slice %logistic3A_92 {offsets = [2, 0], sizes = [1, 1024], strides = [1, 1]} : vector<80x1024xf32> to vector<1x1024xf32>
    %gt3A_101 = arith.cmpf ogt, %slice3A_100, %select_n3A_96 : vector<1x1024xf32>
    %select_n3A_102 = arith.select %gt3A_101, %slice3A_100, %select_n3A_96 : vector<1x1024xi1>, vector<1x1024xf32>
    %jit3A_103 = arith.constant 2.000000e+00 : f32
    %broadcast_in_dim3A_104 = vector.broadcast %jit3A_103 : f32 to vector<1x1024xf32>
    %select_n3A_105 = arith.select %gt3A_101, %broadcast_in_dim3A_104, %select_n3A_99 : vector<1x1024xi1>, vector<1x1024xf32>
    %slice3A_106 = vector.extract_strided_slice %logistic3A_92 {offsets = [3, 0], sizes = [1, 1024], strides = [1, 1]} : vector<80x1024xf32> to vector<1x1024xf32>
    %gt3A_107 = arith.cmpf ogt, %slice3A_106, %select_n3A_102 : vector<1x1024xf32>
    %select_n3A_108 = arith.select %gt3A_107, %slice3A_106, %select_n3A_102 : vector<1x1024xi1>, vector<1x1024xf32>
    %jit3A_109 = arith.constant 3.000000e+00 : f32
    %broadcast_in_dim3A_110 = vector.broadcast %jit3A_109 : f32 to vector<1x1024xf32>
    %select_n3A_111 = arith.select %gt3A_107, %broadcast_in_dim3A_110, %select_n3A_105 : vector<1x1024xi1>, vector<1x1024xf32>
    %slice3A_112 = vector.extract_strided_slice %logistic3A_92 {offsets = [4, 0], sizes = [1, 1024], strides = [1, 1]} : vector<80x1024xf32> to vector<1x1024xf32>
    %gt3A_113 = arith.cmpf ogt, %slice3A_112, %select_n3A_108 : vector<1x1024xf32>
    %select_n3A_114 = arith.select %gt3A_113, %slice3A_112, %select_n3A_108 : vector<1x1024xi1>, vector<1x1024xf32>
    %jit3A_115 = arith.constant 4.000000e+00 : f32
    %broadcast_in_dim3A_116 = vector.broadcast %jit3A_115 : f32 to vector<1x1024xf32>
    %select_n3A_117 = arith.select %gt3A_113, %broadcast_in_dim3A_116, %select_n3A_111 : vector<1x1024xi1>, vector<1x1024xf32>
    %slice3A_118 = vector.extract_strided_slice %logistic3A_92 {offsets = [5, 0], sizes = [1, 1024], strides = [1, 1]} : vector<80x1024xf32> to vector<1x1024xf32>
    %gt3A_119 = arith.cmpf ogt, %slice3A_118, %select_n3A_114 : vector<1x1024xf32>
    %select_n3A_120 = arith.select %gt3A_119, %slice3A_118, %select_n3A_114 : vector<1x1024xi1>, vector<1x1024xf32>
    %jit3A_121 = arith.constant 5.000000e+00 : f32
    %broadcast_in_dim3A_122 = vector.broadcast %jit3A_121 : f32 to vector<1x1024xf32>
    %select_n3A_123 = arith.select %gt3A_119, %broadcast_in_dim3A_122, %select_n3A_117 : vector<1x1024xi1>, vector<1x1024xf32>
    %slice3A_124 = vector.extract_strided_slice %logistic3A_92 {offsets = [6, 0], sizes = [1, 1024], strides = [1, 1]} : vector<80x1024xf32> to vector<1x1024xf32>
    %gt3A_125 = arith.cmpf ogt, %slice3A_124, %select_n3A_120 : vector<1x1024xf32>
    %select_n3A_126 = arith.select %gt3A_125, %slice3A_124, %select_n3A_120 : vector<1x1024xi1>, vector<1x1024xf32>
    %jit3A_127 = arith.constant 6.000000e+00 : f32
    %broadcast_in_dim3A_128 = vector.broadcast %jit3A_127 : f32 to vector<1x1024xf32>
    %select_n3A_129 = arith.select %gt3A_125, %broadcast_in_dim3A_128, %select_n3A_123 : vector<1x1024xi1>, vector<1x1024xf32>
    %slice3A_130 = vector.extract_strided_slice %logistic3A_92 {offsets = [7, 0], sizes = [1, 1024], strides = [1, 1]} : vector<80x1024xf32> to vector<1x1024xf32>
    %gt3A_131 = arith.cmpf ogt, %slice3A_130, %select_n3A_126 : vector<1x1024xf32>
    %select_n3A_132 = arith.select %gt3A_131, %slice3A_130, %select_n3A_126 : vector<1x1024xi1>, vector<1x1024xf32>
    %jit3A_133 = arith.constant 7.000000e+00 : f32
    %broadcast_in_dim3A_134 = vector.broadcast %jit3A_133 : f32 to vector<1x1024xf32>
    %select_n3A_135 = arith.select %gt3A_131, %broadcast_in_dim3A_134, %select_n3A_129 : vector<1x1024xi1>, vector<1x1024xf32>
    %slice3A_136 = vector.extract_strided_slice %logistic3A_92 {offsets = [8, 0], sizes = [1, 1024], strides = [1, 1]} : vector<80x1024xf32> to vector<1x1024xf32>
    %gt3A_137 = arith.cmpf ogt, %slice3A_136, %select_n3A_132 : vector<1x1024xf32>
    %select_n3A_138 = arith.select %gt3A_137, %slice3A_136, %select_n3A_132 : vector<1x1024xi1>, vector<1x1024xf32>
    %jit3A_139 = arith.constant 8.000000e+00 : f32
    %broadcast_in_dim3A_140 = vector.broadcast %jit3A_139 : f32 to vector<1x1024xf32>
    %select_n3A_141 = arith.select %gt3A_137, %broadcast_in_dim3A_140, %select_n3A_135 : vector<1x1024xi1>, vector<1x1024xf32>
    %slice3A_142 = vector.extract_strided_slice %logistic3A_92 {offsets = [9, 0], sizes = [1, 1024], strides = [1, 1]} : vector<80x1024xf32> to vector<1x1024xf32>
    %gt3A_143 = arith.cmpf ogt, %slice3A_142, %select_n3A_138 : vector<1x1024xf32>
    %select_n3A_144 = arith.select %gt3A_143, %slice3A_142, %select_n3A_138 : vector<1x1024xi1>, vector<1x1024xf32>
    %jit3A_145 = arith.constant 9.000000e+00 : f32
    %broadcast_in_dim3A_146 = vector.broadcast %jit3A_145 : f32 to vector<1x1024xf32>
    %select_n3A_147 = arith.select %gt3A_143, %broadcast_in_dim3A_146, %select_n3A_141 : vector<1x1024xi1>, vector<1x1024xf32>
    %slice3A_148 = vector.extract_strided_slice %logistic3A_92 {offsets = [10, 0], sizes = [1, 1024], strides = [1, 1]} : vector<80x1024xf32> to vector<1x1024xf32>
    %gt3A_149 = arith.cmpf ogt, %slice3A_148, %select_n3A_144 : vector<1x1024xf32>
    %select_n3A_150 = arith.select %gt3A_149, %slice3A_148, %select_n3A_144 : vector<1x1024xi1>, vector<1x1024xf32>
    %jit3A_151 = arith.constant 1.000000e+01 : f32
    %broadcast_in_dim3A_152 = vector.broadcast %jit3A_151 : f32 to vector<1x1024xf32>
    %select_n3A_153 = arith.select %gt3A_149, %broadcast_in_dim3A_152, %select_n3A_147 : vector<1x1024xi1>, vector<1x1024xf32>
    %slice3A_154 = vector.extract_strided_slice %logistic3A_92 {offsets = [11, 0], sizes = [1, 1024], strides = [1, 1]} : vector<80x1024xf32> to vector<1x1024xf32>
    %gt3A_155 = arith.cmpf ogt, %slice3A_154, %select_n3A_150 : vector<1x1024xf32>
    %select_n3A_156 = arith.select %gt3A_155, %slice3A_154, %select_n3A_150 : vector<1x1024xi1>, vector<1x1024xf32>
    %jit3A_157 = arith.constant 1.100000e+01 : f32
    %broadcast_in_dim3A_158 = vector.broadcast %jit3A_157 : f32 to vector<1x1024xf32>
    %select_n3A_159 = arith.select %gt3A_155, %broadcast_in_dim3A_158, %select_n3A_153 : vector<1x1024xi1>, vector<1x1024xf32>
    %slice3A_160 = vector.extract_strided_slice %logistic3A_92 {offsets = [12, 0], sizes = [1, 1024], strides = [1, 1]} : vector<80x1024xf32> to vector<1x1024xf32>
    %gt3A_161 = arith.cmpf ogt, %slice3A_160, %select_n3A_156 : vector<1x1024xf32>
    %select_n3A_162 = arith.select %gt3A_161, %slice3A_160, %select_n3A_156 : vector<1x1024xi1>, vector<1x1024xf32>
    %jit3A_163 = arith.constant 1.200000e+01 : f32
    %broadcast_in_dim3A_164 = vector.broadcast %jit3A_163 : f32 to vector<1x1024xf32>
    %select_n3A_165 = arith.select %gt3A_161, %broadcast_in_dim3A_164, %select_n3A_159 : vector<1x1024xi1>, vector<1x1024xf32>
    %slice3A_166 = vector.extract_strided_slice %logistic3A_92 {offsets = [13, 0], sizes = [1, 1024], strides = [1, 1]} : vector<80x1024xf32> to vector<1x1024xf32>
    %gt3A_167 = arith.cmpf ogt, %slice3A_166, %select_n3A_162 : vector<1x1024xf32>
    %select_n3A_168 = arith.select %gt3A_167, %slice3A_166, %select_n3A_162 : vector<1x1024xi1>, vector<1x1024xf32>
    %jit3A_169 = arith.constant 1.300000e+01 : f32
    %broadcast_in_dim3A_170 = vector.broadcast %jit3A_169 : f32 to vector<1x1024xf32>
    %select_n3A_171 = arith.select %gt3A_167, %broadcast_in_dim3A_170, %select_n3A_165 : vector<1x1024xi1>, vector<1x1024xf32>
    %slice3A_172 = vector.extract_strided_slice %logistic3A_92 {offsets = [14, 0], sizes = [1, 1024], strides = [1, 1]} : vector<80x1024xf32> to vector<1x1024xf32>
    %gt3A_173 = arith.cmpf ogt, %slice3A_172, %select_n3A_168 : vector<1x1024xf32>
    %select_n3A_174 = arith.select %gt3A_173, %slice3A_172, %select_n3A_168 : vector<1x1024xi1>, vector<1x1024xf32>
    %jit3A_175 = arith.constant 1.400000e+01 : f32
    %broadcast_in_dim3A_176 = vector.broadcast %jit3A_175 : f32 to vector<1x1024xf32>
    %select_n3A_177 = arith.select %gt3A_173, %broadcast_in_dim3A_176, %select_n3A_171 : vector<1x1024xi1>, vector<1x1024xf32>
    %slice3A_178 = vector.extract_strided_slice %logistic3A_92 {offsets = [15, 0], sizes = [1, 1024], strides = [1, 1]} : vector<80x1024xf32> to vector<1x1024xf32>
    %gt3A_179 = arith.cmpf ogt, %slice3A_178, %select_n3A_174 : vector<1x1024xf32>
    %select_n3A_180 = arith.select %gt3A_179, %slice3A_178, %select_n3A_174 : vector<1x1024xi1>, vector<1x1024xf32>
    %jit3A_181 = arith.constant 1.500000e+01 : f32
    %broadcast_in_dim3A_182 = vector.broadcast %jit3A_181 : f32 to vector<1x1024xf32>
    %select_n3A_183 = arith.select %gt3A_179, %broadcast_in_dim3A_182, %select_n3A_177 : vector<1x1024xi1>, vector<1x1024xf32>
    %slice3A_184 = vector.extract_strided_slice %logistic3A_92 {offsets = [16, 0], sizes = [1, 1024], strides = [1, 1]} : vector<80x1024xf32> to vector<1x1024xf32>
    %gt3A_185 = arith.cmpf ogt, %slice3A_184, %select_n3A_180 : vector<1x1024xf32>
    %select_n3A_186 = arith.select %gt3A_185, %slice3A_184, %select_n3A_180 : vector<1x1024xi1>, vector<1x1024xf32>
    %jit3A_187 = arith.constant 1.600000e+01 : f32
    %broadcast_in_dim3A_188 = vector.broadcast %jit3A_187 : f32 to vector<1x1024xf32>
    %select_n3A_189 = arith.select %gt3A_185, %broadcast_in_dim3A_188, %select_n3A_183 : vector<1x1024xi1>, vector<1x1024xf32>
    %slice3A_190 = vector.extract_strided_slice %logistic3A_92 {offsets = [17, 0], sizes = [1, 1024], strides = [1, 1]} : vector<80x1024xf32> to vector<1x1024xf32>
    %gt3A_191 = arith.cmpf ogt, %slice3A_190, %select_n3A_186 : vector<1x1024xf32>
    %select_n3A_192 = arith.select %gt3A_191, %slice3A_190, %select_n3A_186 : vector<1x1024xi1>, vector<1x1024xf32>
    %jit3A_193 = arith.constant 1.700000e+01 : f32
    %broadcast_in_dim3A_194 = vector.broadcast %jit3A_193 : f32 to vector<1x1024xf32>
    %select_n3A_195 = arith.select %gt3A_191, %broadcast_in_dim3A_194, %select_n3A_189 : vector<1x1024xi1>, vector<1x1024xf32>
    %slice3A_196 = vector.extract_strided_slice %logistic3A_92 {offsets = [18, 0], sizes = [1, 1024], strides = [1, 1]} : vector<80x1024xf32> to vector<1x1024xf32>
    %gt3A_197 = arith.cmpf ogt, %slice3A_196, %select_n3A_192 : vector<1x1024xf32>
    %select_n3A_198 = arith.select %gt3A_197, %slice3A_196, %select_n3A_192 : vector<1x1024xi1>, vector<1x1024xf32>
    %jit3A_199 = arith.constant 1.800000e+01 : f32
    %broadcast_in_dim3A_200 = vector.broadcast %jit3A_199 : f32 to vector<1x1024xf32>
    %select_n3A_201 = arith.select %gt3A_197, %broadcast_in_dim3A_200, %select_n3A_195 : vector<1x1024xi1>, vector<1x1024xf32>
    %slice3A_202 = vector.extract_strided_slice %logistic3A_92 {offsets = [19, 0], sizes = [1, 1024], strides = [1, 1]} : vector<80x1024xf32> to vector<1x1024xf32>
    %gt3A_203 = arith.cmpf ogt, %slice3A_202, %select_n3A_198 : vector<1x1024xf32>
    %select_n3A_204 = arith.select %gt3A_203, %slice3A_202, %select_n3A_198 : vector<1x1024xi1>, vector<1x1024xf32>
    %jit3A_205 = arith.constant 1.900000e+01 : f32
    %broadcast_in_dim3A_206 = vector.broadcast %jit3A_205 : f32 to vector<1x1024xf32>
    %select_n3A_207 = arith.select %gt3A_203, %broadcast_in_dim3A_206, %select_n3A_201 : vector<1x1024xi1>, vector<1x1024xf32>
    %slice3A_208 = vector.extract_strided_slice %logistic3A_92 {offsets = [20, 0], sizes = [1, 1024], strides = [1, 1]} : vector<80x1024xf32> to vector<1x1024xf32>
    %gt3A_209 = arith.cmpf ogt, %slice3A_208, %select_n3A_204 : vector<1x1024xf32>
    %select_n3A_210 = arith.select %gt3A_209, %slice3A_208, %select_n3A_204 : vector<1x1024xi1>, vector<1x1024xf32>
    %jit3A_211 = arith.constant 2.000000e+01 : f32
    %broadcast_in_dim3A_212 = vector.broadcast %jit3A_211 : f32 to vector<1x1024xf32>
    %select_n3A_213 = arith.select %gt3A_209, %broadcast_in_dim3A_212, %select_n3A_207 : vector<1x1024xi1>, vector<1x1024xf32>
    %slice3A_214 = vector.extract_strided_slice %logistic3A_92 {offsets = [21, 0], sizes = [1, 1024], strides = [1, 1]} : vector<80x1024xf32> to vector<1x1024xf32>
    %gt3A_215 = arith.cmpf ogt, %slice3A_214, %select_n3A_210 : vector<1x1024xf32>
    %select_n3A_216 = arith.select %gt3A_215, %slice3A_214, %select_n3A_210 : vector<1x1024xi1>, vector<1x1024xf32>
    %jit3A_217 = arith.constant 2.100000e+01 : f32
    %broadcast_in_dim3A_218 = vector.broadcast %jit3A_217 : f32 to vector<1x1024xf32>
    %select_n3A_219 = arith.select %gt3A_215, %broadcast_in_dim3A_218, %select_n3A_213 : vector<1x1024xi1>, vector<1x1024xf32>
    %slice3A_220 = vector.extract_strided_slice %logistic3A_92 {offsets = [22, 0], sizes = [1, 1024], strides = [1, 1]} : vector<80x1024xf32> to vector<1x1024xf32>
    %gt3A_221 = arith.cmpf ogt, %slice3A_220, %select_n3A_216 : vector<1x1024xf32>
    %select_n3A_222 = arith.select %gt3A_221, %slice3A_220, %select_n3A_216 : vector<1x1024xi1>, vector<1x1024xf32>
    %jit3A_223 = arith.constant 2.200000e+01 : f32
    %broadcast_in_dim3A_224 = vector.broadcast %jit3A_223 : f32 to vector<1x1024xf32>
    %select_n3A_225 = arith.select %gt3A_221, %broadcast_in_dim3A_224, %select_n3A_219 : vector<1x1024xi1>, vector<1x1024xf32>
    %slice3A_226 = vector.extract_strided_slice %logistic3A_92 {offsets = [23, 0], sizes = [1, 1024], strides = [1, 1]} : vector<80x1024xf32> to vector<1x1024xf32>
    %gt3A_227 = arith.cmpf ogt, %slice3A_226, %select_n3A_222 : vector<1x1024xf32>
    %select_n3A_228 = arith.select %gt3A_227, %slice3A_226, %select_n3A_222 : vector<1x1024xi1>, vector<1x1024xf32>
    %jit3A_229 = arith.constant 2.300000e+01 : f32
    %broadcast_in_dim3A_230 = vector.broadcast %jit3A_229 : f32 to vector<1x1024xf32>
    %select_n3A_231 = arith.select %gt3A_227, %broadcast_in_dim3A_230, %select_n3A_225 : vector<1x1024xi1>, vector<1x1024xf32>
    %slice3A_232 = vector.extract_strided_slice %logistic3A_92 {offsets = [24, 0], sizes = [1, 1024], strides = [1, 1]} : vector<80x1024xf32> to vector<1x1024xf32>
    %gt3A_233 = arith.cmpf ogt, %slice3A_232, %select_n3A_228 : vector<1x1024xf32>
    %select_n3A_234 = arith.select %gt3A_233, %slice3A_232, %select_n3A_228 : vector<1x1024xi1>, vector<1x1024xf32>
    %jit3A_235 = arith.constant 2.400000e+01 : f32
    %broadcast_in_dim3A_236 = vector.broadcast %jit3A_235 : f32 to vector<1x1024xf32>
    %select_n3A_237 = arith.select %gt3A_233, %broadcast_in_dim3A_236, %select_n3A_231 : vector<1x1024xi1>, vector<1x1024xf32>
    %slice3A_238 = vector.extract_strided_slice %logistic3A_92 {offsets = [25, 0], sizes = [1, 1024], strides = [1, 1]} : vector<80x1024xf32> to vector<1x1024xf32>
    %gt3A_239 = arith.cmpf ogt, %slice3A_238, %select_n3A_234 : vector<1x1024xf32>
    %select_n3A_240 = arith.select %gt3A_239, %slice3A_238, %select_n3A_234 : vector<1x1024xi1>, vector<1x1024xf32>
    %jit3A_241 = arith.constant 2.500000e+01 : f32
    %broadcast_in_dim3A_242 = vector.broadcast %jit3A_241 : f32 to vector<1x1024xf32>
    %select_n3A_243 = arith.select %gt3A_239, %broadcast_in_dim3A_242, %select_n3A_237 : vector<1x1024xi1>, vector<1x1024xf32>
    %slice3A_244 = vector.extract_strided_slice %logistic3A_92 {offsets = [26, 0], sizes = [1, 1024], strides = [1, 1]} : vector<80x1024xf32> to vector<1x1024xf32>
    %gt3A_245 = arith.cmpf ogt, %slice3A_244, %select_n3A_240 : vector<1x1024xf32>
    %select_n3A_246 = arith.select %gt3A_245, %slice3A_244, %select_n3A_240 : vector<1x1024xi1>, vector<1x1024xf32>
    %jit3A_247 = arith.constant 2.600000e+01 : f32
    %broadcast_in_dim3A_248 = vector.broadcast %jit3A_247 : f32 to vector<1x1024xf32>
    %select_n3A_249 = arith.select %gt3A_245, %broadcast_in_dim3A_248, %select_n3A_243 : vector<1x1024xi1>, vector<1x1024xf32>
    %slice3A_250 = vector.extract_strided_slice %logistic3A_92 {offsets = [27, 0], sizes = [1, 1024], strides = [1, 1]} : vector<80x1024xf32> to vector<1x1024xf32>
    %gt3A_251 = arith.cmpf ogt, %slice3A_250, %select_n3A_246 : vector<1x1024xf32>
    %select_n3A_252 = arith.select %gt3A_251, %slice3A_250, %select_n3A_246 : vector<1x1024xi1>, vector<1x1024xf32>
    %jit3A_253 = arith.constant 2.700000e+01 : f32
    %broadcast_in_dim3A_254 = vector.broadcast %jit3A_253 : f32 to vector<1x1024xf32>
    %select_n3A_255 = arith.select %gt3A_251, %broadcast_in_dim3A_254, %select_n3A_249 : vector<1x1024xi1>, vector<1x1024xf32>
    %slice3A_256 = vector.extract_strided_slice %logistic3A_92 {offsets = [28, 0], sizes = [1, 1024], strides = [1, 1]} : vector<80x1024xf32> to vector<1x1024xf32>
    %gt3A_257 = arith.cmpf ogt, %slice3A_256, %select_n3A_252 : vector<1x1024xf32>
    %select_n3A_258 = arith.select %gt3A_257, %slice3A_256, %select_n3A_252 : vector<1x1024xi1>, vector<1x1024xf32>
    %jit3A_259 = arith.constant 2.800000e+01 : f32
    %broadcast_in_dim3A_260 = vector.broadcast %jit3A_259 : f32 to vector<1x1024xf32>
    %select_n3A_261 = arith.select %gt3A_257, %broadcast_in_dim3A_260, %select_n3A_255 : vector<1x1024xi1>, vector<1x1024xf32>
    %slice3A_262 = vector.extract_strided_slice %logistic3A_92 {offsets = [29, 0], sizes = [1, 1024], strides = [1, 1]} : vector<80x1024xf32> to vector<1x1024xf32>
    %gt3A_263 = arith.cmpf ogt, %slice3A_262, %select_n3A_258 : vector<1x1024xf32>
    %select_n3A_264 = arith.select %gt3A_263, %slice3A_262, %select_n3A_258 : vector<1x1024xi1>, vector<1x1024xf32>
    %jit3A_265 = arith.constant 2.900000e+01 : f32
    %broadcast_in_dim3A_266 = vector.broadcast %jit3A_265 : f32 to vector<1x1024xf32>
    %select_n3A_267 = arith.select %gt3A_263, %broadcast_in_dim3A_266, %select_n3A_261 : vector<1x1024xi1>, vector<1x1024xf32>
    %slice3A_268 = vector.extract_strided_slice %logistic3A_92 {offsets = [30, 0], sizes = [1, 1024], strides = [1, 1]} : vector<80x1024xf32> to vector<1x1024xf32>
    %gt3A_269 = arith.cmpf ogt, %slice3A_268, %select_n3A_264 : vector<1x1024xf32>
    %select_n3A_270 = arith.select %gt3A_269, %slice3A_268, %select_n3A_264 : vector<1x1024xi1>, vector<1x1024xf32>
    %jit3A_271 = arith.constant 3.000000e+01 : f32
    %broadcast_in_dim3A_272 = vector.broadcast %jit3A_271 : f32 to vector<1x1024xf32>
    %select_n3A_273 = arith.select %gt3A_269, %broadcast_in_dim3A_272, %select_n3A_267 : vector<1x1024xi1>, vector<1x1024xf32>
    %slice3A_274 = vector.extract_strided_slice %logistic3A_92 {offsets = [31, 0], sizes = [1, 1024], strides = [1, 1]} : vector<80x1024xf32> to vector<1x1024xf32>
    %gt3A_275 = arith.cmpf ogt, %slice3A_274, %select_n3A_270 : vector<1x1024xf32>
    %select_n3A_276 = arith.select %gt3A_275, %slice3A_274, %select_n3A_270 : vector<1x1024xi1>, vector<1x1024xf32>
    %jit3A_277 = arith.constant 3.100000e+01 : f32
    %broadcast_in_dim3A_278 = vector.broadcast %jit3A_277 : f32 to vector<1x1024xf32>
    %select_n3A_279 = arith.select %gt3A_275, %broadcast_in_dim3A_278, %select_n3A_273 : vector<1x1024xi1>, vector<1x1024xf32>
    %slice3A_280 = vector.extract_strided_slice %logistic3A_92 {offsets = [32, 0], sizes = [1, 1024], strides = [1, 1]} : vector<80x1024xf32> to vector<1x1024xf32>
    %gt3A_281 = arith.cmpf ogt, %slice3A_280, %select_n3A_276 : vector<1x1024xf32>
    %select_n3A_282 = arith.select %gt3A_281, %slice3A_280, %select_n3A_276 : vector<1x1024xi1>, vector<1x1024xf32>
    %jit3A_283 = arith.constant 3.200000e+01 : f32
    %broadcast_in_dim3A_284 = vector.broadcast %jit3A_283 : f32 to vector<1x1024xf32>
    %select_n3A_285 = arith.select %gt3A_281, %broadcast_in_dim3A_284, %select_n3A_279 : vector<1x1024xi1>, vector<1x1024xf32>
    %slice3A_286 = vector.extract_strided_slice %logistic3A_92 {offsets = [33, 0], sizes = [1, 1024], strides = [1, 1]} : vector<80x1024xf32> to vector<1x1024xf32>
    %gt3A_287 = arith.cmpf ogt, %slice3A_286, %select_n3A_282 : vector<1x1024xf32>
    %select_n3A_288 = arith.select %gt3A_287, %slice3A_286, %select_n3A_282 : vector<1x1024xi1>, vector<1x1024xf32>
    %jit3A_289 = arith.constant 3.300000e+01 : f32
    %broadcast_in_dim3A_290 = vector.broadcast %jit3A_289 : f32 to vector<1x1024xf32>
    %select_n3A_291 = arith.select %gt3A_287, %broadcast_in_dim3A_290, %select_n3A_285 : vector<1x1024xi1>, vector<1x1024xf32>
    %slice3A_292 = vector.extract_strided_slice %logistic3A_92 {offsets = [34, 0], sizes = [1, 1024], strides = [1, 1]} : vector<80x1024xf32> to vector<1x1024xf32>
    %gt3A_293 = arith.cmpf ogt, %slice3A_292, %select_n3A_288 : vector<1x1024xf32>
    %select_n3A_294 = arith.select %gt3A_293, %slice3A_292, %select_n3A_288 : vector<1x1024xi1>, vector<1x1024xf32>
    %jit3A_295 = arith.constant 3.400000e+01 : f32
    %broadcast_in_dim3A_296 = vector.broadcast %jit3A_295 : f32 to vector<1x1024xf32>
    %select_n3A_297 = arith.select %gt3A_293, %broadcast_in_dim3A_296, %select_n3A_291 : vector<1x1024xi1>, vector<1x1024xf32>
    %slice3A_298 = vector.extract_strided_slice %logistic3A_92 {offsets = [35, 0], sizes = [1, 1024], strides = [1, 1]} : vector<80x1024xf32> to vector<1x1024xf32>
    %gt3A_299 = arith.cmpf ogt, %slice3A_298, %select_n3A_294 : vector<1x1024xf32>
    %select_n3A_300 = arith.select %gt3A_299, %slice3A_298, %select_n3A_294 : vector<1x1024xi1>, vector<1x1024xf32>
    %jit3A_301 = arith.constant 3.500000e+01 : f32
    %broadcast_in_dim3A_302 = vector.broadcast %jit3A_301 : f32 to vector<1x1024xf32>
    %select_n3A_303 = arith.select %gt3A_299, %broadcast_in_dim3A_302, %select_n3A_297 : vector<1x1024xi1>, vector<1x1024xf32>
    %slice3A_304 = vector.extract_strided_slice %logistic3A_92 {offsets = [36, 0], sizes = [1, 1024], strides = [1, 1]} : vector<80x1024xf32> to vector<1x1024xf32>
    %gt3A_305 = arith.cmpf ogt, %slice3A_304, %select_n3A_300 : vector<1x1024xf32>
    %select_n3A_306 = arith.select %gt3A_305, %slice3A_304, %select_n3A_300 : vector<1x1024xi1>, vector<1x1024xf32>
    %jit3A_307 = arith.constant 3.600000e+01 : f32
    %broadcast_in_dim3A_308 = vector.broadcast %jit3A_307 : f32 to vector<1x1024xf32>
    %select_n3A_309 = arith.select %gt3A_305, %broadcast_in_dim3A_308, %select_n3A_303 : vector<1x1024xi1>, vector<1x1024xf32>
    %slice3A_310 = vector.extract_strided_slice %logistic3A_92 {offsets = [37, 0], sizes = [1, 1024], strides = [1, 1]} : vector<80x1024xf32> to vector<1x1024xf32>
    %gt3A_311 = arith.cmpf ogt, %slice3A_310, %select_n3A_306 : vector<1x1024xf32>
    %select_n3A_312 = arith.select %gt3A_311, %slice3A_310, %select_n3A_306 : vector<1x1024xi1>, vector<1x1024xf32>
    %jit3A_313 = arith.constant 3.700000e+01 : f32
    %broadcast_in_dim3A_314 = vector.broadcast %jit3A_313 : f32 to vector<1x1024xf32>
    %select_n3A_315 = arith.select %gt3A_311, %broadcast_in_dim3A_314, %select_n3A_309 : vector<1x1024xi1>, vector<1x1024xf32>
    %slice3A_316 = vector.extract_strided_slice %logistic3A_92 {offsets = [38, 0], sizes = [1, 1024], strides = [1, 1]} : vector<80x1024xf32> to vector<1x1024xf32>
    %gt3A_317 = arith.cmpf ogt, %slice3A_316, %select_n3A_312 : vector<1x1024xf32>
    %select_n3A_318 = arith.select %gt3A_317, %slice3A_316, %select_n3A_312 : vector<1x1024xi1>, vector<1x1024xf32>
    %jit3A_319 = arith.constant 3.800000e+01 : f32
    %broadcast_in_dim3A_320 = vector.broadcast %jit3A_319 : f32 to vector<1x1024xf32>
    %select_n3A_321 = arith.select %gt3A_317, %broadcast_in_dim3A_320, %select_n3A_315 : vector<1x1024xi1>, vector<1x1024xf32>
    %slice3A_322 = vector.extract_strided_slice %logistic3A_92 {offsets = [39, 0], sizes = [1, 1024], strides = [1, 1]} : vector<80x1024xf32> to vector<1x1024xf32>
    %gt3A_323 = arith.cmpf ogt, %slice3A_322, %select_n3A_318 : vector<1x1024xf32>
    %select_n3A_324 = arith.select %gt3A_323, %slice3A_322, %select_n3A_318 : vector<1x1024xi1>, vector<1x1024xf32>
    %jit3A_325 = arith.constant 3.900000e+01 : f32
    %broadcast_in_dim3A_326 = vector.broadcast %jit3A_325 : f32 to vector<1x1024xf32>
    %select_n3A_327 = arith.select %gt3A_323, %broadcast_in_dim3A_326, %select_n3A_321 : vector<1x1024xi1>, vector<1x1024xf32>
    %slice3A_328 = vector.extract_strided_slice %logistic3A_92 {offsets = [40, 0], sizes = [1, 1024], strides = [1, 1]} : vector<80x1024xf32> to vector<1x1024xf32>
    %gt3A_329 = arith.cmpf ogt, %slice3A_328, %select_n3A_324 : vector<1x1024xf32>
    %select_n3A_330 = arith.select %gt3A_329, %slice3A_328, %select_n3A_324 : vector<1x1024xi1>, vector<1x1024xf32>
    %jit3A_331 = arith.constant 4.000000e+01 : f32
    %broadcast_in_dim3A_332 = vector.broadcast %jit3A_331 : f32 to vector<1x1024xf32>
    %select_n3A_333 = arith.select %gt3A_329, %broadcast_in_dim3A_332, %select_n3A_327 : vector<1x1024xi1>, vector<1x1024xf32>
    %slice3A_334 = vector.extract_strided_slice %logistic3A_92 {offsets = [41, 0], sizes = [1, 1024], strides = [1, 1]} : vector<80x1024xf32> to vector<1x1024xf32>
    %gt3A_335 = arith.cmpf ogt, %slice3A_334, %select_n3A_330 : vector<1x1024xf32>
    %select_n3A_336 = arith.select %gt3A_335, %slice3A_334, %select_n3A_330 : vector<1x1024xi1>, vector<1x1024xf32>
    %jit3A_337 = arith.constant 4.100000e+01 : f32
    %broadcast_in_dim3A_338 = vector.broadcast %jit3A_337 : f32 to vector<1x1024xf32>
    %select_n3A_339 = arith.select %gt3A_335, %broadcast_in_dim3A_338, %select_n3A_333 : vector<1x1024xi1>, vector<1x1024xf32>
    %slice3A_340 = vector.extract_strided_slice %logistic3A_92 {offsets = [42, 0], sizes = [1, 1024], strides = [1, 1]} : vector<80x1024xf32> to vector<1x1024xf32>
    %gt3A_341 = arith.cmpf ogt, %slice3A_340, %select_n3A_336 : vector<1x1024xf32>
    %select_n3A_342 = arith.select %gt3A_341, %slice3A_340, %select_n3A_336 : vector<1x1024xi1>, vector<1x1024xf32>
    %jit3A_343 = arith.constant 4.200000e+01 : f32
    %broadcast_in_dim3A_344 = vector.broadcast %jit3A_343 : f32 to vector<1x1024xf32>
    %select_n3A_345 = arith.select %gt3A_341, %broadcast_in_dim3A_344, %select_n3A_339 : vector<1x1024xi1>, vector<1x1024xf32>
    %slice3A_346 = vector.extract_strided_slice %logistic3A_92 {offsets = [43, 0], sizes = [1, 1024], strides = [1, 1]} : vector<80x1024xf32> to vector<1x1024xf32>
    %gt3A_347 = arith.cmpf ogt, %slice3A_346, %select_n3A_342 : vector<1x1024xf32>
    %select_n3A_348 = arith.select %gt3A_347, %slice3A_346, %select_n3A_342 : vector<1x1024xi1>, vector<1x1024xf32>
    %jit3A_349 = arith.constant 4.300000e+01 : f32
    %broadcast_in_dim3A_350 = vector.broadcast %jit3A_349 : f32 to vector<1x1024xf32>
    %select_n3A_351 = arith.select %gt3A_347, %broadcast_in_dim3A_350, %select_n3A_345 : vector<1x1024xi1>, vector<1x1024xf32>
    %slice3A_352 = vector.extract_strided_slice %logistic3A_92 {offsets = [44, 0], sizes = [1, 1024], strides = [1, 1]} : vector<80x1024xf32> to vector<1x1024xf32>
    %gt3A_353 = arith.cmpf ogt, %slice3A_352, %select_n3A_348 : vector<1x1024xf32>
    %select_n3A_354 = arith.select %gt3A_353, %slice3A_352, %select_n3A_348 : vector<1x1024xi1>, vector<1x1024xf32>
    %jit3A_355 = arith.constant 4.400000e+01 : f32
    %broadcast_in_dim3A_356 = vector.broadcast %jit3A_355 : f32 to vector<1x1024xf32>
    %select_n3A_357 = arith.select %gt3A_353, %broadcast_in_dim3A_356, %select_n3A_351 : vector<1x1024xi1>, vector<1x1024xf32>
    %slice3A_358 = vector.extract_strided_slice %logistic3A_92 {offsets = [45, 0], sizes = [1, 1024], strides = [1, 1]} : vector<80x1024xf32> to vector<1x1024xf32>
    %gt3A_359 = arith.cmpf ogt, %slice3A_358, %select_n3A_354 : vector<1x1024xf32>
    %select_n3A_360 = arith.select %gt3A_359, %slice3A_358, %select_n3A_354 : vector<1x1024xi1>, vector<1x1024xf32>
    %jit3A_361 = arith.constant 4.500000e+01 : f32
    %broadcast_in_dim3A_362 = vector.broadcast %jit3A_361 : f32 to vector<1x1024xf32>
    %select_n3A_363 = arith.select %gt3A_359, %broadcast_in_dim3A_362, %select_n3A_357 : vector<1x1024xi1>, vector<1x1024xf32>
    %slice3A_364 = vector.extract_strided_slice %logistic3A_92 {offsets = [46, 0], sizes = [1, 1024], strides = [1, 1]} : vector<80x1024xf32> to vector<1x1024xf32>
    %gt3A_365 = arith.cmpf ogt, %slice3A_364, %select_n3A_360 : vector<1x1024xf32>
    %select_n3A_366 = arith.select %gt3A_365, %slice3A_364, %select_n3A_360 : vector<1x1024xi1>, vector<1x1024xf32>
    %jit3A_367 = arith.constant 4.600000e+01 : f32
    %broadcast_in_dim3A_368 = vector.broadcast %jit3A_367 : f32 to vector<1x1024xf32>
    %select_n3A_369 = arith.select %gt3A_365, %broadcast_in_dim3A_368, %select_n3A_363 : vector<1x1024xi1>, vector<1x1024xf32>
    %slice3A_370 = vector.extract_strided_slice %logistic3A_92 {offsets = [47, 0], sizes = [1, 1024], strides = [1, 1]} : vector<80x1024xf32> to vector<1x1024xf32>
    %gt3A_371 = arith.cmpf ogt, %slice3A_370, %select_n3A_366 : vector<1x1024xf32>
    %select_n3A_372 = arith.select %gt3A_371, %slice3A_370, %select_n3A_366 : vector<1x1024xi1>, vector<1x1024xf32>
    %jit3A_373 = arith.constant 4.700000e+01 : f32
    %broadcast_in_dim3A_374 = vector.broadcast %jit3A_373 : f32 to vector<1x1024xf32>
    %select_n3A_375 = arith.select %gt3A_371, %broadcast_in_dim3A_374, %select_n3A_369 : vector<1x1024xi1>, vector<1x1024xf32>
    %slice3A_376 = vector.extract_strided_slice %logistic3A_92 {offsets = [48, 0], sizes = [1, 1024], strides = [1, 1]} : vector<80x1024xf32> to vector<1x1024xf32>
    %gt3A_377 = arith.cmpf ogt, %slice3A_376, %select_n3A_372 : vector<1x1024xf32>
    %select_n3A_378 = arith.select %gt3A_377, %slice3A_376, %select_n3A_372 : vector<1x1024xi1>, vector<1x1024xf32>
    %jit3A_379 = arith.constant 4.800000e+01 : f32
    %broadcast_in_dim3A_380 = vector.broadcast %jit3A_379 : f32 to vector<1x1024xf32>
    %select_n3A_381 = arith.select %gt3A_377, %broadcast_in_dim3A_380, %select_n3A_375 : vector<1x1024xi1>, vector<1x1024xf32>
    %slice3A_382 = vector.extract_strided_slice %logistic3A_92 {offsets = [49, 0], sizes = [1, 1024], strides = [1, 1]} : vector<80x1024xf32> to vector<1x1024xf32>
    %gt3A_383 = arith.cmpf ogt, %slice3A_382, %select_n3A_378 : vector<1x1024xf32>
    %select_n3A_384 = arith.select %gt3A_383, %slice3A_382, %select_n3A_378 : vector<1x1024xi1>, vector<1x1024xf32>
    %jit3A_385 = arith.constant 4.900000e+01 : f32
    %broadcast_in_dim3A_386 = vector.broadcast %jit3A_385 : f32 to vector<1x1024xf32>
    %select_n3A_387 = arith.select %gt3A_383, %broadcast_in_dim3A_386, %select_n3A_381 : vector<1x1024xi1>, vector<1x1024xf32>
    %slice3A_388 = vector.extract_strided_slice %logistic3A_92 {offsets = [50, 0], sizes = [1, 1024], strides = [1, 1]} : vector<80x1024xf32> to vector<1x1024xf32>
    %gt3A_389 = arith.cmpf ogt, %slice3A_388, %select_n3A_384 : vector<1x1024xf32>
    %select_n3A_390 = arith.select %gt3A_389, %slice3A_388, %select_n3A_384 : vector<1x1024xi1>, vector<1x1024xf32>
    %jit3A_391 = arith.constant 5.000000e+01 : f32
    %broadcast_in_dim3A_392 = vector.broadcast %jit3A_391 : f32 to vector<1x1024xf32>
    %select_n3A_393 = arith.select %gt3A_389, %broadcast_in_dim3A_392, %select_n3A_387 : vector<1x1024xi1>, vector<1x1024xf32>
    %slice3A_394 = vector.extract_strided_slice %logistic3A_92 {offsets = [51, 0], sizes = [1, 1024], strides = [1, 1]} : vector<80x1024xf32> to vector<1x1024xf32>
    %gt3A_395 = arith.cmpf ogt, %slice3A_394, %select_n3A_390 : vector<1x1024xf32>
    %select_n3A_396 = arith.select %gt3A_395, %slice3A_394, %select_n3A_390 : vector<1x1024xi1>, vector<1x1024xf32>
    %jit3A_397 = arith.constant 5.100000e+01 : f32
    %broadcast_in_dim3A_398 = vector.broadcast %jit3A_397 : f32 to vector<1x1024xf32>
    %select_n3A_399 = arith.select %gt3A_395, %broadcast_in_dim3A_398, %select_n3A_393 : vector<1x1024xi1>, vector<1x1024xf32>
    %slice3A_400 = vector.extract_strided_slice %logistic3A_92 {offsets = [52, 0], sizes = [1, 1024], strides = [1, 1]} : vector<80x1024xf32> to vector<1x1024xf32>
    %gt3A_401 = arith.cmpf ogt, %slice3A_400, %select_n3A_396 : vector<1x1024xf32>
    %select_n3A_402 = arith.select %gt3A_401, %slice3A_400, %select_n3A_396 : vector<1x1024xi1>, vector<1x1024xf32>
    %jit3A_403 = arith.constant 5.200000e+01 : f32
    %broadcast_in_dim3A_404 = vector.broadcast %jit3A_403 : f32 to vector<1x1024xf32>
    %select_n3A_405 = arith.select %gt3A_401, %broadcast_in_dim3A_404, %select_n3A_399 : vector<1x1024xi1>, vector<1x1024xf32>
    %slice3A_406 = vector.extract_strided_slice %logistic3A_92 {offsets = [53, 0], sizes = [1, 1024], strides = [1, 1]} : vector<80x1024xf32> to vector<1x1024xf32>
    %gt3A_407 = arith.cmpf ogt, %slice3A_406, %select_n3A_402 : vector<1x1024xf32>
    %select_n3A_408 = arith.select %gt3A_407, %slice3A_406, %select_n3A_402 : vector<1x1024xi1>, vector<1x1024xf32>
    %jit3A_409 = arith.constant 5.300000e+01 : f32
    %broadcast_in_dim3A_410 = vector.broadcast %jit3A_409 : f32 to vector<1x1024xf32>
    %select_n3A_411 = arith.select %gt3A_407, %broadcast_in_dim3A_410, %select_n3A_405 : vector<1x1024xi1>, vector<1x1024xf32>
    %slice3A_412 = vector.extract_strided_slice %logistic3A_92 {offsets = [54, 0], sizes = [1, 1024], strides = [1, 1]} : vector<80x1024xf32> to vector<1x1024xf32>
    %gt3A_413 = arith.cmpf ogt, %slice3A_412, %select_n3A_408 : vector<1x1024xf32>
    %select_n3A_414 = arith.select %gt3A_413, %slice3A_412, %select_n3A_408 : vector<1x1024xi1>, vector<1x1024xf32>
    %jit3A_415 = arith.constant 5.400000e+01 : f32
    %broadcast_in_dim3A_416 = vector.broadcast %jit3A_415 : f32 to vector<1x1024xf32>
    %select_n3A_417 = arith.select %gt3A_413, %broadcast_in_dim3A_416, %select_n3A_411 : vector<1x1024xi1>, vector<1x1024xf32>
    %slice3A_418 = vector.extract_strided_slice %logistic3A_92 {offsets = [55, 0], sizes = [1, 1024], strides = [1, 1]} : vector<80x1024xf32> to vector<1x1024xf32>
    %gt3A_419 = arith.cmpf ogt, %slice3A_418, %select_n3A_414 : vector<1x1024xf32>
    %select_n3A_420 = arith.select %gt3A_419, %slice3A_418, %select_n3A_414 : vector<1x1024xi1>, vector<1x1024xf32>
    %jit3A_421 = arith.constant 5.500000e+01 : f32
    %broadcast_in_dim3A_422 = vector.broadcast %jit3A_421 : f32 to vector<1x1024xf32>
    %select_n3A_423 = arith.select %gt3A_419, %broadcast_in_dim3A_422, %select_n3A_417 : vector<1x1024xi1>, vector<1x1024xf32>
    %slice3A_424 = vector.extract_strided_slice %logistic3A_92 {offsets = [56, 0], sizes = [1, 1024], strides = [1, 1]} : vector<80x1024xf32> to vector<1x1024xf32>
    %gt3A_425 = arith.cmpf ogt, %slice3A_424, %select_n3A_420 : vector<1x1024xf32>
    %select_n3A_426 = arith.select %gt3A_425, %slice3A_424, %select_n3A_420 : vector<1x1024xi1>, vector<1x1024xf32>
    %jit3A_427 = arith.constant 5.600000e+01 : f32
    %broadcast_in_dim3A_428 = vector.broadcast %jit3A_427 : f32 to vector<1x1024xf32>
    %select_n3A_429 = arith.select %gt3A_425, %broadcast_in_dim3A_428, %select_n3A_423 : vector<1x1024xi1>, vector<1x1024xf32>
    %slice3A_430 = vector.extract_strided_slice %logistic3A_92 {offsets = [57, 0], sizes = [1, 1024], strides = [1, 1]} : vector<80x1024xf32> to vector<1x1024xf32>
    %gt3A_431 = arith.cmpf ogt, %slice3A_430, %select_n3A_426 : vector<1x1024xf32>
    %select_n3A_432 = arith.select %gt3A_431, %slice3A_430, %select_n3A_426 : vector<1x1024xi1>, vector<1x1024xf32>
    %jit3A_433 = arith.constant 5.700000e+01 : f32
    %broadcast_in_dim3A_434 = vector.broadcast %jit3A_433 : f32 to vector<1x1024xf32>
    %select_n3A_435 = arith.select %gt3A_431, %broadcast_in_dim3A_434, %select_n3A_429 : vector<1x1024xi1>, vector<1x1024xf32>
    %slice3A_436 = vector.extract_strided_slice %logistic3A_92 {offsets = [58, 0], sizes = [1, 1024], strides = [1, 1]} : vector<80x1024xf32> to vector<1x1024xf32>
    %gt3A_437 = arith.cmpf ogt, %slice3A_436, %select_n3A_432 : vector<1x1024xf32>
    %select_n3A_438 = arith.select %gt3A_437, %slice3A_436, %select_n3A_432 : vector<1x1024xi1>, vector<1x1024xf32>
    %jit3A_439 = arith.constant 5.800000e+01 : f32
    %broadcast_in_dim3A_440 = vector.broadcast %jit3A_439 : f32 to vector<1x1024xf32>
    %select_n3A_441 = arith.select %gt3A_437, %broadcast_in_dim3A_440, %select_n3A_435 : vector<1x1024xi1>, vector<1x1024xf32>
    %slice3A_442 = vector.extract_strided_slice %logistic3A_92 {offsets = [59, 0], sizes = [1, 1024], strides = [1, 1]} : vector<80x1024xf32> to vector<1x1024xf32>
    %gt3A_443 = arith.cmpf ogt, %slice3A_442, %select_n3A_438 : vector<1x1024xf32>
    %select_n3A_444 = arith.select %gt3A_443, %slice3A_442, %select_n3A_438 : vector<1x1024xi1>, vector<1x1024xf32>
    %jit3A_445 = arith.constant 5.900000e+01 : f32
    %broadcast_in_dim3A_446 = vector.broadcast %jit3A_445 : f32 to vector<1x1024xf32>
    %select_n3A_447 = arith.select %gt3A_443, %broadcast_in_dim3A_446, %select_n3A_441 : vector<1x1024xi1>, vector<1x1024xf32>
    %slice3A_448 = vector.extract_strided_slice %logistic3A_92 {offsets = [60, 0], sizes = [1, 1024], strides = [1, 1]} : vector<80x1024xf32> to vector<1x1024xf32>
    %gt3A_449 = arith.cmpf ogt, %slice3A_448, %select_n3A_444 : vector<1x1024xf32>
    %select_n3A_450 = arith.select %gt3A_449, %slice3A_448, %select_n3A_444 : vector<1x1024xi1>, vector<1x1024xf32>
    %jit3A_451 = arith.constant 6.000000e+01 : f32
    %broadcast_in_dim3A_452 = vector.broadcast %jit3A_451 : f32 to vector<1x1024xf32>
    %select_n3A_453 = arith.select %gt3A_449, %broadcast_in_dim3A_452, %select_n3A_447 : vector<1x1024xi1>, vector<1x1024xf32>
    %slice3A_454 = vector.extract_strided_slice %logistic3A_92 {offsets = [61, 0], sizes = [1, 1024], strides = [1, 1]} : vector<80x1024xf32> to vector<1x1024xf32>
    %gt3A_455 = arith.cmpf ogt, %slice3A_454, %select_n3A_450 : vector<1x1024xf32>
    %select_n3A_456 = arith.select %gt3A_455, %slice3A_454, %select_n3A_450 : vector<1x1024xi1>, vector<1x1024xf32>
    %jit3A_457 = arith.constant 6.100000e+01 : f32
    %broadcast_in_dim3A_458 = vector.broadcast %jit3A_457 : f32 to vector<1x1024xf32>
    %select_n3A_459 = arith.select %gt3A_455, %broadcast_in_dim3A_458, %select_n3A_453 : vector<1x1024xi1>, vector<1x1024xf32>
    %slice3A_460 = vector.extract_strided_slice %logistic3A_92 {offsets = [62, 0], sizes = [1, 1024], strides = [1, 1]} : vector<80x1024xf32> to vector<1x1024xf32>
    %gt3A_461 = arith.cmpf ogt, %slice3A_460, %select_n3A_456 : vector<1x1024xf32>
    %select_n3A_462 = arith.select %gt3A_461, %slice3A_460, %select_n3A_456 : vector<1x1024xi1>, vector<1x1024xf32>
    %jit3A_463 = arith.constant 6.200000e+01 : f32
    %broadcast_in_dim3A_464 = vector.broadcast %jit3A_463 : f32 to vector<1x1024xf32>
    %select_n3A_465 = arith.select %gt3A_461, %broadcast_in_dim3A_464, %select_n3A_459 : vector<1x1024xi1>, vector<1x1024xf32>
    %slice3A_466 = vector.extract_strided_slice %logistic3A_92 {offsets = [63, 0], sizes = [1, 1024], strides = [1, 1]} : vector<80x1024xf32> to vector<1x1024xf32>
    %gt3A_467 = arith.cmpf ogt, %slice3A_466, %select_n3A_462 : vector<1x1024xf32>
    %select_n3A_468 = arith.select %gt3A_467, %slice3A_466, %select_n3A_462 : vector<1x1024xi1>, vector<1x1024xf32>
    %jit3A_469 = arith.constant 6.300000e+01 : f32
    %broadcast_in_dim3A_470 = vector.broadcast %jit3A_469 : f32 to vector<1x1024xf32>
    %select_n3A_471 = arith.select %gt3A_467, %broadcast_in_dim3A_470, %select_n3A_465 : vector<1x1024xi1>, vector<1x1024xf32>
    %slice3A_472 = vector.extract_strided_slice %logistic3A_92 {offsets = [64, 0], sizes = [1, 1024], strides = [1, 1]} : vector<80x1024xf32> to vector<1x1024xf32>
    %gt3A_473 = arith.cmpf ogt, %slice3A_472, %select_n3A_468 : vector<1x1024xf32>
    %select_n3A_474 = arith.select %gt3A_473, %slice3A_472, %select_n3A_468 : vector<1x1024xi1>, vector<1x1024xf32>
    %jit3A_475 = arith.constant 6.400000e+01 : f32
    %broadcast_in_dim3A_476 = vector.broadcast %jit3A_475 : f32 to vector<1x1024xf32>
    %select_n3A_477 = arith.select %gt3A_473, %broadcast_in_dim3A_476, %select_n3A_471 : vector<1x1024xi1>, vector<1x1024xf32>
    %slice3A_478 = vector.extract_strided_slice %logistic3A_92 {offsets = [65, 0], sizes = [1, 1024], strides = [1, 1]} : vector<80x1024xf32> to vector<1x1024xf32>
    %gt3A_479 = arith.cmpf ogt, %slice3A_478, %select_n3A_474 : vector<1x1024xf32>
    %select_n3A_480 = arith.select %gt3A_479, %slice3A_478, %select_n3A_474 : vector<1x1024xi1>, vector<1x1024xf32>
    %jit3A_481 = arith.constant 6.500000e+01 : f32
    %broadcast_in_dim3A_482 = vector.broadcast %jit3A_481 : f32 to vector<1x1024xf32>
    %select_n3A_483 = arith.select %gt3A_479, %broadcast_in_dim3A_482, %select_n3A_477 : vector<1x1024xi1>, vector<1x1024xf32>
    %slice3A_484 = vector.extract_strided_slice %logistic3A_92 {offsets = [66, 0], sizes = [1, 1024], strides = [1, 1]} : vector<80x1024xf32> to vector<1x1024xf32>
    %gt3A_485 = arith.cmpf ogt, %slice3A_484, %select_n3A_480 : vector<1x1024xf32>
    %select_n3A_486 = arith.select %gt3A_485, %slice3A_484, %select_n3A_480 : vector<1x1024xi1>, vector<1x1024xf32>
    %jit3A_487 = arith.constant 6.600000e+01 : f32
    %broadcast_in_dim3A_488 = vector.broadcast %jit3A_487 : f32 to vector<1x1024xf32>
    %select_n3A_489 = arith.select %gt3A_485, %broadcast_in_dim3A_488, %select_n3A_483 : vector<1x1024xi1>, vector<1x1024xf32>
    %slice3A_490 = vector.extract_strided_slice %logistic3A_92 {offsets = [67, 0], sizes = [1, 1024], strides = [1, 1]} : vector<80x1024xf32> to vector<1x1024xf32>
    %gt3A_491 = arith.cmpf ogt, %slice3A_490, %select_n3A_486 : vector<1x1024xf32>
    %select_n3A_492 = arith.select %gt3A_491, %slice3A_490, %select_n3A_486 : vector<1x1024xi1>, vector<1x1024xf32>
    %jit3A_493 = arith.constant 6.700000e+01 : f32
    %broadcast_in_dim3A_494 = vector.broadcast %jit3A_493 : f32 to vector<1x1024xf32>
    %select_n3A_495 = arith.select %gt3A_491, %broadcast_in_dim3A_494, %select_n3A_489 : vector<1x1024xi1>, vector<1x1024xf32>
    %slice3A_496 = vector.extract_strided_slice %logistic3A_92 {offsets = [68, 0], sizes = [1, 1024], strides = [1, 1]} : vector<80x1024xf32> to vector<1x1024xf32>
    %gt3A_497 = arith.cmpf ogt, %slice3A_496, %select_n3A_492 : vector<1x1024xf32>
    %select_n3A_498 = arith.select %gt3A_497, %slice3A_496, %select_n3A_492 : vector<1x1024xi1>, vector<1x1024xf32>
    %jit3A_499 = arith.constant 6.800000e+01 : f32
    %broadcast_in_dim3A_500 = vector.broadcast %jit3A_499 : f32 to vector<1x1024xf32>
    %select_n3A_501 = arith.select %gt3A_497, %broadcast_in_dim3A_500, %select_n3A_495 : vector<1x1024xi1>, vector<1x1024xf32>
    %slice3A_502 = vector.extract_strided_slice %logistic3A_92 {offsets = [69, 0], sizes = [1, 1024], strides = [1, 1]} : vector<80x1024xf32> to vector<1x1024xf32>
    %gt3A_503 = arith.cmpf ogt, %slice3A_502, %select_n3A_498 : vector<1x1024xf32>
    %select_n3A_504 = arith.select %gt3A_503, %slice3A_502, %select_n3A_498 : vector<1x1024xi1>, vector<1x1024xf32>
    %jit3A_505 = arith.constant 6.900000e+01 : f32
    %broadcast_in_dim3A_506 = vector.broadcast %jit3A_505 : f32 to vector<1x1024xf32>
    %select_n3A_507 = arith.select %gt3A_503, %broadcast_in_dim3A_506, %select_n3A_501 : vector<1x1024xi1>, vector<1x1024xf32>
    %slice3A_508 = vector.extract_strided_slice %logistic3A_92 {offsets = [70, 0], sizes = [1, 1024], strides = [1, 1]} : vector<80x1024xf32> to vector<1x1024xf32>
    %gt3A_509 = arith.cmpf ogt, %slice3A_508, %select_n3A_504 : vector<1x1024xf32>
    %select_n3A_510 = arith.select %gt3A_509, %slice3A_508, %select_n3A_504 : vector<1x1024xi1>, vector<1x1024xf32>
    %jit3A_511 = arith.constant 7.000000e+01 : f32
    %broadcast_in_dim3A_512 = vector.broadcast %jit3A_511 : f32 to vector<1x1024xf32>
    %select_n3A_513 = arith.select %gt3A_509, %broadcast_in_dim3A_512, %select_n3A_507 : vector<1x1024xi1>, vector<1x1024xf32>
    %slice3A_514 = vector.extract_strided_slice %logistic3A_92 {offsets = [71, 0], sizes = [1, 1024], strides = [1, 1]} : vector<80x1024xf32> to vector<1x1024xf32>
    %gt3A_515 = arith.cmpf ogt, %slice3A_514, %select_n3A_510 : vector<1x1024xf32>
    %select_n3A_516 = arith.select %gt3A_515, %slice3A_514, %select_n3A_510 : vector<1x1024xi1>, vector<1x1024xf32>
    %jit3A_517 = arith.constant 7.100000e+01 : f32
    %broadcast_in_dim3A_518 = vector.broadcast %jit3A_517 : f32 to vector<1x1024xf32>
    %select_n3A_519 = arith.select %gt3A_515, %broadcast_in_dim3A_518, %select_n3A_513 : vector<1x1024xi1>, vector<1x1024xf32>
    %slice3A_520 = vector.extract_strided_slice %logistic3A_92 {offsets = [72, 0], sizes = [1, 1024], strides = [1, 1]} : vector<80x1024xf32> to vector<1x1024xf32>
    %gt3A_521 = arith.cmpf ogt, %slice3A_520, %select_n3A_516 : vector<1x1024xf32>
    %select_n3A_522 = arith.select %gt3A_521, %slice3A_520, %select_n3A_516 : vector<1x1024xi1>, vector<1x1024xf32>
    %jit3A_523 = arith.constant 7.200000e+01 : f32
    %broadcast_in_dim3A_524 = vector.broadcast %jit3A_523 : f32 to vector<1x1024xf32>
    %select_n3A_525 = arith.select %gt3A_521, %broadcast_in_dim3A_524, %select_n3A_519 : vector<1x1024xi1>, vector<1x1024xf32>
    %slice3A_526 = vector.extract_strided_slice %logistic3A_92 {offsets = [73, 0], sizes = [1, 1024], strides = [1, 1]} : vector<80x1024xf32> to vector<1x1024xf32>
    %gt3A_527 = arith.cmpf ogt, %slice3A_526, %select_n3A_522 : vector<1x1024xf32>
    %select_n3A_528 = arith.select %gt3A_527, %slice3A_526, %select_n3A_522 : vector<1x1024xi1>, vector<1x1024xf32>
    %jit3A_529 = arith.constant 7.300000e+01 : f32
    %broadcast_in_dim3A_530 = vector.broadcast %jit3A_529 : f32 to vector<1x1024xf32>
    %select_n3A_531 = arith.select %gt3A_527, %broadcast_in_dim3A_530, %select_n3A_525 : vector<1x1024xi1>, vector<1x1024xf32>
    %slice3A_532 = vector.extract_strided_slice %logistic3A_92 {offsets = [74, 0], sizes = [1, 1024], strides = [1, 1]} : vector<80x1024xf32> to vector<1x1024xf32>
    %gt3A_533 = arith.cmpf ogt, %slice3A_532, %select_n3A_528 : vector<1x1024xf32>
    %select_n3A_534 = arith.select %gt3A_533, %slice3A_532, %select_n3A_528 : vector<1x1024xi1>, vector<1x1024xf32>
    %jit3A_535 = arith.constant 7.400000e+01 : f32
    %broadcast_in_dim3A_536 = vector.broadcast %jit3A_535 : f32 to vector<1x1024xf32>
    %select_n3A_537 = arith.select %gt3A_533, %broadcast_in_dim3A_536, %select_n3A_531 : vector<1x1024xi1>, vector<1x1024xf32>
    %slice3A_538 = vector.extract_strided_slice %logistic3A_92 {offsets = [75, 0], sizes = [1, 1024], strides = [1, 1]} : vector<80x1024xf32> to vector<1x1024xf32>
    %gt3A_539 = arith.cmpf ogt, %slice3A_538, %select_n3A_534 : vector<1x1024xf32>
    %select_n3A_540 = arith.select %gt3A_539, %slice3A_538, %select_n3A_534 : vector<1x1024xi1>, vector<1x1024xf32>
    %jit3A_541 = arith.constant 7.500000e+01 : f32
    %broadcast_in_dim3A_542 = vector.broadcast %jit3A_541 : f32 to vector<1x1024xf32>
    %select_n3A_543 = arith.select %gt3A_539, %broadcast_in_dim3A_542, %select_n3A_537 : vector<1x1024xi1>, vector<1x1024xf32>
    %slice3A_544 = vector.extract_strided_slice %logistic3A_92 {offsets = [76, 0], sizes = [1, 1024], strides = [1, 1]} : vector<80x1024xf32> to vector<1x1024xf32>
    %gt3A_545 = arith.cmpf ogt, %slice3A_544, %select_n3A_540 : vector<1x1024xf32>
    %select_n3A_546 = arith.select %gt3A_545, %slice3A_544, %select_n3A_540 : vector<1x1024xi1>, vector<1x1024xf32>
    %jit3A_547 = arith.constant 7.600000e+01 : f32
    %broadcast_in_dim3A_548 = vector.broadcast %jit3A_547 : f32 to vector<1x1024xf32>
    %select_n3A_549 = arith.select %gt3A_545, %broadcast_in_dim3A_548, %select_n3A_543 : vector<1x1024xi1>, vector<1x1024xf32>
    %slice3A_550 = vector.extract_strided_slice %logistic3A_92 {offsets = [77, 0], sizes = [1, 1024], strides = [1, 1]} : vector<80x1024xf32> to vector<1x1024xf32>
    %gt3A_551 = arith.cmpf ogt, %slice3A_550, %select_n3A_546 : vector<1x1024xf32>
    %select_n3A_552 = arith.select %gt3A_551, %slice3A_550, %select_n3A_546 : vector<1x1024xi1>, vector<1x1024xf32>
    %jit3A_553 = arith.constant 7.700000e+01 : f32
    %broadcast_in_dim3A_554 = vector.broadcast %jit3A_553 : f32 to vector<1x1024xf32>
    %select_n3A_555 = arith.select %gt3A_551, %broadcast_in_dim3A_554, %select_n3A_549 : vector<1x1024xi1>, vector<1x1024xf32>
    %slice3A_556 = vector.extract_strided_slice %logistic3A_92 {offsets = [78, 0], sizes = [1, 1024], strides = [1, 1]} : vector<80x1024xf32> to vector<1x1024xf32>
    %gt3A_557 = arith.cmpf ogt, %slice3A_556, %select_n3A_552 : vector<1x1024xf32>
    %select_n3A_558 = arith.select %gt3A_557, %slice3A_556, %select_n3A_552 : vector<1x1024xi1>, vector<1x1024xf32>
    %jit3A_559 = arith.constant 7.800000e+01 : f32
    %broadcast_in_dim3A_560 = vector.broadcast %jit3A_559 : f32 to vector<1x1024xf32>
    %select_n3A_561 = arith.select %gt3A_557, %broadcast_in_dim3A_560, %select_n3A_555 : vector<1x1024xi1>, vector<1x1024xf32>
    %slice3A_562 = vector.extract_strided_slice %logistic3A_92 {offsets = [79, 0], sizes = [1, 1024], strides = [1, 1]} : vector<80x1024xf32> to vector<1x1024xf32>
    %gt3A_563 = arith.cmpf ogt, %slice3A_562, %select_n3A_558 : vector<1x1024xf32>
    %jit3A_564 = arith.constant 7.900000e+01 : f32
    %broadcast_in_dim3A_565 = vector.broadcast %jit3A_564 : f32 to vector<1x1024xf32>
    %select_n3A_566 = arith.select %gt3A_563, %broadcast_in_dim3A_565, %select_n3A_561 : vector<1x1024xi1>, vector<1x1024xf32>
    %div3A_567 = arith.constant 2.000000e+00 : f32
    %div3A_568 = vector.broadcast %div3A_567 : f32 to vector<1x1024xf32>
    %div3A_569 = arith.divf %mul3A_70, %div3A_568 : vector<1x1024xf32>
    %sub3A_570 = arith.subf %mul3A_52, %div3A_569 : vector<1x1024xf32>
    %div3A_571 = arith.constant 2.000000e+00 : f32
    %div3A_572 = vector.broadcast %div3A_571 : f32 to vector<1x1024xf32>
    %div3A_573 = arith.divf %mul3A_78, %div3A_572 : vector<1x1024xf32>
    %sub3A_574 = arith.subf %mul3A_63, %div3A_573 : vector<1x1024xf32>
    %div3A_575 = arith.constant 2.000000e+00 : f32
    %div3A_576 = vector.broadcast %div3A_575 : f32 to vector<1x1024xf32>
    %div3A_577 = arith.divf %mul3A_70, %div3A_576 : vector<1x1024xf32>
    %add3A_578 = arith.addf %mul3A_52, %div3A_577 : vector<1x1024xf32>
    %div3A_579 = arith.constant 2.000000e+00 : f32
    %div3A_580 = vector.broadcast %div3A_579 : f32 to vector<1x1024xf32>
    %div3A_581 = arith.divf %mul3A_78, %div3A_580 : vector<1x1024xf32>
    %add3A_582 = arith.addf %mul3A_63, %div3A_581 : vector<1x1024xf32>
    %sub3A_583 = arith.subf %add3A_578, %sub3A_570 : vector<1x1024xf32>
    %max3A = arith.constant 0.000000e+00 : f32
    %max3A_584 = vector.broadcast %max3A : f32 to vector<1x1024xf32>
    %max3A_585 = arith.maximumf %sub3A_583, %max3A_584 : vector<1x1024xf32>
    %sub3A_586 = arith.subf %add3A_582, %sub3A_574 : vector<1x1024xf32>
    %max3A_587 = arith.constant 0.000000e+00 : f32
    %max3A_588 = vector.broadcast %max3A_587 : f32 to vector<1x1024xf32>
    %max3A_589 = arith.maximumf %sub3A_586, %max3A_588 : vector<1x1024xf32>
    %mul3A_590 = arith.mulf %max3A_585, %max3A_589 : vector<1x1024xf32>
    %broadcast_in_dim3A_591 = arith.constant 0.000000e+00 : f32
    %broadcast_in_dim3A_592 = vector.broadcast %broadcast_in_dim3A_591 : f32 to vector<117x1024xf32>
    %concatenate3A = tpu.concatenate %mul3A_52, %mul3A_63, %mul3A_70, %mul3A_78, %logistic3A_85, %select_n3A_566, %sub3A_570, %sub3A_574, %add3A_578, %add3A_582, %mul3A_590, %broadcast_in_dim3A_592 in 0 : vector<1x1024xf32>, vector<1x1024xf32>, vector<1x1024xf32>, vector<1x1024xf32>, vector<1x1024xf32>, vector<1x1024xf32>, vector<1x1024xf32>, vector<1x1024xf32>, vector<1x1024xf32>, vector<1x1024xf32>, vector<1x1024xf32>, vector<117x1024xf32> -> vector<128x1024xf32>
    %transpose3A = tpu.transpose %concatenate3A, [1, 0] : vector<128x1024xf32> -> vector<1024x128xf32>
    %swap3A = arith.constant 0 : index
    %swap3A_593 = arith.constant 0 : index
    %swap3A_594 = vector.load %arg1[%swap3A, %swap3A_593] : memref<5120x128xf32, #tpu.memory_space<vmem>>, vector<1024x128xf32>
    tpu.vector_store %arg1[%swap3A, %swap3A_593], %transpose3A {strides = array<i32>} : memref<5120x128xf32, #tpu.memory_space<vmem>>, vector<1024x128xf32>,
    %swap3A_595 = arith.constant 0 : index
    %swap3A_596 = arith.constant 0 : index
    %swap3A_597 = vector.load %arg2[%swap3A_595, %swap3A_596] : memref<1x5120xf32, #tpu.memory_space<vmem>>, vector<1x1024xf32>
    tpu.vector_store %arg2[%swap3A_595, %swap3A_596], %logistic3A_85 {strides = array<i32>} : memref<1x5120xf32, #tpu.memory_space<vmem>>, vector<1x1024xf32>,
    %get3A_598 = arith.constant 85 : index
    %get3A_599 = arith.constant 0 : index
    %get3A_600 = vector.load %arg0[%get3A_598, %get3A_599] : memref<425x1024xf32, #tpu.memory_space<vmem>>, vector<85x1024xf32>
    %slice3A_601 = vector.extract_strided_slice %get3A_600 {offsets = [0, 0], sizes = [1, 1024], strides = [1, 1]} : vector<85x1024xf32> to vector<1x1024xf32>
    %logistic3A_602 = arith.negf %slice3A_601 : vector<1x1024xf32>
    %logistic3A_603 = math.exp %logistic3A_602 : vector<1x1024xf32>
    %logistic3A_604 = arith.constant 1.000000e+00 : f32
    %logistic3A_605 = vector.broadcast %logistic3A_604 : f32 to vector<1x1024xf32>
    %logistic3A_606 = arith.addf %logistic3A_605, %logistic3A_603 : vector<1x1024xf32>
    %logistic3A_607 = arith.divf %logistic3A_605, %logistic3A_606 : vector<1x1024xf32>
    %add3A_608 = arith.addf %logistic3A_607, %convert_element_type3A : vector<1x1024xf32>
    %mul3A_609 = arith.constant 1.600000e+01 : f32
    %mul3A_610 = vector.broadcast %mul3A_609 : f32 to vector<1x1024xf32>
    %mul3A_611 = arith.mulf %add3A_608, %mul3A_610 : vector<1x1024xf32>
    %slice3A_612 = vector.extract_strided_slice %get3A_600 {offsets = [1, 0], sizes = [1, 1024], strides = [1, 1]} : vector<85x1024xf32> to vector<1x1024xf32>
    %logistic3A_613 = arith.negf %slice3A_612 : vector<1x1024xf32>
    %logistic3A_614 = math.exp %logistic3A_613 : vector<1x1024xf32>
    %logistic3A_615 = arith.constant 1.000000e+00 : f32
    %logistic3A_616 = vector.broadcast %logistic3A_615 : f32 to vector<1x1024xf32>
    %logistic3A_617 = arith.addf %logistic3A_616, %logistic3A_614 : vector<1x1024xf32>
    %logistic3A_618 = arith.divf %logistic3A_616, %logistic3A_617 : vector<1x1024xf32>
    %add3A_619 = arith.addf %logistic3A_618, %convert_element_type3A_42 : vector<1x1024xf32>
    %mul3A_620 = arith.constant 1.600000e+01 : f32
    %mul3A_621 = vector.broadcast %mul3A_620 : f32 to vector<1x1024xf32>
    %mul3A_622 = arith.mulf %add3A_619, %mul3A_621 : vector<1x1024xf32>
    %slice3A_623 = vector.extract_strided_slice %get3A_600 {offsets = [2, 0], sizes = [1, 1024], strides = [1, 1]} : vector<85x1024xf32> to vector<1x1024xf32>
    %exp3A_624 = math.exp %slice3A_623 : vector<1x1024xf32>
    %mul3A_625 = arith.constant 3.192750e+00 : f32
    %mul3A_626 = vector.broadcast %mul3A_625 : f32 to vector<1x1024xf32>
    %mul3A_627 = arith.mulf %exp3A_624, %mul3A_626 : vector<1x1024xf32>
    %mul3A_628 = arith.constant 1.600000e+01 : f32
    %mul3A_629 = vector.broadcast %mul3A_628 : f32 to vector<1x1024xf32>
    %mul3A_630 = arith.mulf %mul3A_627, %mul3A_629 : vector<1x1024xf32>
    %slice3A_631 = vector.extract_strided_slice %get3A_600 {offsets = [3, 0], sizes = [1, 1024], strides = [1, 1]} : vector<85x1024xf32> to vector<1x1024xf32>
    %exp3A_632 = math.exp %slice3A_631 : vector<1x1024xf32>
    %mul3A_633 = arith.constant 4.009440e+00 : f32
    %mul3A_634 = vector.broadcast %mul3A_633 : f32 to vector<1x1024xf32>
    %mul3A_635 = arith.mulf %exp3A_632, %mul3A_634 : vector<1x1024xf32>
    %mul3A_636 = arith.constant 1.600000e+01 : f32
    %mul3A_637 = vector.broadcast %mul3A_636 : f32 to vector<1x1024xf32>
    %mul3A_638 = arith.mulf %mul3A_635, %mul3A_637 : vector<1x1024xf32>
    %slice3A_639 = vector.extract_strided_slice %get3A_600 {offsets = [4, 0], sizes = [1, 1024], strides = [1, 1]} : vector<85x1024xf32> to vector<1x1024xf32>
    %logistic3A_640 = arith.negf %slice3A_639 : vector<1x1024xf32>
    %logistic3A_641 = math.exp %logistic3A_640 : vector<1x1024xf32>
    %logistic3A_642 = arith.constant 1.000000e+00 : f32
    %logistic3A_643 = vector.broadcast %logistic3A_642 : f32 to vector<1x1024xf32>
    %logistic3A_644 = arith.addf %logistic3A_643, %logistic3A_641 : vector<1x1024xf32>
    %logistic3A_645 = arith.divf %logistic3A_643, %logistic3A_644 : vector<1x1024xf32>
    %slice3A_646 = vector.extract_strided_slice %get3A_600 {offsets = [5, 0], sizes = [80, 1024], strides = [1, 1]} : vector<85x1024xf32> to vector<80x1024xf32>
    %logistic3A_647 = arith.negf %slice3A_646 : vector<80x1024xf32>
    %logistic3A_648 = math.exp %logistic3A_647 : vector<80x1024xf32>
    %logistic3A_649 = arith.constant 1.000000e+00 : f32
    %logistic3A_650 = vector.broadcast %logistic3A_649 : f32 to vector<80x1024xf32>
    %logistic3A_651 = arith.addf %logistic3A_650, %logistic3A_648 : vector<80x1024xf32>
    %logistic3A_652 = arith.divf %logistic3A_650, %logistic3A_651 : vector<80x1024xf32>
    %slice3A_653 = vector.extract_strided_slice %logistic3A_652 {offsets = [0, 0], sizes = [1, 1024], strides = [1, 1]} : vector<80x1024xf32> to vector<1x1024xf32>
    %broadcast_in_dim3A_654 = arith.constant 0.000000e+00 : f32
    %broadcast_in_dim3A_655 = vector.broadcast %broadcast_in_dim3A_654 : f32 to vector<1x1024xf32>
    %slice3A_656 = vector.extract_strided_slice %logistic3A_652 {offsets = [1, 0], sizes = [1, 1024], strides = [1, 1]} : vector<80x1024xf32> to vector<1x1024xf32>
    %gt3A_657 = arith.cmpf ogt, %slice3A_656, %slice3A_653 : vector<1x1024xf32>
    %select_n3A_658 = arith.select %gt3A_657, %slice3A_656, %slice3A_653 : vector<1x1024xi1>, vector<1x1024xf32>
    %jit3A_659 = arith.constant 1.000000e+00 : f32
    %broadcast_in_dim3A_660 = vector.broadcast %jit3A_659 : f32 to vector<1x1024xf32>
    %select_n3A_661 = arith.select %gt3A_657, %broadcast_in_dim3A_660, %broadcast_in_dim3A_655 : vector<1x1024xi1>, vector<1x1024xf32>
    %slice3A_662 = vector.extract_strided_slice %logistic3A_652 {offsets = [2, 0], sizes = [1, 1024], strides = [1, 1]} : vector<80x1024xf32> to vector<1x1024xf32>
    %gt3A_663 = arith.cmpf ogt, %slice3A_662, %select_n3A_658 : vector<1x1024xf32>
    %select_n3A_664 = arith.select %gt3A_663, %slice3A_662, %select_n3A_658 : vector<1x1024xi1>, vector<1x1024xf32>
    %jit3A_665 = arith.constant 2.000000e+00 : f32
    %broadcast_in_dim3A_666 = vector.broadcast %jit3A_665 : f32 to vector<1x1024xf32>
    %select_n3A_667 = arith.select %gt3A_663, %broadcast_in_dim3A_666, %select_n3A_661 : vector<1x1024xi1>, vector<1x1024xf32>
    %slice3A_668 = vector.extract_strided_slice %logistic3A_652 {offsets = [3, 0], sizes = [1, 1024], strides = [1, 1]} : vector<80x1024xf32> to vector<1x1024xf32>
    %gt3A_669 = arith.cmpf ogt, %slice3A_668, %select_n3A_664 : vector<1x1024xf32>
    %select_n3A_670 = arith.select %gt3A_669, %slice3A_668, %select_n3A_664 : vector<1x1024xi1>, vector<1x1024xf32>
    %jit3A_671 = arith.constant 3.000000e+00 : f32
    %broadcast_in_dim3A_672 = vector.broadcast %jit3A_671 : f32 to vector<1x1024xf32>
    %select_n3A_673 = arith.select %gt3A_669, %broadcast_in_dim3A_672, %select_n3A_667 : vector<1x1024xi1>, vector<1x1024xf32>
    %slice3A_674 = vector.extract_strided_slice %logistic3A_652 {offsets = [4, 0], sizes = [1, 1024], strides = [1, 1]} : vector<80x1024xf32> to vector<1x1024xf32>
    %gt3A_675 = arith.cmpf ogt, %slice3A_674, %select_n3A_670 : vector<1x1024xf32>
    %select_n3A_676 = arith.select %gt3A_675, %slice3A_674, %select_n3A_670 : vector<1x1024xi1>, vector<1x1024xf32>
    %jit3A_677 = arith.constant 4.000000e+00 : f32
    %broadcast_in_dim3A_678 = vector.broadcast %jit3A_677 : f32 to vector<1x1024xf32>
    %select_n3A_679 = arith.select %gt3A_675, %broadcast_in_dim3A_678, %select_n3A_673 : vector<1x1024xi1>, vector<1x1024xf32>
    %slice3A_680 = vector.extract_strided_slice %logistic3A_652 {offsets = [5, 0], sizes = [1, 1024], strides = [1, 1]} : vector<80x1024xf32> to vector<1x1024xf32>
    %gt3A_681 = arith.cmpf ogt, %slice3A_680, %select_n3A_676 : vector<1x1024xf32>
    %select_n3A_682 = arith.select %gt3A_681, %slice3A_680, %select_n3A_676 : vector<1x1024xi1>, vector<1x1024xf32>
    %jit3A_683 = arith.constant 5.000000e+00 : f32
    %broadcast_in_dim3A_684 = vector.broadcast %jit3A_683 : f32 to vector<1x1024xf32>
    %select_n3A_685 = arith.select %gt3A_681, %broadcast_in_dim3A_684, %select_n3A_679 : vector<1x1024xi1>, vector<1x1024xf32>
    %slice3A_686 = vector.extract_strided_slice %logistic3A_652 {offsets = [6, 0], sizes = [1, 1024], strides = [1, 1]} : vector<80x1024xf32> to vector<1x1024xf32>
    %gt3A_687 = arith.cmpf ogt, %slice3A_686, %select_n3A_682 : vector<1x1024xf32>
    %select_n3A_688 = arith.select %gt3A_687, %slice3A_686, %select_n3A_682 : vector<1x1024xi1>, vector<1x1024xf32>
    %jit3A_689 = arith.constant 6.000000e+00 : f32
    %broadcast_in_dim3A_690 = vector.broadcast %jit3A_689 : f32 to vector<1x1024xf32>
    %select_n3A_691 = arith.select %gt3A_687, %broadcast_in_dim3A_690, %select_n3A_685 : vector<1x1024xi1>, vector<1x1024xf32>
    %slice3A_692 = vector.extract_strided_slice %logistic3A_652 {offsets = [7, 0], sizes = [1, 1024], strides = [1, 1]} : vector<80x1024xf32> to vector<1x1024xf32>
    %gt3A_693 = arith.cmpf ogt, %slice3A_692, %select_n3A_688 : vector<1x1024xf32>
    %select_n3A_694 = arith.select %gt3A_693, %slice3A_692, %select_n3A_688 : vector<1x1024xi1>, vector<1x1024xf32>
    %jit3A_695 = arith.constant 7.000000e+00 : f32
    %broadcast_in_dim3A_696 = vector.broadcast %jit3A_695 : f32 to vector<1x1024xf32>
    %select_n3A_697 = arith.select %gt3A_693, %broadcast_in_dim3A_696, %select_n3A_691 : vector<1x1024xi1>, vector<1x1024xf32>
    %slice3A_698 = vector.extract_strided_slice %logistic3A_652 {offsets = [8, 0], sizes = [1, 1024], strides = [1, 1]} : vector<80x1024xf32> to vector<1x1024xf32>
    %gt3A_699 = arith.cmpf ogt, %slice3A_698, %select_n3A_694 : vector<1x1024xf32>
    %select_n3A_700 = arith.select %gt3A_699, %slice3A_698, %select_n3A_694 : vector<1x1024xi1>, vector<1x1024xf32>
    %jit3A_701 = arith.constant 8.000000e+00 : f32
    %broadcast_in_dim3A_702 = vector.broadcast %jit3A_701 : f32 to vector<1x1024xf32>
    %select_n3A_703 = arith.select %gt3A_699, %broadcast_in_dim3A_702, %select_n3A_697 : vector<1x1024xi1>, vector<1x1024xf32>
    %slice3A_704 = vector.extract_strided_slice %logistic3A_652 {offsets = [9, 0], sizes = [1, 1024], strides = [1, 1]} : vector<80x1024xf32> to vector<1x1024xf32>
    %gt3A_705 = arith.cmpf ogt, %slice3A_704, %select_n3A_700 : vector<1x1024xf32>
    %select_n3A_706 = arith.select %gt3A_705, %slice3A_704, %select_n3A_700 : vector<1x1024xi1>, vector<1x1024xf32>
    %jit3A_707 = arith.constant 9.000000e+00 : f32
    %broadcast_in_dim3A_708 = vector.broadcast %jit3A_707 : f32 to vector<1x1024xf32>
    %select_n3A_709 = arith.select %gt3A_705, %broadcast_in_dim3A_708, %select_n3A_703 : vector<1x1024xi1>, vector<1x1024xf32>
    %slice3A_710 = vector.extract_strided_slice %logistic3A_652 {offsets = [10, 0], sizes = [1, 1024], strides = [1, 1]} : vector<80x1024xf32> to vector<1x1024xf32>
    %gt3A_711 = arith.cmpf ogt, %slice3A_710, %select_n3A_706 : vector<1x1024xf32>
    %select_n3A_712 = arith.select %gt3A_711, %slice3A_710, %select_n3A_706 : vector<1x1024xi1>, vector<1x1024xf32>
    %jit3A_713 = arith.constant 1.000000e+01 : f32
    %broadcast_in_dim3A_714 = vector.broadcast %jit3A_713 : f32 to vector<1x1024xf32>
    %select_n3A_715 = arith.select %gt3A_711, %broadcast_in_dim3A_714, %select_n3A_709 : vector<1x1024xi1>, vector<1x1024xf32>
    %slice3A_716 = vector.extract_strided_slice %logistic3A_652 {offsets = [11, 0], sizes = [1, 1024], strides = [1, 1]} : vector<80x1024xf32> to vector<1x1024xf32>
    %gt3A_717 = arith.cmpf ogt, %slice3A_716, %select_n3A_712 : vector<1x1024xf32>
    %select_n3A_718 = arith.select %gt3A_717, %slice3A_716, %select_n3A_712 : vector<1x1024xi1>, vector<1x1024xf32>
    %jit3A_719 = arith.constant 1.100000e+01 : f32
    %broadcast_in_dim3A_720 = vector.broadcast %jit3A_719 : f32 to vector<1x1024xf32>
    %select_n3A_721 = arith.select %gt3A_717, %broadcast_in_dim3A_720, %select_n3A_715 : vector<1x1024xi1>, vector<1x1024xf32>
    %slice3A_722 = vector.extract_strided_slice %logistic3A_652 {offsets = [12, 0], sizes = [1, 1024], strides = [1, 1]} : vector<80x1024xf32> to vector<1x1024xf32>
    %gt3A_723 = arith.cmpf ogt, %slice3A_722, %select_n3A_718 : vector<1x1024xf32>
    %select_n3A_724 = arith.select %gt3A_723, %slice3A_722, %select_n3A_718 : vector<1x1024xi1>, vector<1x1024xf32>
    %jit3A_725 = arith.constant 1.200000e+01 : f32
    %broadcast_in_dim3A_726 = vector.broadcast %jit3A_725 : f32 to vector<1x1024xf32>
    %select_n3A_727 = arith.select %gt3A_723, %broadcast_in_dim3A_726, %select_n3A_721 : vector<1x1024xi1>, vector<1x1024xf32>
    %slice3A_728 = vector.extract_strided_slice %logistic3A_652 {offsets = [13, 0], sizes = [1, 1024], strides = [1, 1]} : vector<80x1024xf32> to vector<1x1024xf32>
    %gt3A_729 = arith.cmpf ogt, %slice3A_728, %select_n3A_724 : vector<1x1024xf32>
    %select_n3A_730 = arith.select %gt3A_729, %slice3A_728, %select_n3A_724 : vector<1x1024xi1>, vector<1x1024xf32>
    %jit3A_731 = arith.constant 1.300000e+01 : f32
    %broadcast_in_dim3A_732 = vector.broadcast %jit3A_731 : f32 to vector<1x1024xf32>
    %select_n3A_733 = arith.select %gt3A_729, %broadcast_in_dim3A_732, %select_n3A_727 : vector<1x1024xi1>, vector<1x1024xf32>
    %slice3A_734 = vector.extract_strided_slice %logistic3A_652 {offsets = [14, 0], sizes = [1, 1024], strides = [1, 1]} : vector<80x1024xf32> to vector<1x1024xf32>
    %gt3A_735 = arith.cmpf ogt, %slice3A_734, %select_n3A_730 : vector<1x1024xf32>
    %select_n3A_736 = arith.select %gt3A_735, %slice3A_734, %select_n3A_730 : vector<1x1024xi1>, vector<1x1024xf32>
    %jit3A_737 = arith.constant 1.400000e+01 : f32
    %broadcast_in_dim3A_738 = vector.broadcast %jit3A_737 : f32 to vector<1x1024xf32>
    %select_n3A_739 = arith.select %gt3A_735, %broadcast_in_dim3A_738, %select_n3A_733 : vector<1x1024xi1>, vector<1x1024xf32>
    %slice3A_740 = vector.extract_strided_slice %logistic3A_652 {offsets = [15, 0], sizes = [1, 1024], strides = [1, 1]} : vector<80x1024xf32> to vector<1x1024xf32>
    %gt3A_741 = arith.cmpf ogt, %slice3A_740, %select_n3A_736 : vector<1x1024xf32>
    %select_n3A_742 = arith.select %gt3A_741, %slice3A_740, %select_n3A_736 : vector<1x1024xi1>, vector<1x1024xf32>
    %jit3A_743 = arith.constant 1.500000e+01 : f32
    %broadcast_in_dim3A_744 = vector.broadcast %jit3A_743 : f32 to vector<1x1024xf32>
    %select_n3A_745 = arith.select %gt3A_741, %broadcast_in_dim3A_744, %select_n3A_739 : vector<1x1024xi1>, vector<1x1024xf32>
    %slice3A_746 = vector.extract_strided_slice %logistic3A_652 {offsets = [16, 0], sizes = [1, 1024], strides = [1, 1]} : vector<80x1024xf32> to vector<1x1024xf32>
    %gt3A_747 = arith.cmpf ogt, %slice3A_746, %select_n3A_742 : vector<1x1024xf32>
    %select_n3A_748 = arith.select %gt3A_747, %slice3A_746, %select_n3A_742 : vector<1x1024xi1>, vector<1x1024xf32>
    %jit3A_749 = arith.constant 1.600000e+01 : f32
    %broadcast_in_dim3A_750 = vector.broadcast %jit3A_749 : f32 to vector<1x1024xf32>
    %select_n3A_751 = arith.select %gt3A_747, %broadcast_in_dim3A_750, %select_n3A_745 : vector<1x1024xi1>, vector<1x1024xf32>
    %slice3A_752 = vector.extract_strided_slice %logistic3A_652 {offsets = [17, 0], sizes = [1, 1024], strides = [1, 1]} : vector<80x1024xf32> to vector<1x1024xf32>
    %gt3A_753 = arith.cmpf ogt, %slice3A_752, %select_n3A_748 : vector<1x1024xf32>
    %select_n3A_754 = arith.select %gt3A_753, %slice3A_752, %select_n3A_748 : vector<1x1024xi1>, vector<1x1024xf32>
    %jit3A_755 = arith.constant 1.700000e+01 : f32
    %broadcast_in_dim3A_756 = vector.broadcast %jit3A_755 : f32 to vector<1x1024xf32>
    %select_n3A_757 = arith.select %gt3A_753, %broadcast_in_dim3A_756, %select_n3A_751 : vector<1x1024xi1>, vector<1x1024xf32>
    %slice3A_758 = vector.extract_strided_slice %logistic3A_652 {offsets = [18, 0], sizes = [1, 1024], strides = [1, 1]} : vector<80x1024xf32> to vector<1x1024xf32>
    %gt3A_759 = arith.cmpf ogt, %slice3A_758, %select_n3A_754 : vector<1x1024xf32>
    %select_n3A_760 = arith.select %gt3A_759, %slice3A_758, %select_n3A_754 : vector<1x1024xi1>, vector<1x1024xf32>
    %jit3A_761 = arith.constant 1.800000e+01 : f32
    %broadcast_in_dim3A_762 = vector.broadcast %jit3A_761 : f32 to vector<1x1024xf32>
    %select_n3A_763 = arith.select %gt3A_759, %broadcast_in_dim3A_762, %select_n3A_757 : vector<1x1024xi1>, vector<1x1024xf32>
    %slice3A_764 = vector.extract_strided_slice %logistic3A_652 {offsets = [19, 0], sizes = [1, 1024], strides = [1, 1]} : vector<80x1024xf32> to vector<1x1024xf32>
    %gt3A_765 = arith.cmpf ogt, %slice3A_764, %select_n3A_760 : vector<1x1024xf32>
    %select_n3A_766 = arith.select %gt3A_765, %slice3A_764, %select_n3A_760 : vector<1x1024xi1>, vector<1x1024xf32>
    %jit3A_767 = arith.constant 1.900000e+01 : f32
    %broadcast_in_dim3A_768 = vector.broadcast %jit3A_767 : f32 to vector<1x1024xf32>
    %select_n3A_769 = arith.select %gt3A_765, %broadcast_in_dim3A_768, %select_n3A_763 : vector<1x1024xi1>, vector<1x1024xf32>
    %slice3A_770 = vector.extract_strided_slice %logistic3A_652 {offsets = [20, 0], sizes = [1, 1024], strides = [1, 1]} : vector<80x1024xf32> to vector<1x1024xf32>
    %gt3A_771 = arith.cmpf ogt, %slice3A_770, %select_n3A_766 : vector<1x1024xf32>
    %select_n3A_772 = arith.select %gt3A_771, %slice3A_770, %select_n3A_766 : vector<1x1024xi1>, vector<1x1024xf32>
    %jit3A_773 = arith.constant 2.000000e+01 : f32
    %broadcast_in_dim3A_774 = vector.broadcast %jit3A_773 : f32 to vector<1x1024xf32>
    %select_n3A_775 = arith.select %gt3A_771, %broadcast_in_dim3A_774, %select_n3A_769 : vector<1x1024xi1>, vector<1x1024xf32>
    %slice3A_776 = vector.extract_strided_slice %logistic3A_652 {offsets = [21, 0], sizes = [1, 1024], strides = [1, 1]} : vector<80x1024xf32> to vector<1x1024xf32>
    %gt3A_777 = arith.cmpf ogt, %slice3A_776, %select_n3A_772 : vector<1x1024xf32>
    %select_n3A_778 = arith.select %gt3A_777, %slice3A_776, %select_n3A_772 : vector<1x1024xi1>, vector<1x1024xf32>
    %jit3A_779 = arith.constant 2.100000e+01 : f32
    %broadcast_in_dim3A_780 = vector.broadcast %jit3A_779 : f32 to vector<1x1024xf32>
    %select_n3A_781 = arith.select %gt3A_777, %broadcast_in_dim3A_780, %select_n3A_775 : vector<1x1024xi1>, vector<1x1024xf32>
    %slice3A_782 = vector.extract_strided_slice %logistic3A_652 {offsets = [22, 0], sizes = [1, 1024], strides = [1, 1]} : vector<80x1024xf32> to vector<1x1024xf32>
    %gt3A_783 = arith.cmpf ogt, %slice3A_782, %select_n3A_778 : vector<1x1024xf32>
    %select_n3A_784 = arith.select %gt3A_783, %slice3A_782, %select_n3A_778 : vector<1x1024xi1>, vector<1x1024xf32>
    %jit3A_785 = arith.constant 2.200000e+01 : f32
    %broadcast_in_dim3A_786 = vector.broadcast %jit3A_785 : f32 to vector<1x1024xf32>
    %select_n3A_787 = arith.select %gt3A_783, %broadcast_in_dim3A_786, %select_n3A_781 : vector<1x1024xi1>, vector<1x1024xf32>
    %slice3A_788 = vector.extract_strided_slice %logistic3A_652 {offsets = [23, 0], sizes = [1, 1024], strides = [1, 1]} : vector<80x1024xf32> to vector<1x1024xf32>
    %gt3A_789 = arith.cmpf ogt, %slice3A_788, %select_n3A_784 : vector<1x1024xf32>
    %select_n3A_790 = arith.select %gt3A_789, %slice3A_788, %select_n3A_784 : vector<1x1024xi1>, vector<1x1024xf32>
    %jit3A_791 = arith.constant 2.300000e+01 : f32
    %broadcast_in_dim3A_792 = vector.broadcast %jit3A_791 : f32 to vector<1x1024xf32>
    %select_n3A_793 = arith.select %gt3A_789, %broadcast_in_dim3A_792, %select_n3A_787 : vector<1x1024xi1>, vector<1x1024xf32>
    %slice3A_794 = vector.extract_strided_slice %logistic3A_652 {offsets = [24, 0], sizes = [1, 1024], strides = [1, 1]} : vector<80x1024xf32> to vector<1x1024xf32>
    %gt3A_795 = arith.cmpf ogt, %slice3A_794, %select_n3A_790 : vector<1x1024xf32>
    %select_n3A_796 = arith.select %gt3A_795, %slice3A_794, %select_n3A_790 : vector<1x1024xi1>, vector<1x1024xf32>
    %jit3A_797 = arith.constant 2.400000e+01 : f32
    %broadcast_in_dim3A_798 = vector.broadcast %jit3A_797 : f32 to vector<1x1024xf32>
    %select_n3A_799 = arith.select %gt3A_795, %broadcast_in_dim3A_798, %select_n3A_793 : vector<1x1024xi1>, vector<1x1024xf32>
    %slice3A_800 = vector.extract_strided_slice %logistic3A_652 {offsets = [25, 0], sizes = [1, 1024], strides = [1, 1]} : vector<80x1024xf32> to vector<1x1024xf32>
    %gt3A_801 = arith.cmpf ogt, %slice3A_800, %select_n3A_796 : vector<1x1024xf32>
    %select_n3A_802 = arith.select %gt3A_801, %slice3A_800, %select_n3A_796 : vector<1x1024xi1>, vector<1x1024xf32>
    %jit3A_803 = arith.constant 2.500000e+01 : f32
    %broadcast_in_dim3A_804 = vector.broadcast %jit3A_803 : f32 to vector<1x1024xf32>
    %select_n3A_805 = arith.select %gt3A_801, %broadcast_in_dim3A_804, %select_n3A_799 : vector<1x1024xi1>, vector<1x1024xf32>
    %slice3A_806 = vector.extract_strided_slice %logistic3A_652 {offsets = [26, 0], sizes = [1, 1024], strides = [1, 1]} : vector<80x1024xf32> to vector<1x1024xf32>
    %gt3A_807 = arith.cmpf ogt, %slice3A_806, %select_n3A_802 : vector<1x1024xf32>
    %select_n3A_808 = arith.select %gt3A_807, %slice3A_806, %select_n3A_802 : vector<1x1024xi1>, vector<1x1024xf32>
    %jit3A_809 = arith.constant 2.600000e+01 : f32
    %broadcast_in_dim3A_810 = vector.broadcast %jit3A_809 : f32 to vector<1x1024xf32>
    %select_n3A_811 = arith.select %gt3A_807, %broadcast_in_dim3A_810, %select_n3A_805 : vector<1x1024xi1>, vector<1x1024xf32>
    %slice3A_812 = vector.extract_strided_slice %logistic3A_652 {offsets = [27, 0], sizes = [1, 1024], strides = [1, 1]} : vector<80x1024xf32> to vector<1x1024xf32>
    %gt3A_813 = arith.cmpf ogt, %slice3A_812, %select_n3A_808 : vector<1x1024xf32>
    %select_n3A_814 = arith.select %gt3A_813, %slice3A_812, %select_n3A_808 : vector<1x1024xi1>, vector<1x1024xf32>
    %jit3A_815 = arith.constant 2.700000e+01 : f32
    %broadcast_in_dim3A_816 = vector.broadcast %jit3A_815 : f32 to vector<1x1024xf32>
    %select_n3A_817 = arith.select %gt3A_813, %broadcast_in_dim3A_816, %select_n3A_811 : vector<1x1024xi1>, vector<1x1024xf32>
    %slice3A_818 = vector.extract_strided_slice %logistic3A_652 {offsets = [28, 0], sizes = [1, 1024], strides = [1, 1]} : vector<80x1024xf32> to vector<1x1024xf32>
    %gt3A_819 = arith.cmpf ogt, %slice3A_818, %select_n3A_814 : vector<1x1024xf32>
    %select_n3A_820 = arith.select %gt3A_819, %slice3A_818, %select_n3A_814 : vector<1x1024xi1>, vector<1x1024xf32>
    %jit3A_821 = arith.constant 2.800000e+01 : f32
    %broadcast_in_dim3A_822 = vector.broadcast %jit3A_821 : f32 to vector<1x1024xf32>
    %select_n3A_823 = arith.select %gt3A_819, %broadcast_in_dim3A_822, %select_n3A_817 : vector<1x1024xi1>, vector<1x1024xf32>
    %slice3A_824 = vector.extract_strided_slice %logistic3A_652 {offsets = [29, 0], sizes = [1, 1024], strides = [1, 1]} : vector<80x1024xf32> to vector<1x1024xf32>
    %gt3A_825 = arith.cmpf ogt, %slice3A_824, %select_n3A_820 : vector<1x1024xf32>
    %select_n3A_826 = arith.select %gt3A_825, %slice3A_824, %select_n3A_820 : vector<1x1024xi1>, vector<1x1024xf32>
    %jit3A_827 = arith.constant 2.900000e+01 : f32
    %broadcast_in_dim3A_828 = vector.broadcast %jit3A_827 : f32 to vector<1x1024xf32>
    %select_n3A_829 = arith.select %gt3A_825, %broadcast_in_dim3A_828, %select_n3A_823 : vector<1x1024xi1>, vector<1x1024xf32>
    %slice3A_830 = vector.extract_strided_slice %logistic3A_652 {offsets = [30, 0], sizes = [1, 1024], strides = [1, 1]} : vector<80x1024xf32> to vector<1x1024xf32>
    %gt3A_831 = arith.cmpf ogt, %slice3A_830, %select_n3A_826 : vector<1x1024xf32>
    %select_n3A_832 = arith.select %gt3A_831, %slice3A_830, %select_n3A_826 : vector<1x1024xi1>, vector<1x1024xf32>
    %jit3A_833 = arith.constant 3.000000e+01 : f32
    %broadcast_in_dim3A_834 = vector.broadcast %jit3A_833 : f32 to vector<1x1024xf32>
    %select_n3A_835 = arith.select %gt3A_831, %broadcast_in_dim3A_834, %select_n3A_829 : vector<1x1024xi1>, vector<1x1024xf32>
    %slice3A_836 = vector.extract_strided_slice %logistic3A_652 {offsets = [31, 0], sizes = [1, 1024], strides = [1, 1]} : vector<80x1024xf32> to vector<1x1024xf32>
    %gt3A_837 = arith.cmpf ogt, %slice3A_836, %select_n3A_832 : vector<1x1024xf32>
    %select_n3A_838 = arith.select %gt3A_837, %slice3A_836, %select_n3A_832 : vector<1x1024xi1>, vector<1x1024xf32>
    %jit3A_839 = arith.constant 3.100000e+01 : f32
    %broadcast_in_dim3A_840 = vector.broadcast %jit3A_839 : f32 to vector<1x1024xf32>
    %select_n3A_841 = arith.select %gt3A_837, %broadcast_in_dim3A_840, %select_n3A_835 : vector<1x1024xi1>, vector<1x1024xf32>
    %slice3A_842 = vector.extract_strided_slice %logistic3A_652 {offsets = [32, 0], sizes = [1, 1024], strides = [1, 1]} : vector<80x1024xf32> to vector<1x1024xf32>
    %gt3A_843 = arith.cmpf ogt, %slice3A_842, %select_n3A_838 : vector<1x1024xf32>
    %select_n3A_844 = arith.select %gt3A_843, %slice3A_842, %select_n3A_838 : vector<1x1024xi1>, vector<1x1024xf32>
    %jit3A_845 = arith.constant 3.200000e+01 : f32
    %broadcast_in_dim3A_846 = vector.broadcast %jit3A_845 : f32 to vector<1x1024xf32>
    %select_n3A_847 = arith.select %gt3A_843, %broadcast_in_dim3A_846, %select_n3A_841 : vector<1x1024xi1>, vector<1x1024xf32>
    %slice3A_848 = vector.extract_strided_slice %logistic3A_652 {offsets = [33, 0], sizes = [1, 1024], strides = [1, 1]} : vector<80x1024xf32> to vector<1x1024xf32>
    %gt3A_849 = arith.cmpf ogt, %slice3A_848, %select_n3A_844 : vector<1x1024xf32>
    %select_n3A_850 = arith.select %gt3A_849, %slice3A_848, %select_n3A_844 : vector<1x1024xi1>, vector<1x1024xf32>
    %jit3A_851 = arith.constant 3.300000e+01 : f32
    %broadcast_in_dim3A_852 = vector.broadcast %jit3A_851 : f32 to vector<1x1024xf32>
    %select_n3A_853 = arith.select %gt3A_849, %broadcast_in_dim3A_852, %select_n3A_847 : vector<1x1024xi1>, vector<1x1024xf32>
    %slice3A_854 = vector.extract_strided_slice %logistic3A_652 {offsets = [34, 0], sizes = [1, 1024], strides = [1, 1]} : vector<80x1024xf32> to vector<1x1024xf32>
    %gt3A_855 = arith.cmpf ogt, %slice3A_854, %select_n3A_850 : vector<1x1024xf32>
    %select_n3A_856 = arith.select %gt3A_855, %slice3A_854, %select_n3A_850 : vector<1x1024xi1>, vector<1x1024xf32>
    %jit3A_857 = arith.constant 3.400000e+01 : f32
    %broadcast_in_dim3A_858 = vector.broadcast %jit3A_857 : f32 to vector<1x1024xf32>
    %select_n3A_859 = arith.select %gt3A_855, %broadcast_in_dim3A_858, %select_n3A_853 : vector<1x1024xi1>, vector<1x1024xf32>
    %slice3A_860 = vector.extract_strided_slice %logistic3A_652 {offsets = [35, 0], sizes = [1, 1024], strides = [1, 1]} : vector<80x1024xf32> to vector<1x1024xf32>
    %gt3A_861 = arith.cmpf ogt, %slice3A_860, %select_n3A_856 : vector<1x1024xf32>
    %select_n3A_862 = arith.select %gt3A_861, %slice3A_860, %select_n3A_856 : vector<1x1024xi1>, vector<1x1024xf32>
    %jit3A_863 = arith.constant 3.500000e+01 : f32
    %broadcast_in_dim3A_864 = vector.broadcast %jit3A_863 : f32 to vector<1x1024xf32>
    %select_n3A_865 = arith.select %gt3A_861, %broadcast_in_dim3A_864, %select_n3A_859 : vector<1x1024xi1>, vector<1x1024xf32>
    %slice3A_866 = vector.extract_strided_slice %logistic3A_652 {offsets = [36, 0], sizes = [1, 1024], strides = [1, 1]} : vector<80x1024xf32> to vector<1x1024xf32>
    %gt3A_867 = arith.cmpf ogt, %slice3A_866, %select_n3A_862 : vector<1x1024xf32>
    %select_n3A_868 = arith.select %gt3A_867, %slice3A_866, %select_n3A_862 : vector<1x1024xi1>, vector<1x1024xf32>
    %jit3A_869 = arith.constant 3.600000e+01 : f32
    %broadcast_in_dim3A_870 = vector.broadcast %jit3A_869 : f32 to vector<1x1024xf32>
    %select_n3A_871 = arith.select %gt3A_867, %broadcast_in_dim3A_870, %select_n3A_865 : vector<1x1024xi1>, vector<1x1024xf32>
    %slice3A_872 = vector.extract_strided_slice %logistic3A_652 {offsets = [37, 0], sizes = [1, 1024], strides = [1, 1]} : vector<80x1024xf32> to vector<1x1024xf32>
    %gt3A_873 = arith.cmpf ogt, %slice3A_872, %select_n3A_868 : vector<1x1024xf32>
    %select_n3A_874 = arith.select %gt3A_873, %slice3A_872, %select_n3A_868 : vector<1x1024xi1>, vector<1x1024xf32>
    %jit3A_875 = arith.constant 3.700000e+01 : f32
    %broadcast_in_dim3A_876 = vector.broadcast %jit3A_875 : f32 to vector<1x1024xf32>
    %select_n3A_877 = arith.select %gt3A_873, %broadcast_in_dim3A_876, %select_n3A_871 : vector<1x1024xi1>, vector<1x1024xf32>
    %slice3A_878 = vector.extract_strided_slice %logistic3A_652 {offsets = [38, 0], sizes = [1, 1024], strides = [1, 1]} : vector<80x1024xf32> to vector<1x1024xf32>
    %gt3A_879 = arith.cmpf ogt, %slice3A_878, %select_n3A_874 : vector<1x1024xf32>
    %select_n3A_880 = arith.select %gt3A_879, %slice3A_878, %select_n3A_874 : vector<1x1024xi1>, vector<1x1024xf32>
    %jit3A_881 = arith.constant 3.800000e+01 : f32
    %broadcast_in_dim3A_882 = vector.broadcast %jit3A_881 : f32 to vector<1x1024xf32>
    %select_n3A_883 = arith.select %gt3A_879, %broadcast_in_dim3A_882, %select_n3A_877 : vector<1x1024xi1>, vector<1x1024xf32>
    %slice3A_884 = vector.extract_strided_slice %logistic3A_652 {offsets = [39, 0], sizes = [1, 1024], strides = [1, 1]} : vector<80x1024xf32> to vector<1x1024xf32>
    %gt3A_885 = arith.cmpf ogt, %slice3A_884, %select_n3A_880 : vector<1x1024xf32>
    %select_n3A_886 = arith.select %gt3A_885, %slice3A_884, %select_n3A_880 : vector<1x1024xi1>, vector<1x1024xf32>
    %jit3A_887 = arith.constant 3.900000e+01 : f32
    %broadcast_in_dim3A_888 = vector.broadcast %jit3A_887 : f32 to vector<1x1024xf32>
    %select_n3A_889 = arith.select %gt3A_885, %broadcast_in_dim3A_888, %select_n3A_883 : vector<1x1024xi1>, vector<1x1024xf32>
    %slice3A_890 = vector.extract_strided_slice %logistic3A_652 {offsets = [40, 0], sizes = [1, 1024], strides = [1, 1]} : vector<80x1024xf32> to vector<1x1024xf32>
    %gt3A_891 = arith.cmpf ogt, %slice3A_890, %select_n3A_886 : vector<1x1024xf32>
    %select_n3A_892 = arith.select %gt3A_891, %slice3A_890, %select_n3A_886 : vector<1x1024xi1>, vector<1x1024xf32>
    %jit3A_893 = arith.constant 4.000000e+01 : f32
    %broadcast_in_dim3A_894 = vector.broadcast %jit3A_893 : f32 to vector<1x1024xf32>
    %select_n3A_895 = arith.select %gt3A_891, %broadcast_in_dim3A_894, %select_n3A_889 : vector<1x1024xi1>, vector<1x1024xf32>
    %slice3A_896 = vector.extract_strided_slice %logistic3A_652 {offsets = [41, 0], sizes = [1, 1024], strides = [1, 1]} : vector<80x1024xf32> to vector<1x1024xf32>
    %gt3A_897 = arith.cmpf ogt, %slice3A_896, %select_n3A_892 : vector<1x1024xf32>
    %select_n3A_898 = arith.select %gt3A_897, %slice3A_896, %select_n3A_892 : vector<1x1024xi1>, vector<1x1024xf32>
    %jit3A_899 = arith.constant 4.100000e+01 : f32
    %broadcast_in_dim3A_900 = vector.broadcast %jit3A_899 : f32 to vector<1x1024xf32>
    %select_n3A_901 = arith.select %gt3A_897, %broadcast_in_dim3A_900, %select_n3A_895 : vector<1x1024xi1>, vector<1x1024xf32>
    %slice3A_902 = vector.extract_strided_slice %logistic3A_652 {offsets = [42, 0], sizes = [1, 1024], strides = [1, 1]} : vector<80x1024xf32> to vector<1x1024xf32>
    %gt3A_903 = arith.cmpf ogt, %slice3A_902, %select_n3A_898 : vector<1x1024xf32>
    %select_n3A_904 = arith.select %gt3A_903, %slice3A_902, %select_n3A_898 : vector<1x1024xi1>, vector<1x1024xf32>
    %jit3A_905 = arith.constant 4.200000e+01 : f32
    %broadcast_in_dim3A_906 = vector.broadcast %jit3A_905 : f32 to vector<1x1024xf32>
    %select_n3A_907 = arith.select %gt3A_903, %broadcast_in_dim3A_906, %select_n3A_901 : vector<1x1024xi1>, vector<1x1024xf32>
    %slice3A_908 = vector.extract_strided_slice %logistic3A_652 {offsets = [43, 0], sizes = [1, 1024], strides = [1, 1]} : vector<80x1024xf32> to vector<1x1024xf32>
    %gt3A_909 = arith.cmpf ogt, %slice3A_908, %select_n3A_904 : vector<1x1024xf32>
    %select_n3A_910 = arith.select %gt3A_909, %slice3A_908, %select_n3A_904 : vector<1x1024xi1>, vector<1x1024xf32>
    %jit3A_911 = arith.constant 4.300000e+01 : f32
    %broadcast_in_dim3A_912 = vector.broadcast %jit3A_911 : f32 to vector<1x1024xf32>
    %select_n3A_913 = arith.select %gt3A_909, %broadcast_in_dim3A_912, %select_n3A_907 : vector<1x1024xi1>, vector<1x1024xf32>
    %slice3A_914 = vector.extract_strided_slice %logistic3A_652 {offsets = [44, 0], sizes = [1, 1024], strides = [1, 1]} : vector<80x1024xf32> to vector<1x1024xf32>
    %gt3A_915 = arith.cmpf ogt, %slice3A_914, %select_n3A_910 : vector<1x1024xf32>
    %select_n3A_916 = arith.select %gt3A_915, %slice3A_914, %select_n3A_910 : vector<1x1024xi1>, vector<1x1024xf32>
    %jit3A_917 = arith.constant 4.400000e+01 : f32
    %broadcast_in_dim3A_918 = vector.broadcast %jit3A_917 : f32 to vector<1x1024xf32>
    %select_n3A_919 = arith.select %gt3A_915, %broadcast_in_dim3A_918, %select_n3A_913 : vector<1x1024xi1>, vector<1x1024xf32>
    %slice3A_920 = vector.extract_strided_slice %logistic3A_652 {offsets = [45, 0], sizes = [1, 1024], strides = [1, 1]} : vector<80x1024xf32> to vector<1x1024xf32>
    %gt3A_921 = arith.cmpf ogt, %slice3A_920, %select_n3A_916 : vector<1x1024xf32>
    %select_n3A_922 = arith.select %gt3A_921, %slice3A_920, %select_n3A_916 : vector<1x1024xi1>, vector<1x1024xf32>
    %jit3A_923 = arith.constant 4.500000e+01 : f32
    %broadcast_in_dim3A_924 = vector.broadcast %jit3A_923 : f32 to vector<1x1024xf32>
    %select_n3A_925 = arith.select %gt3A_921, %broadcast_in_dim3A_924, %select_n3A_919 : vector<1x1024xi1>, vector<1x1024xf32>
    %slice3A_926 = vector.extract_strided_slice %logistic3A_652 {offsets = [46, 0], sizes = [1, 1024], strides = [1, 1]} : vector<80x1024xf32> to vector<1x1024xf32>
    %gt3A_927 = arith.cmpf ogt, %slice3A_926, %select_n3A_922 : vector<1x1024xf32>
    %select_n3A_928 = arith.select %gt3A_927, %slice3A_926, %select_n3A_922 : vector<1x1024xi1>, vector<1x1024xf32>
    %jit3A_929 = arith.constant 4.600000e+01 : f32
    %broadcast_in_dim3A_930 = vector.broadcast %jit3A_929 : f32 to vector<1x1024xf32>
    %select_n3A_931 = arith.select %gt3A_927, %broadcast_in_dim3A_930, %select_n3A_925 : vector<1x1024xi1>, vector<1x1024xf32>
    %slice3A_932 = vector.extract_strided_slice %logistic3A_652 {offsets = [47, 0], sizes = [1, 1024], strides = [1, 1]} : vector<80x1024xf32> to vector<1x1024xf32>
    %gt3A_933 = arith.cmpf ogt, %slice3A_932, %select_n3A_928 : vector<1x1024xf32>
    %select_n3A_934 = arith.select %gt3A_933, %slice3A_932, %select_n3A_928 : vector<1x1024xi1>, vector<1x1024xf32>
    %jit3A_935 = arith.constant 4.700000e+01 : f32
    %broadcast_in_dim3A_936 = vector.broadcast %jit3A_935 : f32 to vector<1x1024xf32>
    %select_n3A_937 = arith.select %gt3A_933, %broadcast_in_dim3A_936, %select_n3A_931 : vector<1x1024xi1>, vector<1x1024xf32>
    %slice3A_938 = vector.extract_strided_slice %logistic3A_652 {offsets = [48, 0], sizes = [1, 1024], strides = [1, 1]} : vector<80x1024xf32> to vector<1x1024xf32>
    %gt3A_939 = arith.cmpf ogt, %slice3A_938, %select_n3A_934 : vector<1x1024xf32>
    %select_n3A_940 = arith.select %gt3A_939, %slice3A_938, %select_n3A_934 : vector<1x1024xi1>, vector<1x1024xf32>
    %jit3A_941 = arith.constant 4.800000e+01 : f32
    %broadcast_in_dim3A_942 = vector.broadcast %jit3A_941 : f32 to vector<1x1024xf32>
    %select_n3A_943 = arith.select %gt3A_939, %broadcast_in_dim3A_942, %select_n3A_937 : vector<1x1024xi1>, vector<1x1024xf32>
    %slice3A_944 = vector.extract_strided_slice %logistic3A_652 {offsets = [49, 0], sizes = [1, 1024], strides = [1, 1]} : vector<80x1024xf32> to vector<1x1024xf32>
    %gt3A_945 = arith.cmpf ogt, %slice3A_944, %select_n3A_940 : vector<1x1024xf32>
    %select_n3A_946 = arith.select %gt3A_945, %slice3A_944, %select_n3A_940 : vector<1x1024xi1>, vector<1x1024xf32>
    %jit3A_947 = arith.constant 4.900000e+01 : f32
    %broadcast_in_dim3A_948 = vector.broadcast %jit3A_947 : f32 to vector<1x1024xf32>
    %select_n3A_949 = arith.select %gt3A_945, %broadcast_in_dim3A_948, %select_n3A_943 : vector<1x1024xi1>, vector<1x1024xf32>
    %slice3A_950 = vector.extract_strided_slice %logistic3A_652 {offsets = [50, 0], sizes = [1, 1024], strides = [1, 1]} : vector<80x1024xf32> to vector<1x1024xf32>
    %gt3A_951 = arith.cmpf ogt, %slice3A_950, %select_n3A_946 : vector<1x1024xf32>
    %select_n3A_952 = arith.select %gt3A_951, %slice3A_950, %select_n3A_946 : vector<1x1024xi1>, vector<1x1024xf32>
    %jit3A_953 = arith.constant 5.000000e+01 : f32
    %broadcast_in_dim3A_954 = vector.broadcast %jit3A_953 : f32 to vector<1x1024xf32>
    %select_n3A_955 = arith.select %gt3A_951, %broadcast_in_dim3A_954, %select_n3A_949 : vector<1x1024xi1>, vector<1x1024xf32>
    %slice3A_956 = vector.extract_strided_slice %logistic3A_652 {offsets = [51, 0], sizes = [1, 1024], strides = [1, 1]} : vector<80x1024xf32> to vector<1x1024xf32>
    %gt3A_957 = arith.cmpf ogt, %slice3A_956, %select_n3A_952 : vector<1x1024xf32>
    %select_n3A_958 = arith.select %gt3A_957, %slice3A_956, %select_n3A_952 : vector<1x1024xi1>, vector<1x1024xf32>
    %jit3A_959 = arith.constant 5.100000e+01 : f32
    %broadcast_in_dim3A_960 = vector.broadcast %jit3A_959 : f32 to vector<1x1024xf32>
    %select_n3A_961 = arith.select %gt3A_957, %broadcast_in_dim3A_960, %select_n3A_955 : vector<1x1024xi1>, vector<1x1024xf32>
    %slice3A_962 = vector.extract_strided_slice %logistic3A_652 {offsets = [52, 0], sizes = [1, 1024], strides = [1, 1]} : vector<80x1024xf32> to vector<1x1024xf32>
    %gt3A_963 = arith.cmpf ogt, %slice3A_962, %select_n3A_958 : vector<1x1024xf32>
    %select_n3A_964 = arith.select %gt3A_963, %slice3A_962, %select_n3A_958 : vector<1x1024xi1>, vector<1x1024xf32>
    %jit3A_965 = arith.constant 5.200000e+01 : f32
    %broadcast_in_dim3A_966 = vector.broadcast %jit3A_965 : f32 to vector<1x1024xf32>
    %select_n3A_967 = arith.select %gt3A_963, %broadcast_in_dim3A_966, %select_n3A_961 : vector<1x1024xi1>, vector<1x1024xf32>
    %slice3A_968 = vector.extract_strided_slice %logistic3A_652 {offsets = [53, 0], sizes = [1, 1024], strides = [1, 1]} : vector<80x1024xf32> to vector<1x1024xf32>
    %gt3A_969 = arith.cmpf ogt, %slice3A_968, %select_n3A_964 : vector<1x1024xf32>
    %select_n3A_970 = arith.select %gt3A_969, %slice3A_968, %select_n3A_964 : vector<1x1024xi1>, vector<1x1024xf32>
    %jit3A_971 = arith.constant 5.300000e+01 : f32
    %broadcast_in_dim3A_972 = vector.broadcast %jit3A_971 : f32 to vector<1x1024xf32>
    %select_n3A_973 = arith.select %gt3A_969, %broadcast_in_dim3A_972, %select_n3A_967 : vector<1x1024xi1>, vector<1x1024xf32>
    %slice3A_974 = vector.extract_strided_slice %logistic3A_652 {offsets = [54, 0], sizes = [1, 1024], strides = [1, 1]} : vector<80x1024xf32> to vector<1x1024xf32>
    %gt3A_975 = arith.cmpf ogt, %slice3A_974, %select_n3A_970 : vector<1x1024xf32>
    %select_n3A_976 = arith.select %gt3A_975, %slice3A_974, %select_n3A_970 : vector<1x1024xi1>, vector<1x1024xf32>
    %jit3A_977 = arith.constant 5.400000e+01 : f32
    %broadcast_in_dim3A_978 = vector.broadcast %jit3A_977 : f32 to vector<1x1024xf32>
    %select_n3A_979 = arith.select %gt3A_975, %broadcast_in_dim3A_978, %select_n3A_973 : vector<1x1024xi1>, vector<1x1024xf32>
    %slice3A_980 = vector.extract_strided_slice %logistic3A_652 {offsets = [55, 0], sizes = [1, 1024], strides = [1, 1]} : vector<80x1024xf32> to vector<1x1024xf32>
    %gt3A_981 = arith.cmpf ogt, %slice3A_980, %select_n3A_976 : vector<1x1024xf32>
    %select_n3A_982 = arith.select %gt3A_981, %slice3A_980, %select_n3A_976 : vector<1x1024xi1>, vector<1x1024xf32>
    %jit3A_983 = arith.constant 5.500000e+01 : f32
    %broadcast_in_dim3A_984 = vector.broadcast %jit3A_983 : f32 to vector<1x1024xf32>
    %select_n3A_985 = arith.select %gt3A_981, %broadcast_in_dim3A_984, %select_n3A_979 : vector<1x1024xi1>, vector<1x1024xf32>
    %slice3A_986 = vector.extract_strided_slice %logistic3A_652 {offsets = [56, 0], sizes = [1, 1024], strides = [1, 1]} : vector<80x1024xf32> to vector<1x1024xf32>
    %gt3A_987 = arith.cmpf ogt, %slice3A_986, %select_n3A_982 : vector<1x1024xf32>
    %select_n3A_988 = arith.select %gt3A_987, %slice3A_986, %select_n3A_982 : vector<1x1024xi1>, vector<1x1024xf32>
    %jit3A_989 = arith.constant 5.600000e+01 : f32
    %broadcast_in_dim3A_990 = vector.broadcast %jit3A_989 : f32 to vector<1x1024xf32>
    %select_n3A_991 = arith.select %gt3A_987, %broadcast_in_dim3A_990, %select_n3A_985 : vector<1x1024xi1>, vector<1x1024xf32>
    %slice3A_992 = vector.extract_strided_slice %logistic3A_652 {offsets = [57, 0], sizes = [1, 1024], strides = [1, 1]} : vector<80x1024xf32> to vector<1x1024xf32>
    %gt3A_993 = arith.cmpf ogt, %slice3A_992, %select_n3A_988 : vector<1x1024xf32>
    %select_n3A_994 = arith.select %gt3A_993, %slice3A_992, %select_n3A_988 : vector<1x1024xi1>, vector<1x1024xf32>
    %jit3A_995 = arith.constant 5.700000e+01 : f32
    %broadcast_in_dim3A_996 = vector.broadcast %jit3A_995 : f32 to vector<1x1024xf32>
    %select_n3A_997 = arith.select %gt3A_993, %broadcast_in_dim3A_996, %select_n3A_991 : vector<1x1024xi1>, vector<1x1024xf32>
    %slice3A_998 = vector.extract_strided_slice %logistic3A_652 {offsets = [58, 0], sizes = [1, 1024], strides = [1, 1]} : vector<80x1024xf32> to vector<1x1024xf32>
    %gt3A_999 = arith.cmpf ogt, %slice3A_998, %select_n3A_994 : vector<1x1024xf32>
    %select_n3A_1000 = arith.select %gt3A_999, %slice3A_998, %select_n3A_994 : vector<1x1024xi1>, vector<1x1024xf32>
    %jit3A_1001 = arith.constant 5.800000e+01 : f32
    %broadcast_in_dim3A_1002 = vector.broadcast %jit3A_1001 : f32 to vector<1x1024xf32>
    %select_n3A_1003 = arith.select %gt3A_999, %broadcast_in_dim3A_1002, %select_n3A_997 : vector<1x1024xi1>, vector<1x1024xf32>
    %slice3A_1004 = vector.extract_strided_slice %logistic3A_652 {offsets = [59, 0], sizes = [1, 1024], strides = [1, 1]} : vector<80x1024xf32> to vector<1x1024xf32>
    %gt3A_1005 = arith.cmpf ogt, %slice3A_1004, %select_n3A_1000 : vector<1x1024xf32>
    %select_n3A_1006 = arith.select %gt3A_1005, %slice3A_1004, %select_n3A_1000 : vector<1x1024xi1>, vector<1x1024xf32>
    %jit3A_1007 = arith.constant 5.900000e+01 : f32
    %broadcast_in_dim3A_1008 = vector.broadcast %jit3A_1007 : f32 to vector<1x1024xf32>
    %select_n3A_1009 = arith.select %gt3A_1005, %broadcast_in_dim3A_1008, %select_n3A_1003 : vector<1x1024xi1>, vector<1x1024xf32>
    %slice3A_1010 = vector.extract_strided_slice %logistic3A_652 {offsets = [60, 0], sizes = [1, 1024], strides = [1, 1]} : vector<80x1024xf32> to vector<1x1024xf32>
    %gt3A_1011 = arith.cmpf ogt, %slice3A_1010, %select_n3A_1006 : vector<1x1024xf32>
    %select_n3A_1012 = arith.select %gt3A_1011, %slice3A_1010, %select_n3A_1006 : vector<1x1024xi1>, vector<1x1024xf32>
    %jit3A_1013 = arith.constant 6.000000e+01 : f32
    %broadcast_in_dim3A_1014 = vector.broadcast %jit3A_1013 : f32 to vector<1x1024xf32>
    %select_n3A_1015 = arith.select %gt3A_1011, %broadcast_in_dim3A_1014, %select_n3A_1009 : vector<1x1024xi1>, vector<1x1024xf32>
    %slice3A_1016 = vector.extract_strided_slice %logistic3A_652 {offsets = [61, 0], sizes = [1, 1024], strides = [1, 1]} : vector<80x1024xf32> to vector<1x1024xf32>
    %gt3A_1017 = arith.cmpf ogt, %slice3A_1016, %select_n3A_1012 : vector<1x1024xf32>
    %select_n3A_1018 = arith.select %gt3A_1017, %slice3A_1016, %select_n3A_1012 : vector<1x1024xi1>, vector<1x1024xf32>
    %jit3A_1019 = arith.constant 6.100000e+01 : f32
    %broadcast_in_dim3A_1020 = vector.broadcast %jit3A_1019 : f32 to vector<1x1024xf32>
    %select_n3A_1021 = arith.select %gt3A_1017, %broadcast_in_dim3A_1020, %select_n3A_1015 : vector<1x1024xi1>, vector<1x1024xf32>
    %slice3A_1022 = vector.extract_strided_slice %logistic3A_652 {offsets = [62, 0], sizes = [1, 1024], strides = [1, 1]} : vector<80x1024xf32> to vector<1x1024xf32>
    %gt3A_1023 = arith.cmpf ogt, %slice3A_1022, %select_n3A_1018 : vector<1x1024xf32>
    %select_n3A_1024 = arith.select %gt3A_1023, %slice3A_1022, %select_n3A_1018 : vector<1x1024xi1>, vector<1x1024xf32>
    %jit3A_1025 = arith.constant 6.200000e+01 : f32
    %broadcast_in_dim3A_1026 = vector.broadcast %jit3A_1025 : f32 to vector<1x1024xf32>
    %select_n3A_1027 = arith.select %gt3A_1023, %broadcast_in_dim3A_1026, %select_n3A_1021 : vector<1x1024xi1>, vector<1x1024xf32>
    %slice3A_1028 = vector.extract_strided_slice %logistic3A_652 {offsets = [63, 0], sizes = [1, 1024], strides = [1, 1]} : vector<80x1024xf32> to vector<1x1024xf32>
    %gt3A_1029 = arith.cmpf ogt, %slice3A_1028, %select_n3A_1024 : vector<1x1024xf32>
    %select_n3A_1030 = arith.select %gt3A_1029, %slice3A_1028, %select_n3A_1024 : vector<1x1024xi1>, vector<1x1024xf32>
    %jit3A_1031 = arith.constant 6.300000e+01 : f32
    %broadcast_in_dim3A_1032 = vector.broadcast %jit3A_1031 : f32 to vector<1x1024xf32>
    %select_n3A_1033 = arith.select %gt3A_1029, %broadcast_in_dim3A_1032, %select_n3A_1027 : vector<1x1024xi1>, vector<1x1024xf32>
    %slice3A_1034 = vector.extract_strided_slice %logistic3A_652 {offsets = [64, 0], sizes = [1, 1024], strides = [1, 1]} : vector<80x1024xf32> to vector<1x1024xf32>
    %gt3A_1035 = arith.cmpf ogt, %slice3A_1034, %select_n3A_1030 : vector<1x1024xf32>
    %select_n3A_1036 = arith.select %gt3A_1035, %slice3A_1034, %select_n3A_1030 : vector<1x1024xi1>, vector<1x1024xf32>
    %jit3A_1037 = arith.constant 6.400000e+01 : f32
    %broadcast_in_dim3A_1038 = vector.broadcast %jit3A_1037 : f32 to vector<1x1024xf32>
    %select_n3A_1039 = arith.select %gt3A_1035, %broadcast_in_dim3A_1038, %select_n3A_1033 : vector<1x1024xi1>, vector<1x1024xf32>
    %slice3A_1040 = vector.extract_strided_slice %logistic3A_652 {offsets = [65, 0], sizes = [1, 1024], strides = [1, 1]} : vector<80x1024xf32> to vector<1x1024xf32>
    %gt3A_1041 = arith.cmpf ogt, %slice3A_1040, %select_n3A_1036 : vector<1x1024xf32>
    %select_n3A_1042 = arith.select %gt3A_1041, %slice3A_1040, %select_n3A_1036 : vector<1x1024xi1>, vector<1x1024xf32>
    %jit3A_1043 = arith.constant 6.500000e+01 : f32
    %broadcast_in_dim3A_1044 = vector.broadcast %jit3A_1043 : f32 to vector<1x1024xf32>
    %select_n3A_1045 = arith.select %gt3A_1041, %broadcast_in_dim3A_1044, %select_n3A_1039 : vector<1x1024xi1>, vector<1x1024xf32>
    %slice3A_1046 = vector.extract_strided_slice %logistic3A_652 {offsets = [66, 0], sizes = [1, 1024], strides = [1, 1]} : vector<80x1024xf32> to vector<1x1024xf32>
    %gt3A_1047 = arith.cmpf ogt, %slice3A_1046, %select_n3A_1042 : vector<1x1024xf32>
    %select_n3A_1048 = arith.select %gt3A_1047, %slice3A_1046, %select_n3A_1042 : vector<1x1024xi1>, vector<1x1024xf32>
    %jit3A_1049 = arith.constant 6.600000e+01 : f32
    %broadcast_in_dim3A_1050 = vector.broadcast %jit3A_1049 : f32 to vector<1x1024xf32>
    %select_n3A_1051 = arith.select %gt3A_1047, %broadcast_in_dim3A_1050, %select_n3A_1045 : vector<1x1024xi1>, vector<1x1024xf32>
    %slice3A_1052 = vector.extract_strided_slice %logistic3A_652 {offsets = [67, 0], sizes = [1, 1024], strides = [1, 1]} : vector<80x1024xf32> to vector<1x1024xf32>
    %gt3A_1053 = arith.cmpf ogt, %slice3A_1052, %select_n3A_1048 : vector<1x1024xf32>
    %select_n3A_1054 = arith.select %gt3A_1053, %slice3A_1052, %select_n3A_1048 : vector<1x1024xi1>, vector<1x1024xf32>
    %jit3A_1055 = arith.constant 6.700000e+01 : f32
    %broadcast_in_dim3A_1056 = vector.broadcast %jit3A_1055 : f32 to vector<1x1024xf32>
    %select_n3A_1057 = arith.select %gt3A_1053, %broadcast_in_dim3A_1056, %select_n3A_1051 : vector<1x1024xi1>, vector<1x1024xf32>
    %slice3A_1058 = vector.extract_strided_slice %logistic3A_652 {offsets = [68, 0], sizes = [1, 1024], strides = [1, 1]} : vector<80x1024xf32> to vector<1x1024xf32>
    %gt3A_1059 = arith.cmpf ogt, %slice3A_1058, %select_n3A_1054 : vector<1x1024xf32>
    %select_n3A_1060 = arith.select %gt3A_1059, %slice3A_1058, %select_n3A_1054 : vector<1x1024xi1>, vector<1x1024xf32>
    %jit3A_1061 = arith.constant 6.800000e+01 : f32
    %broadcast_in_dim3A_1062 = vector.broadcast %jit3A_1061 : f32 to vector<1x1024xf32>
    %select_n3A_1063 = arith.select %gt3A_1059, %broadcast_in_dim3A_1062, %select_n3A_1057 : vector<1x1024xi1>, vector<1x1024xf32>
    %slice3A_1064 = vector.extract_strided_slice %logistic3A_652 {offsets = [69, 0], sizes = [1, 1024], strides = [1, 1]} : vector<80x1024xf32> to vector<1x1024xf32>
    %gt3A_1065 = arith.cmpf ogt, %slice3A_1064, %select_n3A_1060 : vector<1x1024xf32>
    %select_n3A_1066 = arith.select %gt3A_1065, %slice3A_1064, %select_n3A_1060 : vector<1x1024xi1>, vector<1x1024xf32>
    %jit3A_1067 = arith.constant 6.900000e+01 : f32
    %broadcast_in_dim3A_1068 = vector.broadcast %jit3A_1067 : f32 to vector<1x1024xf32>
    %select_n3A_1069 = arith.select %gt3A_1065, %broadcast_in_dim3A_1068, %select_n3A_1063 : vector<1x1024xi1>, vector<1x1024xf32>
    %slice3A_1070 = vector.extract_strided_slice %logistic3A_652 {offsets = [70, 0], sizes = [1, 1024], strides = [1, 1]} : vector<80x1024xf32> to vector<1x1024xf32>
    %gt3A_1071 = arith.cmpf ogt, %slice3A_1070, %select_n3A_1066 : vector<1x1024xf32>
    %select_n3A_1072 = arith.select %gt3A_1071, %slice3A_1070, %select_n3A_1066 : vector<1x1024xi1>, vector<1x1024xf32>
    %jit3A_1073 = arith.constant 7.000000e+01 : f32
    %broadcast_in_dim3A_1074 = vector.broadcast %jit3A_1073 : f32 to vector<1x1024xf32>
    %select_n3A_1075 = arith.select %gt3A_1071, %broadcast_in_dim3A_1074, %select_n3A_1069 : vector<1x1024xi1>, vector<1x1024xf32>
    %slice3A_1076 = vector.extract_strided_slice %logistic3A_652 {offsets = [71, 0], sizes = [1, 1024], strides = [1, 1]} : vector<80x1024xf32> to vector<1x1024xf32>
    %gt3A_1077 = arith.cmpf ogt, %slice3A_1076, %select_n3A_1072 : vector<1x1024xf32>
    %select_n3A_1078 = arith.select %gt3A_1077, %slice3A_1076, %select_n3A_1072 : vector<1x1024xi1>, vector<1x1024xf32>
    %jit3A_1079 = arith.constant 7.100000e+01 : f32
    %broadcast_in_dim3A_1080 = vector.broadcast %jit3A_1079 : f32 to vector<1x1024xf32>
    %select_n3A_1081 = arith.select %gt3A_1077, %broadcast_in_dim3A_1080, %select_n3A_1075 : vector<1x1024xi1>, vector<1x1024xf32>
    %slice3A_1082 = vector.extract_strided_slice %logistic3A_652 {offsets = [72, 0], sizes = [1, 1024], strides = [1, 1]} : vector<80x1024xf32> to vector<1x1024xf32>
    %gt3A_1083 = arith.cmpf ogt, %slice3A_1082, %select_n3A_1078 : vector<1x1024xf32>
    %select_n3A_1084 = arith.select %gt3A_1083, %slice3A_1082, %select_n3A_1078 : vector<1x1024xi1>, vector<1x1024xf32>
    %jit3A_1085 = arith.constant 7.200000e+01 : f32
    %broadcast_in_dim3A_1086 = vector.broadcast %jit3A_1085 : f32 to vector<1x1024xf32>
    %select_n3A_1087 = arith.select %gt3A_1083, %broadcast_in_dim3A_1086, %select_n3A_1081 : vector<1x1024xi1>, vector<1x1024xf32>
    %slice3A_1088 = vector.extract_strided_slice %logistic3A_652 {offsets = [73, 0], sizes = [1, 1024], strides = [1, 1]} : vector<80x1024xf32> to vector<1x1024xf32>
    %gt3A_1089 = arith.cmpf ogt, %slice3A_1088, %select_n3A_1084 : vector<1x1024xf32>
    %select_n3A_1090 = arith.select %gt3A_1089, %slice3A_1088, %select_n3A_1084 : vector<1x1024xi1>, vector<1x1024xf32>
    %jit3A_1091 = arith.constant 7.300000e+01 : f32
    %broadcast_in_dim3A_1092 = vector.broadcast %jit3A_1091 : f32 to vector<1x1024xf32>
    %select_n3A_1093 = arith.select %gt3A_1089, %broadcast_in_dim3A_1092, %select_n3A_1087 : vector<1x1024xi1>, vector<1x1024xf32>
    %slice3A_1094 = vector.extract_strided_slice %logistic3A_652 {offsets = [74, 0], sizes = [1, 1024], strides = [1, 1]} : vector<80x1024xf32> to vector<1x1024xf32>
    %gt3A_1095 = arith.cmpf ogt, %slice3A_1094, %select_n3A_1090 : vector<1x1024xf32>
    %select_n3A_1096 = arith.select %gt3A_1095, %slice3A_1094, %select_n3A_1090 : vector<1x1024xi1>, vector<1x1024xf32>
    %jit3A_1097 = arith.constant 7.400000e+01 : f32
    %broadcast_in_dim3A_1098 = vector.broadcast %jit3A_1097 : f32 to vector<1x1024xf32>
    %select_n3A_1099 = arith.select %gt3A_1095, %broadcast_in_dim3A_1098, %select_n3A_1093 : vector<1x1024xi1>, vector<1x1024xf32>
    %slice3A_1100 = vector.extract_strided_slice %logistic3A_652 {offsets = [75, 0], sizes = [1, 1024], strides = [1, 1]} : vector<80x1024xf32> to vector<1x1024xf32>
    %gt3A_1101 = arith.cmpf ogt, %slice3A_1100, %select_n3A_1096 : vector<1x1024xf32>
    %select_n3A_1102 = arith.select %gt3A_1101, %slice3A_1100, %select_n3A_1096 : vector<1x1024xi1>, vector<1x1024xf32>
    %jit3A_1103 = arith.constant 7.500000e+01 : f32
    %broadcast_in_dim3A_1104 = vector.broadcast %jit3A_1103 : f32 to vector<1x1024xf32>
    %select_n3A_1105 = arith.select %gt3A_1101, %broadcast_in_dim3A_1104, %select_n3A_1099 : vector<1x1024xi1>, vector<1x1024xf32>
    %slice3A_1106 = vector.extract_strided_slice %logistic3A_652 {offsets = [76, 0], sizes = [1, 1024], strides = [1, 1]} : vector<80x1024xf32> to vector<1x1024xf32>
    %gt3A_1107 = arith.cmpf ogt, %slice3A_1106, %select_n3A_1102 : vector<1x1024xf32>
    %select_n3A_1108 = arith.select %gt3A_1107, %slice3A_1106, %select_n3A_1102 : vector<1x1024xi1>, vector<1x1024xf32>
    %jit3A_1109 = arith.constant 7.600000e+01 : f32
    %broadcast_in_dim3A_1110 = vector.broadcast %jit3A_1109 : f32 to vector<1x1024xf32>
    %select_n3A_1111 = arith.select %gt3A_1107, %broadcast_in_dim3A_1110, %select_n3A_1105 : vector<1x1024xi1>, vector<1x1024xf32>
    %slice3A_1112 = vector.extract_strided_slice %logistic3A_652 {offsets = [77, 0], sizes = [1, 1024], strides = [1, 1]} : vector<80x1024xf32> to vector<1x1024xf32>
    %gt3A_1113 = arith.cmpf ogt, %slice3A_1112, %select_n3A_1108 : vector<1x1024xf32>
    %select_n3A_1114 = arith.select %gt3A_1113, %slice3A_1112, %select_n3A_1108 : vector<1x1024xi1>, vector<1x1024xf32>
    %jit3A_1115 = arith.constant 7.700000e+01 : f32
    %broadcast_in_dim3A_1116 = vector.broadcast %jit3A_1115 : f32 to vector<1x1024xf32>
    %select_n3A_1117 = arith.select %gt3A_1113, %broadcast_in_dim3A_1116, %select_n3A_1111 : vector<1x1024xi1>, vector<1x1024xf32>
    %slice3A_1118 = vector.extract_strided_slice %logistic3A_652 {offsets = [78, 0], sizes = [1, 1024], strides = [1, 1]} : vector<80x1024xf32> to vector<1x1024xf32>
    %gt3A_1119 = arith.cmpf ogt, %slice3A_1118, %select_n3A_1114 : vector<1x1024xf32>
    %select_n3A_1120 = arith.select %gt3A_1119, %slice3A_1118, %select_n3A_1114 : vector<1x1024xi1>, vector<1x1024xf32>
    %jit3A_1121 = arith.constant 7.800000e+01 : f32
    %broadcast_in_dim3A_1122 = vector.broadcast %jit3A_1121 : f32 to vector<1x1024xf32>
    %select_n3A_1123 = arith.select %gt3A_1119, %broadcast_in_dim3A_1122, %select_n3A_1117 : vector<1x1024xi1>, vector<1x1024xf32>
    %slice3A_1124 = vector.extract_strided_slice %logistic3A_652 {offsets = [79, 0], sizes = [1, 1024], strides = [1, 1]} : vector<80x1024xf32> to vector<1x1024xf32>
    %gt3A_1125 = arith.cmpf ogt, %slice3A_1124, %select_n3A_1120 : vector<1x1024xf32>
    %jit3A_1126 = arith.constant 7.900000e+01 : f32
    %broadcast_in_dim3A_1127 = vector.broadcast %jit3A_1126 : f32 to vector<1x1024xf32>
    %select_n3A_1128 = arith.select %gt3A_1125, %broadcast_in_dim3A_1127, %select_n3A_1123 : vector<1x1024xi1>, vector<1x1024xf32>
    %div3A_1129 = arith.constant 2.000000e+00 : f32
    %div3A_1130 = vector.broadcast %div3A_1129 : f32 to vector<1x1024xf32>
    %div3A_1131 = arith.divf %mul3A_630, %div3A_1130 : vector<1x1024xf32>
    %sub3A_1132 = arith.subf %mul3A_611, %div3A_1131 : vector<1x1024xf32>
    %div3A_1133 = arith.constant 2.000000e+00 : f32
    %div3A_1134 = vector.broadcast %div3A_1133 : f32 to vector<1x1024xf32>
    %div3A_1135 = arith.divf %mul3A_638, %div3A_1134 : vector<1x1024xf32>
    %sub3A_1136 = arith.subf %mul3A_622, %div3A_1135 : vector<1x1024xf32>
    %div3A_1137 = arith.constant 2.000000e+00 : f32
    %div3A_1138 = vector.broadcast %div3A_1137 : f32 to vector<1x1024xf32>
    %div3A_1139 = arith.divf %mul3A_630, %div3A_1138 : vector<1x1024xf32>
    %add3A_1140 = arith.addf %mul3A_611, %div3A_1139 : vector<1x1024xf32>
    %div3A_1141 = arith.constant 2.000000e+00 : f32
    %div3A_1142 = vector.broadcast %div3A_1141 : f32 to vector<1x1024xf32>
    %div3A_1143 = arith.divf %mul3A_638, %div3A_1142 : vector<1x1024xf32>
    %add3A_1144 = arith.addf %mul3A_622, %div3A_1143 : vector<1x1024xf32>
    %sub3A_1145 = arith.subf %add3A_1140, %sub3A_1132 : vector<1x1024xf32>
    %max3A_1146 = arith.constant 0.000000e+00 : f32
    %max3A_1147 = vector.broadcast %max3A_1146 : f32 to vector<1x1024xf32>
    %max3A_1148 = arith.maximumf %sub3A_1145, %max3A_1147 : vector<1x1024xf32>
    %sub3A_1149 = arith.subf %add3A_1144, %sub3A_1136 : vector<1x1024xf32>
    %max3A_1150 = arith.constant 0.000000e+00 : f32
    %max3A_1151 = vector.broadcast %max3A_1150 : f32 to vector<1x1024xf32>
    %max3A_1152 = arith.maximumf %sub3A_1149, %max3A_1151 : vector<1x1024xf32>
    %mul3A_1153 = arith.mulf %max3A_1148, %max3A_1152 : vector<1x1024xf32>
    %broadcast_in_dim3A_1154 = arith.constant 0.000000e+00 : f32
    %broadcast_in_dim3A_1155 = vector.broadcast %broadcast_in_dim3A_1154 : f32 to vector<117x1024xf32>
    %concatenate3A_1156 = tpu.concatenate %mul3A_611, %mul3A_622, %mul3A_630, %mul3A_638, %logistic3A_645, %select_n3A_1128, %sub3A_1132, %sub3A_1136, %add3A_1140, %add3A_1144, %mul3A_1153, %broadcast_in_dim3A_1155 in 0 : vector<1x1024xf32>, vector<1x1024xf32>, vector<1x1024xf32>, vector<1x1024xf32>, vector<1x1024xf32>, vector<1x1024xf32>, vector<1x1024xf32>, vector<1x1024xf32>, vector<1x1024xf32>, vector<1x1024xf32>, vector<1x1024xf32>, vector<117x1024xf32> -> vector<128x1024xf32>
    %transpose3A_1157 = tpu.transpose %concatenate3A_1156, [1, 0] : vector<128x1024xf32> -> vector<1024x128xf32>
    %swap3A_1158 = arith.constant 1024 : index
    %swap3A_1159 = arith.constant 0 : index
    %swap3A_1160 = vector.load %arg1[%swap3A_1158, %swap3A_1159] : memref<5120x128xf32, #tpu.memory_space<vmem>>, vector<1024x128xf32>
    tpu.vector_store %arg1[%swap3A_1158, %swap3A_1159], %transpose3A_1157 {strides = array<i32>} : memref<5120x128xf32, #tpu.memory_space<vmem>>, vector<1024x128xf32>,
    %swap3A_1161 = arith.constant 0 : index
    %swap3A_1162 = arith.constant 1024 : index
    %swap3A_1163 = vector.load %arg2[%swap3A_1161, %swap3A_1162] : memref<1x5120xf32, #tpu.memory_space<vmem>>, vector<1x1024xf32>
    tpu.vector_store %arg2[%swap3A_1161, %swap3A_1162], %logistic3A_645 {strides = array<i32>} : memref<1x5120xf32, #tpu.memory_space<vmem>>, vector<1x1024xf32>,
    %get3A_1164 = arith.constant 170 : index
    %get3A_1165 = arith.constant 0 : index
    %get3A_1166 = vector.load %arg0[%get3A_1164, %get3A_1165] : memref<425x1024xf32, #tpu.memory_space<vmem>>, vector<85x1024xf32>
    %slice3A_1167 = vector.extract_strided_slice %get3A_1166 {offsets = [0, 0], sizes = [1, 1024], strides = [1, 1]} : vector<85x1024xf32> to vector<1x1024xf32>
    %logistic3A_1168 = arith.negf %slice3A_1167 : vector<1x1024xf32>
    %logistic3A_1169 = math.exp %logistic3A_1168 : vector<1x1024xf32>
    %logistic3A_1170 = arith.constant 1.000000e+00 : f32
    %logistic3A_1171 = vector.broadcast %logistic3A_1170 : f32 to vector<1x1024xf32>
    %logistic3A_1172 = arith.addf %logistic3A_1171, %logistic3A_1169 : vector<1x1024xf32>
    %logistic3A_1173 = arith.divf %logistic3A_1171, %logistic3A_1172 : vector<1x1024xf32>
    %add3A_1174 = arith.addf %logistic3A_1173, %convert_element_type3A : vector<1x1024xf32>
    %mul3A_1175 = arith.constant 1.600000e+01 : f32
    %mul3A_1176 = vector.broadcast %mul3A_1175 : f32 to vector<1x1024xf32>
    %mul3A_1177 = arith.mulf %add3A_1174, %mul3A_1176 : vector<1x1024xf32>
    %slice3A_1178 = vector.extract_strided_slice %get3A_1166 {offsets = [1, 0], sizes = [1, 1024], strides = [1, 1]} : vector<85x1024xf32> to vector<1x1024xf32>
    %logistic3A_1179 = arith.negf %slice3A_1178 : vector<1x1024xf32>
    %logistic3A_1180 = math.exp %logistic3A_1179 : vector<1x1024xf32>
    %logistic3A_1181 = arith.constant 1.000000e+00 : f32
    %logistic3A_1182 = vector.broadcast %logistic3A_1181 : f32 to vector<1x1024xf32>
    %logistic3A_1183 = arith.addf %logistic3A_1182, %logistic3A_1180 : vector<1x1024xf32>
    %logistic3A_1184 = arith.divf %logistic3A_1182, %logistic3A_1183 : vector<1x1024xf32>
    %add3A_1185 = arith.addf %logistic3A_1184, %convert_element_type3A_42 : vector<1x1024xf32>
    %mul3A_1186 = arith.constant 1.600000e+01 : f32
    %mul3A_1187 = vector.broadcast %mul3A_1186 : f32 to vector<1x1024xf32>
    %mul3A_1188 = arith.mulf %add3A_1185, %mul3A_1187 : vector<1x1024xf32>
    %slice3A_1189 = vector.extract_strided_slice %get3A_1166 {offsets = [2, 0], sizes = [1, 1024], strides = [1, 1]} : vector<85x1024xf32> to vector<1x1024xf32>
    %exp3A_1190 = math.exp %slice3A_1189 : vector<1x1024xf32>
    %mul3A_1191 = arith.constant 5.055870e+00 : f32
    %mul3A_1192 = vector.broadcast %mul3A_1191 : f32 to vector<1x1024xf32>
    %mul3A_1193 = arith.mulf %exp3A_1190, %mul3A_1192 : vector<1x1024xf32>
    %mul3A_1194 = arith.constant 1.600000e+01 : f32
    %mul3A_1195 = vector.broadcast %mul3A_1194 : f32 to vector<1x1024xf32>
    %mul3A_1196 = arith.mulf %mul3A_1193, %mul3A_1195 : vector<1x1024xf32>
    %slice3A_1197 = vector.extract_strided_slice %get3A_1166 {offsets = [3, 0], sizes = [1, 1024], strides = [1, 1]} : vector<85x1024xf32> to vector<1x1024xf32>
    %exp3A_1198 = math.exp %slice3A_1197 : vector<1x1024xf32>
    %mul3A_1199 = arith.constant 8.09891986 : f32
    %mul3A_1200 = vector.broadcast %mul3A_1199 : f32 to vector<1x1024xf32>
    %mul3A_1201 = arith.mulf %exp3A_1198, %mul3A_1200 : vector<1x1024xf32>
    %mul3A_1202 = arith.constant 1.600000e+01 : f32
    %mul3A_1203 = vector.broadcast %mul3A_1202 : f32 to vector<1x1024xf32>
    %mul3A_1204 = arith.mulf %mul3A_1201, %mul3A_1203 : vector<1x1024xf32>
    %slice3A_1205 = vector.extract_strided_slice %get3A_1166 {offsets = [4, 0], sizes = [1, 1024], strides = [1, 1]} : vector<85x1024xf32> to vector<1x1024xf32>
    %logistic3A_1206 = arith.negf %slice3A_1205 : vector<1x1024xf32>
    %logistic3A_1207 = math.exp %logistic3A_1206 : vector<1x1024xf32>
    %logistic3A_1208 = arith.constant 1.000000e+00 : f32
    %logistic3A_1209 = vector.broadcast %logistic3A_1208 : f32 to vector<1x1024xf32>
    %logistic3A_1210 = arith.addf %logistic3A_1209, %logistic3A_1207 : vector<1x1024xf32>
    %logistic3A_1211 = arith.divf %logistic3A_1209, %logistic3A_1210 : vector<1x1024xf32>
    %slice3A_1212 = vector.extract_strided_slice %get3A_1166 {offsets = [5, 0], sizes = [80, 1024], strides = [1, 1]} : vector<85x1024xf32> to vector<80x1024xf32>
    %logistic3A_1213 = arith.negf %slice3A_1212 : vector<80x1024xf32>
    %logistic3A_1214 = math.exp %logistic3A_1213 : vector<80x1024xf32>
    %logistic3A_1215 = arith.constant 1.000000e+00 : f32
    %logistic3A_1216 = vector.broadcast %logistic3A_1215 : f32 to vector<80x1024xf32>
    %logistic3A_1217 = arith.addf %logistic3A_1216, %logistic3A_1214 : vector<80x1024xf32>
    %logistic3A_1218 = arith.divf %logistic3A_1216, %logistic3A_1217 : vector<80x1024xf32>
    %slice3A_1219 = vector.extract_strided_slice %logistic3A_1218 {offsets = [0, 0], sizes = [1, 1024], strides = [1, 1]} : vector<80x1024xf32> to vector<1x1024xf32>
    %broadcast_in_dim3A_1220 = arith.constant 0.000000e+00 : f32
    %broadcast_in_dim3A_1221 = vector.broadcast %broadcast_in_dim3A_1220 : f32 to vector<1x1024xf32>
    %slice3A_1222 = vector.extract_strided_slice %logistic3A_1218 {offsets = [1, 0], sizes = [1, 1024], strides = [1, 1]} : vector<80x1024xf32> to vector<1x1024xf32>
    %gt3A_1223 = arith.cmpf ogt, %slice3A_1222, %slice3A_1219 : vector<1x1024xf32>
    %select_n3A_1224 = arith.select %gt3A_1223, %slice3A_1222, %slice3A_1219 : vector<1x1024xi1>, vector<1x1024xf32>
    %jit3A_1225 = arith.constant 1.000000e+00 : f32
    %broadcast_in_dim3A_1226 = vector.broadcast %jit3A_1225 : f32 to vector<1x1024xf32>
    %select_n3A_1227 = arith.select %gt3A_1223, %broadcast_in_dim3A_1226, %broadcast_in_dim3A_1221 : vector<1x1024xi1>, vector<1x1024xf32>
    %slice3A_1228 = vector.extract_strided_slice %logistic3A_1218 {offsets = [2, 0], sizes = [1, 1024], strides = [1, 1]} : vector<80x1024xf32> to vector<1x1024xf32>
    %gt3A_1229 = arith.cmpf ogt, %slice3A_1228, %select_n3A_1224 : vector<1x1024xf32>
    %select_n3A_1230 = arith.select %gt3A_1229, %slice3A_1228, %select_n3A_1224 : vector<1x1024xi1>, vector<1x1024xf32>
    %jit3A_1231 = arith.constant 2.000000e+00 : f32
    %broadcast_in_dim3A_1232 = vector.broadcast %jit3A_1231 : f32 to vector<1x1024xf32>
    %select_n3A_1233 = arith.select %gt3A_1229, %broadcast_in_dim3A_1232, %select_n3A_1227 : vector<1x1024xi1>, vector<1x1024xf32>
    %slice3A_1234 = vector.extract_strided_slice %logistic3A_1218 {offsets = [3, 0], sizes = [1, 1024], strides = [1, 1]} : vector<80x1024xf32> to vector<1x1024xf32>
    %gt3A_1235 = arith.cmpf ogt, %slice3A_1234, %select_n3A_1230 : vector<1x1024xf32>
    %select_n3A_1236 = arith.select %gt3A_1235, %slice3A_1234, %select_n3A_1230 : vector<1x1024xi1>, vector<1x1024xf32>
    %jit3A_1237 = arith.constant 3.000000e+00 : f32
    %broadcast_in_dim3A_1238 = vector.broadcast %jit3A_1237 : f32 to vector<1x1024xf32>
    %select_n3A_1239 = arith.select %gt3A_1235, %broadcast_in_dim3A_1238, %select_n3A_1233 : vector<1x1024xi1>, vector<1x1024xf32>
    %slice3A_1240 = vector.extract_strided_slice %logistic3A_1218 {offsets = [4, 0], sizes = [1, 1024], strides = [1, 1]} : vector<80x1024xf32> to vector<1x1024xf32>
    %gt3A_1241 = arith.cmpf ogt, %slice3A_1240, %select_n3A_1236 : vector<1x1024xf32>
    %select_n3A_1242 = arith.select %gt3A_1241, %slice3A_1240, %select_n3A_1236 : vector<1x1024xi1>, vector<1x1024xf32>
    %jit3A_1243 = arith.constant 4.000000e+00 : f32
    %broadcast_in_dim3A_1244 = vector.broadcast %jit3A_1243 : f32 to vector<1x1024xf32>
    %select_n3A_1245 = arith.select %gt3A_1241, %broadcast_in_dim3A_1244, %select_n3A_1239 : vector<1x1024xi1>, vector<1x1024xf32>
    %slice3A_1246 = vector.extract_strided_slice %logistic3A_1218 {offsets = [5, 0], sizes = [1, 1024], strides = [1, 1]} : vector<80x1024xf32> to vector<1x1024xf32>
    %gt3A_1247 = arith.cmpf ogt, %slice3A_1246, %select_n3A_1242 : vector<1x1024xf32>
    %select_n3A_1248 = arith.select %gt3A_1247, %slice3A_1246, %select_n3A_1242 : vector<1x1024xi1>, vector<1x1024xf32>
    %jit3A_1249 = arith.constant 5.000000e+00 : f32
    %broadcast_in_dim3A_1250 = vector.broadcast %jit3A_1249 : f32 to vector<1x1024xf32>
    %select_n3A_1251 = arith.select %gt3A_1247, %broadcast_in_dim3A_1250, %select_n3A_1245 : vector<1x1024xi1>, vector<1x1024xf32>
    %slice3A_1252 = vector.extract_strided_slice %logistic3A_1218 {offsets = [6, 0], sizes = [1, 1024], strides = [1, 1]} : vector<80x1024xf32> to vector<1x1024xf32>
    %gt3A_1253 = arith.cmpf ogt, %slice3A_1252, %select_n3A_1248 : vector<1x1024xf32>
    %select_n3A_1254 = arith.select %gt3A_1253, %slice3A_1252, %select_n3A_1248 : vector<1x1024xi1>, vector<1x1024xf32>
    %jit3A_1255 = arith.constant 6.000000e+00 : f32
    %broadcast_in_dim3A_1256 = vector.broadcast %jit3A_1255 : f32 to vector<1x1024xf32>
    %select_n3A_1257 = arith.select %gt3A_1253, %broadcast_in_dim3A_1256, %select_n3A_1251 : vector<1x1024xi1>, vector<1x1024xf32>
    %slice3A_1258 = vector.extract_strided_slice %logistic3A_1218 {offsets = [7, 0], sizes = [1, 1024], strides = [1, 1]} : vector<80x1024xf32> to vector<1x1024xf32>
    %gt3A_1259 = arith.cmpf ogt, %slice3A_1258, %select_n3A_1254 : vector<1x1024xf32>
    %select_n3A_1260 = arith.select %gt3A_1259, %slice3A_1258, %select_n3A_1254 : vector<1x1024xi1>, vector<1x1024xf32>
    %jit3A_1261 = arith.constant 7.000000e+00 : f32
    %broadcast_in_dim3A_1262 = vector.broadcast %jit3A_1261 : f32 to vector<1x1024xf32>
    %select_n3A_1263 = arith.select %gt3A_1259, %broadcast_in_dim3A_1262, %select_n3A_1257 : vector<1x1024xi1>, vector<1x1024xf32>
    %slice3A_1264 = vector.extract_strided_slice %logistic3A_1218 {offsets = [8, 0], sizes = [1, 1024], strides = [1, 1]} : vector<80x1024xf32> to vector<1x1024xf32>
    %gt3A_1265 = arith.cmpf ogt, %slice3A_1264, %select_n3A_1260 : vector<1x1024xf32>
    %select_n3A_1266 = arith.select %gt3A_1265, %slice3A_1264, %select_n3A_1260 : vector<1x1024xi1>, vector<1x1024xf32>
    %jit3A_1267 = arith.constant 8.000000e+00 : f32
    %broadcast_in_dim3A_1268 = vector.broadcast %jit3A_1267 : f32 to vector<1x1024xf32>
    %select_n3A_1269 = arith.select %gt3A_1265, %broadcast_in_dim3A_1268, %select_n3A_1263 : vector<1x1024xi1>, vector<1x1024xf32>
    %slice3A_1270 = vector.extract_strided_slice %logistic3A_1218 {offsets = [9, 0], sizes = [1, 1024], strides = [1, 1]} : vector<80x1024xf32> to vector<1x1024xf32>
    %gt3A_1271 = arith.cmpf ogt, %slice3A_1270, %select_n3A_1266 : vector<1x1024xf32>
    %select_n3A_1272 = arith.select %gt3A_1271, %slice3A_1270, %select_n3A_1266 : vector<1x1024xi1>, vector<1x1024xf32>
    %jit3A_1273 = arith.constant 9.000000e+00 : f32
    %broadcast_in_dim3A_1274 = vector.broadcast %jit3A_1273 : f32 to vector<1x1024xf32>
    %select_n3A_1275 = arith.select %gt3A_1271, %broadcast_in_dim3A_1274, %select_n3A_1269 : vector<1x1024xi1>, vector<1x1024xf32>
    %slice3A_1276 = vector.extract_strided_slice %logistic3A_1218 {offsets = [10, 0], sizes = [1, 1024], strides = [1, 1]} : vector<80x1024xf32> to vector<1x1024xf32>
    %gt3A_1277 = arith.cmpf ogt, %slice3A_1276, %select_n3A_1272 : vector<1x1024xf32>
    %select_n3A_1278 = arith.select %gt3A_1277, %slice3A_1276, %select_n3A_1272 : vector<1x1024xi1>, vector<1x1024xf32>
    %jit3A_1279 = arith.constant 1.000000e+01 : f32
    %broadcast_in_dim3A_1280 = vector.broadcast %jit3A_1279 : f32 to vector<1x1024xf32>
    %select_n3A_1281 = arith.select %gt3A_1277, %broadcast_in_dim3A_1280, %select_n3A_1275 : vector<1x1024xi1>, vector<1x1024xf32>
    %slice3A_1282 = vector.extract_strided_slice %logistic3A_1218 {offsets = [11, 0], sizes = [1, 1024], strides = [1, 1]} : vector<80x1024xf32> to vector<1x1024xf32>
    %gt3A_1283 = arith.cmpf ogt, %slice3A_1282, %select_n3A_1278 : vector<1x1024xf32>
    %select_n3A_1284 = arith.select %gt3A_1283, %slice3A_1282, %select_n3A_1278 : vector<1x1024xi1>, vector<1x1024xf32>
    %jit3A_1285 = arith.constant 1.100000e+01 : f32
    %broadcast_in_dim3A_1286 = vector.broadcast %jit3A_1285 : f32 to vector<1x1024xf32>
    %select_n3A_1287 = arith.select %gt3A_1283, %broadcast_in_dim3A_1286, %select_n3A_1281 : vector<1x1024xi1>, vector<1x1024xf32>
    %slice3A_1288 = vector.extract_strided_slice %logistic3A_1218 {offsets = [12, 0], sizes = [1, 1024], strides = [1, 1]} : vector<80x1024xf32> to vector<1x1024xf32>
    %gt3A_1289 = arith.cmpf ogt, %slice3A_1288, %select_n3A_1284 : vector<1x1024xf32>
    %select_n3A_1290 = arith.select %gt3A_1289, %slice3A_1288, %select_n3A_1284 : vector<1x1024xi1>, vector<1x1024xf32>
    %jit3A_1291 = arith.constant 1.200000e+01 : f32
    %broadcast_in_dim3A_1292 = vector.broadcast %jit3A_1291 : f32 to vector<1x1024xf32>
    %select_n3A_1293 = arith.select %gt3A_1289, %broadcast_in_dim3A_1292, %select_n3A_1287 : vector<1x1024xi1>, vector<1x1024xf32>
    %slice3A_1294 = vector.extract_strided_slice %logistic3A_1218 {offsets = [13, 0], sizes = [1, 1024], strides = [1, 1]} : vector<80x1024xf32> to vector<1x1024xf32>
    %gt3A_1295 = arith.cmpf ogt, %slice3A_1294, %select_n3A_1290 : vector<1x1024xf32>
    %select_n3A_1296 = arith.select %gt3A_1295, %slice3A_1294, %select_n3A_1290 : vector<1x1024xi1>, vector<1x1024xf32>
    %jit3A_1297 = arith.constant 1.300000e+01 : f32
    %broadcast_in_dim3A_1298 = vector.broadcast %jit3A_1297 : f32 to vector<1x1024xf32>
    %select_n3A_1299 = arith.select %gt3A_1295, %broadcast_in_dim3A_1298, %select_n3A_1293 : vector<1x1024xi1>, vector<1x1024xf32>
    %slice3A_1300 = vector.extract_strided_slice %logistic3A_1218 {offsets = [14, 0], sizes = [1, 1024], strides = [1, 1]} : vector<80x1024xf32> to vector<1x1024xf32>
    %gt3A_1301 = arith.cmpf ogt, %slice3A_1300, %select_n3A_1296 : vector<1x1024xf32>
    %select_n3A_1302 = arith.select %gt3A_1301, %slice3A_1300, %select_n3A_1296 : vector<1x1024xi1>, vector<1x1024xf32>
    %jit3A_1303 = arith.constant 1.400000e+01 : f32
    %broadcast_in_dim3A_1304 = vector.broadcast %jit3A_1303 : f32 to vector<1x1024xf32>
    %select_n3A_1305 = arith.select %gt3A_1301, %broadcast_in_dim3A_1304, %select_n3A_1299 : vector<1x1024xi1>, vector<1x1024xf32>
    %slice3A_1306 = vector.extract_strided_slice %logistic3A_1218 {offsets = [15, 0], sizes = [1, 1024], strides = [1, 1]} : vector<80x1024xf32> to vector<1x1024xf32>
    %gt3A_1307 = arith.cmpf ogt, %slice3A_1306, %select_n3A_1302 : vector<1x1024xf32>
    %select_n3A_1308 = arith.select %gt3A_1307, %slice3A_1306, %select_n3A_1302 : vector<1x1024xi1>, vector<1x1024xf32>
    %jit3A_1309 = arith.constant 1.500000e+01 : f32
    %broadcast_in_dim3A_1310 = vector.broadcast %jit3A_1309 : f32 to vector<1x1024xf32>
    %select_n3A_1311 = arith.select %gt3A_1307, %broadcast_in_dim3A_1310, %select_n3A_1305 : vector<1x1024xi1>, vector<1x1024xf32>
    %slice3A_1312 = vector.extract_strided_slice %logistic3A_1218 {offsets = [16, 0], sizes = [1, 1024], strides = [1, 1]} : vector<80x1024xf32> to vector<1x1024xf32>
    %gt3A_1313 = arith.cmpf ogt, %slice3A_1312, %select_n3A_1308 : vector<1x1024xf32>
    %select_n3A_1314 = arith.select %gt3A_1313, %slice3A_1312, %select_n3A_1308 : vector<1x1024xi1>, vector<1x1024xf32>
    %jit3A_1315 = arith.constant 1.600000e+01 : f32
    %broadcast_in_dim3A_1316 = vector.broadcast %jit3A_1315 : f32 to vector<1x1024xf32>
    %select_n3A_1317 = arith.select %gt3A_1313, %broadcast_in_dim3A_1316, %select_n3A_1311 : vector<1x1024xi1>, vector<1x1024xf32>
    %slice3A_1318 = vector.extract_strided_slice %logistic3A_1218 {offsets = [17, 0], sizes = [1, 1024], strides = [1, 1]} : vector<80x1024xf32> to vector<1x1024xf32>
    %gt3A_1319 = arith.cmpf ogt, %slice3A_1318, %select_n3A_1314 : vector<1x1024xf32>
    %select_n3A_1320 = arith.select %gt3A_1319, %slice3A_1318, %select_n3A_1314 : vector<1x1024xi1>, vector<1x1024xf32>
    %jit3A_1321 = arith.constant 1.700000e+01 : f32
    %broadcast_in_dim3A_1322 = vector.broadcast %jit3A_1321 : f32 to vector<1x1024xf32>
    %select_n3A_1323 = arith.select %gt3A_1319, %broadcast_in_dim3A_1322, %select_n3A_1317 : vector<1x1024xi1>, vector<1x1024xf32>
    %slice3A_1324 = vector.extract_strided_slice %logistic3A_1218 {offsets = [18, 0], sizes = [1, 1024], strides = [1, 1]} : vector<80x1024xf32> to vector<1x1024xf32>
    %gt3A_1325 = arith.cmpf ogt, %slice3A_1324, %select_n3A_1320 : vector<1x1024xf32>
    %select_n3A_1326 = arith.select %gt3A_1325, %slice3A_1324, %select_n3A_1320 : vector<1x1024xi1>, vector<1x1024xf32>
    %jit3A_1327 = arith.constant 1.800000e+01 : f32
    %broadcast_in_dim3A_1328 = vector.broadcast %jit3A_1327 : f32 to vector<1x1024xf32>
    %select_n3A_1329 = arith.select %gt3A_1325, %broadcast_in_dim3A_1328, %select_n3A_1323 : vector<1x1024xi1>, vector<1x1024xf32>
    %slice3A_1330 = vector.extract_strided_slice %logistic3A_1218 {offsets = [19, 0], sizes = [1, 1024], strides = [1, 1]} : vector<80x1024xf32> to vector<1x1024xf32>
    %gt3A_1331 = arith.cmpf ogt, %slice3A_1330, %select_n3A_1326 : vector<1x1024xf32>
    %select_n3A_1332 = arith.select %gt3A_1331, %slice3A_1330, %select_n3A_1326 : vector<1x1024xi1>, vector<1x1024xf32>
    %jit3A_1333 = arith.constant 1.900000e+01 : f32
    %broadcast_in_dim3A_1334 = vector.broadcast %jit3A_1333 : f32 to vector<1x1024xf32>
    %select_n3A_1335 = arith.select %gt3A_1331, %broadcast_in_dim3A_1334, %select_n3A_1329 : vector<1x1024xi1>, vector<1x1024xf32>
    %slice3A_1336 = vector.extract_strided_slice %logistic3A_1218 {offsets = [20, 0], sizes = [1, 1024], strides = [1, 1]} : vector<80x1024xf32> to vector<1x1024xf32>
    %gt3A_1337 = arith.cmpf ogt, %slice3A_1336, %select_n3A_1332 : vector<1x1024xf32>
    %select_n3A_1338 = arith.select %gt3A_1337, %slice3A_1336, %select_n3A_1332 : vector<1x1024xi1>, vector<1x1024xf32>
    %jit3A_1339 = arith.constant 2.000000e+01 : f32
    %broadcast_in_dim3A_1340 = vector.broadcast %jit3A_1339 : f32 to vector<1x1024xf32>
    %select_n3A_1341 = arith.select %gt3A_1337, %broadcast_in_dim3A_1340, %select_n3A_1335 : vector<1x1024xi1>, vector<1x1024xf32>
    %slice3A_1342 = vector.extract_strided_slice %logistic3A_1218 {offsets = [21, 0], sizes = [1, 1024], strides = [1, 1]} : vector<80x1024xf32> to vector<1x1024xf32>
    %gt3A_1343 = arith.cmpf ogt, %slice3A_1342, %select_n3A_1338 : vector<1x1024xf32>
    %select_n3A_1344 = arith.select %gt3A_1343, %slice3A_1342, %select_n3A_1338 : vector<1x1024xi1>, vector<1x1024xf32>
    %jit3A_1345 = arith.constant 2.100000e+01 : f32
    %broadcast_in_dim3A_1346 = vector.broadcast %jit3A_1345 : f32 to vector<1x1024xf32>
    %select_n3A_1347 = arith.select %gt3A_1343, %broadcast_in_dim3A_1346, %select_n3A_1341 : vector<1x1024xi1>, vector<1x1024xf32>
    %slice3A_1348 = vector.extract_strided_slice %logistic3A_1218 {offsets = [22, 0], sizes = [1, 1024], strides = [1, 1]} : vector<80x1024xf32> to vector<1x1024xf32>
    %gt3A_1349 = arith.cmpf ogt, %slice3A_1348, %select_n3A_1344 : vector<1x1024xf32>
    %select_n3A_1350 = arith.select %gt3A_1349, %slice3A_1348, %select_n3A_1344 : vector<1x1024xi1>, vector<1x1024xf32>
    %jit3A_1351 = arith.constant 2.200000e+01 : f32
    %broadcast_in_dim3A_1352 = vector.broadcast %jit3A_1351 : f32 to vector<1x1024xf32>
    %select_n3A_1353 = arith.select %gt3A_1349, %broadcast_in_dim3A_1352, %select_n3A_1347 : vector<1x1024xi1>, vector<1x1024xf32>
    %slice3A_1354 = vector.extract_strided_slice %logistic3A_1218 {offsets = [23, 0], sizes = [1, 1024], strides = [1, 1]} : vector<80x1024xf32> to vector<1x1024xf32>
    %gt3A_1355 = arith.cmpf ogt, %slice3A_1354, %select_n3A_1350 : vector<1x1024xf32>
    %select_n3A_1356 = arith.select %gt3A_1355, %slice3A_1354, %select_n3A_1350 : vector<1x1024xi1>, vector<1x1024xf32>
    %jit3A_1357 = arith.constant 2.300000e+01 : f32
    %broadcast_in_dim3A_1358 = vector.broadcast %jit3A_1357 : f32 to vector<1x1024xf32>
    %select_n3A_1359 = arith.select %gt3A_1355, %broadcast_in_dim3A_1358, %select_n3A_1353 : vector<1x1024xi1>, vector<1x1024xf32>
    %slice3A_1360 = vector.extract_strided_slice %logistic3A_1218 {offsets = [24, 0], sizes = [1, 1024], strides = [1, 1]} : vector<80x1024xf32> to vector<1x1024xf32>
    %gt3A_1361 = arith.cmpf ogt, %slice3A_1360, %select_n3A_1356 : vector<1x1024xf32>
    %select_n3A_1362 = arith.select %gt3A_1361, %slice3A_1360, %select_n3A_1356 : vector<1x1024xi1>, vector<1x1024xf32>
    %jit3A_1363 = arith.constant 2.400000e+01 : f32
    %broadcast_in_dim3A_1364 = vector.broadcast %jit3A_1363 : f32 to vector<1x1024xf32>
    %select_n3A_1365 = arith.select %gt3A_1361, %broadcast_in_dim3A_1364, %select_n3A_1359 : vector<1x1024xi1>, vector<1x1024xf32>
    %slice3A_1366 = vector.extract_strided_slice %logistic3A_1218 {offsets = [25, 0], sizes = [1, 1024], strides = [1, 1]} : vector<80x1024xf32> to vector<1x1024xf32>
    %gt3A_1367 = arith.cmpf ogt, %slice3A_1366, %select_n3A_1362 : vector<1x1024xf32>
    %select_n3A_1368 = arith.select %gt3A_1367, %slice3A_1366, %select_n3A_1362 : vector<1x1024xi1>, vector<1x1024xf32>
    %jit3A_1369 = arith.constant 2.500000e+01 : f32
    %broadcast_in_dim3A_1370 = vector.broadcast %jit3A_1369 : f32 to vector<1x1024xf32>
    %select_n3A_1371 = arith.select %gt3A_1367, %broadcast_in_dim3A_1370, %select_n3A_1365 : vector<1x1024xi1>, vector<1x1024xf32>
    %slice3A_1372 = vector.extract_strided_slice %logistic3A_1218 {offsets = [26, 0], sizes = [1, 1024], strides = [1, 1]} : vector<80x1024xf32> to vector<1x1024xf32>
    %gt3A_1373 = arith.cmpf ogt, %slice3A_1372, %select_n3A_1368 : vector<1x1024xf32>
    %select_n3A_1374 = arith.select %gt3A_1373, %slice3A_1372, %select_n3A_1368 : vector<1x1024xi1>, vector<1x1024xf32>
    %jit3A_1375 = arith.constant 2.600000e+01 : f32
    %broadcast_in_dim3A_1376 = vector.broadcast %jit3A_1375 : f32 to vector<1x1024xf32>
    %select_n3A_1377 = arith.select %gt3A_1373, %broadcast_in_dim3A_1376, %select_n3A_1371 : vector<1x1024xi1>, vector<1x1024xf32>
    %slice3A_1378 = vector.extract_strided_slice %logistic3A_1218 {offsets = [27, 0], sizes = [1, 1024], strides = [1, 1]} : vector<80x1024xf32> to vector<1x1024xf32>
    %gt3A_1379 = arith.cmpf ogt, %slice3A_1378, %select_n3A_1374 : vector<1x1024xf32>
    %select_n3A_1380 = arith.select %gt3A_1379, %slice3A_1378, %select_n3A_1374 : vector<1x1024xi1>, vector<1x1024xf32>
    %jit3A_1381 = arith.constant 2.700000e+01 : f32
    %broadcast_in_dim3A_1382 = vector.broadcast %jit3A_1381 : f32 to vector<1x1024xf32>
    %select_n3A_1383 = arith.select %gt3A_1379, %broadcast_in_dim3A_1382, %select_n3A_1377 : vector<1x1024xi1>, vector<1x1024xf32>
    %slice3A_1384 = vector.extract_strided_slice %logistic3A_1218 {offsets = [28, 0], sizes = [1, 1024], strides = [1, 1]} : vector<80x1024xf32> to vector<1x1024xf32>
    %gt3A_1385 = arith.cmpf ogt, %slice3A_1384, %select_n3A_1380 : vector<1x1024xf32>
    %select_n3A_1386 = arith.select %gt3A_1385, %slice3A_1384, %select_n3A_1380 : vector<1x1024xi1>, vector<1x1024xf32>
    %jit3A_1387 = arith.constant 2.800000e+01 : f32
    %broadcast_in_dim3A_1388 = vector.broadcast %jit3A_1387 : f32 to vector<1x1024xf32>
    %select_n3A_1389 = arith.select %gt3A_1385, %broadcast_in_dim3A_1388, %select_n3A_1383 : vector<1x1024xi1>, vector<1x1024xf32>
    %slice3A_1390 = vector.extract_strided_slice %logistic3A_1218 {offsets = [29, 0], sizes = [1, 1024], strides = [1, 1]} : vector<80x1024xf32> to vector<1x1024xf32>
    %gt3A_1391 = arith.cmpf ogt, %slice3A_1390, %select_n3A_1386 : vector<1x1024xf32>
    %select_n3A_1392 = arith.select %gt3A_1391, %slice3A_1390, %select_n3A_1386 : vector<1x1024xi1>, vector<1x1024xf32>
    %jit3A_1393 = arith.constant 2.900000e+01 : f32
    %broadcast_in_dim3A_1394 = vector.broadcast %jit3A_1393 : f32 to vector<1x1024xf32>
    %select_n3A_1395 = arith.select %gt3A_1391, %broadcast_in_dim3A_1394, %select_n3A_1389 : vector<1x1024xi1>, vector<1x1024xf32>
    %slice3A_1396 = vector.extract_strided_slice %logistic3A_1218 {offsets = [30, 0], sizes = [1, 1024], strides = [1, 1]} : vector<80x1024xf32> to vector<1x1024xf32>
    %gt3A_1397 = arith.cmpf ogt, %slice3A_1396, %select_n3A_1392 : vector<1x1024xf32>
    %select_n3A_1398 = arith.select %gt3A_1397, %slice3A_1396, %select_n3A_1392 : vector<1x1024xi1>, vector<1x1024xf32>
    %jit3A_1399 = arith.constant 3.000000e+01 : f32
    %broadcast_in_dim3A_1400 = vector.broadcast %jit3A_1399 : f32 to vector<1x1024xf32>
    %select_n3A_1401 = arith.select %gt3A_1397, %broadcast_in_dim3A_1400, %select_n3A_1395 : vector<1x1024xi1>, vector<1x1024xf32>
    %slice3A_1402 = vector.extract_strided_slice %logistic3A_1218 {offsets = [31, 0], sizes = [1, 1024], strides = [1, 1]} : vector<80x1024xf32> to vector<1x1024xf32>
    %gt3A_1403 = arith.cmpf ogt, %slice3A_1402, %select_n3A_1398 : vector<1x1024xf32>
    %select_n3A_1404 = arith.select %gt3A_1403, %slice3A_1402, %select_n3A_1398 : vector<1x1024xi1>, vector<1x1024xf32>
    %jit3A_1405 = arith.constant 3.100000e+01 : f32
    %broadcast_in_dim3A_1406 = vector.broadcast %jit3A_1405 : f32 to vector<1x1024xf32>
    %select_n3A_1407 = arith.select %gt3A_1403, %broadcast_in_dim3A_1406, %select_n3A_1401 : vector<1x1024xi1>, vector<1x1024xf32>
    %slice3A_1408 = vector.extract_strided_slice %logistic3A_1218 {offsets = [32, 0], sizes = [1, 1024], strides = [1, 1]} : vector<80x1024xf32> to vector<1x1024xf32>
    %gt3A_1409 = arith.cmpf ogt, %slice3A_1408, %select_n3A_1404 : vector<1x1024xf32>
    %select_n3A_1410 = arith.select %gt3A_1409, %slice3A_1408, %select_n3A_1404 : vector<1x1024xi1>, vector<1x1024xf32>
    %jit3A_1411 = arith.constant 3.200000e+01 : f32
    %broadcast_in_dim3A_1412 = vector.broadcast %jit3A_1411 : f32 to vector<1x1024xf32>
    %select_n3A_1413 = arith.select %gt3A_1409, %broadcast_in_dim3A_1412, %select_n3A_1407 : vector<1x1024xi1>, vector<1x1024xf32>
    %slice3A_1414 = vector.extract_strided_slice %logistic3A_1218 {offsets = [33, 0], sizes = [1, 1024], strides = [1, 1]} : vector<80x1024xf32> to vector<1x1024xf32>
    %gt3A_1415 = arith.cmpf ogt, %slice3A_1414, %select_n3A_1410 : vector<1x1024xf32>
    %select_n3A_1416 = arith.select %gt3A_1415, %slice3A_1414, %select_n3A_1410 : vector<1x1024xi1>, vector<1x1024xf32>
    %jit3A_1417 = arith.constant 3.300000e+01 : f32
    %broadcast_in_dim3A_1418 = vector.broadcast %jit3A_1417 : f32 to vector<1x1024xf32>
    %select_n3A_1419 = arith.select %gt3A_1415, %broadcast_in_dim3A_1418, %select_n3A_1413 : vector<1x1024xi1>, vector<1x1024xf32>
    %slice3A_1420 = vector.extract_strided_slice %logistic3A_1218 {offsets = [34, 0], sizes = [1, 1024], strides = [1, 1]} : vector<80x1024xf32> to vector<1x1024xf32>
    %gt3A_1421 = arith.cmpf ogt, %slice3A_1420, %select_n3A_1416 : vector<1x1024xf32>
    %select_n3A_1422 = arith.select %gt3A_1421, %slice3A_1420, %select_n3A_1416 : vector<1x1024xi1>, vector<1x1024xf32>
    %jit3A_1423 = arith.constant 3.400000e+01 : f32
    %broadcast_in_dim3A_1424 = vector.broadcast %jit3A_1423 : f32 to vector<1x1024xf32>
    %select_n3A_1425 = arith.select %gt3A_1421, %broadcast_in_dim3A_1424, %select_n3A_1419 : vector<1x1024xi1>, vector<1x1024xf32>
    %slice3A_1426 = vector.extract_strided_slice %logistic3A_1218 {offsets = [35, 0], sizes = [1, 1024], strides = [1, 1]} : vector<80x1024xf32> to vector<1x1024xf32>
    %gt3A_1427 = arith.cmpf ogt, %slice3A_1426, %select_n3A_1422 : vector<1x1024xf32>
    %select_n3A_1428 = arith.select %gt3A_1427, %slice3A_1426, %select_n3A_1422 : vector<1x1024xi1>, vector<1x1024xf32>
    %jit3A_1429 = arith.constant 3.500000e+01 : f32
    %broadcast_in_dim3A_1430 = vector.broadcast %jit3A_1429 : f32 to vector<1x1024xf32>
    %select_n3A_1431 = arith.select %gt3A_1427, %broadcast_in_dim3A_1430, %select_n3A_1425 : vector<1x1024xi1>, vector<1x1024xf32>
    %slice3A_1432 = vector.extract_strided_slice %logistic3A_1218 {offsets = [36, 0], sizes = [1, 1024], strides = [1, 1]} : vector<80x1024xf32> to vector<1x1024xf32>
    %gt3A_1433 = arith.cmpf ogt, %slice3A_1432, %select_n3A_1428 : vector<1x1024xf32>
    %select_n3A_1434 = arith.select %gt3A_1433, %slice3A_1432, %select_n3A_1428 : vector<1x1024xi1>, vector<1x1024xf32>
    %jit3A_1435 = arith.constant 3.600000e+01 : f32
    %broadcast_in_dim3A_1436 = vector.broadcast %jit3A_1435 : f32 to vector<1x1024xf32>
    %select_n3A_1437 = arith.select %gt3A_1433, %broadcast_in_dim3A_1436, %select_n3A_1431 : vector<1x1024xi1>, vector<1x1024xf32>
    %slice3A_1438 = vector.extract_strided_slice %logistic3A_1218 {offsets = [37, 0], sizes = [1, 1024], strides = [1, 1]} : vector<80x1024xf32> to vector<1x1024xf32>
    %gt3A_1439 = arith.cmpf ogt, %slice3A_1438, %select_n3A_1434 : vector<1x1024xf32>
    %select_n3A_1440 = arith.select %gt3A_1439, %slice3A_1438, %select_n3A_1434 : vector<1x1024xi1>, vector<1x1024xf32>
    %jit3A_1441 = arith.constant 3.700000e+01 : f32
    %broadcast_in_dim3A_1442 = vector.broadcast %jit3A_1441 : f32 to vector<1x1024xf32>
    %select_n3A_1443 = arith.select %gt3A_1439, %broadcast_in_dim3A_1442, %select_n3A_1437 : vector<1x1024xi1>, vector<1x1024xf32>
    %slice3A_1444 = vector.extract_strided_slice %logistic3A_1218 {offsets = [38, 0], sizes = [1, 1024], strides = [1, 1]} : vector<80x1024xf32> to vector<1x1024xf32>
    %gt3A_1445 = arith.cmpf ogt, %slice3A_1444, %select_n3A_1440 : vector<1x1024xf32>
    %select_n3A_1446 = arith.select %gt3A_1445, %slice3A_1444, %select_n3A_1440 : vector<1x1024xi1>, vector<1x1024xf32>
    %jit3A_1447 = arith.constant 3.800000e+01 : f32
    %broadcast_in_dim3A_1448 = vector.broadcast %jit3A_1447 : f32 to vector<1x1024xf32>
    %select_n3A_1449 = arith.select %gt3A_1445, %broadcast_in_dim3A_1448, %select_n3A_1443 : vector<1x1024xi1>, vector<1x1024xf32>
    %slice3A_1450 = vector.extract_strided_slice %logistic3A_1218 {offsets = [39, 0], sizes = [1, 1024], strides = [1, 1]} : vector<80x1024xf32> to vector<1x1024xf32>
    %gt3A_1451 = arith.cmpf ogt, %slice3A_1450, %select_n3A_1446 : vector<1x1024xf32>
    %select_n3A_1452 = arith.select %gt3A_1451, %slice3A_1450, %select_n3A_1446 : vector<1x1024xi1>, vector<1x1024xf32>
    %jit3A_1453 = arith.constant 3.900000e+01 : f32
    %broadcast_in_dim3A_1454 = vector.broadcast %jit3A_1453 : f32 to vector<1x1024xf32>
    %select_n3A_1455 = arith.select %gt3A_1451, %broadcast_in_dim3A_1454, %select_n3A_1449 : vector<1x1024xi1>, vector<1x1024xf32>
    %slice3A_1456 = vector.extract_strided_slice %logistic3A_1218 {offsets = [40, 0], sizes = [1, 1024], strides = [1, 1]} : vector<80x1024xf32> to vector<1x1024xf32>
    %gt3A_1457 = arith.cmpf ogt, %slice3A_1456, %select_n3A_1452 : vector<1x1024xf32>
    %select_n3A_1458 = arith.select %gt3A_1457, %slice3A_1456, %select_n3A_1452 : vector<1x1024xi1>, vector<1x1024xf32>
    %jit3A_1459 = arith.constant 4.000000e+01 : f32
    %broadcast_in_dim3A_1460 = vector.broadcast %jit3A_1459 : f32 to vector<1x1024xf32>
    %select_n3A_1461 = arith.select %gt3A_1457, %broadcast_in_dim3A_1460, %select_n3A_1455 : vector<1x1024xi1>, vector<1x1024xf32>
    %slice3A_1462 = vector.extract_strided_slice %logistic3A_1218 {offsets = [41, 0], sizes = [1, 1024], strides = [1, 1]} : vector<80x1024xf32> to vector<1x1024xf32>
    %gt3A_1463 = arith.cmpf ogt, %slice3A_1462, %select_n3A_1458 : vector<1x1024xf32>
    %select_n3A_1464 = arith.select %gt3A_1463, %slice3A_1462, %select_n3A_1458 : vector<1x1024xi1>, vector<1x1024xf32>
    %jit3A_1465 = arith.constant 4.100000e+01 : f32
    %broadcast_in_dim3A_1466 = vector.broadcast %jit3A_1465 : f32 to vector<1x1024xf32>
    %select_n3A_1467 = arith.select %gt3A_1463, %broadcast_in_dim3A_1466, %select_n3A_1461 : vector<1x1024xi1>, vector<1x1024xf32>
    %slice3A_1468 = vector.extract_strided_slice %logistic3A_1218 {offsets = [42, 0], sizes = [1, 1024], strides = [1, 1]} : vector<80x1024xf32> to vector<1x1024xf32>
    %gt3A_1469 = arith.cmpf ogt, %slice3A_1468, %select_n3A_1464 : vector<1x1024xf32>
    %select_n3A_1470 = arith.select %gt3A_1469, %slice3A_1468, %select_n3A_1464 : vector<1x1024xi1>, vector<1x1024xf32>
    %jit3A_1471 = arith.constant 4.200000e+01 : f32
    %broadcast_in_dim3A_1472 = vector.broadcast %jit3A_1471 : f32 to vector<1x1024xf32>
    %select_n3A_1473 = arith.select %gt3A_1469, %broadcast_in_dim3A_1472, %select_n3A_1467 : vector<1x1024xi1>, vector<1x1024xf32>
    %slice3A_1474 = vector.extract_strided_slice %logistic3A_1218 {offsets = [43, 0], sizes = [1, 1024], strides = [1, 1]} : vector<80x1024xf32> to vector<1x1024xf32>
    %gt3A_1475 = arith.cmpf ogt, %slice3A_1474, %select_n3A_1470 : vector<1x1024xf32>
    %select_n3A_1476 = arith.select %gt3A_1475, %slice3A_1474, %select_n3A_1470 : vector<1x1024xi1>, vector<1x1024xf32>
    %jit3A_1477 = arith.constant 4.300000e+01 : f32
    %broadcast_in_dim3A_1478 = vector.broadcast %jit3A_1477 : f32 to vector<1x1024xf32>
    %select_n3A_1479 = arith.select %gt3A_1475, %broadcast_in_dim3A_1478, %select_n3A_1473 : vector<1x1024xi1>, vector<1x1024xf32>
    %slice3A_1480 = vector.extract_strided_slice %logistic3A_1218 {offsets = [44, 0], sizes = [1, 1024], strides = [1, 1]} : vector<80x1024xf32> to vector<1x1024xf32>
    %gt3A_1481 = arith.cmpf ogt, %slice3A_1480, %select_n3A_1476 : vector<1x1024xf32>
    %select_n3A_1482 = arith.select %gt3A_1481, %slice3A_1480, %select_n3A_1476 : vector<1x1024xi1>, vector<1x1024xf32>
    %jit3A_1483 = arith.constant 4.400000e+01 : f32
    %broadcast_in_dim3A_1484 = vector.broadcast %jit3A_1483 : f32 to vector<1x1024xf32>
    %select_n3A_1485 = arith.select %gt3A_1481, %broadcast_in_dim3A_1484, %select_n3A_1479 : vector<1x1024xi1>, vector<1x1024xf32>
    %slice3A_1486 = vector.extract_strided_slice %logistic3A_1218 {offsets = [45, 0], sizes = [1, 1024], strides = [1, 1]} : vector<80x1024xf32> to vector<1x1024xf32>
    %gt3A_1487 = arith.cmpf ogt, %slice3A_1486, %select_n3A_1482 : vector<1x1024xf32>
    %select_n3A_1488 = arith.select %gt3A_1487, %slice3A_1486, %select_n3A_1482 : vector<1x1024xi1>, vector<1x1024xf32>
    %jit3A_1489 = arith.constant 4.500000e+01 : f32
    %broadcast_in_dim3A_1490 = vector.broadcast %jit3A_1489 : f32 to vector<1x1024xf32>
    %select_n3A_1491 = arith.select %gt3A_1487, %broadcast_in_dim3A_1490, %select_n3A_1485 : vector<1x1024xi1>, vector<1x1024xf32>
    %slice3A_1492 = vector.extract_strided_slice %logistic3A_1218 {offsets = [46, 0], sizes = [1, 1024], strides = [1, 1]} : vector<80x1024xf32> to vector<1x1024xf32>
    %gt3A_1493 = arith.cmpf ogt, %slice3A_1492, %select_n3A_1488 : vector<1x1024xf32>
    %select_n3A_1494 = arith.select %gt3A_1493, %slice3A_1492, %select_n3A_1488 : vector<1x1024xi1>, vector<1x1024xf32>
    %jit3A_1495 = arith.constant 4.600000e+01 : f32
    %broadcast_in_dim3A_1496 = vector.broadcast %jit3A_1495 : f32 to vector<1x1024xf32>
    %select_n3A_1497 = arith.select %gt3A_1493, %broadcast_in_dim3A_1496, %select_n3A_1491 : vector<1x1024xi1>, vector<1x1024xf32>
    %slice3A_1498 = vector.extract_strided_slice %logistic3A_1218 {offsets = [47, 0], sizes = [1, 1024], strides = [1, 1]} : vector<80x1024xf32> to vector<1x1024xf32>
    %gt3A_1499 = arith.cmpf ogt, %slice3A_1498, %select_n3A_1494 : vector<1x1024xf32>
    %select_n3A_1500 = arith.select %gt3A_1499, %slice3A_1498, %select_n3A_1494 : vector<1x1024xi1>, vector<1x1024xf32>
    %jit3A_1501 = arith.constant 4.700000e+01 : f32
    %broadcast_in_dim3A_1502 = vector.broadcast %jit3A_1501 : f32 to vector<1x1024xf32>
    %select_n3A_1503 = arith.select %gt3A_1499, %broadcast_in_dim3A_1502, %select_n3A_1497 : vector<1x1024xi1>, vector<1x1024xf32>
    %slice3A_1504 = vector.extract_strided_slice %logistic3A_1218 {offsets = [48, 0], sizes = [1, 1024], strides = [1, 1]} : vector<80x1024xf32> to vector<1x1024xf32>
    %gt3A_1505 = arith.cmpf ogt, %slice3A_1504, %select_n3A_1500 : vector<1x1024xf32>
    %select_n3A_1506 = arith.select %gt3A_1505, %slice3A_1504, %select_n3A_1500 : vector<1x1024xi1>, vector<1x1024xf32>
    %jit3A_1507 = arith.constant 4.800000e+01 : f32
    %broadcast_in_dim3A_1508 = vector.broadcast %jit3A_1507 : f32 to vector<1x1024xf32>
    %select_n3A_1509 = arith.select %gt3A_1505, %broadcast_in_dim3A_1508, %select_n3A_1503 : vector<1x1024xi1>, vector<1x1024xf32>
    %slice3A_1510 = vector.extract_strided_slice %logistic3A_1218 {offsets = [49, 0], sizes = [1, 1024], strides = [1, 1]} : vector<80x1024xf32> to vector<1x1024xf32>
    %gt3A_1511 = arith.cmpf ogt, %slice3A_1510, %select_n3A_1506 : vector<1x1024xf32>
    %select_n3A_1512 = arith.select %gt3A_1511, %slice3A_1510, %select_n3A_1506 : vector<1x1024xi1>, vector<1x1024xf32>
    %jit3A_1513 = arith.constant 4.900000e+01 : f32
    %broadcast_in_dim3A_1514 = vector.broadcast %jit3A_1513 : f32 to vector<1x1024xf32>
    %select_n3A_1515 = arith.select %gt3A_1511, %broadcast_in_dim3A_1514, %select_n3A_1509 : vector<1x1024xi1>, vector<1x1024xf32>
    %slice3A_1516 = vector.extract_strided_slice %logistic3A_1218 {offsets = [50, 0], sizes = [1, 1024], strides = [1, 1]} : vector<80x1024xf32> to vector<1x1024xf32>
    %gt3A_1517 = arith.cmpf ogt, %slice3A_1516, %select_n3A_1512 : vector<1x1024xf32>
    %select_n3A_1518 = arith.select %gt3A_1517, %slice3A_1516, %select_n3A_1512 : vector<1x1024xi1>, vector<1x1024xf32>
    %jit3A_1519 = arith.constant 5.000000e+01 : f32
    %broadcast_in_dim3A_1520 = vector.broadcast %jit3A_1519 : f32 to vector<1x1024xf32>
    %select_n3A_1521 = arith.select %gt3A_1517, %broadcast_in_dim3A_1520, %select_n3A_1515 : vector<1x1024xi1>, vector<1x1024xf32>
    %slice3A_1522 = vector.extract_strided_slice %logistic3A_1218 {offsets = [51, 0], sizes = [1, 1024], strides = [1, 1]} : vector<80x1024xf32> to vector<1x1024xf32>
    %gt3A_1523 = arith.cmpf ogt, %slice3A_1522, %select_n3A_1518 : vector<1x1024xf32>
    %select_n3A_1524 = arith.select %gt3A_1523, %slice3A_1522, %select_n3A_1518 : vector<1x1024xi1>, vector<1x1024xf32>
    %jit3A_1525 = arith.constant 5.100000e+01 : f32
    %broadcast_in_dim3A_1526 = vector.broadcast %jit3A_1525 : f32 to vector<1x1024xf32>
    %select_n3A_1527 = arith.select %gt3A_1523, %broadcast_in_dim3A_1526, %select_n3A_1521 : vector<1x1024xi1>, vector<1x1024xf32>
    %slice3A_1528 = vector.extract_strided_slice %logistic3A_1218 {offsets = [52, 0], sizes = [1, 1024], strides = [1, 1]} : vector<80x1024xf32> to vector<1x1024xf32>
    %gt3A_1529 = arith.cmpf ogt, %slice3A_1528, %select_n3A_1524 : vector<1x1024xf32>
    %select_n3A_1530 = arith.select %gt3A_1529, %slice3A_1528, %select_n3A_1524 : vector<1x1024xi1>, vector<1x1024xf32>
    %jit3A_1531 = arith.constant 5.200000e+01 : f32
    %broadcast_in_dim3A_1532 = vector.broadcast %jit3A_1531 : f32 to vector<1x1024xf32>
    %select_n3A_1533 = arith.select %gt3A_1529, %broadcast_in_dim3A_1532, %select_n3A_1527 : vector<1x1024xi1>, vector<1x1024xf32>
    %slice3A_1534 = vector.extract_strided_slice %logistic3A_1218 {offsets = [53, 0], sizes = [1, 1024], strides = [1, 1]} : vector<80x1024xf32> to vector<1x1024xf32>
    %gt3A_1535 = arith.cmpf ogt, %slice3A_1534, %select_n3A_1530 : vector<1x1024xf32>
    %select_n3A_1536 = arith.select %gt3A_1535, %slice3A_1534, %select_n3A_1530 : vector<1x1024xi1>, vector<1x1024xf32>
    %jit3A_1537 = arith.constant 5.300000e+01 : f32
    %broadcast_in_dim3A_1538 = vector.broadcast %jit3A_1537 : f32 to vector<1x1024xf32>
    %select_n3A_1539 = arith.select %gt3A_1535, %broadcast_in_dim3A_1538, %select_n3A_1533 : vector<1x1024xi1>, vector<1x1024xf32>
    %slice3A_1540 = vector.extract_strided_slice %logistic3A_1218 {offsets = [54, 0], sizes = [1, 1024], strides = [1, 1]} : vector<80x1024xf32> to vector<1x1024xf32>
    %gt3A_1541 = arith.cmpf ogt, %slice3A_1540, %select_n3A_1536 : vector<1x1024xf32>
    %select_n3A_1542 = arith.select %gt3A_1541, %slice3A_1540, %select_n3A_1536 : vector<1x1024xi1>, vector<1x1024xf32>
    %jit3A_1543 = arith.constant 5.400000e+01 : f32
    %broadcast_in_dim3A_1544 = vector.broadcast %jit3A_1543 : f32 to vector<1x1024xf32>
    %select_n3A_1545 = arith.select %gt3A_1541, %broadcast_in_dim3A_1544, %select_n3A_1539 : vector<1x1024xi1>, vector<1x1024xf32>
    %slice3A_1546 = vector.extract_strided_slice %logistic3A_1218 {offsets = [55, 0], sizes = [1, 1024], strides = [1, 1]} : vector<80x1024xf32> to vector<1x1024xf32>
    %gt3A_1547 = arith.cmpf ogt, %slice3A_1546, %select_n3A_1542 : vector<1x1024xf32>
    %select_n3A_1548 = arith.select %gt3A_1547, %slice3A_1546, %select_n3A_1542 : vector<1x1024xi1>, vector<1x1024xf32>
    %jit3A_1549 = arith.constant 5.500000e+01 : f32
    %broadcast_in_dim3A_1550 = vector.broadcast %jit3A_1549 : f32 to vector<1x1024xf32>
    %select_n3A_1551 = arith.select %gt3A_1547, %broadcast_in_dim3A_1550, %select_n3A_1545 : vector<1x1024xi1>, vector<1x1024xf32>
    %slice3A_1552 = vector.extract_strided_slice %logistic3A_1218 {offsets = [56, 0], sizes = [1, 1024], strides = [1, 1]} : vector<80x1024xf32> to vector<1x1024xf32>
    %gt3A_1553 = arith.cmpf ogt, %slice3A_1552, %select_n3A_1548 : vector<1x1024xf32>
    %select_n3A_1554 = arith.select %gt3A_1553, %slice3A_1552, %select_n3A_1548 : vector<1x1024xi1>, vector<1x1024xf32>
    %jit3A_1555 = arith.constant 5.600000e+01 : f32
    %broadcast_in_dim3A_1556 = vector.broadcast %jit3A_1555 : f32 to vector<1x1024xf32>
    %select_n3A_1557 = arith.select %gt3A_1553, %broadcast_in_dim3A_1556, %select_n3A_1551 : vector<1x1024xi1>, vector<1x1024xf32>
    %slice3A_1558 = vector.extract_strided_slice %logistic3A_1218 {offsets = [57, 0], sizes = [1, 1024], strides = [1, 1]} : vector<80x1024xf32> to vector<1x1024xf32>
    %gt3A_1559 = arith.cmpf ogt, %slice3A_1558, %select_n3A_1554 : vector<1x1024xf32>
    %select_n3A_1560 = arith.select %gt3A_1559, %slice3A_1558, %select_n3A_1554 : vector<1x1024xi1>, vector<1x1024xf32>
    %jit3A_1561 = arith.constant 5.700000e+01 : f32
    %broadcast_in_dim3A_1562 = vector.broadcast %jit3A_1561 : f32 to vector<1x1024xf32>
    %select_n3A_1563 = arith.select %gt3A_1559, %broadcast_in_dim3A_1562, %select_n3A_1557 : vector<1x1024xi1>, vector<1x1024xf32>
    %slice3A_1564 = vector.extract_strided_slice %logistic3A_1218 {offsets = [58, 0], sizes = [1, 1024], strides = [1, 1]} : vector<80x1024xf32> to vector<1x1024xf32>
    %gt3A_1565 = arith.cmpf ogt, %slice3A_1564, %select_n3A_1560 : vector<1x1024xf32>
    %select_n3A_1566 = arith.select %gt3A_1565, %slice3A_1564, %select_n3A_1560 : vector<1x1024xi1>, vector<1x1024xf32>
    %jit3A_1567 = arith.constant 5.800000e+01 : f32
    %broadcast_in_dim3A_1568 = vector.broadcast %jit3A_1567 : f32 to vector<1x1024xf32>
    %select_n3A_1569 = arith.select %gt3A_1565, %broadcast_in_dim3A_1568, %select_n3A_1563 : vector<1x1024xi1>, vector<1x1024xf32>
    %slice3A_1570 = vector.extract_strided_slice %logistic3A_1218 {offsets = [59, 0], sizes = [1, 1024], strides = [1, 1]} : vector<80x1024xf32> to vector<1x1024xf32>
    %gt3A_1571 = arith.cmpf ogt, %slice3A_1570, %select_n3A_1566 : vector<1x1024xf32>
    %select_n3A_1572 = arith.select %gt3A_1571, %slice3A_1570, %select_n3A_1566 : vector<1x1024xi1>, vector<1x1024xf32>
    %jit3A_1573 = arith.constant 5.900000e+01 : f32
    %broadcast_in_dim3A_1574 = vector.broadcast %jit3A_1573 : f32 to vector<1x1024xf32>
    %select_n3A_1575 = arith.select %gt3A_1571, %broadcast_in_dim3A_1574, %select_n3A_1569 : vector<1x1024xi1>, vector<1x1024xf32>
    %slice3A_1576 = vector.extract_strided_slice %logistic3A_1218 {offsets = [60, 0], sizes = [1, 1024], strides = [1, 1]} : vector<80x1024xf32> to vector<1x1024xf32>
    %gt3A_1577 = arith.cmpf ogt, %slice3A_1576, %select_n3A_1572 : vector<1x1024xf32>
    %select_n3A_1578 = arith.select %gt3A_1577, %slice3A_1576, %select_n3A_1572 : vector<1x1024xi1>, vector<1x1024xf32>
    %jit3A_1579 = arith.constant 6.000000e+01 : f32
    %broadcast_in_dim3A_1580 = vector.broadcast %jit3A_1579 : f32 to vector<1x1024xf32>
    %select_n3A_1581 = arith.select %gt3A_1577, %broadcast_in_dim3A_1580, %select_n3A_1575 : vector<1x1024xi1>, vector<1x1024xf32>
    %slice3A_1582 = vector.extract_strided_slice %logistic3A_1218 {offsets = [61, 0], sizes = [1, 1024], strides = [1, 1]} : vector<80x1024xf32> to vector<1x1024xf32>
    %gt3A_1583 = arith.cmpf ogt, %slice3A_1582, %select_n3A_1578 : vector<1x1024xf32>
    %select_n3A_1584 = arith.select %gt3A_1583, %slice3A_1582, %select_n3A_1578 : vector<1x1024xi1>, vector<1x1024xf32>
    %jit3A_1585 = arith.constant 6.100000e+01 : f32
    %broadcast_in_dim3A_1586 = vector.broadcast %jit3A_1585 : f32 to vector<1x1024xf32>
    %select_n3A_1587 = arith.select %gt3A_1583, %broadcast_in_dim3A_1586, %select_n3A_1581 : vector<1x1024xi1>, vector<1x1024xf32>
    %slice3A_1588 = vector.extract_strided_slice %logistic3A_1218 {offsets = [62, 0], sizes = [1, 1024], strides = [1, 1]} : vector<80x1024xf32> to vector<1x1024xf32>
    %gt3A_1589 = arith.cmpf ogt, %slice3A_1588, %select_n3A_1584 : vector<1x1024xf32>
    %select_n3A_1590 = arith.select %gt3A_1589, %slice3A_1588, %select_n3A_1584 : vector<1x1024xi1>, vector<1x1024xf32>
    %jit3A_1591 = arith.constant 6.200000e+01 : f32
    %broadcast_in_dim3A_1592 = vector.broadcast %jit3A_1591 : f32 to vector<1x1024xf32>
    %select_n3A_1593 = arith.select %gt3A_1589, %broadcast_in_dim3A_1592, %select_n3A_1587 : vector<1x1024xi1>, vector<1x1024xf32>
    %slice3A_1594 = vector.extract_strided_slice %logistic3A_1218 {offsets = [63, 0], sizes = [1, 1024], strides = [1, 1]} : vector<80x1024xf32> to vector<1x1024xf32>
    %gt3A_1595 = arith.cmpf ogt, %slice3A_1594, %select_n3A_1590 : vector<1x1024xf32>
    %select_n3A_1596 = arith.select %gt3A_1595, %slice3A_1594, %select_n3A_1590 : vector<1x1024xi1>, vector<1x1024xf32>
    %jit3A_1597 = arith.constant 6.300000e+01 : f32
    %broadcast_in_dim3A_1598 = vector.broadcast %jit3A_1597 : f32 to vector<1x1024xf32>
    %select_n3A_1599 = arith.select %gt3A_1595, %broadcast_in_dim3A_1598, %select_n3A_1593 : vector<1x1024xi1>, vector<1x1024xf32>
    %slice3A_1600 = vector.extract_strided_slice %logistic3A_1218 {offsets = [64, 0], sizes = [1, 1024], strides = [1, 1]} : vector<80x1024xf32> to vector<1x1024xf32>
    %gt3A_1601 = arith.cmpf ogt, %slice3A_1600, %select_n3A_1596 : vector<1x1024xf32>
    %select_n3A_1602 = arith.select %gt3A_1601, %slice3A_1600, %select_n3A_1596 : vector<1x1024xi1>, vector<1x1024xf32>
    %jit3A_1603 = arith.constant 6.400000e+01 : f32
    %broadcast_in_dim3A_1604 = vector.broadcast %jit3A_1603 : f32 to vector<1x1024xf32>
    %select_n3A_1605 = arith.select %gt3A_1601, %broadcast_in_dim3A_1604, %select_n3A_1599 : vector<1x1024xi1>, vector<1x1024xf32>
    %slice3A_1606 = vector.extract_strided_slice %logistic3A_1218 {offsets = [65, 0], sizes = [1, 1024], strides = [1, 1]} : vector<80x1024xf32> to vector<1x1024xf32>
    %gt3A_1607 = arith.cmpf ogt, %slice3A_1606, %select_n3A_1602 : vector<1x1024xf32>
    %select_n3A_1608 = arith.select %gt3A_1607, %slice3A_1606, %select_n3A_1602 : vector<1x1024xi1>, vector<1x1024xf32>
    %jit3A_1609 = arith.constant 6.500000e+01 : f32
    %broadcast_in_dim3A_1610 = vector.broadcast %jit3A_1609 : f32 to vector<1x1024xf32>
    %select_n3A_1611 = arith.select %gt3A_1607, %broadcast_in_dim3A_1610, %select_n3A_1605 : vector<1x1024xi1>, vector<1x1024xf32>
    %slice3A_1612 = vector.extract_strided_slice %logistic3A_1218 {offsets = [66, 0], sizes = [1, 1024], strides = [1, 1]} : vector<80x1024xf32> to vector<1x1024xf32>
    %gt3A_1613 = arith.cmpf ogt, %slice3A_1612, %select_n3A_1608 : vector<1x1024xf32>
    %select_n3A_1614 = arith.select %gt3A_1613, %slice3A_1612, %select_n3A_1608 : vector<1x1024xi1>, vector<1x1024xf32>
    %jit3A_1615 = arith.constant 6.600000e+01 : f32
    %broadcast_in_dim3A_1616 = vector.broadcast %jit3A_1615 : f32 to vector<1x1024xf32>
    %select_n3A_1617 = arith.select %gt3A_1613, %broadcast_in_dim3A_1616, %select_n3A_1611 : vector<1x1024xi1>, vector<1x1024xf32>
    %slice3A_1618 = vector.extract_strided_slice %logistic3A_1218 {offsets = [67, 0], sizes = [1, 1024], strides = [1, 1]} : vector<80x1024xf32> to vector<1x1024xf32>
    %gt3A_1619 = arith.cmpf ogt, %slice3A_1618, %select_n3A_1614 : vector<1x1024xf32>
    %select_n3A_1620 = arith.select %gt3A_1619, %slice3A_1618, %select_n3A_1614 : vector<1x1024xi1>, vector<1x1024xf32>
    %jit3A_1621 = arith.constant 6.700000e+01 : f32
    %broadcast_in_dim3A_1622 = vector.broadcast %jit3A_1621 : f32 to vector<1x1024xf32>
    %select_n3A_1623 = arith.select %gt3A_1619, %broadcast_in_dim3A_1622, %select_n3A_1617 : vector<1x1024xi1>, vector<1x1024xf32>
    %slice3A_1624 = vector.extract_strided_slice %logistic3A_1218 {offsets = [68, 0], sizes = [1, 1024], strides = [1, 1]} : vector<80x1024xf32> to vector<1x1024xf32>
    %gt3A_1625 = arith.cmpf ogt, %slice3A_1624, %select_n3A_1620 : vector<1x1024xf32>
    %select_n3A_1626 = arith.select %gt3A_1625, %slice3A_1624, %select_n3A_1620 : vector<1x1024xi1>, vector<1x1024xf32>
    %jit3A_1627 = arith.constant 6.800000e+01 : f32
    %broadcast_in_dim3A_1628 = vector.broadcast %jit3A_1627 : f32 to vector<1x1024xf32>
    %select_n3A_1629 = arith.select %gt3A_1625, %broadcast_in_dim3A_1628, %select_n3A_1623 : vector<1x1024xi1>, vector<1x1024xf32>
    %slice3A_1630 = vector.extract_strided_slice %logistic3A_1218 {offsets = [69, 0], sizes = [1, 1024], strides = [1, 1]} : vector<80x1024xf32> to vector<1x1024xf32>
    %gt3A_1631 = arith.cmpf ogt, %slice3A_1630, %select_n3A_1626 : vector<1x1024xf32>
    %select_n3A_1632 = arith.select %gt3A_1631, %slice3A_1630, %select_n3A_1626 : vector<1x1024xi1>, vector<1x1024xf32>
    %jit3A_1633 = arith.constant 6.900000e+01 : f32
    %broadcast_in_dim3A_1634 = vector.broadcast %jit3A_1633 : f32 to vector<1x1024xf32>
    %select_n3A_1635 = arith.select %gt3A_1631, %broadcast_in_dim3A_1634, %select_n3A_1629 : vector<1x1024xi1>, vector<1x1024xf32>
    %slice3A_1636 = vector.extract_strided_slice %logistic3A_1218 {offsets = [70, 0], sizes = [1, 1024], strides = [1, 1]} : vector<80x1024xf32> to vector<1x1024xf32>
    %gt3A_1637 = arith.cmpf ogt, %slice3A_1636, %select_n3A_1632 : vector<1x1024xf32>
    %select_n3A_1638 = arith.select %gt3A_1637, %slice3A_1636, %select_n3A_1632 : vector<1x1024xi1>, vector<1x1024xf32>
    %jit3A_1639 = arith.constant 7.000000e+01 : f32
    %broadcast_in_dim3A_1640 = vector.broadcast %jit3A_1639 : f32 to vector<1x1024xf32>
    %select_n3A_1641 = arith.select %gt3A_1637, %broadcast_in_dim3A_1640, %select_n3A_1635 : vector<1x1024xi1>, vector<1x1024xf32>
    %slice3A_1642 = vector.extract_strided_slice %logistic3A_1218 {offsets = [71, 0], sizes = [1, 1024], strides = [1, 1]} : vector<80x1024xf32> to vector<1x1024xf32>
    %gt3A_1643 = arith.cmpf ogt, %slice3A_1642, %select_n3A_1638 : vector<1x1024xf32>
    %select_n3A_1644 = arith.select %gt3A_1643, %slice3A_1642, %select_n3A_1638 : vector<1x1024xi1>, vector<1x1024xf32>
    %jit3A_1645 = arith.constant 7.100000e+01 : f32
    %broadcast_in_dim3A_1646 = vector.broadcast %jit3A_1645 : f32 to vector<1x1024xf32>
    %select_n3A_1647 = arith.select %gt3A_1643, %broadcast_in_dim3A_1646, %select_n3A_1641 : vector<1x1024xi1>, vector<1x1024xf32>
    %slice3A_1648 = vector.extract_strided_slice %logistic3A_1218 {offsets = [72, 0], sizes = [1, 1024], strides = [1, 1]} : vector<80x1024xf32> to vector<1x1024xf32>
    %gt3A_1649 = arith.cmpf ogt, %slice3A_1648, %select_n3A_1644 : vector<1x1024xf32>
    %select_n3A_1650 = arith.select %gt3A_1649, %slice3A_1648, %select_n3A_1644 : vector<1x1024xi1>, vector<1x1024xf32>
    %jit3A_1651 = arith.constant 7.200000e+01 : f32
    %broadcast_in_dim3A_1652 = vector.broadcast %jit3A_1651 : f32 to vector<1x1024xf32>
    %select_n3A_1653 = arith.select %gt3A_1649, %broadcast_in_dim3A_1652, %select_n3A_1647 : vector<1x1024xi1>, vector<1x1024xf32>
    %slice3A_1654 = vector.extract_strided_slice %logistic3A_1218 {offsets = [73, 0], sizes = [1, 1024], strides = [1, 1]} : vector<80x1024xf32> to vector<1x1024xf32>
    %gt3A_1655 = arith.cmpf ogt, %slice3A_1654, %select_n3A_1650 : vector<1x1024xf32>
    %select_n3A_1656 = arith.select %gt3A_1655, %slice3A_1654, %select_n3A_1650 : vector<1x1024xi1>, vector<1x1024xf32>
    %jit3A_1657 = arith.constant 7.300000e+01 : f32
    %broadcast_in_dim3A_1658 = vector.broadcast %jit3A_1657 : f32 to vector<1x1024xf32>
    %select_n3A_1659 = arith.select %gt3A_1655, %broadcast_in_dim3A_1658, %select_n3A_1653 : vector<1x1024xi1>, vector<1x1024xf32>
    %slice3A_1660 = vector.extract_strided_slice %logistic3A_1218 {offsets = [74, 0], sizes = [1, 1024], strides = [1, 1]} : vector<80x1024xf32> to vector<1x1024xf32>
    %gt3A_1661 = arith.cmpf ogt, %slice3A_1660, %select_n3A_1656 : vector<1x1024xf32>
    %select_n3A_1662 = arith.select %gt3A_1661, %slice3A_1660, %select_n3A_1656 : vector<1x1024xi1>, vector<1x1024xf32>
    %jit3A_1663 = arith.constant 7.400000e+01 : f32
    %broadcast_in_dim3A_1664 = vector.broadcast %jit3A_1663 : f32 to vector<1x1024xf32>
    %select_n3A_1665 = arith.select %gt3A_1661, %broadcast_in_dim3A_1664, %select_n3A_1659 : vector<1x1024xi1>, vector<1x1024xf32>
    %slice3A_1666 = vector.extract_strided_slice %logistic3A_1218 {offsets = [75, 0], sizes = [1, 1024], strides = [1, 1]} : vector<80x1024xf32> to vector<1x1024xf32>
    %gt3A_1667 = arith.cmpf ogt, %slice3A_1666, %select_n3A_1662 : vector<1x1024xf32>
    %select_n3A_1668 = arith.select %gt3A_1667, %slice3A_1666, %select_n3A_1662 : vector<1x1024xi1>, vector<1x1024xf32>
    %jit3A_1669 = arith.constant 7.500000e+01 : f32
    %broadcast_in_dim3A_1670 = vector.broadcast %jit3A_1669 : f32 to vector<1x1024xf32>
    %select_n3A_1671 = arith.select %gt3A_1667, %broadcast_in_dim3A_1670, %select_n3A_1665 : vector<1x1024xi1>, vector<1x1024xf32>
    %slice3A_1672 = vector.extract_strided_slice %logistic3A_1218 {offsets = [76, 0], sizes = [1, 1024], strides = [1, 1]} : vector<80x1024xf32> to vector<1x1024xf32>
    %gt3A_1673 = arith.cmpf ogt, %slice3A_1672, %select_n3A_1668 : vector<1x1024xf32>
    %select_n3A_1674 = arith.select %gt3A_1673, %slice3A_1672, %select_n3A_1668 : vector<1x1024xi1>, vector<1x1024xf32>
    %jit3A_1675 = arith.constant 7.600000e+01 : f32
    %broadcast_in_dim3A_1676 = vector.broadcast %jit3A_1675 : f32 to vector<1x1024xf32>
    %select_n3A_1677 = arith.select %gt3A_1673, %broadcast_in_dim3A_1676, %select_n3A_1671 : vector<1x1024xi1>, vector<1x1024xf32>
    %slice3A_1678 = vector.extract_strided_slice %logistic3A_1218 {offsets = [77, 0], sizes = [1, 1024], strides = [1, 1]} : vector<80x1024xf32> to vector<1x1024xf32>
    %gt3A_1679 = arith.cmpf ogt, %slice3A_1678, %select_n3A_1674 : vector<1x1024xf32>
    %select_n3A_1680 = arith.select %gt3A_1679, %slice3A_1678, %select_n3A_1674 : vector<1x1024xi1>, vector<1x1024xf32>
    %jit3A_1681 = arith.constant 7.700000e+01 : f32
    %broadcast_in_dim3A_1682 = vector.broadcast %jit3A_1681 : f32 to vector<1x1024xf32>
    %select_n3A_1683 = arith.select %gt3A_1679, %broadcast_in_dim3A_1682, %select_n3A_1677 : vector<1x1024xi1>, vector<1x1024xf32>
    %slice3A_1684 = vector.extract_strided_slice %logistic3A_1218 {offsets = [78, 0], sizes = [1, 1024], strides = [1, 1]} : vector<80x1024xf32> to vector<1x1024xf32>
    %gt3A_1685 = arith.cmpf ogt, %slice3A_1684, %select_n3A_1680 : vector<1x1024xf32>
    %select_n3A_1686 = arith.select %gt3A_1685, %slice3A_1684, %select_n3A_1680 : vector<1x1024xi1>, vector<1x1024xf32>
    %jit3A_1687 = arith.constant 7.800000e+01 : f32
    %broadcast_in_dim3A_1688 = vector.broadcast %jit3A_1687 : f32 to vector<1x1024xf32>
    %select_n3A_1689 = arith.select %gt3A_1685, %broadcast_in_dim3A_1688, %select_n3A_1683 : vector<1x1024xi1>, vector<1x1024xf32>
    %slice3A_1690 = vector.extract_strided_slice %logistic3A_1218 {offsets = [79, 0], sizes = [1, 1024], strides = [1, 1]} : vector<80x1024xf32> to vector<1x1024xf32>
    %gt3A_1691 = arith.cmpf ogt, %slice3A_1690, %select_n3A_1686 : vector<1x1024xf32>
    %jit3A_1692 = arith.constant 7.900000e+01 : f32
    %broadcast_in_dim3A_1693 = vector.broadcast %jit3A_1692 : f32 to vector<1x1024xf32>
    %select_n3A_1694 = arith.select %gt3A_1691, %broadcast_in_dim3A_1693, %select_n3A_1689 : vector<1x1024xi1>, vector<1x1024xf32>
    %div3A_1695 = arith.constant 2.000000e+00 : f32
    %div3A_1696 = vector.broadcast %div3A_1695 : f32 to vector<1x1024xf32>
    %div3A_1697 = arith.divf %mul3A_1196, %div3A_1696 : vector<1x1024xf32>
    %sub3A_1698 = arith.subf %mul3A_1177, %div3A_1697 : vector<1x1024xf32>
    %div3A_1699 = arith.constant 2.000000e+00 : f32
    %div3A_1700 = vector.broadcast %div3A_1699 : f32 to vector<1x1024xf32>
    %div3A_1701 = arith.divf %mul3A_1204, %div3A_1700 : vector<1x1024xf32>
    %sub3A_1702 = arith.subf %mul3A_1188, %div3A_1701 : vector<1x1024xf32>
    %div3A_1703 = arith.constant 2.000000e+00 : f32
    %div3A_1704 = vector.broadcast %div3A_1703 : f32 to vector<1x1024xf32>
    %div3A_1705 = arith.divf %mul3A_1196, %div3A_1704 : vector<1x1024xf32>
    %add3A_1706 = arith.addf %mul3A_1177, %div3A_1705 : vector<1x1024xf32>
    %div3A_1707 = arith.constant 2.000000e+00 : f32
    %div3A_1708 = vector.broadcast %div3A_1707 : f32 to vector<1x1024xf32>
    %div3A_1709 = arith.divf %mul3A_1204, %div3A_1708 : vector<1x1024xf32>
    %add3A_1710 = arith.addf %mul3A_1188, %div3A_1709 : vector<1x1024xf32>
    %sub3A_1711 = arith.subf %add3A_1706, %sub3A_1698 : vector<1x1024xf32>
    %max3A_1712 = arith.constant 0.000000e+00 : f32
    %max3A_1713 = vector.broadcast %max3A_1712 : f32 to vector<1x1024xf32>
    %max3A_1714 = arith.maximumf %sub3A_1711, %max3A_1713 : vector<1x1024xf32>
    %sub3A_1715 = arith.subf %add3A_1710, %sub3A_1702 : vector<1x1024xf32>
    %max3A_1716 = arith.constant 0.000000e+00 : f32
    %max3A_1717 = vector.broadcast %max3A_1716 : f32 to vector<1x1024xf32>
    %max3A_1718 = arith.maximumf %sub3A_1715, %max3A_1717 : vector<1x1024xf32>
    %mul3A_1719 = arith.mulf %max3A_1714, %max3A_1718 : vector<1x1024xf32>
    %broadcast_in_dim3A_1720 = arith.constant 0.000000e+00 : f32
    %broadcast_in_dim3A_1721 = vector.broadcast %broadcast_in_dim3A_1720 : f32 to vector<117x1024xf32>
    %concatenate3A_1722 = tpu.concatenate %mul3A_1177, %mul3A_1188, %mul3A_1196, %mul3A_1204, %logistic3A_1211, %select_n3A_1694, %sub3A_1698, %sub3A_1702, %add3A_1706, %add3A_1710, %mul3A_1719, %broadcast_in_dim3A_1721 in 0 : vector<1x1024xf32>, vector<1x1024xf32>, vector<1x1024xf32>, vector<1x1024xf32>, vector<1x1024xf32>, vector<1x1024xf32>, vector<1x1024xf32>, vector<1x1024xf32>, vector<1x1024xf32>, vector<1x1024xf32>, vector<1x1024xf32>, vector<117x1024xf32> -> vector<128x1024xf32>
    %transpose3A_1723 = tpu.transpose %concatenate3A_1722, [1, 0] : vector<128x1024xf32> -> vector<1024x128xf32>
    %swap3A_1724 = arith.constant 2048 : index
    %swap3A_1725 = arith.constant 0 : index
    %swap3A_1726 = vector.load %arg1[%swap3A_1724, %swap3A_1725] : memref<5120x128xf32, #tpu.memory_space<vmem>>, vector<1024x128xf32>
    tpu.vector_store %arg1[%swap3A_1724, %swap3A_1725], %transpose3A_1723 {strides = array<i32>} : memref<5120x128xf32, #tpu.memory_space<vmem>>, vector<1024x128xf32>,
    %swap3A_1727 = arith.constant 0 : index
    %swap3A_1728 = arith.constant 2048 : index
    %swap3A_1729 = vector.load %arg2[%swap3A_1727, %swap3A_1728] : memref<1x5120xf32, #tpu.memory_space<vmem>>, vector<1x1024xf32>
    tpu.vector_store %arg2[%swap3A_1727, %swap3A_1728], %logistic3A_1211 {strides = array<i32>} : memref<1x5120xf32, #tpu.memory_space<vmem>>, vector<1x1024xf32>,
    %get3A_1730 = arith.constant 255 : index
    %get3A_1731 = arith.constant 0 : index
    %get3A_1732 = vector.load %arg0[%get3A_1730, %get3A_1731] : memref<425x1024xf32, #tpu.memory_space<vmem>>, vector<85x1024xf32>
    %slice3A_1733 = vector.extract_strided_slice %get3A_1732 {offsets = [0, 0], sizes = [1, 1024], strides = [1, 1]} : vector<85x1024xf32> to vector<1x1024xf32>
    %logistic3A_1734 = arith.negf %slice3A_1733 : vector<1x1024xf32>
    %logistic3A_1735 = math.exp %logistic3A_1734 : vector<1x1024xf32>
    %logistic3A_1736 = arith.constant 1.000000e+00 : f32
    %logistic3A_1737 = vector.broadcast %logistic3A_1736 : f32 to vector<1x1024xf32>
    %logistic3A_1738 = arith.addf %logistic3A_1737, %logistic3A_1735 : vector<1x1024xf32>
    %logistic3A_1739 = arith.divf %logistic3A_1737, %logistic3A_1738 : vector<1x1024xf32>
    %add3A_1740 = arith.addf %logistic3A_1739, %convert_element_type3A : vector<1x1024xf32>
    %mul3A_1741 = arith.constant 1.600000e+01 : f32
    %mul3A_1742 = vector.broadcast %mul3A_1741 : f32 to vector<1x1024xf32>
    %mul3A_1743 = arith.mulf %add3A_1740, %mul3A_1742 : vector<1x1024xf32>
    %slice3A_1744 = vector.extract_strided_slice %get3A_1732 {offsets = [1, 0], sizes = [1, 1024], strides = [1, 1]} : vector<85x1024xf32> to vector<1x1024xf32>
    %logistic3A_1745 = arith.negf %slice3A_1744 : vector<1x1024xf32>
    %logistic3A_1746 = math.exp %logistic3A_1745 : vector<1x1024xf32>
    %logistic3A_1747 = arith.constant 1.000000e+00 : f32
    %logistic3A_1748 = vector.broadcast %logistic3A_1747 : f32 to vector<1x1024xf32>
    %logistic3A_1749 = arith.addf %logistic3A_1748, %logistic3A_1746 : vector<1x1024xf32>
    %logistic3A_1750 = arith.divf %logistic3A_1748, %logistic3A_1749 : vector<1x1024xf32>
    %add3A_1751 = arith.addf %logistic3A_1750, %convert_element_type3A_42 : vector<1x1024xf32>
    %mul3A_1752 = arith.constant 1.600000e+01 : f32
    %mul3A_1753 = vector.broadcast %mul3A_1752 : f32 to vector<1x1024xf32>
    %mul3A_1754 = arith.mulf %add3A_1751, %mul3A_1753 : vector<1x1024xf32>
    %slice3A_1755 = vector.extract_strided_slice %get3A_1732 {offsets = [2, 0], sizes = [1, 1024], strides = [1, 1]} : vector<85x1024xf32> to vector<1x1024xf32>
    %exp3A_1756 = math.exp %slice3A_1755 : vector<1x1024xf32>
    %mul3A_1757 = arith.constant 9.47111988 : f32
    %mul3A_1758 = vector.broadcast %mul3A_1757 : f32 to vector<1x1024xf32>
    %mul3A_1759 = arith.mulf %exp3A_1756, %mul3A_1758 : vector<1x1024xf32>
    %mul3A_1760 = arith.constant 1.600000e+01 : f32
    %mul3A_1761 = vector.broadcast %mul3A_1760 : f32 to vector<1x1024xf32>
    %mul3A_1762 = arith.mulf %mul3A_1759, %mul3A_1761 : vector<1x1024xf32>
    %slice3A_1763 = vector.extract_strided_slice %get3A_1732 {offsets = [3, 0], sizes = [1, 1024], strides = [1, 1]} : vector<85x1024xf32> to vector<1x1024xf32>
    %exp3A_1764 = math.exp %slice3A_1763 : vector<1x1024xf32>
    %mul3A_1765 = arith.constant 4.840530e+00 : f32
    %mul3A_1766 = vector.broadcast %mul3A_1765 : f32 to vector<1x1024xf32>
    %mul3A_1767 = arith.mulf %exp3A_1764, %mul3A_1766 : vector<1x1024xf32>
    %mul3A_1768 = arith.constant 1.600000e+01 : f32
    %mul3A_1769 = vector.broadcast %mul3A_1768 : f32 to vector<1x1024xf32>
    %mul3A_1770 = arith.mulf %mul3A_1767, %mul3A_1769 : vector<1x1024xf32>
    %slice3A_1771 = vector.extract_strided_slice %get3A_1732 {offsets = [4, 0], sizes = [1, 1024], strides = [1, 1]} : vector<85x1024xf32> to vector<1x1024xf32>
    %logistic3A_1772 = arith.negf %slice3A_1771 : vector<1x1024xf32>
    %logistic3A_1773 = math.exp %logistic3A_1772 : vector<1x1024xf32>
    %logistic3A_1774 = arith.constant 1.000000e+00 : f32
    %logistic3A_1775 = vector.broadcast %logistic3A_1774 : f32 to vector<1x1024xf32>
    %logistic3A_1776 = arith.addf %logistic3A_1775, %logistic3A_1773 : vector<1x1024xf32>
    %logistic3A_1777 = arith.divf %logistic3A_1775, %logistic3A_1776 : vector<1x1024xf32>
    %slice3A_1778 = vector.extract_strided_slice %get3A_1732 {offsets = [5, 0], sizes = [80, 1024], strides = [1, 1]} : vector<85x1024xf32> to vector<80x1024xf32>
    %logistic3A_1779 = arith.negf %slice3A_1778 : vector<80x1024xf32>
    %logistic3A_1780 = math.exp %logistic3A_1779 : vector<80x1024xf32>
    %logistic3A_1781 = arith.constant 1.000000e+00 : f32
    %logistic3A_1782 = vector.broadcast %logistic3A_1781 : f32 to vector<80x1024xf32>
    %logistic3A_1783 = arith.addf %logistic3A_1782, %logistic3A_1780 : vector<80x1024xf32>
    %logistic3A_1784 = arith.divf %logistic3A_1782, %logistic3A_1783 : vector<80x1024xf32>
    %slice3A_1785 = vector.extract_strided_slice %logistic3A_1784 {offsets = [0, 0], sizes = [1, 1024], strides = [1, 1]} : vector<80x1024xf32> to vector<1x1024xf32>
    %broadcast_in_dim3A_1786 = arith.constant 0.000000e+00 : f32
    %broadcast_in_dim3A_1787 = vector.broadcast %broadcast_in_dim3A_1786 : f32 to vector<1x1024xf32>
    %slice3A_1788 = vector.extract_strided_slice %logistic3A_1784 {offsets = [1, 0], sizes = [1, 1024], strides = [1, 1]} : vector<80x1024xf32> to vector<1x1024xf32>
    %gt3A_1789 = arith.cmpf ogt, %slice3A_1788, %slice3A_1785 : vector<1x1024xf32>
    %select_n3A_1790 = arith.select %gt3A_1789, %slice3A_1788, %slice3A_1785 : vector<1x1024xi1>, vector<1x1024xf32>
    %jit3A_1791 = arith.constant 1.000000e+00 : f32
    %broadcast_in_dim3A_1792 = vector.broadcast %jit3A_1791 : f32 to vector<1x1024xf32>
    %select_n3A_1793 = arith.select %gt3A_1789, %broadcast_in_dim3A_1792, %broadcast_in_dim3A_1787 : vector<1x1024xi1>, vector<1x1024xf32>
    %slice3A_1794 = vector.extract_strided_slice %logistic3A_1784 {offsets = [2, 0], sizes = [1, 1024], strides = [1, 1]} : vector<80x1024xf32> to vector<1x1024xf32>
    %gt3A_1795 = arith.cmpf ogt, %slice3A_1794, %select_n3A_1790 : vector<1x1024xf32>
    %select_n3A_1796 = arith.select %gt3A_1795, %slice3A_1794, %select_n3A_1790 : vector<1x1024xi1>, vector<1x1024xf32>
    %jit3A_1797 = arith.constant 2.000000e+00 : f32
    %broadcast_in_dim3A_1798 = vector.broadcast %jit3A_1797 : f32 to vector<1x1024xf32>
    %select_n3A_1799 = arith.select %gt3A_1795, %broadcast_in_dim3A_1798, %select_n3A_1793 : vector<1x1024xi1>, vector<1x1024xf32>
    %slice3A_1800 = vector.extract_strided_slice %logistic3A_1784 {offsets = [3, 0], sizes = [1, 1024], strides = [1, 1]} : vector<80x1024xf32> to vector<1x1024xf32>
    %gt3A_1801 = arith.cmpf ogt, %slice3A_1800, %select_n3A_1796 : vector<1x1024xf32>
    %select_n3A_1802 = arith.select %gt3A_1801, %slice3A_1800, %select_n3A_1796 : vector<1x1024xi1>, vector<1x1024xf32>
    %jit3A_1803 = arith.constant 3.000000e+00 : f32
    %broadcast_in_dim3A_1804 = vector.broadcast %jit3A_1803 : f32 to vector<1x1024xf32>
    %select_n3A_1805 = arith.select %gt3A_1801, %broadcast_in_dim3A_1804, %select_n3A_1799 : vector<1x1024xi1>, vector<1x1024xf32>
    %slice3A_1806 = vector.extract_strided_slice %logistic3A_1784 {offsets = [4, 0], sizes = [1, 1024], strides = [1, 1]} : vector<80x1024xf32> to vector<1x1024xf32>
    %gt3A_1807 = arith.cmpf ogt, %slice3A_1806, %select_n3A_1802 : vector<1x1024xf32>
    %select_n3A_1808 = arith.select %gt3A_1807, %slice3A_1806, %select_n3A_1802 : vector<1x1024xi1>, vector<1x1024xf32>
    %jit3A_1809 = arith.constant 4.000000e+00 : f32
    %broadcast_in_dim3A_1810 = vector.broadcast %jit3A_1809 : f32 to vector<1x1024xf32>
    %select_n3A_1811 = arith.select %gt3A_1807, %broadcast_in_dim3A_1810, %select_n3A_1805 : vector<1x1024xi1>, vector<1x1024xf32>
    %slice3A_1812 = vector.extract_strided_slice %logistic3A_1784 {offsets = [5, 0], sizes = [1, 1024], strides = [1, 1]} : vector<80x1024xf32> to vector<1x1024xf32>
    %gt3A_1813 = arith.cmpf ogt, %slice3A_1812, %select_n3A_1808 : vector<1x1024xf32>
    %select_n3A_1814 = arith.select %gt3A_1813, %slice3A_1812, %select_n3A_1808 : vector<1x1024xi1>, vector<1x1024xf32>
    %jit3A_1815 = arith.constant 5.000000e+00 : f32
    %broadcast_in_dim3A_1816 = vector.broadcast %jit3A_1815 : f32 to vector<1x1024xf32>
    %select_n3A_1817 = arith.select %gt3A_1813, %broadcast_in_dim3A_1816, %select_n3A_1811 : vector<1x1024xi1>, vector<1x1024xf32>
    %slice3A_1818 = vector.extract_strided_slice %logistic3A_1784 {offsets = [6, 0], sizes = [1, 1024], strides = [1, 1]} : vector<80x1024xf32> to vector<1x1024xf32>
    %gt3A_1819 = arith.cmpf ogt, %slice3A_1818, %select_n3A_1814 : vector<1x1024xf32>
    %select_n3A_1820 = arith.select %gt3A_1819, %slice3A_1818, %select_n3A_1814 : vector<1x1024xi1>, vector<1x1024xf32>
    %jit3A_1821 = arith.constant 6.000000e+00 : f32
    %broadcast_in_dim3A_1822 = vector.broadcast %jit3A_1821 : f32 to vector<1x1024xf32>
    %select_n3A_1823 = arith.select %gt3A_1819, %broadcast_in_dim3A_1822, %select_n3A_1817 : vector<1x1024xi1>, vector<1x1024xf32>
    %slice3A_1824 = vector.extract_strided_slice %logistic3A_1784 {offsets = [7, 0], sizes = [1, 1024], strides = [1, 1]} : vector<80x1024xf32> to vector<1x1024xf32>
    %gt3A_1825 = arith.cmpf ogt, %slice3A_1824, %select_n3A_1820 : vector<1x1024xf32>
    %select_n3A_1826 = arith.select %gt3A_1825, %slice3A_1824, %select_n3A_1820 : vector<1x1024xi1>, vector<1x1024xf32>
    %jit3A_1827 = arith.constant 7.000000e+00 : f32
    %broadcast_in_dim3A_1828 = vector.broadcast %jit3A_1827 : f32 to vector<1x1024xf32>
    %select_n3A_1829 = arith.select %gt3A_1825, %broadcast_in_dim3A_1828, %select_n3A_1823 : vector<1x1024xi1>, vector<1x1024xf32>
    %slice3A_1830 = vector.extract_strided_slice %logistic3A_1784 {offsets = [8, 0], sizes = [1, 1024], strides = [1, 1]} : vector<80x1024xf32> to vector<1x1024xf32>
    %gt3A_1831 = arith.cmpf ogt, %slice3A_1830, %select_n3A_1826 : vector<1x1024xf32>
    %select_n3A_1832 = arith.select %gt3A_1831, %slice3A_1830, %select_n3A_1826 : vector<1x1024xi1>, vector<1x1024xf32>
    %jit3A_1833 = arith.constant 8.000000e+00 : f32
    %broadcast_in_dim3A_1834 = vector.broadcast %jit3A_1833 : f32 to vector<1x1024xf32>
    %select_n3A_1835 = arith.select %gt3A_1831, %broadcast_in_dim3A_1834, %select_n3A_1829 : vector<1x1024xi1>, vector<1x1024xf32>
    %slice3A_1836 = vector.extract_strided_slice %logistic3A_1784 {offsets = [9, 0], sizes = [1, 1024], strides = [1, 1]} : vector<80x1024xf32> to vector<1x1024xf32>
    %gt3A_1837 = arith.cmpf ogt, %slice3A_1836, %select_n3A_1832 : vector<1x1024xf32>
    %select_n3A_1838 = arith.select %gt3A_1837, %slice3A_1836, %select_n3A_1832 : vector<1x1024xi1>, vector<1x1024xf32>
    %jit3A_1839 = arith.constant 9.000000e+00 : f32
    %broadcast_in_dim3A_1840 = vector.broadcast %jit3A_1839 : f32 to vector<1x1024xf32>
    %select_n3A_1841 = arith.select %gt3A_1837, %broadcast_in_dim3A_1840, %select_n3A_1835 : vector<1x1024xi1>, vector<1x1024xf32>
    %slice3A_1842 = vector.extract_strided_slice %logistic3A_1784 {offsets = [10, 0], sizes = [1, 1024], strides = [1, 1]} : vector<80x1024xf32> to vector<1x1024xf32>
    %gt3A_1843 = arith.cmpf ogt, %slice3A_1842, %select_n3A_1838 : vector<1x1024xf32>
    %select_n3A_1844 = arith.select %gt3A_1843, %slice3A_1842, %select_n3A_1838 : vector<1x1024xi1>, vector<1x1024xf32>
    %jit3A_1845 = arith.constant 1.000000e+01 : f32
    %broadcast_in_dim3A_1846 = vector.broadcast %jit3A_1845 : f32 to vector<1x1024xf32>
    %select_n3A_1847 = arith.select %gt3A_1843, %broadcast_in_dim3A_1846, %select_n3A_1841 : vector<1x1024xi1>, vector<1x1024xf32>
    %slice3A_1848 = vector.extract_strided_slice %logistic3A_1784 {offsets = [11, 0], sizes = [1, 1024], strides = [1, 1]} : vector<80x1024xf32> to vector<1x1024xf32>
    %gt3A_1849 = arith.cmpf ogt, %slice3A_1848, %select_n3A_1844 : vector<1x1024xf32>
    %select_n3A_1850 = arith.select %gt3A_1849, %slice3A_1848, %select_n3A_1844 : vector<1x1024xi1>, vector<1x1024xf32>
    %jit3A_1851 = arith.constant 1.100000e+01 : f32
    %broadcast_in_dim3A_1852 = vector.broadcast %jit3A_1851 : f32 to vector<1x1024xf32>
    %select_n3A_1853 = arith.select %gt3A_1849, %broadcast_in_dim3A_1852, %select_n3A_1847 : vector<1x1024xi1>, vector<1x1024xf32>
    %slice3A_1854 = vector.extract_strided_slice %logistic3A_1784 {offsets = [12, 0], sizes = [1, 1024], strides = [1, 1]} : vector<80x1024xf32> to vector<1x1024xf32>
    %gt3A_1855 = arith.cmpf ogt, %slice3A_1854, %select_n3A_1850 : vector<1x1024xf32>
    %select_n3A_1856 = arith.select %gt3A_1855, %slice3A_1854, %select_n3A_1850 : vector<1x1024xi1>, vector<1x1024xf32>
    %jit3A_1857 = arith.constant 1.200000e+01 : f32
    %broadcast_in_dim3A_1858 = vector.broadcast %jit3A_1857 : f32 to vector<1x1024xf32>
    %select_n3A_1859 = arith.select %gt3A_1855, %broadcast_in_dim3A_1858, %select_n3A_1853 : vector<1x1024xi1>, vector<1x1024xf32>
    %slice3A_1860 = vector.extract_strided_slice %logistic3A_1784 {offsets = [13, 0], sizes = [1, 1024], strides = [1, 1]} : vector<80x1024xf32> to vector<1x1024xf32>
    %gt3A_1861 = arith.cmpf ogt, %slice3A_1860, %select_n3A_1856 : vector<1x1024xf32>
    %select_n3A_1862 = arith.select %gt3A_1861, %slice3A_1860, %select_n3A_1856 : vector<1x1024xi1>, vector<1x1024xf32>
    %jit3A_1863 = arith.constant 1.300000e+01 : f32
    %broadcast_in_dim3A_1864 = vector.broadcast %jit3A_1863 : f32 to vector<1x1024xf32>
    %select_n3A_1865 = arith.select %gt3A_1861, %broadcast_in_dim3A_1864, %select_n3A_1859 : vector<1x1024xi1>, vector<1x1024xf32>
    %slice3A_1866 = vector.extract_strided_slice %logistic3A_1784 {offsets = [14, 0], sizes = [1, 1024], strides = [1, 1]} : vector<80x1024xf32> to vector<1x1024xf32>
    %gt3A_1867 = arith.cmpf ogt, %slice3A_1866, %select_n3A_1862 : vector<1x1024xf32>
    %select_n3A_1868 = arith.select %gt3A_1867, %slice3A_1866, %select_n3A_1862 : vector<1x1024xi1>, vector<1x1024xf32>
    %jit3A_1869 = arith.constant 1.400000e+01 : f32
    %broadcast_in_dim3A_1870 = vector.broadcast %jit3A_1869 : f32 to vector<1x1024xf32>
    %select_n3A_1871 = arith.select %gt3A_1867, %broadcast_in_dim3A_1870, %select_n3A_1865 : vector<1x1024xi1>, vector<1x1024xf32>
    %slice3A_1872 = vector.extract_strided_slice %logistic3A_1784 {offsets = [15, 0], sizes = [1, 1024], strides = [1, 1]} : vector<80x1024xf32> to vector<1x1024xf32>
    %gt3A_1873 = arith.cmpf ogt, %slice3A_1872, %select_n3A_1868 : vector<1x1024xf32>
    %select_n3A_1874 = arith.select %gt3A_1873, %slice3A_1872, %select_n3A_1868 : vector<1x1024xi1>, vector<1x1024xf32>
    %jit3A_1875 = arith.constant 1.500000e+01 : f32
    %broadcast_in_dim3A_1876 = vector.broadcast %jit3A_1875 : f32 to vector<1x1024xf32>
    %select_n3A_1877 = arith.select %gt3A_1873, %broadcast_in_dim3A_1876, %select_n3A_1871 : vector<1x1024xi1>, vector<1x1024xf32>
    %slice3A_1878 = vector.extract_strided_slice %logistic3A_1784 {offsets = [16, 0], sizes = [1, 1024], strides = [1, 1]} : vector<80x1024xf32> to vector<1x1024xf32>
    %gt3A_1879 = arith.cmpf ogt, %slice3A_1878, %select_n3A_1874 : vector<1x1024xf32>
    %select_n3A_1880 = arith.select %gt3A_1879, %slice3A_1878, %select_n3A_1874 : vector<1x1024xi1>, vector<1x1024xf32>
    %jit3A_1881 = arith.constant 1.600000e+01 : f32
    %broadcast_in_dim3A_1882 = vector.broadcast %jit3A_1881 : f32 to vector<1x1024xf32>
    %select_n3A_1883 = arith.select %gt3A_1879, %broadcast_in_dim3A_1882, %select_n3A_1877 : vector<1x1024xi1>, vector<1x1024xf32>
    %slice3A_1884 = vector.extract_strided_slice %logistic3A_1784 {offsets = [17, 0], sizes = [1, 1024], strides = [1, 1]} : vector<80x1024xf32> to vector<1x1024xf32>
    %gt3A_1885 = arith.cmpf ogt, %slice3A_1884, %select_n3A_1880 : vector<1x1024xf32>
    %select_n3A_1886 = arith.select %gt3A_1885, %slice3A_1884, %select_n3A_1880 : vector<1x1024xi1>, vector<1x1024xf32>
    %jit3A_1887 = arith.constant 1.700000e+01 : f32
    %broadcast_in_dim3A_1888 = vector.broadcast %jit3A_1887 : f32 to vector<1x1024xf32>
    %select_n3A_1889 = arith.select %gt3A_1885, %broadcast_in_dim3A_1888, %select_n3A_1883 : vector<1x1024xi1>, vector<1x1024xf32>
    %slice3A_1890 = vector.extract_strided_slice %logistic3A_1784 {offsets = [18, 0], sizes = [1, 1024], strides = [1, 1]} : vector<80x1024xf32> to vector<1x1024xf32>
    %gt3A_1891 = arith.cmpf ogt, %slice3A_1890, %select_n3A_1886 : vector<1x1024xf32>
    %select_n3A_1892 = arith.select %gt3A_1891, %slice3A_1890, %select_n3A_1886 : vector<1x1024xi1>, vector<1x1024xf32>
    %jit3A_1893 = arith.constant 1.800000e+01 : f32
    %broadcast_in_dim3A_1894 = vector.broadcast %jit3A_1893 : f32 to vector<1x1024xf32>
    %select_n3A_1895 = arith.select %gt3A_1891, %broadcast_in_dim3A_1894, %select_n3A_1889 : vector<1x1024xi1>, vector<1x1024xf32>
    %slice3A_1896 = vector.extract_strided_slice %logistic3A_1784 {offsets = [19, 0], sizes = [1, 1024], strides = [1, 1]} : vector<80x1024xf32> to vector<1x1024xf32>
    %gt3A_1897 = arith.cmpf ogt, %slice3A_1896, %select_n3A_1892 : vector<1x1024xf32>
    %select_n3A_1898 = arith.select %gt3A_1897, %slice3A_1896, %select_n3A_1892 : vector<1x1024xi1>, vector<1x1024xf32>
    %jit3A_1899 = arith.constant 1.900000e+01 : f32
    %broadcast_in_dim3A_1900 = vector.broadcast %jit3A_1899 : f32 to vector<1x1024xf32>
    %select_n3A_1901 = arith.select %gt3A_1897, %broadcast_in_dim3A_1900, %select_n3A_1895 : vector<1x1024xi1>, vector<1x1024xf32>
    %slice3A_1902 = vector.extract_strided_slice %logistic3A_1784 {offsets = [20, 0], sizes = [1, 1024], strides = [1, 1]} : vector<80x1024xf32> to vector<1x1024xf32>
    %gt3A_1903 = arith.cmpf ogt, %slice3A_1902, %select_n3A_1898 : vector<1x1024xf32>
    %select_n3A_1904 = arith.select %gt3A_1903, %slice3A_1902, %select_n3A_1898 : vector<1x1024xi1>, vector<1x1024xf32>
    %jit3A_1905 = arith.constant 2.000000e+01 : f32
    %broadcast_in_dim3A_1906 = vector.broadcast %jit3A_1905 : f32 to vector<1x1024xf32>
    %select_n3A_1907 = arith.select %gt3A_1903, %broadcast_in_dim3A_1906, %select_n3A_1901 : vector<1x1024xi1>, vector<1x1024xf32>
    %slice3A_1908 = vector.extract_strided_slice %logistic3A_1784 {offsets = [21, 0], sizes = [1, 1024], strides = [1, 1]} : vector<80x1024xf32> to vector<1x1024xf32>
    %gt3A_1909 = arith.cmpf ogt, %slice3A_1908, %select_n3A_1904 : vector<1x1024xf32>
    %select_n3A_1910 = arith.select %gt3A_1909, %slice3A_1908, %select_n3A_1904 : vector<1x1024xi1>, vector<1x1024xf32>
    %jit3A_1911 = arith.constant 2.100000e+01 : f32
    %broadcast_in_dim3A_1912 = vector.broadcast %jit3A_1911 : f32 to vector<1x1024xf32>
    %select_n3A_1913 = arith.select %gt3A_1909, %broadcast_in_dim3A_1912, %select_n3A_1907 : vector<1x1024xi1>, vector<1x1024xf32>
    %slice3A_1914 = vector.extract_strided_slice %logistic3A_1784 {offsets = [22, 0], sizes = [1, 1024], strides = [1, 1]} : vector<80x1024xf32> to vector<1x1024xf32>
    %gt3A_1915 = arith.cmpf ogt, %slice3A_1914, %select_n3A_1910 : vector<1x1024xf32>
    %select_n3A_1916 = arith.select %gt3A_1915, %slice3A_1914, %select_n3A_1910 : vector<1x1024xi1>, vector<1x1024xf32>
    %jit3A_1917 = arith.constant 2.200000e+01 : f32
    %broadcast_in_dim3A_1918 = vector.broadcast %jit3A_1917 : f32 to vector<1x1024xf32>
    %select_n3A_1919 = arith.select %gt3A_1915, %broadcast_in_dim3A_1918, %select_n3A_1913 : vector<1x1024xi1>, vector<1x1024xf32>
    %slice3A_1920 = vector.extract_strided_slice %logistic3A_1784 {offsets = [23, 0], sizes = [1, 1024], strides = [1, 1]} : vector<80x1024xf32> to vector<1x1024xf32>
    %gt3A_1921 = arith.cmpf ogt, %slice3A_1920, %select_n3A_1916 : vector<1x1024xf32>
    %select_n3A_1922 = arith.select %gt3A_1921, %slice3A_1920, %select_n3A_1916 : vector<1x1024xi1>, vector<1x1024xf32>
    %jit3A_1923 = arith.constant 2.300000e+01 : f32
    %broadcast_in_dim3A_1924 = vector.broadcast %jit3A_1923 : f32 to vector<1x1024xf32>
    %select_n3A_1925 = arith.select %gt3A_1921, %broadcast_in_dim3A_1924, %select_n3A_1919 : vector<1x1024xi1>, vector<1x1024xf32>
    %slice3A_1926 = vector.extract_strided_slice %logistic3A_1784 {offsets = [24, 0], sizes = [1, 1024], strides = [1, 1]} : vector<80x1024xf32> to vector<1x1024xf32>
    %gt3A_1927 = arith.cmpf ogt, %slice3A_1926, %select_n3A_1922 : vector<1x1024xf32>
    %select_n3A_1928 = arith.select %gt3A_1927, %slice3A_1926, %select_n3A_1922 : vector<1x1024xi1>, vector<1x1024xf32>
    %jit3A_1929 = arith.constant 2.400000e+01 : f32
    %broadcast_in_dim3A_1930 = vector.broadcast %jit3A_1929 : f32 to vector<1x1024xf32>
    %select_n3A_1931 = arith.select %gt3A_1927, %broadcast_in_dim3A_1930, %select_n3A_1925 : vector<1x1024xi1>, vector<1x1024xf32>
    %slice3A_1932 = vector.extract_strided_slice %logistic3A_1784 {offsets = [25, 0], sizes = [1, 1024], strides = [1, 1]} : vector<80x1024xf32> to vector<1x1024xf32>
    %gt3A_1933 = arith.cmpf ogt, %slice3A_1932, %select_n3A_1928 : vector<1x1024xf32>
    %select_n3A_1934 = arith.select %gt3A_1933, %slice3A_1932, %select_n3A_1928 : vector<1x1024xi1>, vector<1x1024xf32>
    %jit3A_1935 = arith.constant 2.500000e+01 : f32
    %broadcast_in_dim3A_1936 = vector.broadcast %jit3A_1935 : f32 to vector<1x1024xf32>
    %select_n3A_1937 = arith.select %gt3A_1933, %broadcast_in_dim3A_1936, %select_n3A_1931 : vector<1x1024xi1>, vector<1x1024xf32>
    %slice3A_1938 = vector.extract_strided_slice %logistic3A_1784 {offsets = [26, 0], sizes = [1, 1024], strides = [1, 1]} : vector<80x1024xf32> to vector<1x1024xf32>
    %gt3A_1939 = arith.cmpf ogt, %slice3A_1938, %select_n3A_1934 : vector<1x1024xf32>
    %select_n3A_1940 = arith.select %gt3A_1939, %slice3A_1938, %select_n3A_1934 : vector<1x1024xi1>, vector<1x1024xf32>
    %jit3A_1941 = arith.constant 2.600000e+01 : f32
    %broadcast_in_dim3A_1942 = vector.broadcast %jit3A_1941 : f32 to vector<1x1024xf32>
    %select_n3A_1943 = arith.select %gt3A_1939, %broadcast_in_dim3A_1942, %select_n3A_1937 : vector<1x1024xi1>, vector<1x1024xf32>
    %slice3A_1944 = vector.extract_strided_slice %logistic3A_1784 {offsets = [27, 0], sizes = [1, 1024], strides = [1, 1]} : vector<80x1024xf32> to vector<1x1024xf32>
    %gt3A_1945 = arith.cmpf ogt, %slice3A_1944, %select_n3A_1940 : vector<1x1024xf32>
    %select_n3A_1946 = arith.select %gt3A_1945, %slice3A_1944, %select_n3A_1940 : vector<1x1024xi1>, vector<1x1024xf32>
    %jit3A_1947 = arith.constant 2.700000e+01 : f32
    %broadcast_in_dim3A_1948 = vector.broadcast %jit3A_1947 : f32 to vector<1x1024xf32>
    %select_n3A_1949 = arith.select %gt3A_1945, %broadcast_in_dim3A_1948, %select_n3A_1943 : vector<1x1024xi1>, vector<1x1024xf32>
    %slice3A_1950 = vector.extract_strided_slice %logistic3A_1784 {offsets = [28, 0], sizes = [1, 1024], strides = [1, 1]} : vector<80x1024xf32> to vector<1x1024xf32>
    %gt3A_1951 = arith.cmpf ogt, %slice3A_1950, %select_n3A_1946 : vector<1x1024xf32>
    %select_n3A_1952 = arith.select %gt3A_1951, %slice3A_1950, %select_n3A_1946 : vector<1x1024xi1>, vector<1x1024xf32>
    %jit3A_1953 = arith.constant 2.800000e+01 : f32
    %broadcast_in_dim3A_1954 = vector.broadcast %jit3A_1953 : f32 to vector<1x1024xf32>
    %select_n3A_1955 = arith.select %gt3A_1951, %broadcast_in_dim3A_1954, %select_n3A_1949 : vector<1x1024xi1>, vector<1x1024xf32>
    %slice3A_1956 = vector.extract_strided_slice %logistic3A_1784 {offsets = [29, 0], sizes = [1, 1024], strides = [1, 1]} : vector<80x1024xf32> to vector<1x1024xf32>
    %gt3A_1957 = arith.cmpf ogt, %slice3A_1956, %select_n3A_1952 : vector<1x1024xf32>
    %select_n3A_1958 = arith.select %gt3A_1957, %slice3A_1956, %select_n3A_1952 : vector<1x1024xi1>, vector<1x1024xf32>
    %jit3A_1959 = arith.constant 2.900000e+01 : f32
    %broadcast_in_dim3A_1960 = vector.broadcast %jit3A_1959 : f32 to vector<1x1024xf32>
    %select_n3A_1961 = arith.select %gt3A_1957, %broadcast_in_dim3A_1960, %select_n3A_1955 : vector<1x1024xi1>, vector<1x1024xf32>
    %slice3A_1962 = vector.extract_strided_slice %logistic3A_1784 {offsets = [30, 0], sizes = [1, 1024], strides = [1, 1]} : vector<80x1024xf32> to vector<1x1024xf32>
    %gt3A_1963 = arith.cmpf ogt, %slice3A_1962, %select_n3A_1958 : vector<1x1024xf32>
    %select_n3A_1964 = arith.select %gt3A_1963, %slice3A_1962, %select_n3A_1958 : vector<1x1024xi1>, vector<1x1024xf32>
    %jit3A_1965 = arith.constant 3.000000e+01 : f32
    %broadcast_in_dim3A_1966 = vector.broadcast %jit3A_1965 : f32 to vector<1x1024xf32>
    %select_n3A_1967 = arith.select %gt3A_1963, %broadcast_in_dim3A_1966, %select_n3A_1961 : vector<1x1024xi1>, vector<1x1024xf32>
    %slice3A_1968 = vector.extract_strided_slice %logistic3A_1784 {offsets = [31, 0], sizes = [1, 1024], strides = [1, 1]} : vector<80x1024xf32> to vector<1x1024xf32>
    %gt3A_1969 = arith.cmpf ogt, %slice3A_1968, %select_n3A_1964 : vector<1x1024xf32>
    %select_n3A_1970 = arith.select %gt3A_1969, %slice3A_1968, %select_n3A_1964 : vector<1x1024xi1>, vector<1x1024xf32>
    %jit3A_1971 = arith.constant 3.100000e+01 : f32
    %broadcast_in_dim3A_1972 = vector.broadcast %jit3A_1971 : f32 to vector<1x1024xf32>
    %select_n3A_1973 = arith.select %gt3A_1969, %broadcast_in_dim3A_1972, %select_n3A_1967 : vector<1x1024xi1>, vector<1x1024xf32>
    %slice3A_1974 = vector.extract_strided_slice %logistic3A_1784 {offsets = [32, 0], sizes = [1, 1024], strides = [1, 1]} : vector<80x1024xf32> to vector<1x1024xf32>
    %gt3A_1975 = arith.cmpf ogt, %slice3A_1974, %select_n3A_1970 : vector<1x1024xf32>
    %select_n3A_1976 = arith.select %gt3A_1975, %slice3A_1974, %select_n3A_1970 : vector<1x1024xi1>, vector<1x1024xf32>
    %jit3A_1977 = arith.constant 3.200000e+01 : f32
    %broadcast_in_dim3A_1978 = vector.broadcast %jit3A_1977 : f32 to vector<1x1024xf32>
    %select_n3A_1979 = arith.select %gt3A_1975, %broadcast_in_dim3A_1978, %select_n3A_1973 : vector<1x1024xi1>, vector<1x1024xf32>
    %slice3A_1980 = vector.extract_strided_slice %logistic3A_1784 {offsets = [33, 0], sizes = [1, 1024], strides = [1, 1]} : vector<80x1024xf32> to vector<1x1024xf32>
    %gt3A_1981 = arith.cmpf ogt, %slice3A_1980, %select_n3A_1976 : vector<1x1024xf32>
    %select_n3A_1982 = arith.select %gt3A_1981, %slice3A_1980, %select_n3A_1976 : vector<1x1024xi1>, vector<1x1024xf32>
    %jit3A_1983 = arith.constant 3.300000e+01 : f32
    %broadcast_in_dim3A_1984 = vector.broadcast %jit3A_1983 : f32 to vector<1x1024xf32>
    %select_n3A_1985 = arith.select %gt3A_1981, %broadcast_in_dim3A_1984, %select_n3A_1979 : vector<1x1024xi1>, vector<1x1024xf32>
    %slice3A_1986 = vector.extract_strided_slice %logistic3A_1784 {offsets = [34, 0], sizes = [1, 1024], strides = [1, 1]} : vector<80x1024xf32> to vector<1x1024xf32>
    %gt3A_1987 = arith.cmpf ogt, %slice3A_1986, %select_n3A_1982 : vector<1x1024xf32>
    %select_n3A_1988 = arith.select %gt3A_1987, %slice3A_1986, %select_n3A_1982 : vector<1x1024xi1>, vector<1x1024xf32>
    %jit3A_1989 = arith.constant 3.400000e+01 : f32
    %broadcast_in_dim3A_1990 = vector.broadcast %jit3A_1989 : f32 to vector<1x1024xf32>
    %select_n3A_1991 = arith.select %gt3A_1987, %broadcast_in_dim3A_1990, %select_n3A_1985 : vector<1x1024xi1>, vector<1x1024xf32>
    %slice3A_1992 = vector.extract_strided_slice %logistic3A_1784 {offsets = [35, 0], sizes = [1, 1024], strides = [1, 1]} : vector<80x1024xf32> to vector<1x1024xf32>
    %gt3A_1993 = arith.cmpf ogt, %slice3A_1992, %select_n3A_1988 : vector<1x1024xf32>
    %select_n3A_1994 = arith.select %gt3A_1993, %slice3A_1992, %select_n3A_1988 : vector<1x1024xi1>, vector<1x1024xf32>
    %jit3A_1995 = arith.constant 3.500000e+01 : f32
    %broadcast_in_dim3A_1996 = vector.broadcast %jit3A_1995 : f32 to vector<1x1024xf32>
    %select_n3A_1997 = arith.select %gt3A_1993, %broadcast_in_dim3A_1996, %select_n3A_1991 : vector<1x1024xi1>, vector<1x1024xf32>
    %slice3A_1998 = vector.extract_strided_slice %logistic3A_1784 {offsets = [36, 0], sizes = [1, 1024], strides = [1, 1]} : vector<80x1024xf32> to vector<1x1024xf32>
    %gt3A_1999 = arith.cmpf ogt, %slice3A_1998, %select_n3A_1994 : vector<1x1024xf32>
    %select_n3A_2000 = arith.select %gt3A_1999, %slice3A_1998, %select_n3A_1994 : vector<1x1024xi1>, vector<1x1024xf32>
    %jit3A_2001 = arith.constant 3.600000e+01 : f32
    %broadcast_in_dim3A_2002 = vector.broadcast %jit3A_2001 : f32 to vector<1x1024xf32>
    %select_n3A_2003 = arith.select %gt3A_1999, %broadcast_in_dim3A_2002, %select_n3A_1997 : vector<1x1024xi1>, vector<1x1024xf32>
    %slice3A_2004 = vector.extract_strided_slice %logistic3A_1784 {offsets = [37, 0], sizes = [1, 1024], strides = [1, 1]} : vector<80x1024xf32> to vector<1x1024xf32>
    %gt3A_2005 = arith.cmpf ogt, %slice3A_2004, %select_n3A_2000 : vector<1x1024xf32>
    %select_n3A_2006 = arith.select %gt3A_2005, %slice3A_2004, %select_n3A_2000 : vector<1x1024xi1>, vector<1x1024xf32>
    %jit3A_2007 = arith.constant 3.700000e+01 : f32
    %broadcast_in_dim3A_2008 = vector.broadcast %jit3A_2007 : f32 to vector<1x1024xf32>
    %select_n3A_2009 = arith.select %gt3A_2005, %broadcast_in_dim3A_2008, %select_n3A_2003 : vector<1x1024xi1>, vector<1x1024xf32>
    %slice3A_2010 = vector.extract_strided_slice %logistic3A_1784 {offsets = [38, 0], sizes = [1, 1024], strides = [1, 1]} : vector<80x1024xf32> to vector<1x1024xf32>
    %gt3A_2011 = arith.cmpf ogt, %slice3A_2010, %select_n3A_2006 : vector<1x1024xf32>
    %select_n3A_2012 = arith.select %gt3A_2011, %slice3A_2010, %select_n3A_2006 : vector<1x1024xi1>, vector<1x1024xf32>
    %jit3A_2013 = arith.constant 3.800000e+01 : f32
    %broadcast_in_dim3A_2014 = vector.broadcast %jit3A_2013 : f32 to vector<1x1024xf32>
    %select_n3A_2015 = arith.select %gt3A_2011, %broadcast_in_dim3A_2014, %select_n3A_2009 : vector<1x1024xi1>, vector<1x1024xf32>
    %slice3A_2016 = vector.extract_strided_slice %logistic3A_1784 {offsets = [39, 0], sizes = [1, 1024], strides = [1, 1]} : vector<80x1024xf32> to vector<1x1024xf32>
    %gt3A_2017 = arith.cmpf ogt, %slice3A_2016, %select_n3A_2012 : vector<1x1024xf32>
    %select_n3A_2018 = arith.select %gt3A_2017, %slice3A_2016, %select_n3A_2012 : vector<1x1024xi1>, vector<1x1024xf32>
    %jit3A_2019 = arith.constant 3.900000e+01 : f32
    %broadcast_in_dim3A_2020 = vector.broadcast %jit3A_2019 : f32 to vector<1x1024xf32>
    %select_n3A_2021 = arith.select %gt3A_2017, %broadcast_in_dim3A_2020, %select_n3A_2015 : vector<1x1024xi1>, vector<1x1024xf32>
    %slice3A_2022 = vector.extract_strided_slice %logistic3A_1784 {offsets = [40, 0], sizes = [1, 1024], strides = [1, 1]} : vector<80x1024xf32> to vector<1x1024xf32>
    %gt3A_2023 = arith.cmpf ogt, %slice3A_2022, %select_n3A_2018 : vector<1x1024xf32>
    %select_n3A_2024 = arith.select %gt3A_2023, %slice3A_2022, %select_n3A_2018 : vector<1x1024xi1>, vector<1x1024xf32>
    %jit3A_2025 = arith.constant 4.000000e+01 : f32
    %broadcast_in_dim3A_2026 = vector.broadcast %jit3A_2025 : f32 to vector<1x1024xf32>
    %select_n3A_2027 = arith.select %gt3A_2023, %broadcast_in_dim3A_2026, %select_n3A_2021 : vector<1x1024xi1>, vector<1x1024xf32>
    %slice3A_2028 = vector.extract_strided_slice %logistic3A_1784 {offsets = [41, 0], sizes = [1, 1024], strides = [1, 1]} : vector<80x1024xf32> to vector<1x1024xf32>
    %gt3A_2029 = arith.cmpf ogt, %slice3A_2028, %select_n3A_2024 : vector<1x1024xf32>
    %select_n3A_2030 = arith.select %gt3A_2029, %slice3A_2028, %select_n3A_2024 : vector<1x1024xi1>, vector<1x1024xf32>
    %jit3A_2031 = arith.constant 4.100000e+01 : f32
    %broadcast_in_dim3A_2032 = vector.broadcast %jit3A_2031 : f32 to vector<1x1024xf32>
    %select_n3A_2033 = arith.select %gt3A_2029, %broadcast_in_dim3A_2032, %select_n3A_2027 : vector<1x1024xi1>, vector<1x1024xf32>
    %slice3A_2034 = vector.extract_strided_slice %logistic3A_1784 {offsets = [42, 0], sizes = [1, 1024], strides = [1, 1]} : vector<80x1024xf32> to vector<1x1024xf32>
    %gt3A_2035 = arith.cmpf ogt, %slice3A_2034, %select_n3A_2030 : vector<1x1024xf32>
    %select_n3A_2036 = arith.select %gt3A_2035, %slice3A_2034, %select_n3A_2030 : vector<1x1024xi1>, vector<1x1024xf32>
    %jit3A_2037 = arith.constant 4.200000e+01 : f32
    %broadcast_in_dim3A_2038 = vector.broadcast %jit3A_2037 : f32 to vector<1x1024xf32>
    %select_n3A_2039 = arith.select %gt3A_2035, %broadcast_in_dim3A_2038, %select_n3A_2033 : vector<1x1024xi1>, vector<1x1024xf32>
    %slice3A_2040 = vector.extract_strided_slice %logistic3A_1784 {offsets = [43, 0], sizes = [1, 1024], strides = [1, 1]} : vector<80x1024xf32> to vector<1x1024xf32>
    %gt3A_2041 = arith.cmpf ogt, %slice3A_2040, %select_n3A_2036 : vector<1x1024xf32>
    %select_n3A_2042 = arith.select %gt3A_2041, %slice3A_2040, %select_n3A_2036 : vector<1x1024xi1>, vector<1x1024xf32>
    %jit3A_2043 = arith.constant 4.300000e+01 : f32
    %broadcast_in_dim3A_2044 = vector.broadcast %jit3A_2043 : f32 to vector<1x1024xf32>
    %select_n3A_2045 = arith.select %gt3A_2041, %broadcast_in_dim3A_2044, %select_n3A_2039 : vector<1x1024xi1>, vector<1x1024xf32>
    %slice3A_2046 = vector.extract_strided_slice %logistic3A_1784 {offsets = [44, 0], sizes = [1, 1024], strides = [1, 1]} : vector<80x1024xf32> to vector<1x1024xf32>
    %gt3A_2047 = arith.cmpf ogt, %slice3A_2046, %select_n3A_2042 : vector<1x1024xf32>
    %select_n3A_2048 = arith.select %gt3A_2047, %slice3A_2046, %select_n3A_2042 : vector<1x1024xi1>, vector<1x1024xf32>
    %jit3A_2049 = arith.constant 4.400000e+01 : f32
    %broadcast_in_dim3A_2050 = vector.broadcast %jit3A_2049 : f32 to vector<1x1024xf32>
    %select_n3A_2051 = arith.select %gt3A_2047, %broadcast_in_dim3A_2050, %select_n3A_2045 : vector<1x1024xi1>, vector<1x1024xf32>
    %slice3A_2052 = vector.extract_strided_slice %logistic3A_1784 {offsets = [45, 0], sizes = [1, 1024], strides = [1, 1]} : vector<80x1024xf32> to vector<1x1024xf32>
    %gt3A_2053 = arith.cmpf ogt, %slice3A_2052, %select_n3A_2048 : vector<1x1024xf32>
    %select_n3A_2054 = arith.select %gt3A_2053, %slice3A_2052, %select_n3A_2048 : vector<1x1024xi1>, vector<1x1024xf32>
    %jit3A_2055 = arith.constant 4.500000e+01 : f32
    %broadcast_in_dim3A_2056 = vector.broadcast %jit3A_2055 : f32 to vector<1x1024xf32>
    %select_n3A_2057 = arith.select %gt3A_2053, %broadcast_in_dim3A_2056, %select_n3A_2051 : vector<1x1024xi1>, vector<1x1024xf32>
    %slice3A_2058 = vector.extract_strided_slice %logistic3A_1784 {offsets = [46, 0], sizes = [1, 1024], strides = [1, 1]} : vector<80x1024xf32> to vector<1x1024xf32>
    %gt3A_2059 = arith.cmpf ogt, %slice3A_2058, %select_n3A_2054 : vector<1x1024xf32>
    %select_n3A_2060 = arith.select %gt3A_2059, %slice3A_2058, %select_n3A_2054 : vector<1x1024xi1>, vector<1x1024xf32>
    %jit3A_2061 = arith.constant 4.600000e+01 : f32
    %broadcast_in_dim3A_2062 = vector.broadcast %jit3A_2061 : f32 to vector<1x1024xf32>
    %select_n3A_2063 = arith.select %gt3A_2059, %broadcast_in_dim3A_2062, %select_n3A_2057 : vector<1x1024xi1>, vector<1x1024xf32>
    %slice3A_2064 = vector.extract_strided_slice %logistic3A_1784 {offsets = [47, 0], sizes = [1, 1024], strides = [1, 1]} : vector<80x1024xf32> to vector<1x1024xf32>
    %gt3A_2065 = arith.cmpf ogt, %slice3A_2064, %select_n3A_2060 : vector<1x1024xf32>
    %select_n3A_2066 = arith.select %gt3A_2065, %slice3A_2064, %select_n3A_2060 : vector<1x1024xi1>, vector<1x1024xf32>
    %jit3A_2067 = arith.constant 4.700000e+01 : f32
    %broadcast_in_dim3A_2068 = vector.broadcast %jit3A_2067 : f32 to vector<1x1024xf32>
    %select_n3A_2069 = arith.select %gt3A_2065, %broadcast_in_dim3A_2068, %select_n3A_2063 : vector<1x1024xi1>, vector<1x1024xf32>
    %slice3A_2070 = vector.extract_strided_slice %logistic3A_1784 {offsets = [48, 0], sizes = [1, 1024], strides = [1, 1]} : vector<80x1024xf32> to vector<1x1024xf32>
    %gt3A_2071 = arith.cmpf ogt, %slice3A_2070, %select_n3A_2066 : vector<1x1024xf32>
    %select_n3A_2072 = arith.select %gt3A_2071, %slice3A_2070, %select_n3A_2066 : vector<1x1024xi1>, vector<1x1024xf32>
    %jit3A_2073 = arith.constant 4.800000e+01 : f32
    %broadcast_in_dim3A_2074 = vector.broadcast %jit3A_2073 : f32 to vector<1x1024xf32>
    %select_n3A_2075 = arith.select %gt3A_2071, %broadcast_in_dim3A_2074, %select_n3A_2069 : vector<1x1024xi1>, vector<1x1024xf32>
    %slice3A_2076 = vector.extract_strided_slice %logistic3A_1784 {offsets = [49, 0], sizes = [1, 1024], strides = [1, 1]} : vector<80x1024xf32> to vector<1x1024xf32>
    %gt3A_2077 = arith.cmpf ogt, %slice3A_2076, %select_n3A_2072 : vector<1x1024xf32>
    %select_n3A_2078 = arith.select %gt3A_2077, %slice3A_2076, %select_n3A_2072 : vector<1x1024xi1>, vector<1x1024xf32>
    %jit3A_2079 = arith.constant 4.900000e+01 : f32
    %broadcast_in_dim3A_2080 = vector.broadcast %jit3A_2079 : f32 to vector<1x1024xf32>
    %select_n3A_2081 = arith.select %gt3A_2077, %broadcast_in_dim3A_2080, %select_n3A_2075 : vector<1x1024xi1>, vector<1x1024xf32>
    %slice3A_2082 = vector.extract_strided_slice %logistic3A_1784 {offsets = [50, 0], sizes = [1, 1024], strides = [1, 1]} : vector<80x1024xf32> to vector<1x1024xf32>
    %gt3A_2083 = arith.cmpf ogt, %slice3A_2082, %select_n3A_2078 : vector<1x1024xf32>
    %select_n3A_2084 = arith.select %gt3A_2083, %slice3A_2082, %select_n3A_2078 : vector<1x1024xi1>, vector<1x1024xf32>
    %jit3A_2085 = arith.constant 5.000000e+01 : f32
    %broadcast_in_dim3A_2086 = vector.broadcast %jit3A_2085 : f32 to vector<1x1024xf32>
    %select_n3A_2087 = arith.select %gt3A_2083, %broadcast_in_dim3A_2086, %select_n3A_2081 : vector<1x1024xi1>, vector<1x1024xf32>
    %slice3A_2088 = vector.extract_strided_slice %logistic3A_1784 {offsets = [51, 0], sizes = [1, 1024], strides = [1, 1]} : vector<80x1024xf32> to vector<1x1024xf32>
    %gt3A_2089 = arith.cmpf ogt, %slice3A_2088, %select_n3A_2084 : vector<1x1024xf32>
    %select_n3A_2090 = arith.select %gt3A_2089, %slice3A_2088, %select_n3A_2084 : vector<1x1024xi1>, vector<1x1024xf32>
    %jit3A_2091 = arith.constant 5.100000e+01 : f32
    %broadcast_in_dim3A_2092 = vector.broadcast %jit3A_2091 : f32 to vector<1x1024xf32>
    %select_n3A_2093 = arith.select %gt3A_2089, %broadcast_in_dim3A_2092, %select_n3A_2087 : vector<1x1024xi1>, vector<1x1024xf32>
    %slice3A_2094 = vector.extract_strided_slice %logistic3A_1784 {offsets = [52, 0], sizes = [1, 1024], strides = [1, 1]} : vector<80x1024xf32> to vector<1x1024xf32>
    %gt3A_2095 = arith.cmpf ogt, %slice3A_2094, %select_n3A_2090 : vector<1x1024xf32>
    %select_n3A_2096 = arith.select %gt3A_2095, %slice3A_2094, %select_n3A_2090 : vector<1x1024xi1>, vector<1x1024xf32>
    %jit3A_2097 = arith.constant 5.200000e+01 : f32
    %broadcast_in_dim3A_2098 = vector.broadcast %jit3A_2097 : f32 to vector<1x1024xf32>
    %select_n3A_2099 = arith.select %gt3A_2095, %broadcast_in_dim3A_2098, %select_n3A_2093 : vector<1x1024xi1>, vector<1x1024xf32>
    %slice3A_2100 = vector.extract_strided_slice %logistic3A_1784 {offsets = [53, 0], sizes = [1, 1024], strides = [1, 1]} : vector<80x1024xf32> to vector<1x1024xf32>
    %gt3A_2101 = arith.cmpf ogt, %slice3A_2100, %select_n3A_2096 : vector<1x1024xf32>
    %select_n3A_2102 = arith.select %gt3A_2101, %slice3A_2100, %select_n3A_2096 : vector<1x1024xi1>, vector<1x1024xf32>
    %jit3A_2103 = arith.constant 5.300000e+01 : f32
    %broadcast_in_dim3A_2104 = vector.broadcast %jit3A_2103 : f32 to vector<1x1024xf32>
    %select_n3A_2105 = arith.select %gt3A_2101, %broadcast_in_dim3A_2104, %select_n3A_2099 : vector<1x1024xi1>, vector<1x1024xf32>
    %slice3A_2106 = vector.extract_strided_slice %logistic3A_1784 {offsets = [54, 0], sizes = [1, 1024], strides = [1, 1]} : vector<80x1024xf32> to vector<1x1024xf32>
    %gt3A_2107 = arith.cmpf ogt, %slice3A_2106, %select_n3A_2102 : vector<1x1024xf32>
    %select_n3A_2108 = arith.select %gt3A_2107, %slice3A_2106, %select_n3A_2102 : vector<1x1024xi1>, vector<1x1024xf32>
    %jit3A_2109 = arith.constant 5.400000e+01 : f32
    %broadcast_in_dim3A_2110 = vector.broadcast %jit3A_2109 : f32 to vector<1x1024xf32>
    %select_n3A_2111 = arith.select %gt3A_2107, %broadcast_in_dim3A_2110, %select_n3A_2105 : vector<1x1024xi1>, vector<1x1024xf32>
    %slice3A_2112 = vector.extract_strided_slice %logistic3A_1784 {offsets = [55, 0], sizes = [1, 1024], strides = [1, 1]} : vector<80x1024xf32> to vector<1x1024xf32>
    %gt3A_2113 = arith.cmpf ogt, %slice3A_2112, %select_n3A_2108 : vector<1x1024xf32>
    %select_n3A_2114 = arith.select %gt3A_2113, %slice3A_2112, %select_n3A_2108 : vector<1x1024xi1>, vector<1x1024xf32>
    %jit3A_2115 = arith.constant 5.500000e+01 : f32
    %broadcast_in_dim3A_2116 = vector.broadcast %jit3A_2115 : f32 to vector<1x1024xf32>
    %select_n3A_2117 = arith.select %gt3A_2113, %broadcast_in_dim3A_2116, %select_n3A_2111 : vector<1x1024xi1>, vector<1x1024xf32>
    %slice3A_2118 = vector.extract_strided_slice %logistic3A_1784 {offsets = [56, 0], sizes = [1, 1024], strides = [1, 1]} : vector<80x1024xf32> to vector<1x1024xf32>
    %gt3A_2119 = arith.cmpf ogt, %slice3A_2118, %select_n3A_2114 : vector<1x1024xf32>
    %select_n3A_2120 = arith.select %gt3A_2119, %slice3A_2118, %select_n3A_2114 : vector<1x1024xi1>, vector<1x1024xf32>
    %jit3A_2121 = arith.constant 5.600000e+01 : f32
    %broadcast_in_dim3A_2122 = vector.broadcast %jit3A_2121 : f32 to vector<1x1024xf32>
    %select_n3A_2123 = arith.select %gt3A_2119, %broadcast_in_dim3A_2122, %select_n3A_2117 : vector<1x1024xi1>, vector<1x1024xf32>
    %slice3A_2124 = vector.extract_strided_slice %logistic3A_1784 {offsets = [57, 0], sizes = [1, 1024], strides = [1, 1]} : vector<80x1024xf32> to vector<1x1024xf32>
    %gt3A_2125 = arith.cmpf ogt, %slice3A_2124, %select_n3A_2120 : vector<1x1024xf32>
    %select_n3A_2126 = arith.select %gt3A_2125, %slice3A_2124, %select_n3A_2120 : vector<1x1024xi1>, vector<1x1024xf32>
    %jit3A_2127 = arith.constant 5.700000e+01 : f32
    %broadcast_in_dim3A_2128 = vector.broadcast %jit3A_2127 : f32 to vector<1x1024xf32>
    %select_n3A_2129 = arith.select %gt3A_2125, %broadcast_in_dim3A_2128, %select_n3A_2123 : vector<1x1024xi1>, vector<1x1024xf32>
    %slice3A_2130 = vector.extract_strided_slice %logistic3A_1784 {offsets = [58, 0], sizes = [1, 1024], strides = [1, 1]} : vector<80x1024xf32> to vector<1x1024xf32>
    %gt3A_2131 = arith.cmpf ogt, %slice3A_2130, %select_n3A_2126 : vector<1x1024xf32>
    %select_n3A_2132 = arith.select %gt3A_2131, %slice3A_2130, %select_n3A_2126 : vector<1x1024xi1>, vector<1x1024xf32>
    %jit3A_2133 = arith.constant 5.800000e+01 : f32
    %broadcast_in_dim3A_2134 = vector.broadcast %jit3A_2133 : f32 to vector<1x1024xf32>
    %select_n3A_2135 = arith.select %gt3A_2131, %broadcast_in_dim3A_2134, %select_n3A_2129 : vector<1x1024xi1>, vector<1x1024xf32>
    %slice3A_2136 = vector.extract_strided_slice %logistic3A_1784 {offsets = [59, 0], sizes = [1, 1024], strides = [1, 1]} : vector<80x1024xf32> to vector<1x1024xf32>
    %gt3A_2137 = arith.cmpf ogt, %slice3A_2136, %select_n3A_2132 : vector<1x1024xf32>
    %select_n3A_2138 = arith.select %gt3A_2137, %slice3A_2136, %select_n3A_2132 : vector<1x1024xi1>, vector<1x1024xf32>
    %jit3A_2139 = arith.constant 5.900000e+01 : f32
    %broadcast_in_dim3A_2140 = vector.broadcast %jit3A_2139 : f32 to vector<1x1024xf32>
    %select_n3A_2141 = arith.select %gt3A_2137, %broadcast_in_dim3A_2140, %select_n3A_2135 : vector<1x1024xi1>, vector<1x1024xf32>
    %slice3A_2142 = vector.extract_strided_slice %logistic3A_1784 {offsets = [60, 0], sizes = [1, 1024], strides = [1, 1]} : vector<80x1024xf32> to vector<1x1024xf32>
    %gt3A_2143 = arith.cmpf ogt, %slice3A_2142, %select_n3A_2138 : vector<1x1024xf32>
    %select_n3A_2144 = arith.select %gt3A_2143, %slice3A_2142, %select_n3A_2138 : vector<1x1024xi1>, vector<1x1024xf32>
    %jit3A_2145 = arith.constant 6.000000e+01 : f32
    %broadcast_in_dim3A_2146 = vector.broadcast %jit3A_2145 : f32 to vector<1x1024xf32>
    %select_n3A_2147 = arith.select %gt3A_2143, %broadcast_in_dim3A_2146, %select_n3A_2141 : vector<1x1024xi1>, vector<1x1024xf32>
    %slice3A_2148 = vector.extract_strided_slice %logistic3A_1784 {offsets = [61, 0], sizes = [1, 1024], strides = [1, 1]} : vector<80x1024xf32> to vector<1x1024xf32>
    %gt3A_2149 = arith.cmpf ogt, %slice3A_2148, %select_n3A_2144 : vector<1x1024xf32>
    %select_n3A_2150 = arith.select %gt3A_2149, %slice3A_2148, %select_n3A_2144 : vector<1x1024xi1>, vector<1x1024xf32>
    %jit3A_2151 = arith.constant 6.100000e+01 : f32
    %broadcast_in_dim3A_2152 = vector.broadcast %jit3A_2151 : f32 to vector<1x1024xf32>
    %select_n3A_2153 = arith.select %gt3A_2149, %broadcast_in_dim3A_2152, %select_n3A_2147 : vector<1x1024xi1>, vector<1x1024xf32>
    %slice3A_2154 = vector.extract_strided_slice %logistic3A_1784 {offsets = [62, 0], sizes = [1, 1024], strides = [1, 1]} : vector<80x1024xf32> to vector<1x1024xf32>
    %gt3A_2155 = arith.cmpf ogt, %slice3A_2154, %select_n3A_2150 : vector<1x1024xf32>
    %select_n3A_2156 = arith.select %gt3A_2155, %slice3A_2154, %select_n3A_2150 : vector<1x1024xi1>, vector<1x1024xf32>
    %jit3A_2157 = arith.constant 6.200000e+01 : f32
    %broadcast_in_dim3A_2158 = vector.broadcast %jit3A_2157 : f32 to vector<1x1024xf32>
    %select_n3A_2159 = arith.select %gt3A_2155, %broadcast_in_dim3A_2158, %select_n3A_2153 : vector<1x1024xi1>, vector<1x1024xf32>
    %slice3A_2160 = vector.extract_strided_slice %logistic3A_1784 {offsets = [63, 0], sizes = [1, 1024], strides = [1, 1]} : vector<80x1024xf32> to vector<1x1024xf32>
    %gt3A_2161 = arith.cmpf ogt, %slice3A_2160, %select_n3A_2156 : vector<1x1024xf32>
    %select_n3A_2162 = arith.select %gt3A_2161, %slice3A_2160, %select_n3A_2156 : vector<1x1024xi1>, vector<1x1024xf32>
    %jit3A_2163 = arith.constant 6.300000e+01 : f32
    %broadcast_in_dim3A_2164 = vector.broadcast %jit3A_2163 : f32 to vector<1x1024xf32>
    %select_n3A_2165 = arith.select %gt3A_2161, %broadcast_in_dim3A_2164, %select_n3A_2159 : vector<1x1024xi1>, vector<1x1024xf32>
    %slice3A_2166 = vector.extract_strided_slice %logistic3A_1784 {offsets = [64, 0], sizes = [1, 1024], strides = [1, 1]} : vector<80x1024xf32> to vector<1x1024xf32>
    %gt3A_2167 = arith.cmpf ogt, %slice3A_2166, %select_n3A_2162 : vector<1x1024xf32>
    %select_n3A_2168 = arith.select %gt3A_2167, %slice3A_2166, %select_n3A_2162 : vector<1x1024xi1>, vector<1x1024xf32>
    %jit3A_2169 = arith.constant 6.400000e+01 : f32
    %broadcast_in_dim3A_2170 = vector.broadcast %jit3A_2169 : f32 to vector<1x1024xf32>
    %select_n3A_2171 = arith.select %gt3A_2167, %broadcast_in_dim3A_2170, %select_n3A_2165 : vector<1x1024xi1>, vector<1x1024xf32>
    %slice3A_2172 = vector.extract_strided_slice %logistic3A_1784 {offsets = [65, 0], sizes = [1, 1024], strides = [1, 1]} : vector<80x1024xf32> to vector<1x1024xf32>
    %gt3A_2173 = arith.cmpf ogt, %slice3A_2172, %select_n3A_2168 : vector<1x1024xf32>
    %select_n3A_2174 = arith.select %gt3A_2173, %slice3A_2172, %select_n3A_2168 : vector<1x1024xi1>, vector<1x1024xf32>
    %jit3A_2175 = arith.constant 6.500000e+01 : f32
    %broadcast_in_dim3A_2176 = vector.broadcast %jit3A_2175 : f32 to vector<1x1024xf32>
    %select_n3A_2177 = arith.select %gt3A_2173, %broadcast_in_dim3A_2176, %select_n3A_2171 : vector<1x1024xi1>, vector<1x1024xf32>
    %slice3A_2178 = vector.extract_strided_slice %logistic3A_1784 {offsets = [66, 0], sizes = [1, 1024], strides = [1, 1]} : vector<80x1024xf32> to vector<1x1024xf32>
    %gt3A_2179 = arith.cmpf ogt, %slice3A_2178, %select_n3A_2174 : vector<1x1024xf32>
    %select_n3A_2180 = arith.select %gt3A_2179, %slice3A_2178, %select_n3A_2174 : vector<1x1024xi1>, vector<1x1024xf32>
    %jit3A_2181 = arith.constant 6.600000e+01 : f32
    %broadcast_in_dim3A_2182 = vector.broadcast %jit3A_2181 : f32 to vector<1x1024xf32>
    %select_n3A_2183 = arith.select %gt3A_2179, %broadcast_in_dim3A_2182, %select_n3A_2177 : vector<1x1024xi1>, vector<1x1024xf32>
    %slice3A_2184 = vector.extract_strided_slice %logistic3A_1784 {offsets = [67, 0], sizes = [1, 1024], strides = [1, 1]} : vector<80x1024xf32> to vector<1x1024xf32>
    %gt3A_2185 = arith.cmpf ogt, %slice3A_2184, %select_n3A_2180 : vector<1x1024xf32>
    %select_n3A_2186 = arith.select %gt3A_2185, %slice3A_2184, %select_n3A_2180 : vector<1x1024xi1>, vector<1x1024xf32>
    %jit3A_2187 = arith.constant 6.700000e+01 : f32
    %broadcast_in_dim3A_2188 = vector.broadcast %jit3A_2187 : f32 to vector<1x1024xf32>
    %select_n3A_2189 = arith.select %gt3A_2185, %broadcast_in_dim3A_2188, %select_n3A_2183 : vector<1x1024xi1>, vector<1x1024xf32>
    %slice3A_2190 = vector.extract_strided_slice %logistic3A_1784 {offsets = [68, 0], sizes = [1, 1024], strides = [1, 1]} : vector<80x1024xf32> to vector<1x1024xf32>
    %gt3A_2191 = arith.cmpf ogt, %slice3A_2190, %select_n3A_2186 : vector<1x1024xf32>
    %select_n3A_2192 = arith.select %gt3A_2191, %slice3A_2190, %select_n3A_2186 : vector<1x1024xi1>, vector<1x1024xf32>
    %jit3A_2193 = arith.constant 6.800000e+01 : f32
    %broadcast_in_dim3A_2194 = vector.broadcast %jit3A_2193 : f32 to vector<1x1024xf32>
    %select_n3A_2195 = arith.select %gt3A_2191, %broadcast_in_dim3A_2194, %select_n3A_2189 : vector<1x1024xi1>, vector<1x1024xf32>
    %slice3A_2196 = vector.extract_strided_slice %logistic3A_1784 {offsets = [69, 0], sizes = [1, 1024], strides = [1, 1]} : vector<80x1024xf32> to vector<1x1024xf32>
    %gt3A_2197 = arith.cmpf ogt, %slice3A_2196, %select_n3A_2192 : vector<1x1024xf32>
    %select_n3A_2198 = arith.select %gt3A_2197, %slice3A_2196, %select_n3A_2192 : vector<1x1024xi1>, vector<1x1024xf32>
    %jit3A_2199 = arith.constant 6.900000e+01 : f32
    %broadcast_in_dim3A_2200 = vector.broadcast %jit3A_2199 : f32 to vector<1x1024xf32>
    %select_n3A_2201 = arith.select %gt3A_2197, %broadcast_in_dim3A_2200, %select_n3A_2195 : vector<1x1024xi1>, vector<1x1024xf32>
    %slice3A_2202 = vector.extract_strided_slice %logistic3A_1784 {offsets = [70, 0], sizes = [1, 1024], strides = [1, 1]} : vector<80x1024xf32> to vector<1x1024xf32>
    %gt3A_2203 = arith.cmpf ogt, %slice3A_2202, %select_n3A_2198 : vector<1x1024xf32>
    %select_n3A_2204 = arith.select %gt3A_2203, %slice3A_2202, %select_n3A_2198 : vector<1x1024xi1>, vector<1x1024xf32>
    %jit3A_2205 = arith.constant 7.000000e+01 : f32
    %broadcast_in_dim3A_2206 = vector.broadcast %jit3A_2205 : f32 to vector<1x1024xf32>
    %select_n3A_2207 = arith.select %gt3A_2203, %broadcast_in_dim3A_2206, %select_n3A_2201 : vector<1x1024xi1>, vector<1x1024xf32>
    %slice3A_2208 = vector.extract_strided_slice %logistic3A_1784 {offsets = [71, 0], sizes = [1, 1024], strides = [1, 1]} : vector<80x1024xf32> to vector<1x1024xf32>
    %gt3A_2209 = arith.cmpf ogt, %slice3A_2208, %select_n3A_2204 : vector<1x1024xf32>
    %select_n3A_2210 = arith.select %gt3A_2209, %slice3A_2208, %select_n3A_2204 : vector<1x1024xi1>, vector<1x1024xf32>
    %jit3A_2211 = arith.constant 7.100000e+01 : f32
    %broadcast_in_dim3A_2212 = vector.broadcast %jit3A_2211 : f32 to vector<1x1024xf32>
    %select_n3A_2213 = arith.select %gt3A_2209, %broadcast_in_dim3A_2212, %select_n3A_2207 : vector<1x1024xi1>, vector<1x1024xf32>
    %slice3A_2214 = vector.extract_strided_slice %logistic3A_1784 {offsets = [72, 0], sizes = [1, 1024], strides = [1, 1]} : vector<80x1024xf32> to vector<1x1024xf32>
    %gt3A_2215 = arith.cmpf ogt, %slice3A_2214, %select_n3A_2210 : vector<1x1024xf32>
    %select_n3A_2216 = arith.select %gt3A_2215, %slice3A_2214, %select_n3A_2210 : vector<1x1024xi1>, vector<1x1024xf32>
    %jit3A_2217 = arith.constant 7.200000e+01 : f32
    %broadcast_in_dim3A_2218 = vector.broadcast %jit3A_2217 : f32 to vector<1x1024xf32>
    %select_n3A_2219 = arith.select %gt3A_2215, %broadcast_in_dim3A_2218, %select_n3A_2213 : vector<1x1024xi1>, vector<1x1024xf32>
    %slice3A_2220 = vector.extract_strided_slice %logistic3A_1784 {offsets = [73, 0], sizes = [1, 1024], strides = [1, 1]} : vector<80x1024xf32> to vector<1x1024xf32>
    %gt3A_2221 = arith.cmpf ogt, %slice3A_2220, %select_n3A_2216 : vector<1x1024xf32>
    %select_n3A_2222 = arith.select %gt3A_2221, %slice3A_2220, %select_n3A_2216 : vector<1x1024xi1>, vector<1x1024xf32>
    %jit3A_2223 = arith.constant 7.300000e+01 : f32
    %broadcast_in_dim3A_2224 = vector.broadcast %jit3A_2223 : f32 to vector<1x1024xf32>
    %select_n3A_2225 = arith.select %gt3A_2221, %broadcast_in_dim3A_2224, %select_n3A_2219 : vector<1x1024xi1>, vector<1x1024xf32>
    %slice3A_2226 = vector.extract_strided_slice %logistic3A_1784 {offsets = [74, 0], sizes = [1, 1024], strides = [1, 1]} : vector<80x1024xf32> to vector<1x1024xf32>
    %gt3A_2227 = arith.cmpf ogt, %slice3A_2226, %select_n3A_2222 : vector<1x1024xf32>
    %select_n3A_2228 = arith.select %gt3A_2227, %slice3A_2226, %select_n3A_2222 : vector<1x1024xi1>, vector<1x1024xf32>
    %jit3A_2229 = arith.constant 7.400000e+01 : f32
    %broadcast_in_dim3A_2230 = vector.broadcast %jit3A_2229 : f32 to vector<1x1024xf32>
    %select_n3A_2231 = arith.select %gt3A_2227, %broadcast_in_dim3A_2230, %select_n3A_2225 : vector<1x1024xi1>, vector<1x1024xf32>
    %slice3A_2232 = vector.extract_strided_slice %logistic3A_1784 {offsets = [75, 0], sizes = [1, 1024], strides = [1, 1]} : vector<80x1024xf32> to vector<1x1024xf32>
    %gt3A_2233 = arith.cmpf ogt, %slice3A_2232, %select_n3A_2228 : vector<1x1024xf32>
    %select_n3A_2234 = arith.select %gt3A_2233, %slice3A_2232, %select_n3A_2228 : vector<1x1024xi1>, vector<1x1024xf32>
    %jit3A_2235 = arith.constant 7.500000e+01 : f32
    %broadcast_in_dim3A_2236 = vector.broadcast %jit3A_2235 : f32 to vector<1x1024xf32>
    %select_n3A_2237 = arith.select %gt3A_2233, %broadcast_in_dim3A_2236, %select_n3A_2231 : vector<1x1024xi1>, vector<1x1024xf32>
    %slice3A_2238 = vector.extract_strided_slice %logistic3A_1784 {offsets = [76, 0], sizes = [1, 1024], strides = [1, 1]} : vector<80x1024xf32> to vector<1x1024xf32>
    %gt3A_2239 = arith.cmpf ogt, %slice3A_2238, %select_n3A_2234 : vector<1x1024xf32>
    %select_n3A_2240 = arith.select %gt3A_2239, %slice3A_2238, %select_n3A_2234 : vector<1x1024xi1>, vector<1x1024xf32>
    %jit3A_2241 = arith.constant 7.600000e+01 : f32
    %broadcast_in_dim3A_2242 = vector.broadcast %jit3A_2241 : f32 to vector<1x1024xf32>
    %select_n3A_2243 = arith.select %gt3A_2239, %broadcast_in_dim3A_2242, %select_n3A_2237 : vector<1x1024xi1>, vector<1x1024xf32>
    %slice3A_2244 = vector.extract_strided_slice %logistic3A_1784 {offsets = [77, 0], sizes = [1, 1024], strides = [1, 1]} : vector<80x1024xf32> to vector<1x1024xf32>
    %gt3A_2245 = arith.cmpf ogt, %slice3A_2244, %select_n3A_2240 : vector<1x1024xf32>
    %select_n3A_2246 = arith.select %gt3A_2245, %slice3A_2244, %select_n3A_2240 : vector<1x1024xi1>, vector<1x1024xf32>
    %jit3A_2247 = arith.constant 7.700000e+01 : f32
    %broadcast_in_dim3A_2248 = vector.broadcast %jit3A_2247 : f32 to vector<1x1024xf32>
    %select_n3A_2249 = arith.select %gt3A_2245, %broadcast_in_dim3A_2248, %select_n3A_2243 : vector<1x1024xi1>, vector<1x1024xf32>
    %slice3A_2250 = vector.extract_strided_slice %logistic3A_1784 {offsets = [78, 0], sizes = [1, 1024], strides = [1, 1]} : vector<80x1024xf32> to vector<1x1024xf32>
    %gt3A_2251 = arith.cmpf ogt, %slice3A_2250, %select_n3A_2246 : vector<1x1024xf32>
    %select_n3A_2252 = arith.select %gt3A_2251, %slice3A_2250, %select_n3A_2246 : vector<1x1024xi1>, vector<1x1024xf32>
    %jit3A_2253 = arith.constant 7.800000e+01 : f32
    %broadcast_in_dim3A_2254 = vector.broadcast %jit3A_2253 : f32 to vector<1x1024xf32>
    %select_n3A_2255 = arith.select %gt3A_2251, %broadcast_in_dim3A_2254, %select_n3A_2249 : vector<1x1024xi1>, vector<1x1024xf32>
    %slice3A_2256 = vector.extract_strided_slice %logistic3A_1784 {offsets = [79, 0], sizes = [1, 1024], strides = [1, 1]} : vector<80x1024xf32> to vector<1x1024xf32>
    %gt3A_2257 = arith.cmpf ogt, %slice3A_2256, %select_n3A_2252 : vector<1x1024xf32>
    %jit3A_2258 = arith.constant 7.900000e+01 : f32
    %broadcast_in_dim3A_2259 = vector.broadcast %jit3A_2258 : f32 to vector<1x1024xf32>
    %select_n3A_2260 = arith.select %gt3A_2257, %broadcast_in_dim3A_2259, %select_n3A_2255 : vector<1x1024xi1>, vector<1x1024xf32>
    %div3A_2261 = arith.constant 2.000000e+00 : f32
    %div3A_2262 = vector.broadcast %div3A_2261 : f32 to vector<1x1024xf32>
    %div3A_2263 = arith.divf %mul3A_1762, %div3A_2262 : vector<1x1024xf32>
    %sub3A_2264 = arith.subf %mul3A_1743, %div3A_2263 : vector<1x1024xf32>
    %div3A_2265 = arith.constant 2.000000e+00 : f32
    %div3A_2266 = vector.broadcast %div3A_2265 : f32 to vector<1x1024xf32>
    %div3A_2267 = arith.divf %mul3A_1770, %div3A_2266 : vector<1x1024xf32>
    %sub3A_2268 = arith.subf %mul3A_1754, %div3A_2267 : vector<1x1024xf32>
    %div3A_2269 = arith.constant 2.000000e+00 : f32
    %div3A_2270 = vector.broadcast %div3A_2269 : f32 to vector<1x1024xf32>
    %div3A_2271 = arith.divf %mul3A_1762, %div3A_2270 : vector<1x1024xf32>
    %add3A_2272 = arith.addf %mul3A_1743, %div3A_2271 : vector<1x1024xf32>
    %div3A_2273 = arith.constant 2.000000e+00 : f32
    %div3A_2274 = vector.broadcast %div3A_2273 : f32 to vector<1x1024xf32>
    %div3A_2275 = arith.divf %mul3A_1770, %div3A_2274 : vector<1x1024xf32>
    %add3A_2276 = arith.addf %mul3A_1754, %div3A_2275 : vector<1x1024xf32>
    %sub3A_2277 = arith.subf %add3A_2272, %sub3A_2264 : vector<1x1024xf32>
    %max3A_2278 = arith.constant 0.000000e+00 : f32
    %max3A_2279 = vector.broadcast %max3A_2278 : f32 to vector<1x1024xf32>
    %max3A_2280 = arith.maximumf %sub3A_2277, %max3A_2279 : vector<1x1024xf32>
    %sub3A_2281 = arith.subf %add3A_2276, %sub3A_2268 : vector<1x1024xf32>
    %max3A_2282 = arith.constant 0.000000e+00 : f32
    %max3A_2283 = vector.broadcast %max3A_2282 : f32 to vector<1x1024xf32>
    %max3A_2284 = arith.maximumf %sub3A_2281, %max3A_2283 : vector<1x1024xf32>
    %mul3A_2285 = arith.mulf %max3A_2280, %max3A_2284 : vector<1x1024xf32>
    %broadcast_in_dim3A_2286 = arith.constant 0.000000e+00 : f32
    %broadcast_in_dim3A_2287 = vector.broadcast %broadcast_in_dim3A_2286 : f32 to vector<117x1024xf32>
    %concatenate3A_2288 = tpu.concatenate %mul3A_1743, %mul3A_1754, %mul3A_1762, %mul3A_1770, %logistic3A_1777, %select_n3A_2260, %sub3A_2264, %sub3A_2268, %add3A_2272, %add3A_2276, %mul3A_2285, %broadcast_in_dim3A_2287 in 0 : vector<1x1024xf32>, vector<1x1024xf32>, vector<1x1024xf32>, vector<1x1024xf32>, vector<1x1024xf32>, vector<1x1024xf32>, vector<1x1024xf32>, vector<1x1024xf32>, vector<1x1024xf32>, vector<1x1024xf32>, vector<1x1024xf32>, vector<117x1024xf32> -> vector<128x1024xf32>
    %transpose3A_2289 = tpu.transpose %concatenate3A_2288, [1, 0] : vector<128x1024xf32> -> vector<1024x128xf32>
    %swap3A_2290 = arith.constant 3072 : index
    %swap3A_2291 = arith.constant 0 : index
    %swap3A_2292 = vector.load %arg1[%swap3A_2290, %swap3A_2291] : memref<5120x128xf32, #tpu.memory_space<vmem>>, vector<1024x128xf32>
    tpu.vector_store %arg1[%swap3A_2290, %swap3A_2291], %transpose3A_2289 {strides = array<i32>} : memref<5120x128xf32, #tpu.memory_space<vmem>>, vector<1024x128xf32>,
    %swap3A_2293 = arith.constant 0 : index
    %swap3A_2294 = arith.constant 3072 : index
    %swap3A_2295 = vector.load %arg2[%swap3A_2293, %swap3A_2294] : memref<1x5120xf32, #tpu.memory_space<vmem>>, vector<1x1024xf32>
    tpu.vector_store %arg2[%swap3A_2293, %swap3A_2294], %logistic3A_1777 {strides = array<i32>} : memref<1x5120xf32, #tpu.memory_space<vmem>>, vector<1x1024xf32>,
    %get3A_2296 = arith.constant 340 : index
    %get3A_2297 = arith.constant 0 : index
    %get3A_2298 = vector.load %arg0[%get3A_2296, %get3A_2297] : memref<425x1024xf32, #tpu.memory_space<vmem>>, vector<85x1024xf32>
    %slice3A_2299 = vector.extract_strided_slice %get3A_2298 {offsets = [0, 0], sizes = [1, 1024], strides = [1, 1]} : vector<85x1024xf32> to vector<1x1024xf32>
    %logistic3A_2300 = arith.negf %slice3A_2299 : vector<1x1024xf32>
    %logistic3A_2301 = math.exp %logistic3A_2300 : vector<1x1024xf32>
    %logistic3A_2302 = arith.constant 1.000000e+00 : f32
    %logistic3A_2303 = vector.broadcast %logistic3A_2302 : f32 to vector<1x1024xf32>
    %logistic3A_2304 = arith.addf %logistic3A_2303, %logistic3A_2301 : vector<1x1024xf32>
    %logistic3A_2305 = arith.divf %logistic3A_2303, %logistic3A_2304 : vector<1x1024xf32>
    %add3A_2306 = arith.addf %logistic3A_2305, %convert_element_type3A : vector<1x1024xf32>
    %mul3A_2307 = arith.constant 1.600000e+01 : f32
    %mul3A_2308 = vector.broadcast %mul3A_2307 : f32 to vector<1x1024xf32>
    %mul3A_2309 = arith.mulf %add3A_2306, %mul3A_2308 : vector<1x1024xf32>
    %slice3A_2310 = vector.extract_strided_slice %get3A_2298 {offsets = [1, 0], sizes = [1, 1024], strides = [1, 1]} : vector<85x1024xf32> to vector<1x1024xf32>
    %logistic3A_2311 = arith.negf %slice3A_2310 : vector<1x1024xf32>
    %logistic3A_2312 = math.exp %logistic3A_2311 : vector<1x1024xf32>
    %logistic3A_2313 = arith.constant 1.000000e+00 : f32
    %logistic3A_2314 = vector.broadcast %logistic3A_2313 : f32 to vector<1x1024xf32>
    %logistic3A_2315 = arith.addf %logistic3A_2314, %logistic3A_2312 : vector<1x1024xf32>
    %logistic3A_2316 = arith.divf %logistic3A_2314, %logistic3A_2315 : vector<1x1024xf32>
    %add3A_2317 = arith.addf %logistic3A_2316, %convert_element_type3A_42 : vector<1x1024xf32>
    %mul3A_2318 = arith.constant 1.600000e+01 : f32
    %mul3A_2319 = vector.broadcast %mul3A_2318 : f32 to vector<1x1024xf32>
    %mul3A_2320 = arith.mulf %add3A_2317, %mul3A_2319 : vector<1x1024xf32>
    %slice3A_2321 = vector.extract_strided_slice %get3A_2298 {offsets = [2, 0], sizes = [1, 1024], strides = [1, 1]} : vector<85x1024xf32> to vector<1x1024xf32>
    %exp3A_2322 = math.exp %slice3A_2321 : vector<1x1024xf32>
    %mul3A_2323 = arith.constant 1.123640e+01 : f32
    %mul3A_2324 = vector.broadcast %mul3A_2323 : f32 to vector<1x1024xf32>
    %mul3A_2325 = arith.mulf %exp3A_2322, %mul3A_2324 : vector<1x1024xf32>
    %mul3A_2326 = arith.constant 1.600000e+01 : f32
    %mul3A_2327 = vector.broadcast %mul3A_2326 : f32 to vector<1x1024xf32>
    %mul3A_2328 = arith.mulf %mul3A_2325, %mul3A_2327 : vector<1x1024xf32>
    %slice3A_2329 = vector.extract_strided_slice %get3A_2298 {offsets = [3, 0], sizes = [1, 1024], strides = [1, 1]} : vector<85x1024xf32> to vector<1x1024xf32>
    %exp3A_2330 = math.exp %slice3A_2329 : vector<1x1024xf32>
    %mul3A_2331 = arith.constant 1.000710e+01 : f32
    %mul3A_2332 = vector.broadcast %mul3A_2331 : f32 to vector<1x1024xf32>
    %mul3A_2333 = arith.mulf %exp3A_2330, %mul3A_2332 : vector<1x1024xf32>
    %mul3A_2334 = arith.constant 1.600000e+01 : f32
    %mul3A_2335 = vector.broadcast %mul3A_2334 : f32 to vector<1x1024xf32>
    %mul3A_2336 = arith.mulf %mul3A_2333, %mul3A_2335 : vector<1x1024xf32>
    %slice3A_2337 = vector.extract_strided_slice %get3A_2298 {offsets = [4, 0], sizes = [1, 1024], strides = [1, 1]} : vector<85x1024xf32> to vector<1x1024xf32>
    %logistic3A_2338 = arith.negf %slice3A_2337 : vector<1x1024xf32>
    %logistic3A_2339 = math.exp %logistic3A_2338 : vector<1x1024xf32>
    %logistic3A_2340 = arith.constant 1.000000e+00 : f32
    %logistic3A_2341 = vector.broadcast %logistic3A_2340 : f32 to vector<1x1024xf32>
    %logistic3A_2342 = arith.addf %logistic3A_2341, %logistic3A_2339 : vector<1x1024xf32>
    %logistic3A_2343 = arith.divf %logistic3A_2341, %logistic3A_2342 : vector<1x1024xf32>
    %slice3A_2344 = vector.extract_strided_slice %get3A_2298 {offsets = [5, 0], sizes = [80, 1024], strides = [1, 1]} : vector<85x1024xf32> to vector<80x1024xf32>
    %logistic3A_2345 = arith.negf %slice3A_2344 : vector<80x1024xf32>
    %logistic3A_2346 = math.exp %logistic3A_2345 : vector<80x1024xf32>
    %logistic3A_2347 = arith.constant 1.000000e+00 : f32
    %logistic3A_2348 = vector.broadcast %logistic3A_2347 : f32 to vector<80x1024xf32>
    %logistic3A_2349 = arith.addf %logistic3A_2348, %logistic3A_2346 : vector<80x1024xf32>
    %logistic3A_2350 = arith.divf %logistic3A_2348, %logistic3A_2349 : vector<80x1024xf32>
    %slice3A_2351 = vector.extract_strided_slice %logistic3A_2350 {offsets = [0, 0], sizes = [1, 1024], strides = [1, 1]} : vector<80x1024xf32> to vector<1x1024xf32>
    %broadcast_in_dim3A_2352 = arith.constant 0.000000e+00 : f32
    %broadcast_in_dim3A_2353 = vector.broadcast %broadcast_in_dim3A_2352 : f32 to vector<1x1024xf32>
    %slice3A_2354 = vector.extract_strided_slice %logistic3A_2350 {offsets = [1, 0], sizes = [1, 1024], strides = [1, 1]} : vector<80x1024xf32> to vector<1x1024xf32>
    %gt3A_2355 = arith.cmpf ogt, %slice3A_2354, %slice3A_2351 : vector<1x1024xf32>
    %select_n3A_2356 = arith.select %gt3A_2355, %slice3A_2354, %slice3A_2351 : vector<1x1024xi1>, vector<1x1024xf32>
    %jit3A_2357 = arith.constant 1.000000e+00 : f32
    %broadcast_in_dim3A_2358 = vector.broadcast %jit3A_2357 : f32 to vector<1x1024xf32>
    %select_n3A_2359 = arith.select %gt3A_2355, %broadcast_in_dim3A_2358, %broadcast_in_dim3A_2353 : vector<1x1024xi1>, vector<1x1024xf32>
    %slice3A_2360 = vector.extract_strided_slice %logistic3A_2350 {offsets = [2, 0], sizes = [1, 1024], strides = [1, 1]} : vector<80x1024xf32> to vector<1x1024xf32>
    %gt3A_2361 = arith.cmpf ogt, %slice3A_2360, %select_n3A_2356 : vector<1x1024xf32>
    %select_n3A_2362 = arith.select %gt3A_2361, %slice3A_2360, %select_n3A_2356 : vector<1x1024xi1>, vector<1x1024xf32>
    %jit3A_2363 = arith.constant 2.000000e+00 : f32
    %broadcast_in_dim3A_2364 = vector.broadcast %jit3A_2363 : f32 to vector<1x1024xf32>
    %select_n3A_2365 = arith.select %gt3A_2361, %broadcast_in_dim3A_2364, %select_n3A_2359 : vector<1x1024xi1>, vector<1x1024xf32>
    %slice3A_2366 = vector.extract_strided_slice %logistic3A_2350 {offsets = [3, 0], sizes = [1, 1024], strides = [1, 1]} : vector<80x1024xf32> to vector<1x1024xf32>
    %gt3A_2367 = arith.cmpf ogt, %slice3A_2366, %select_n3A_2362 : vector<1x1024xf32>
    %select_n3A_2368 = arith.select %gt3A_2367, %slice3A_2366, %select_n3A_2362 : vector<1x1024xi1>, vector<1x1024xf32>
    %jit3A_2369 = arith.constant 3.000000e+00 : f32
    %broadcast_in_dim3A_2370 = vector.broadcast %jit3A_2369 : f32 to vector<1x1024xf32>
    %select_n3A_2371 = arith.select %gt3A_2367, %broadcast_in_dim3A_2370, %select_n3A_2365 : vector<1x1024xi1>, vector<1x1024xf32>
    %slice3A_2372 = vector.extract_strided_slice %logistic3A_2350 {offsets = [4, 0], sizes = [1, 1024], strides = [1, 1]} : vector<80x1024xf32> to vector<1x1024xf32>
    %gt3A_2373 = arith.cmpf ogt, %slice3A_2372, %select_n3A_2368 : vector<1x1024xf32>
    %select_n3A_2374 = arith.select %gt3A_2373, %slice3A_2372, %select_n3A_2368 : vector<1x1024xi1>, vector<1x1024xf32>
    %jit3A_2375 = arith.constant 4.000000e+00 : f32
    %broadcast_in_dim3A_2376 = vector.broadcast %jit3A_2375 : f32 to vector<1x1024xf32>
    %select_n3A_2377 = arith.select %gt3A_2373, %broadcast_in_dim3A_2376, %select_n3A_2371 : vector<1x1024xi1>, vector<1x1024xf32>
    %slice3A_2378 = vector.extract_strided_slice %logistic3A_2350 {offsets = [5, 0], sizes = [1, 1024], strides = [1, 1]} : vector<80x1024xf32> to vector<1x1024xf32>
    %gt3A_2379 = arith.cmpf ogt, %slice3A_2378, %select_n3A_2374 : vector<1x1024xf32>
    %select_n3A_2380 = arith.select %gt3A_2379, %slice3A_2378, %select_n3A_2374 : vector<1x1024xi1>, vector<1x1024xf32>
    %jit3A_2381 = arith.constant 5.000000e+00 : f32
    %broadcast_in_dim3A_2382 = vector.broadcast %jit3A_2381 : f32 to vector<1x1024xf32>
    %select_n3A_2383 = arith.select %gt3A_2379, %broadcast_in_dim3A_2382, %select_n3A_2377 : vector<1x1024xi1>, vector<1x1024xf32>
    %slice3A_2384 = vector.extract_strided_slice %logistic3A_2350 {offsets = [6, 0], sizes = [1, 1024], strides = [1, 1]} : vector<80x1024xf32> to vector<1x1024xf32>
    %gt3A_2385 = arith.cmpf ogt, %slice3A_2384, %select_n3A_2380 : vector<1x1024xf32>
    %select_n3A_2386 = arith.select %gt3A_2385, %slice3A_2384, %select_n3A_2380 : vector<1x1024xi1>, vector<1x1024xf32>
    %jit3A_2387 = arith.constant 6.000000e+00 : f32
    %broadcast_in_dim3A_2388 = vector.broadcast %jit3A_2387 : f32 to vector<1x1024xf32>
    %select_n3A_2389 = arith.select %gt3A_2385, %broadcast_in_dim3A_2388, %select_n3A_2383 : vector<1x1024xi1>, vector<1x1024xf32>
    %slice3A_2390 = vector.extract_strided_slice %logistic3A_2350 {offsets = [7, 0], sizes = [1, 1024], strides = [1, 1]} : vector<80x1024xf32> to vector<1x1024xf32>
    %gt3A_2391 = arith.cmpf ogt, %slice3A_2390, %select_n3A_2386 : vector<1x1024xf32>
    %select_n3A_2392 = arith.select %gt3A_2391, %slice3A_2390, %select_n3A_2386 : vector<1x1024xi1>, vector<1x1024xf32>
    %jit3A_2393 = arith.constant 7.000000e+00 : f32
    %broadcast_in_dim3A_2394 = vector.broadcast %jit3A_2393 : f32 to vector<1x1024xf32>
    %select_n3A_2395 = arith.select %gt3A_2391, %broadcast_in_dim3A_2394, %select_n3A_2389 : vector<1x1024xi1>, vector<1x1024xf32>
    %slice3A_2396 = vector.extract_strided_slice %logistic3A_2350 {offsets = [8, 0], sizes = [1, 1024], strides = [1, 1]} : vector<80x1024xf32> to vector<1x1024xf32>
    %gt3A_2397 = arith.cmpf ogt, %slice3A_2396, %select_n3A_2392 : vector<1x1024xf32>
    %select_n3A_2398 = arith.select %gt3A_2397, %slice3A_2396, %select_n3A_2392 : vector<1x1024xi1>, vector<1x1024xf32>
    %jit3A_2399 = arith.constant 8.000000e+00 : f32
    %broadcast_in_dim3A_2400 = vector.broadcast %jit3A_2399 : f32 to vector<1x1024xf32>
    %select_n3A_2401 = arith.select %gt3A_2397, %broadcast_in_dim3A_2400, %select_n3A_2395 : vector<1x1024xi1>, vector<1x1024xf32>
    %slice3A_2402 = vector.extract_strided_slice %logistic3A_2350 {offsets = [9, 0], sizes = [1, 1024], strides = [1, 1]} : vector<80x1024xf32> to vector<1x1024xf32>
    %gt3A_2403 = arith.cmpf ogt, %slice3A_2402, %select_n3A_2398 : vector<1x1024xf32>
    %select_n3A_2404 = arith.select %gt3A_2403, %slice3A_2402, %select_n3A_2398 : vector<1x1024xi1>, vector<1x1024xf32>
    %jit3A_2405 = arith.constant 9.000000e+00 : f32
    %broadcast_in_dim3A_2406 = vector.broadcast %jit3A_2405 : f32 to vector<1x1024xf32>
    %select_n3A_2407 = arith.select %gt3A_2403, %broadcast_in_dim3A_2406, %select_n3A_2401 : vector<1x1024xi1>, vector<1x1024xf32>
    %slice3A_2408 = vector.extract_strided_slice %logistic3A_2350 {offsets = [10, 0], sizes = [1, 1024], strides = [1, 1]} : vector<80x1024xf32> to vector<1x1024xf32>
    %gt3A_2409 = arith.cmpf ogt, %slice3A_2408, %select_n3A_2404 : vector<1x1024xf32>
    %select_n3A_2410 = arith.select %gt3A_2409, %slice3A_2408, %select_n3A_2404 : vector<1x1024xi1>, vector<1x1024xf32>
    %jit3A_2411 = arith.constant 1.000000e+01 : f32
    %broadcast_in_dim3A_2412 = vector.broadcast %jit3A_2411 : f32 to vector<1x1024xf32>
    %select_n3A_2413 = arith.select %gt3A_2409, %broadcast_in_dim3A_2412, %select_n3A_2407 : vector<1x1024xi1>, vector<1x1024xf32>
    %slice3A_2414 = vector.extract_strided_slice %logistic3A_2350 {offsets = [11, 0], sizes = [1, 1024], strides = [1, 1]} : vector<80x1024xf32> to vector<1x1024xf32>
    %gt3A_2415 = arith.cmpf ogt, %slice3A_2414, %select_n3A_2410 : vector<1x1024xf32>
    %select_n3A_2416 = arith.select %gt3A_2415, %slice3A_2414, %select_n3A_2410 : vector<1x1024xi1>, vector<1x1024xf32>
    %jit3A_2417 = arith.constant 1.100000e+01 : f32
    %broadcast_in_dim3A_2418 = vector.broadcast %jit3A_2417 : f32 to vector<1x1024xf32>
    %select_n3A_2419 = arith.select %gt3A_2415, %broadcast_in_dim3A_2418, %select_n3A_2413 : vector<1x1024xi1>, vector<1x1024xf32>
    %slice3A_2420 = vector.extract_strided_slice %logistic3A_2350 {offsets = [12, 0], sizes = [1, 1024], strides = [1, 1]} : vector<80x1024xf32> to vector<1x1024xf32>
    %gt3A_2421 = arith.cmpf ogt, %slice3A_2420, %select_n3A_2416 : vector<1x1024xf32>
    %select_n3A_2422 = arith.select %gt3A_2421, %slice3A_2420, %select_n3A_2416 : vector<1x1024xi1>, vector<1x1024xf32>
    %jit3A_2423 = arith.constant 1.200000e+01 : f32
    %broadcast_in_dim3A_2424 = vector.broadcast %jit3A_2423 : f32 to vector<1x1024xf32>
    %select_n3A_2425 = arith.select %gt3A_2421, %broadcast_in_dim3A_2424, %select_n3A_2419 : vector<1x1024xi1>, vector<1x1024xf32>
    %slice3A_2426 = vector.extract_strided_slice %logistic3A_2350 {offsets = [13, 0], sizes = [1, 1024], strides = [1, 1]} : vector<80x1024xf32> to vector<1x1024xf32>
    %gt3A_2427 = arith.cmpf ogt, %slice3A_2426, %select_n3A_2422 : vector<1x1024xf32>
    %select_n3A_2428 = arith.select %gt3A_2427, %slice3A_2426, %select_n3A_2422 : vector<1x1024xi1>, vector<1x1024xf32>
    %jit3A_2429 = arith.constant 1.300000e+01 : f32
    %broadcast_in_dim3A_2430 = vector.broadcast %jit3A_2429 : f32 to vector<1x1024xf32>
    %select_n3A_2431 = arith.select %gt3A_2427, %broadcast_in_dim3A_2430, %select_n3A_2425 : vector<1x1024xi1>, vector<1x1024xf32>
    %slice3A_2432 = vector.extract_strided_slice %logistic3A_2350 {offsets = [14, 0], sizes = [1, 1024], strides = [1, 1]} : vector<80x1024xf32> to vector<1x1024xf32>
    %gt3A_2433 = arith.cmpf ogt, %slice3A_2432, %select_n3A_2428 : vector<1x1024xf32>
    %select_n3A_2434 = arith.select %gt3A_2433, %slice3A_2432, %select_n3A_2428 : vector<1x1024xi1>, vector<1x1024xf32>
    %jit3A_2435 = arith.constant 1.400000e+01 : f32
    %broadcast_in_dim3A_2436 = vector.broadcast %jit3A_2435 : f32 to vector<1x1024xf32>
    %select_n3A_2437 = arith.select %gt3A_2433, %broadcast_in_dim3A_2436, %select_n3A_2431 : vector<1x1024xi1>, vector<1x1024xf32>
    %slice3A_2438 = vector.extract_strided_slice %logistic3A_2350 {offsets = [15, 0], sizes = [1, 1024], strides = [1, 1]} : vector<80x1024xf32> to vector<1x1024xf32>
    %gt3A_2439 = arith.cmpf ogt, %slice3A_2438, %select_n3A_2434 : vector<1x1024xf32>
    %select_n3A_2440 = arith.select %gt3A_2439, %slice3A_2438, %select_n3A_2434 : vector<1x1024xi1>, vector<1x1024xf32>
    %jit3A_2441 = arith.constant 1.500000e+01 : f32
    %broadcast_in_dim3A_2442 = vector.broadcast %jit3A_2441 : f32 to vector<1x1024xf32>
    %select_n3A_2443 = arith.select %gt3A_2439, %broadcast_in_dim3A_2442, %select_n3A_2437 : vector<1x1024xi1>, vector<1x1024xf32>
    %slice3A_2444 = vector.extract_strided_slice %logistic3A_2350 {offsets = [16, 0], sizes = [1, 1024], strides = [1, 1]} : vector<80x1024xf32> to vector<1x1024xf32>
    %gt3A_2445 = arith.cmpf ogt, %slice3A_2444, %select_n3A_2440 : vector<1x1024xf32>
    %select_n3A_2446 = arith.select %gt3A_2445, %slice3A_2444, %select_n3A_2440 : vector<1x1024xi1>, vector<1x1024xf32>
    %jit3A_2447 = arith.constant 1.600000e+01 : f32
    %broadcast_in_dim3A_2448 = vector.broadcast %jit3A_2447 : f32 to vector<1x1024xf32>
    %select_n3A_2449 = arith.select %gt3A_2445, %broadcast_in_dim3A_2448, %select_n3A_2443 : vector<1x1024xi1>, vector<1x1024xf32>
    %slice3A_2450 = vector.extract_strided_slice %logistic3A_2350 {offsets = [17, 0], sizes = [1, 1024], strides = [1, 1]} : vector<80x1024xf32> to vector<1x1024xf32>
    %gt3A_2451 = arith.cmpf ogt, %slice3A_2450, %select_n3A_2446 : vector<1x1024xf32>
    %select_n3A_2452 = arith.select %gt3A_2451, %slice3A_2450, %select_n3A_2446 : vector<1x1024xi1>, vector<1x1024xf32>
    %jit3A_2453 = arith.constant 1.700000e+01 : f32
    %broadcast_in_dim3A_2454 = vector.broadcast %jit3A_2453 : f32 to vector<1x1024xf32>
    %select_n3A_2455 = arith.select %gt3A_2451, %broadcast_in_dim3A_2454, %select_n3A_2449 : vector<1x1024xi1>, vector<1x1024xf32>
    %slice3A_2456 = vector.extract_strided_slice %logistic3A_2350 {offsets = [18, 0], sizes = [1, 1024], strides = [1, 1]} : vector<80x1024xf32> to vector<1x1024xf32>
    %gt3A_2457 = arith.cmpf ogt, %slice3A_2456, %select_n3A_2452 : vector<1x1024xf32>
    %select_n3A_2458 = arith.select %gt3A_2457, %slice3A_2456, %select_n3A_2452 : vector<1x1024xi1>, vector<1x1024xf32>
    %jit3A_2459 = arith.constant 1.800000e+01 : f32
    %broadcast_in_dim3A_2460 = vector.broadcast %jit3A_2459 : f32 to vector<1x1024xf32>
    %select_n3A_2461 = arith.select %gt3A_2457, %broadcast_in_dim3A_2460, %select_n3A_2455 : vector<1x1024xi1>, vector<1x1024xf32>
    %slice3A_2462 = vector.extract_strided_slice %logistic3A_2350 {offsets = [19, 0], sizes = [1, 1024], strides = [1, 1]} : vector<80x1024xf32> to vector<1x1024xf32>
    %gt3A_2463 = arith.cmpf ogt, %slice3A_2462, %select_n3A_2458 : vector<1x1024xf32>
    %select_n3A_2464 = arith.select %gt3A_2463, %slice3A_2462, %select_n3A_2458 : vector<1x1024xi1>, vector<1x1024xf32>
    %jit3A_2465 = arith.constant 1.900000e+01 : f32
    %broadcast_in_dim3A_2466 = vector.broadcast %jit3A_2465 : f32 to vector<1x1024xf32>
    %select_n3A_2467 = arith.select %gt3A_2463, %broadcast_in_dim3A_2466, %select_n3A_2461 : vector<1x1024xi1>, vector<1x1024xf32>
    %slice3A_2468 = vector.extract_strided_slice %logistic3A_2350 {offsets = [20, 0], sizes = [1, 1024], strides = [1, 1]} : vector<80x1024xf32> to vector<1x1024xf32>
    %gt3A_2469 = arith.cmpf ogt, %slice3A_2468, %select_n3A_2464 : vector<1x1024xf32>
    %select_n3A_2470 = arith.select %gt3A_2469, %slice3A_2468, %select_n3A_2464 : vector<1x1024xi1>, vector<1x1024xf32>
    %jit3A_2471 = arith.constant 2.000000e+01 : f32
    %broadcast_in_dim3A_2472 = vector.broadcast %jit3A_2471 : f32 to vector<1x1024xf32>
    %select_n3A_2473 = arith.select %gt3A_2469, %broadcast_in_dim3A_2472, %select_n3A_2467 : vector<1x1024xi1>, vector<1x1024xf32>
    %slice3A_2474 = vector.extract_strided_slice %logistic3A_2350 {offsets = [21, 0], sizes = [1, 1024], strides = [1, 1]} : vector<80x1024xf32> to vector<1x1024xf32>
    %gt3A_2475 = arith.cmpf ogt, %slice3A_2474, %select_n3A_2470 : vector<1x1024xf32>
    %select_n3A_2476 = arith.select %gt3A_2475, %slice3A_2474, %select_n3A_2470 : vector<1x1024xi1>, vector<1x1024xf32>
    %jit3A_2477 = arith.constant 2.100000e+01 : f32
    %broadcast_in_dim3A_2478 = vector.broadcast %jit3A_2477 : f32 to vector<1x1024xf32>
    %select_n3A_2479 = arith.select %gt3A_2475, %broadcast_in_dim3A_2478, %select_n3A_2473 : vector<1x1024xi1>, vector<1x1024xf32>
    %slice3A_2480 = vector.extract_strided_slice %logistic3A_2350 {offsets = [22, 0], sizes = [1, 1024], strides = [1, 1]} : vector<80x1024xf32> to vector<1x1024xf32>
    %gt3A_2481 = arith.cmpf ogt, %slice3A_2480, %select_n3A_2476 : vector<1x1024xf32>
    %select_n3A_2482 = arith.select %gt3A_2481, %slice3A_2480, %select_n3A_2476 : vector<1x1024xi1>, vector<1x1024xf32>
    %jit3A_2483 = arith.constant 2.200000e+01 : f32
    %broadcast_in_dim3A_2484 = vector.broadcast %jit3A_2483 : f32 to vector<1x1024xf32>
    %select_n3A_2485 = arith.select %gt3A_2481, %broadcast_in_dim3A_2484, %select_n3A_2479 : vector<1x1024xi1>, vector<1x1024xf32>
    %slice3A_2486 = vector.extract_strided_slice %logistic3A_2350 {offsets = [23, 0], sizes = [1, 1024], strides = [1, 1]} : vector<80x1024xf32> to vector<1x1024xf32>
    %gt3A_2487 = arith.cmpf ogt, %slice3A_2486, %select_n3A_2482 : vector<1x1024xf32>
    %select_n3A_2488 = arith.select %gt3A_2487, %slice3A_2486, %select_n3A_2482 : vector<1x1024xi1>, vector<1x1024xf32>
    %jit3A_2489 = arith.constant 2.300000e+01 : f32
    %broadcast_in_dim3A_2490 = vector.broadcast %jit3A_2489 : f32 to vector<1x1024xf32>
    %select_n3A_2491 = arith.select %gt3A_2487, %broadcast_in_dim3A_2490, %select_n3A_2485 : vector<1x1024xi1>, vector<1x1024xf32>
    %slice3A_2492 = vector.extract_strided_slice %logistic3A_2350 {offsets = [24, 0], sizes = [1, 1024], strides = [1, 1]} : vector<80x1024xf32> to vector<1x1024xf32>
    %gt3A_2493 = arith.cmpf ogt, %slice3A_2492, %select_n3A_2488 : vector<1x1024xf32>
    %select_n3A_2494 = arith.select %gt3A_2493, %slice3A_2492, %select_n3A_2488 : vector<1x1024xi1>, vector<1x1024xf32>
    %jit3A_2495 = arith.constant 2.400000e+01 : f32
    %broadcast_in_dim3A_2496 = vector.broadcast %jit3A_2495 : f32 to vector<1x1024xf32>
    %select_n3A_2497 = arith.select %gt3A_2493, %broadcast_in_dim3A_2496, %select_n3A_2491 : vector<1x1024xi1>, vector<1x1024xf32>
    %slice3A_2498 = vector.extract_strided_slice %logistic3A_2350 {offsets = [25, 0], sizes = [1, 1024], strides = [1, 1]} : vector<80x1024xf32> to vector<1x1024xf32>
    %gt3A_2499 = arith.cmpf ogt, %slice3A_2498, %select_n3A_2494 : vector<1x1024xf32>
    %select_n3A_2500 = arith.select %gt3A_2499, %slice3A_2498, %select_n3A_2494 : vector<1x1024xi1>, vector<1x1024xf32>
    %jit3A_2501 = arith.constant 2.500000e+01 : f32
    %broadcast_in_dim3A_2502 = vector.broadcast %jit3A_2501 : f32 to vector<1x1024xf32>
    %select_n3A_2503 = arith.select %gt3A_2499, %broadcast_in_dim3A_2502, %select_n3A_2497 : vector<1x1024xi1>, vector<1x1024xf32>
    %slice3A_2504 = vector.extract_strided_slice %logistic3A_2350 {offsets = [26, 0], sizes = [1, 1024], strides = [1, 1]} : vector<80x1024xf32> to vector<1x1024xf32>
    %gt3A_2505 = arith.cmpf ogt, %slice3A_2504, %select_n3A_2500 : vector<1x1024xf32>
    %select_n3A_2506 = arith.select %gt3A_2505, %slice3A_2504, %select_n3A_2500 : vector<1x1024xi1>, vector<1x1024xf32>
    %jit3A_2507 = arith.constant 2.600000e+01 : f32
    %broadcast_in_dim3A_2508 = vector.broadcast %jit3A_2507 : f32 to vector<1x1024xf32>
    %select_n3A_2509 = arith.select %gt3A_2505, %broadcast_in_dim3A_2508, %select_n3A_2503 : vector<1x1024xi1>, vector<1x1024xf32>
    %slice3A_2510 = vector.extract_strided_slice %logistic3A_2350 {offsets = [27, 0], sizes = [1, 1024], strides = [1, 1]} : vector<80x1024xf32> to vector<1x1024xf32>
    %gt3A_2511 = arith.cmpf ogt, %slice3A_2510, %select_n3A_2506 : vector<1x1024xf32>
    %select_n3A_2512 = arith.select %gt3A_2511, %slice3A_2510, %select_n3A_2506 : vector<1x1024xi1>, vector<1x1024xf32>
    %jit3A_2513 = arith.constant 2.700000e+01 : f32
    %broadcast_in_dim3A_2514 = vector.broadcast %jit3A_2513 : f32 to vector<1x1024xf32>
    %select_n3A_2515 = arith.select %gt3A_2511, %broadcast_in_dim3A_2514, %select_n3A_2509 : vector<1x1024xi1>, vector<1x1024xf32>
    %slice3A_2516 = vector.extract_strided_slice %logistic3A_2350 {offsets = [28, 0], sizes = [1, 1024], strides = [1, 1]} : vector<80x1024xf32> to vector<1x1024xf32>
    %gt3A_2517 = arith.cmpf ogt, %slice3A_2516, %select_n3A_2512 : vector<1x1024xf32>
    %select_n3A_2518 = arith.select %gt3A_2517, %slice3A_2516, %select_n3A_2512 : vector<1x1024xi1>, vector<1x1024xf32>
    %jit3A_2519 = arith.constant 2.800000e+01 : f32
    %broadcast_in_dim3A_2520 = vector.broadcast %jit3A_2519 : f32 to vector<1x1024xf32>
    %select_n3A_2521 = arith.select %gt3A_2517, %broadcast_in_dim3A_2520, %select_n3A_2515 : vector<1x1024xi1>, vector<1x1024xf32>
    %slice3A_2522 = vector.extract_strided_slice %logistic3A_2350 {offsets = [29, 0], sizes = [1, 1024], strides = [1, 1]} : vector<80x1024xf32> to vector<1x1024xf32>
    %gt3A_2523 = arith.cmpf ogt, %slice3A_2522, %select_n3A_2518 : vector<1x1024xf32>
    %select_n3A_2524 = arith.select %gt3A_2523, %slice3A_2522, %select_n3A_2518 : vector<1x1024xi1>, vector<1x1024xf32>
    %jit3A_2525 = arith.constant 2.900000e+01 : f32
    %broadcast_in_dim3A_2526 = vector.broadcast %jit3A_2525 : f32 to vector<1x1024xf32>
    %select_n3A_2527 = arith.select %gt3A_2523, %broadcast_in_dim3A_2526, %select_n3A_2521 : vector<1x1024xi1>, vector<1x1024xf32>
    %slice3A_2528 = vector.extract_strided_slice %logistic3A_2350 {offsets = [30, 0], sizes = [1, 1024], strides = [1, 1]} : vector<80x1024xf32> to vector<1x1024xf32>
    %gt3A_2529 = arith.cmpf ogt, %slice3A_2528, %select_n3A_2524 : vector<1x1024xf32>
    %select_n3A_2530 = arith.select %gt3A_2529, %slice3A_2528, %select_n3A_2524 : vector<1x1024xi1>, vector<1x1024xf32>
    %jit3A_2531 = arith.constant 3.000000e+01 : f32
    %broadcast_in_dim3A_2532 = vector.broadcast %jit3A_2531 : f32 to vector<1x1024xf32>
    %select_n3A_2533 = arith.select %gt3A_2529, %broadcast_in_dim3A_2532, %select_n3A_2527 : vector<1x1024xi1>, vector<1x1024xf32>
    %slice3A_2534 = vector.extract_strided_slice %logistic3A_2350 {offsets = [31, 0], sizes = [1, 1024], strides = [1, 1]} : vector<80x1024xf32> to vector<1x1024xf32>
    %gt3A_2535 = arith.cmpf ogt, %slice3A_2534, %select_n3A_2530 : vector<1x1024xf32>
    %select_n3A_2536 = arith.select %gt3A_2535, %slice3A_2534, %select_n3A_2530 : vector<1x1024xi1>, vector<1x1024xf32>
    %jit3A_2537 = arith.constant 3.100000e+01 : f32
    %broadcast_in_dim3A_2538 = vector.broadcast %jit3A_2537 : f32 to vector<1x1024xf32>
    %select_n3A_2539 = arith.select %gt3A_2535, %broadcast_in_dim3A_2538, %select_n3A_2533 : vector<1x1024xi1>, vector<1x1024xf32>
    %slice3A_2540 = vector.extract_strided_slice %logistic3A_2350 {offsets = [32, 0], sizes = [1, 1024], strides = [1, 1]} : vector<80x1024xf32> to vector<1x1024xf32>
    %gt3A_2541 = arith.cmpf ogt, %slice3A_2540, %select_n3A_2536 : vector<1x1024xf32>
    %select_n3A_2542 = arith.select %gt3A_2541, %slice3A_2540, %select_n3A_2536 : vector<1x1024xi1>, vector<1x1024xf32>
    %jit3A_2543 = arith.constant 3.200000e+01 : f32
    %broadcast_in_dim3A_2544 = vector.broadcast %jit3A_2543 : f32 to vector<1x1024xf32>
    %select_n3A_2545 = arith.select %gt3A_2541, %broadcast_in_dim3A_2544, %select_n3A_2539 : vector<1x1024xi1>, vector<1x1024xf32>
    %slice3A_2546 = vector.extract_strided_slice %logistic3A_2350 {offsets = [33, 0], sizes = [1, 1024], strides = [1, 1]} : vector<80x1024xf32> to vector<1x1024xf32>
    %gt3A_2547 = arith.cmpf ogt, %slice3A_2546, %select_n3A_2542 : vector<1x1024xf32>
    %select_n3A_2548 = arith.select %gt3A_2547, %slice3A_2546, %select_n3A_2542 : vector<1x1024xi1>, vector<1x1024xf32>
    %jit3A_2549 = arith.constant 3.300000e+01 : f32
    %broadcast_in_dim3A_2550 = vector.broadcast %jit3A_2549 : f32 to vector<1x1024xf32>
    %select_n3A_2551 = arith.select %gt3A_2547, %broadcast_in_dim3A_2550, %select_n3A_2545 : vector<1x1024xi1>, vector<1x1024xf32>
    %slice3A_2552 = vector.extract_strided_slice %logistic3A_2350 {offsets = [34, 0], sizes = [1, 1024], strides = [1, 1]} : vector<80x1024xf32> to vector<1x1024xf32>
    %gt3A_2553 = arith.cmpf ogt, %slice3A_2552, %select_n3A_2548 : vector<1x1024xf32>
    %select_n3A_2554 = arith.select %gt3A_2553, %slice3A_2552, %select_n3A_2548 : vector<1x1024xi1>, vector<1x1024xf32>
    %jit3A_2555 = arith.constant 3.400000e+01 : f32
    %broadcast_in_dim3A_2556 = vector.broadcast %jit3A_2555 : f32 to vector<1x1024xf32>
    %select_n3A_2557 = arith.select %gt3A_2553, %broadcast_in_dim3A_2556, %select_n3A_2551 : vector<1x1024xi1>, vector<1x1024xf32>
    %slice3A_2558 = vector.extract_strided_slice %logistic3A_2350 {offsets = [35, 0], sizes = [1, 1024], strides = [1, 1]} : vector<80x1024xf32> to vector<1x1024xf32>
    %gt3A_2559 = arith.cmpf ogt, %slice3A_2558, %select_n3A_2554 : vector<1x1024xf32>
    %select_n3A_2560 = arith.select %gt3A_2559, %slice3A_2558, %select_n3A_2554 : vector<1x1024xi1>, vector<1x1024xf32>
    %jit3A_2561 = arith.constant 3.500000e+01 : f32
    %broadcast_in_dim3A_2562 = vector.broadcast %jit3A_2561 : f32 to vector<1x1024xf32>
    %select_n3A_2563 = arith.select %gt3A_2559, %broadcast_in_dim3A_2562, %select_n3A_2557 : vector<1x1024xi1>, vector<1x1024xf32>
    %slice3A_2564 = vector.extract_strided_slice %logistic3A_2350 {offsets = [36, 0], sizes = [1, 1024], strides = [1, 1]} : vector<80x1024xf32> to vector<1x1024xf32>
    %gt3A_2565 = arith.cmpf ogt, %slice3A_2564, %select_n3A_2560 : vector<1x1024xf32>
    %select_n3A_2566 = arith.select %gt3A_2565, %slice3A_2564, %select_n3A_2560 : vector<1x1024xi1>, vector<1x1024xf32>
    %jit3A_2567 = arith.constant 3.600000e+01 : f32
    %broadcast_in_dim3A_2568 = vector.broadcast %jit3A_2567 : f32 to vector<1x1024xf32>
    %select_n3A_2569 = arith.select %gt3A_2565, %broadcast_in_dim3A_2568, %select_n3A_2563 : vector<1x1024xi1>, vector<1x1024xf32>
    %slice3A_2570 = vector.extract_strided_slice %logistic3A_2350 {offsets = [37, 0], sizes = [1, 1024], strides = [1, 1]} : vector<80x1024xf32> to vector<1x1024xf32>
    %gt3A_2571 = arith.cmpf ogt, %slice3A_2570, %select_n3A_2566 : vector<1x1024xf32>
    %select_n3A_2572 = arith.select %gt3A_2571, %slice3A_2570, %select_n3A_2566 : vector<1x1024xi1>, vector<1x1024xf32>
    %jit3A_2573 = arith.constant 3.700000e+01 : f32
    %broadcast_in_dim3A_2574 = vector.broadcast %jit3A_2573 : f32 to vector<1x1024xf32>
    %select_n3A_2575 = arith.select %gt3A_2571, %broadcast_in_dim3A_2574, %select_n3A_2569 : vector<1x1024xi1>, vector<1x1024xf32>
    %slice3A_2576 = vector.extract_strided_slice %logistic3A_2350 {offsets = [38, 0], sizes = [1, 1024], strides = [1, 1]} : vector<80x1024xf32> to vector<1x1024xf32>
    %gt3A_2577 = arith.cmpf ogt, %slice3A_2576, %select_n3A_2572 : vector<1x1024xf32>
    %select_n3A_2578 = arith.select %gt3A_2577, %slice3A_2576, %select_n3A_2572 : vector<1x1024xi1>, vector<1x1024xf32>
    %jit3A_2579 = arith.constant 3.800000e+01 : f32
    %broadcast_in_dim3A_2580 = vector.broadcast %jit3A_2579 : f32 to vector<1x1024xf32>
    %select_n3A_2581 = arith.select %gt3A_2577, %broadcast_in_dim3A_2580, %select_n3A_2575 : vector<1x1024xi1>, vector<1x1024xf32>
    %slice3A_2582 = vector.extract_strided_slice %logistic3A_2350 {offsets = [39, 0], sizes = [1, 1024], strides = [1, 1]} : vector<80x1024xf32> to vector<1x1024xf32>
    %gt3A_2583 = arith.cmpf ogt, %slice3A_2582, %select_n3A_2578 : vector<1x1024xf32>
    %select_n3A_2584 = arith.select %gt3A_2583, %slice3A_2582, %select_n3A_2578 : vector<1x1024xi1>, vector<1x1024xf32>
    %jit3A_2585 = arith.constant 3.900000e+01 : f32
    %broadcast_in_dim3A_2586 = vector.broadcast %jit3A_2585 : f32 to vector<1x1024xf32>
    %select_n3A_2587 = arith.select %gt3A_2583, %broadcast_in_dim3A_2586, %select_n3A_2581 : vector<1x1024xi1>, vector<1x1024xf32>
    %slice3A_2588 = vector.extract_strided_slice %logistic3A_2350 {offsets = [40, 0], sizes = [1, 1024], strides = [1, 1]} : vector<80x1024xf32> to vector<1x1024xf32>
    %gt3A_2589 = arith.cmpf ogt, %slice3A_2588, %select_n3A_2584 : vector<1x1024xf32>
    %select_n3A_2590 = arith.select %gt3A_2589, %slice3A_2588, %select_n3A_2584 : vector<1x1024xi1>, vector<1x1024xf32>
    %jit3A_2591 = arith.constant 4.000000e+01 : f32
    %broadcast_in_dim3A_2592 = vector.broadcast %jit3A_2591 : f32 to vector<1x1024xf32>
    %select_n3A_2593 = arith.select %gt3A_2589, %broadcast_in_dim3A_2592, %select_n3A_2587 : vector<1x1024xi1>, vector<1x1024xf32>
    %slice3A_2594 = vector.extract_strided_slice %logistic3A_2350 {offsets = [41, 0], sizes = [1, 1024], strides = [1, 1]} : vector<80x1024xf32> to vector<1x1024xf32>
    %gt3A_2595 = arith.cmpf ogt, %slice3A_2594, %select_n3A_2590 : vector<1x1024xf32>
    %select_n3A_2596 = arith.select %gt3A_2595, %slice3A_2594, %select_n3A_2590 : vector<1x1024xi1>, vector<1x1024xf32>
    %jit3A_2597 = arith.constant 4.100000e+01 : f32
    %broadcast_in_dim3A_2598 = vector.broadcast %jit3A_2597 : f32 to vector<1x1024xf32>
    %select_n3A_2599 = arith.select %gt3A_2595, %broadcast_in_dim3A_2598, %select_n3A_2593 : vector<1x1024xi1>, vector<1x1024xf32>
    %slice3A_2600 = vector.extract_strided_slice %logistic3A_2350 {offsets = [42, 0], sizes = [1, 1024], strides = [1, 1]} : vector<80x1024xf32> to vector<1x1024xf32>
    %gt3A_2601 = arith.cmpf ogt, %slice3A_2600, %select_n3A_2596 : vector<1x1024xf32>
    %select_n3A_2602 = arith.select %gt3A_2601, %slice3A_2600, %select_n3A_2596 : vector<1x1024xi1>, vector<1x1024xf32>
    %jit3A_2603 = arith.constant 4.200000e+01 : f32
    %broadcast_in_dim3A_2604 = vector.broadcast %jit3A_2603 : f32 to vector<1x1024xf32>
    %select_n3A_2605 = arith.select %gt3A_2601, %broadcast_in_dim3A_2604, %select_n3A_2599 : vector<1x1024xi1>, vector<1x1024xf32>
    %slice3A_2606 = vector.extract_strided_slice %logistic3A_2350 {offsets = [43, 0], sizes = [1, 1024], strides = [1, 1]} : vector<80x1024xf32> to vector<1x1024xf32>
    %gt3A_2607 = arith.cmpf ogt, %slice3A_2606, %select_n3A_2602 : vector<1x1024xf32>
    %select_n3A_2608 = arith.select %gt3A_2607, %slice3A_2606, %select_n3A_2602 : vector<1x1024xi1>, vector<1x1024xf32>
    %jit3A_2609 = arith.constant 4.300000e+01 : f32
    %broadcast_in_dim3A_2610 = vector.broadcast %jit3A_2609 : f32 to vector<1x1024xf32>
    %select_n3A_2611 = arith.select %gt3A_2607, %broadcast_in_dim3A_2610, %select_n3A_2605 : vector<1x1024xi1>, vector<1x1024xf32>
    %slice3A_2612 = vector.extract_strided_slice %logistic3A_2350 {offsets = [44, 0], sizes = [1, 1024], strides = [1, 1]} : vector<80x1024xf32> to vector<1x1024xf32>
    %gt3A_2613 = arith.cmpf ogt, %slice3A_2612, %select_n3A_2608 : vector<1x1024xf32>
    %select_n3A_2614 = arith.select %gt3A_2613, %slice3A_2612, %select_n3A_2608 : vector<1x1024xi1>, vector<1x1024xf32>
    %jit3A_2615 = arith.constant 4.400000e+01 : f32
    %broadcast_in_dim3A_2616 = vector.broadcast %jit3A_2615 : f32 to vector<1x1024xf32>
    %select_n3A_2617 = arith.select %gt3A_2613, %broadcast_in_dim3A_2616, %select_n3A_2611 : vector<1x1024xi1>, vector<1x1024xf32>
    %slice3A_2618 = vector.extract_strided_slice %logistic3A_2350 {offsets = [45, 0], sizes = [1, 1024], strides = [1, 1]} : vector<80x1024xf32> to vector<1x1024xf32>
    %gt3A_2619 = arith.cmpf ogt, %slice3A_2618, %select_n3A_2614 : vector<1x1024xf32>
    %select_n3A_2620 = arith.select %gt3A_2619, %slice3A_2618, %select_n3A_2614 : vector<1x1024xi1>, vector<1x1024xf32>
    %jit3A_2621 = arith.constant 4.500000e+01 : f32
    %broadcast_in_dim3A_2622 = vector.broadcast %jit3A_2621 : f32 to vector<1x1024xf32>
    %select_n3A_2623 = arith.select %gt3A_2619, %broadcast_in_dim3A_2622, %select_n3A_2617 : vector<1x1024xi1>, vector<1x1024xf32>
    %slice3A_2624 = vector.extract_strided_slice %logistic3A_2350 {offsets = [46, 0], sizes = [1, 1024], strides = [1, 1]} : vector<80x1024xf32> to vector<1x1024xf32>
    %gt3A_2625 = arith.cmpf ogt, %slice3A_2624, %select_n3A_2620 : vector<1x1024xf32>
    %select_n3A_2626 = arith.select %gt3A_2625, %slice3A_2624, %select_n3A_2620 : vector<1x1024xi1>, vector<1x1024xf32>
    %jit3A_2627 = arith.constant 4.600000e+01 : f32
    %broadcast_in_dim3A_2628 = vector.broadcast %jit3A_2627 : f32 to vector<1x1024xf32>
    %select_n3A_2629 = arith.select %gt3A_2625, %broadcast_in_dim3A_2628, %select_n3A_2623 : vector<1x1024xi1>, vector<1x1024xf32>
    %slice3A_2630 = vector.extract_strided_slice %logistic3A_2350 {offsets = [47, 0], sizes = [1, 1024], strides = [1, 1]} : vector<80x1024xf32> to vector<1x1024xf32>
    %gt3A_2631 = arith.cmpf ogt, %slice3A_2630, %select_n3A_2626 : vector<1x1024xf32>
    %select_n3A_2632 = arith.select %gt3A_2631, %slice3A_2630, %select_n3A_2626 : vector<1x1024xi1>, vector<1x1024xf32>
    %jit3A_2633 = arith.constant 4.700000e+01 : f32
    %broadcast_in_dim3A_2634 = vector.broadcast %jit3A_2633 : f32 to vector<1x1024xf32>
    %select_n3A_2635 = arith.select %gt3A_2631, %broadcast_in_dim3A_2634, %select_n3A_2629 : vector<1x1024xi1>, vector<1x1024xf32>
    %slice3A_2636 = vector.extract_strided_slice %logistic3A_2350 {offsets = [48, 0], sizes = [1, 1024], strides = [1, 1]} : vector<80x1024xf32> to vector<1x1024xf32>
    %gt3A_2637 = arith.cmpf ogt, %slice3A_2636, %select_n3A_2632 : vector<1x1024xf32>
    %select_n3A_2638 = arith.select %gt3A_2637, %slice3A_2636, %select_n3A_2632 : vector<1x1024xi1>, vector<1x1024xf32>
    %jit3A_2639 = arith.constant 4.800000e+01 : f32
    %broadcast_in_dim3A_2640 = vector.broadcast %jit3A_2639 : f32 to vector<1x1024xf32>
    %select_n3A_2641 = arith.select %gt3A_2637, %broadcast_in_dim3A_2640, %select_n3A_2635 : vector<1x1024xi1>, vector<1x1024xf32>
    %slice3A_2642 = vector.extract_strided_slice %logistic3A_2350 {offsets = [49, 0], sizes = [1, 1024], strides = [1, 1]} : vector<80x1024xf32> to vector<1x1024xf32>
    %gt3A_2643 = arith.cmpf ogt, %slice3A_2642, %select_n3A_2638 : vector<1x1024xf32>
    %select_n3A_2644 = arith.select %gt3A_2643, %slice3A_2642, %select_n3A_2638 : vector<1x1024xi1>, vector<1x1024xf32>
    %jit3A_2645 = arith.constant 4.900000e+01 : f32
    %broadcast_in_dim3A_2646 = vector.broadcast %jit3A_2645 : f32 to vector<1x1024xf32>
    %select_n3A_2647 = arith.select %gt3A_2643, %broadcast_in_dim3A_2646, %select_n3A_2641 : vector<1x1024xi1>, vector<1x1024xf32>
    %slice3A_2648 = vector.extract_strided_slice %logistic3A_2350 {offsets = [50, 0], sizes = [1, 1024], strides = [1, 1]} : vector<80x1024xf32> to vector<1x1024xf32>
    %gt3A_2649 = arith.cmpf ogt, %slice3A_2648, %select_n3A_2644 : vector<1x1024xf32>
    %select_n3A_2650 = arith.select %gt3A_2649, %slice3A_2648, %select_n3A_2644 : vector<1x1024xi1>, vector<1x1024xf32>
    %jit3A_2651 = arith.constant 5.000000e+01 : f32
    %broadcast_in_dim3A_2652 = vector.broadcast %jit3A_2651 : f32 to vector<1x1024xf32>
    %select_n3A_2653 = arith.select %gt3A_2649, %broadcast_in_dim3A_2652, %select_n3A_2647 : vector<1x1024xi1>, vector<1x1024xf32>
    %slice3A_2654 = vector.extract_strided_slice %logistic3A_2350 {offsets = [51, 0], sizes = [1, 1024], strides = [1, 1]} : vector<80x1024xf32> to vector<1x1024xf32>
    %gt3A_2655 = arith.cmpf ogt, %slice3A_2654, %select_n3A_2650 : vector<1x1024xf32>
    %select_n3A_2656 = arith.select %gt3A_2655, %slice3A_2654, %select_n3A_2650 : vector<1x1024xi1>, vector<1x1024xf32>
    %jit3A_2657 = arith.constant 5.100000e+01 : f32
    %broadcast_in_dim3A_2658 = vector.broadcast %jit3A_2657 : f32 to vector<1x1024xf32>
    %select_n3A_2659 = arith.select %gt3A_2655, %broadcast_in_dim3A_2658, %select_n3A_2653 : vector<1x1024xi1>, vector<1x1024xf32>
    %slice3A_2660 = vector.extract_strided_slice %logistic3A_2350 {offsets = [52, 0], sizes = [1, 1024], strides = [1, 1]} : vector<80x1024xf32> to vector<1x1024xf32>
    %gt3A_2661 = arith.cmpf ogt, %slice3A_2660, %select_n3A_2656 : vector<1x1024xf32>
    %select_n3A_2662 = arith.select %gt3A_2661, %slice3A_2660, %select_n3A_2656 : vector<1x1024xi1>, vector<1x1024xf32>
    %jit3A_2663 = arith.constant 5.200000e+01 : f32
    %broadcast_in_dim3A_2664 = vector.broadcast %jit3A_2663 : f32 to vector<1x1024xf32>
    %select_n3A_2665 = arith.select %gt3A_2661, %broadcast_in_dim3A_2664, %select_n3A_2659 : vector<1x1024xi1>, vector<1x1024xf32>
    %slice3A_2666 = vector.extract_strided_slice %logistic3A_2350 {offsets = [53, 0], sizes = [1, 1024], strides = [1, 1]} : vector<80x1024xf32> to vector<1x1024xf32>
    %gt3A_2667 = arith.cmpf ogt, %slice3A_2666, %select_n3A_2662 : vector<1x1024xf32>
    %select_n3A_2668 = arith.select %gt3A_2667, %slice3A_2666, %select_n3A_2662 : vector<1x1024xi1>, vector<1x1024xf32>
    %jit3A_2669 = arith.constant 5.300000e+01 : f32
    %broadcast_in_dim3A_2670 = vector.broadcast %jit3A_2669 : f32 to vector<1x1024xf32>
    %select_n3A_2671 = arith.select %gt3A_2667, %broadcast_in_dim3A_2670, %select_n3A_2665 : vector<1x1024xi1>, vector<1x1024xf32>
    %slice3A_2672 = vector.extract_strided_slice %logistic3A_2350 {offsets = [54, 0], sizes = [1, 1024], strides = [1, 1]} : vector<80x1024xf32> to vector<1x1024xf32>
    %gt3A_2673 = arith.cmpf ogt, %slice3A_2672, %select_n3A_2668 : vector<1x1024xf32>
    %select_n3A_2674 = arith.select %gt3A_2673, %slice3A_2672, %select_n3A_2668 : vector<1x1024xi1>, vector<1x1024xf32>
    %jit3A_2675 = arith.constant 5.400000e+01 : f32
    %broadcast_in_dim3A_2676 = vector.broadcast %jit3A_2675 : f32 to vector<1x1024xf32>
    %select_n3A_2677 = arith.select %gt3A_2673, %broadcast_in_dim3A_2676, %select_n3A_2671 : vector<1x1024xi1>, vector<1x1024xf32>
    %slice3A_2678 = vector.extract_strided_slice %logistic3A_2350 {offsets = [55, 0], sizes = [1, 1024], strides = [1, 1]} : vector<80x1024xf32> to vector<1x1024xf32>
    %gt3A_2679 = arith.cmpf ogt, %slice3A_2678, %select_n3A_2674 : vector<1x1024xf32>
    %select_n3A_2680 = arith.select %gt3A_2679, %slice3A_2678, %select_n3A_2674 : vector<1x1024xi1>, vector<1x1024xf32>
    %jit3A_2681 = arith.constant 5.500000e+01 : f32
    %broadcast_in_dim3A_2682 = vector.broadcast %jit3A_2681 : f32 to vector<1x1024xf32>
    %select_n3A_2683 = arith.select %gt3A_2679, %broadcast_in_dim3A_2682, %select_n3A_2677 : vector<1x1024xi1>, vector<1x1024xf32>
    %slice3A_2684 = vector.extract_strided_slice %logistic3A_2350 {offsets = [56, 0], sizes = [1, 1024], strides = [1, 1]} : vector<80x1024xf32> to vector<1x1024xf32>
    %gt3A_2685 = arith.cmpf ogt, %slice3A_2684, %select_n3A_2680 : vector<1x1024xf32>
    %select_n3A_2686 = arith.select %gt3A_2685, %slice3A_2684, %select_n3A_2680 : vector<1x1024xi1>, vector<1x1024xf32>
    %jit3A_2687 = arith.constant 5.600000e+01 : f32
    %broadcast_in_dim3A_2688 = vector.broadcast %jit3A_2687 : f32 to vector<1x1024xf32>
    %select_n3A_2689 = arith.select %gt3A_2685, %broadcast_in_dim3A_2688, %select_n3A_2683 : vector<1x1024xi1>, vector<1x1024xf32>
    %slice3A_2690 = vector.extract_strided_slice %logistic3A_2350 {offsets = [57, 0], sizes = [1, 1024], strides = [1, 1]} : vector<80x1024xf32> to vector<1x1024xf32>
    %gt3A_2691 = arith.cmpf ogt, %slice3A_2690, %select_n3A_2686 : vector<1x1024xf32>
    %select_n3A_2692 = arith.select %gt3A_2691, %slice3A_2690, %select_n3A_2686 : vector<1x1024xi1>, vector<1x1024xf32>
    %jit3A_2693 = arith.constant 5.700000e+01 : f32
    %broadcast_in_dim3A_2694 = vector.broadcast %jit3A_2693 : f32 to vector<1x1024xf32>
    %select_n3A_2695 = arith.select %gt3A_2691, %broadcast_in_dim3A_2694, %select_n3A_2689 : vector<1x1024xi1>, vector<1x1024xf32>
    %slice3A_2696 = vector.extract_strided_slice %logistic3A_2350 {offsets = [58, 0], sizes = [1, 1024], strides = [1, 1]} : vector<80x1024xf32> to vector<1x1024xf32>
    %gt3A_2697 = arith.cmpf ogt, %slice3A_2696, %select_n3A_2692 : vector<1x1024xf32>
    %select_n3A_2698 = arith.select %gt3A_2697, %slice3A_2696, %select_n3A_2692 : vector<1x1024xi1>, vector<1x1024xf32>
    %jit3A_2699 = arith.constant 5.800000e+01 : f32
    %broadcast_in_dim3A_2700 = vector.broadcast %jit3A_2699 : f32 to vector<1x1024xf32>
    %select_n3A_2701 = arith.select %gt3A_2697, %broadcast_in_dim3A_2700, %select_n3A_2695 : vector<1x1024xi1>, vector<1x1024xf32>
    %slice3A_2702 = vector.extract_strided_slice %logistic3A_2350 {offsets = [59, 0], sizes = [1, 1024], strides = [1, 1]} : vector<80x1024xf32> to vector<1x1024xf32>
    %gt3A_2703 = arith.cmpf ogt, %slice3A_2702, %select_n3A_2698 : vector<1x1024xf32>
    %select_n3A_2704 = arith.select %gt3A_2703, %slice3A_2702, %select_n3A_2698 : vector<1x1024xi1>, vector<1x1024xf32>
    %jit3A_2705 = arith.constant 5.900000e+01 : f32
    %broadcast_in_dim3A_2706 = vector.broadcast %jit3A_2705 : f32 to vector<1x1024xf32>
    %select_n3A_2707 = arith.select %gt3A_2703, %broadcast_in_dim3A_2706, %select_n3A_2701 : vector<1x1024xi1>, vector<1x1024xf32>
    %slice3A_2708 = vector.extract_strided_slice %logistic3A_2350 {offsets = [60, 0], sizes = [1, 1024], strides = [1, 1]} : vector<80x1024xf32> to vector<1x1024xf32>
    %gt3A_2709 = arith.cmpf ogt, %slice3A_2708, %select_n3A_2704 : vector<1x1024xf32>
    %select_n3A_2710 = arith.select %gt3A_2709, %slice3A_2708, %select_n3A_2704 : vector<1x1024xi1>, vector<1x1024xf32>
    %jit3A_2711 = arith.constant 6.000000e+01 : f32
    %broadcast_in_dim3A_2712 = vector.broadcast %jit3A_2711 : f32 to vector<1x1024xf32>
    %select_n3A_2713 = arith.select %gt3A_2709, %broadcast_in_dim3A_2712, %select_n3A_2707 : vector<1x1024xi1>, vector<1x1024xf32>
    %slice3A_2714 = vector.extract_strided_slice %logistic3A_2350 {offsets = [61, 0], sizes = [1, 1024], strides = [1, 1]} : vector<80x1024xf32> to vector<1x1024xf32>
    %gt3A_2715 = arith.cmpf ogt, %slice3A_2714, %select_n3A_2710 : vector<1x1024xf32>
    %select_n3A_2716 = arith.select %gt3A_2715, %slice3A_2714, %select_n3A_2710 : vector<1x1024xi1>, vector<1x1024xf32>
    %jit3A_2717 = arith.constant 6.100000e+01 : f32
    %broadcast_in_dim3A_2718 = vector.broadcast %jit3A_2717 : f32 to vector<1x1024xf32>
    %select_n3A_2719 = arith.select %gt3A_2715, %broadcast_in_dim3A_2718, %select_n3A_2713 : vector<1x1024xi1>, vector<1x1024xf32>
    %slice3A_2720 = vector.extract_strided_slice %logistic3A_2350 {offsets = [62, 0], sizes = [1, 1024], strides = [1, 1]} : vector<80x1024xf32> to vector<1x1024xf32>
    %gt3A_2721 = arith.cmpf ogt, %slice3A_2720, %select_n3A_2716 : vector<1x1024xf32>
    %select_n3A_2722 = arith.select %gt3A_2721, %slice3A_2720, %select_n3A_2716 : vector<1x1024xi1>, vector<1x1024xf32>
    %jit3A_2723 = arith.constant 6.200000e+01 : f32
    %broadcast_in_dim3A_2724 = vector.broadcast %jit3A_2723 : f32 to vector<1x1024xf32>
    %select_n3A_2725 = arith.select %gt3A_2721, %broadcast_in_dim3A_2724, %select_n3A_2719 : vector<1x1024xi1>, vector<1x1024xf32>
    %slice3A_2726 = vector.extract_strided_slice %logistic3A_2350 {offsets = [63, 0], sizes = [1, 1024], strides = [1, 1]} : vector<80x1024xf32> to vector<1x1024xf32>
    %gt3A_2727 = arith.cmpf ogt, %slice3A_2726, %select_n3A_2722 : vector<1x1024xf32>
    %select_n3A_2728 = arith.select %gt3A_2727, %slice3A_2726, %select_n3A_2722 : vector<1x1024xi1>, vector<1x1024xf32>
    %jit3A_2729 = arith.constant 6.300000e+01 : f32
    %broadcast_in_dim3A_2730 = vector.broadcast %jit3A_2729 : f32 to vector<1x1024xf32>
    %select_n3A_2731 = arith.select %gt3A_2727, %broadcast_in_dim3A_2730, %select_n3A_2725 : vector<1x1024xi1>, vector<1x1024xf32>
    %slice3A_2732 = vector.extract_strided_slice %logistic3A_2350 {offsets = [64, 0], sizes = [1, 1024], strides = [1, 1]} : vector<80x1024xf32> to vector<1x1024xf32>
    %gt3A_2733 = arith.cmpf ogt, %slice3A_2732, %select_n3A_2728 : vector<1x1024xf32>
    %select_n3A_2734 = arith.select %gt3A_2733, %slice3A_2732, %select_n3A_2728 : vector<1x1024xi1>, vector<1x1024xf32>
    %jit3A_2735 = arith.constant 6.400000e+01 : f32
    %broadcast_in_dim3A_2736 = vector.broadcast %jit3A_2735 : f32 to vector<1x1024xf32>
    %select_n3A_2737 = arith.select %gt3A_2733, %broadcast_in_dim3A_2736, %select_n3A_2731 : vector<1x1024xi1>, vector<1x1024xf32>
    %slice3A_2738 = vector.extract_strided_slice %logistic3A_2350 {offsets = [65, 0], sizes = [1, 1024], strides = [1, 1]} : vector<80x1024xf32> to vector<1x1024xf32>
    %gt3A_2739 = arith.cmpf ogt, %slice3A_2738, %select_n3A_2734 : vector<1x1024xf32>
    %select_n3A_2740 = arith.select %gt3A_2739, %slice3A_2738, %select_n3A_2734 : vector<1x1024xi1>, vector<1x1024xf32>
    %jit3A_2741 = arith.constant 6.500000e+01 : f32
    %broadcast_in_dim3A_2742 = vector.broadcast %jit3A_2741 : f32 to vector<1x1024xf32>
    %select_n3A_2743 = arith.select %gt3A_2739, %broadcast_in_dim3A_2742, %select_n3A_2737 : vector<1x1024xi1>, vector<1x1024xf32>
    %slice3A_2744 = vector.extract_strided_slice %logistic3A_2350 {offsets = [66, 0], sizes = [1, 1024], strides = [1, 1]} : vector<80x1024xf32> to vector<1x1024xf32>
    %gt3A_2745 = arith.cmpf ogt, %slice3A_2744, %select_n3A_2740 : vector<1x1024xf32>
    %select_n3A_2746 = arith.select %gt3A_2745, %slice3A_2744, %select_n3A_2740 : vector<1x1024xi1>, vector<1x1024xf32>
    %jit3A_2747 = arith.constant 6.600000e+01 : f32
    %broadcast_in_dim3A_2748 = vector.broadcast %jit3A_2747 : f32 to vector<1x1024xf32>
    %select_n3A_2749 = arith.select %gt3A_2745, %broadcast_in_dim3A_2748, %select_n3A_2743 : vector<1x1024xi1>, vector<1x1024xf32>
    %slice3A_2750 = vector.extract_strided_slice %logistic3A_2350 {offsets = [67, 0], sizes = [1, 1024], strides = [1, 1]} : vector<80x1024xf32> to vector<1x1024xf32>
    %gt3A_2751 = arith.cmpf ogt, %slice3A_2750, %select_n3A_2746 : vector<1x1024xf32>
    %select_n3A_2752 = arith.select %gt3A_2751, %slice3A_2750, %select_n3A_2746 : vector<1x1024xi1>, vector<1x1024xf32>
    %jit3A_2753 = arith.constant 6.700000e+01 : f32
    %broadcast_in_dim3A_2754 = vector.broadcast %jit3A_2753 : f32 to vector<1x1024xf32>
    %select_n3A_2755 = arith.select %gt3A_2751, %broadcast_in_dim3A_2754, %select_n3A_2749 : vector<1x1024xi1>, vector<1x1024xf32>
    %slice3A_2756 = vector.extract_strided_slice %logistic3A_2350 {offsets = [68, 0], sizes = [1, 1024], strides = [1, 1]} : vector<80x1024xf32> to vector<1x1024xf32>
    %gt3A_2757 = arith.cmpf ogt, %slice3A_2756, %select_n3A_2752 : vector<1x1024xf32>
    %select_n3A_2758 = arith.select %gt3A_2757, %slice3A_2756, %select_n3A_2752 : vector<1x1024xi1>, vector<1x1024xf32>
    %jit3A_2759 = arith.constant 6.800000e+01 : f32
    %broadcast_in_dim3A_2760 = vector.broadcast %jit3A_2759 : f32 to vector<1x1024xf32>
    %select_n3A_2761 = arith.select %gt3A_2757, %broadcast_in_dim3A_2760, %select_n3A_2755 : vector<1x1024xi1>, vector<1x1024xf32>
    %slice3A_2762 = vector.extract_strided_slice %logistic3A_2350 {offsets = [69, 0], sizes = [1, 1024], strides = [1, 1]} : vector<80x1024xf32> to vector<1x1024xf32>
    %gt3A_2763 = arith.cmpf ogt, %slice3A_2762, %select_n3A_2758 : vector<1x1024xf32>
    %select_n3A_2764 = arith.select %gt3A_2763, %slice3A_2762, %select_n3A_2758 : vector<1x1024xi1>, vector<1x1024xf32>
    %jit3A_2765 = arith.constant 6.900000e+01 : f32
    %broadcast_in_dim3A_2766 = vector.broadcast %jit3A_2765 : f32 to vector<1x1024xf32>
    %select_n3A_2767 = arith.select %gt3A_2763, %broadcast_in_dim3A_2766, %select_n3A_2761 : vector<1x1024xi1>, vector<1x1024xf32>
    %slice3A_2768 = vector.extract_strided_slice %logistic3A_2350 {offsets = [70, 0], sizes = [1, 1024], strides = [1, 1]} : vector<80x1024xf32> to vector<1x1024xf32>
    %gt3A_2769 = arith.cmpf ogt, %slice3A_2768, %select_n3A_2764 : vector<1x1024xf32>
    %select_n3A_2770 = arith.select %gt3A_2769, %slice3A_2768, %select_n3A_2764 : vector<1x1024xi1>, vector<1x1024xf32>
    %jit3A_2771 = arith.constant 7.000000e+01 : f32
    %broadcast_in_dim3A_2772 = vector.broadcast %jit3A_2771 : f32 to vector<1x1024xf32>
    %select_n3A_2773 = arith.select %gt3A_2769, %broadcast_in_dim3A_2772, %select_n3A_2767 : vector<1x1024xi1>, vector<1x1024xf32>
    %slice3A_2774 = vector.extract_strided_slice %logistic3A_2350 {offsets = [71, 0], sizes = [1, 1024], strides = [1, 1]} : vector<80x1024xf32> to vector<1x1024xf32>
    %gt3A_2775 = arith.cmpf ogt, %slice3A_2774, %select_n3A_2770 : vector<1x1024xf32>
    %select_n3A_2776 = arith.select %gt3A_2775, %slice3A_2774, %select_n3A_2770 : vector<1x1024xi1>, vector<1x1024xf32>
    %jit3A_2777 = arith.constant 7.100000e+01 : f32
    %broadcast_in_dim3A_2778 = vector.broadcast %jit3A_2777 : f32 to vector<1x1024xf32>
    %select_n3A_2779 = arith.select %gt3A_2775, %broadcast_in_dim3A_2778, %select_n3A_2773 : vector<1x1024xi1>, vector<1x1024xf32>
    %slice3A_2780 = vector.extract_strided_slice %logistic3A_2350 {offsets = [72, 0], sizes = [1, 1024], strides = [1, 1]} : vector<80x1024xf32> to vector<1x1024xf32>
    %gt3A_2781 = arith.cmpf ogt, %slice3A_2780, %select_n3A_2776 : vector<1x1024xf32>
    %select_n3A_2782 = arith.select %gt3A_2781, %slice3A_2780, %select_n3A_2776 : vector<1x1024xi1>, vector<1x1024xf32>
    %jit3A_2783 = arith.constant 7.200000e+01 : f32
    %broadcast_in_dim3A_2784 = vector.broadcast %jit3A_2783 : f32 to vector<1x1024xf32>
    %select_n3A_2785 = arith.select %gt3A_2781, %broadcast_in_dim3A_2784, %select_n3A_2779 : vector<1x1024xi1>, vector<1x1024xf32>
    %slice3A_2786 = vector.extract_strided_slice %logistic3A_2350 {offsets = [73, 0], sizes = [1, 1024], strides = [1, 1]} : vector<80x1024xf32> to vector<1x1024xf32>
    %gt3A_2787 = arith.cmpf ogt, %slice3A_2786, %select_n3A_2782 : vector<1x1024xf32>
    %select_n3A_2788 = arith.select %gt3A_2787, %slice3A_2786, %select_n3A_2782 : vector<1x1024xi1>, vector<1x1024xf32>
    %jit3A_2789 = arith.constant 7.300000e+01 : f32
    %broadcast_in_dim3A_2790 = vector.broadcast %jit3A_2789 : f32 to vector<1x1024xf32>
    %select_n3A_2791 = arith.select %gt3A_2787, %broadcast_in_dim3A_2790, %select_n3A_2785 : vector<1x1024xi1>, vector<1x1024xf32>
    %slice3A_2792 = vector.extract_strided_slice %logistic3A_2350 {offsets = [74, 0], sizes = [1, 1024], strides = [1, 1]} : vector<80x1024xf32> to vector<1x1024xf32>
    %gt3A_2793 = arith.cmpf ogt, %slice3A_2792, %select_n3A_2788 : vector<1x1024xf32>
    %select_n3A_2794 = arith.select %gt3A_2793, %slice3A_2792, %select_n3A_2788 : vector<1x1024xi1>, vector<1x1024xf32>
    %jit3A_2795 = arith.constant 7.400000e+01 : f32
    %broadcast_in_dim3A_2796 = vector.broadcast %jit3A_2795 : f32 to vector<1x1024xf32>
    %select_n3A_2797 = arith.select %gt3A_2793, %broadcast_in_dim3A_2796, %select_n3A_2791 : vector<1x1024xi1>, vector<1x1024xf32>
    %slice3A_2798 = vector.extract_strided_slice %logistic3A_2350 {offsets = [75, 0], sizes = [1, 1024], strides = [1, 1]} : vector<80x1024xf32> to vector<1x1024xf32>
    %gt3A_2799 = arith.cmpf ogt, %slice3A_2798, %select_n3A_2794 : vector<1x1024xf32>
    %select_n3A_2800 = arith.select %gt3A_2799, %slice3A_2798, %select_n3A_2794 : vector<1x1024xi1>, vector<1x1024xf32>
    %jit3A_2801 = arith.constant 7.500000e+01 : f32
    %broadcast_in_dim3A_2802 = vector.broadcast %jit3A_2801 : f32 to vector<1x1024xf32>
    %select_n3A_2803 = arith.select %gt3A_2799, %broadcast_in_dim3A_2802, %select_n3A_2797 : vector<1x1024xi1>, vector<1x1024xf32>
    %slice3A_2804 = vector.extract_strided_slice %logistic3A_2350 {offsets = [76, 0], sizes = [1, 1024], strides = [1, 1]} : vector<80x1024xf32> to vector<1x1024xf32>
    %gt3A_2805 = arith.cmpf ogt, %slice3A_2804, %select_n3A_2800 : vector<1x1024xf32>
    %select_n3A_2806 = arith.select %gt3A_2805, %slice3A_2804, %select_n3A_2800 : vector<1x1024xi1>, vector<1x1024xf32>
    %jit3A_2807 = arith.constant 7.600000e+01 : f32
    %broadcast_in_dim3A_2808 = vector.broadcast %jit3A_2807 : f32 to vector<1x1024xf32>
    %select_n3A_2809 = arith.select %gt3A_2805, %broadcast_in_dim3A_2808, %select_n3A_2803 : vector<1x1024xi1>, vector<1x1024xf32>
    %slice3A_2810 = vector.extract_strided_slice %logistic3A_2350 {offsets = [77, 0], sizes = [1, 1024], strides = [1, 1]} : vector<80x1024xf32> to vector<1x1024xf32>
    %gt3A_2811 = arith.cmpf ogt, %slice3A_2810, %select_n3A_2806 : vector<1x1024xf32>
    %select_n3A_2812 = arith.select %gt3A_2811, %slice3A_2810, %select_n3A_2806 : vector<1x1024xi1>, vector<1x1024xf32>
    %jit3A_2813 = arith.constant 7.700000e+01 : f32
    %broadcast_in_dim3A_2814 = vector.broadcast %jit3A_2813 : f32 to vector<1x1024xf32>
    %select_n3A_2815 = arith.select %gt3A_2811, %broadcast_in_dim3A_2814, %select_n3A_2809 : vector<1x1024xi1>, vector<1x1024xf32>
    %slice3A_2816 = vector.extract_strided_slice %logistic3A_2350 {offsets = [78, 0], sizes = [1, 1024], strides = [1, 1]} : vector<80x1024xf32> to vector<1x1024xf32>
    %gt3A_2817 = arith.cmpf ogt, %slice3A_2816, %select_n3A_2812 : vector<1x1024xf32>
    %select_n3A_2818 = arith.select %gt3A_2817, %slice3A_2816, %select_n3A_2812 : vector<1x1024xi1>, vector<1x1024xf32>
    %jit3A_2819 = arith.constant 7.800000e+01 : f32
    %broadcast_in_dim3A_2820 = vector.broadcast %jit3A_2819 : f32 to vector<1x1024xf32>
    %select_n3A_2821 = arith.select %gt3A_2817, %broadcast_in_dim3A_2820, %select_n3A_2815 : vector<1x1024xi1>, vector<1x1024xf32>
    %slice3A_2822 = vector.extract_strided_slice %logistic3A_2350 {offsets = [79, 0], sizes = [1, 1024], strides = [1, 1]} : vector<80x1024xf32> to vector<1x1024xf32>
    %gt3A_2823 = arith.cmpf ogt, %slice3A_2822, %select_n3A_2818 : vector<1x1024xf32>
    %jit3A_2824 = arith.constant 7.900000e+01 : f32
    %broadcast_in_dim3A_2825 = vector.broadcast %jit3A_2824 : f32 to vector<1x1024xf32>
    %select_n3A_2826 = arith.select %gt3A_2823, %broadcast_in_dim3A_2825, %select_n3A_2821 : vector<1x1024xi1>, vector<1x1024xf32>
    %div3A_2827 = arith.constant 2.000000e+00 : f32
    %div3A_2828 = vector.broadcast %div3A_2827 : f32 to vector<1x1024xf32>
    %div3A_2829 = arith.divf %mul3A_2328, %div3A_2828 : vector<1x1024xf32>
    %sub3A_2830 = arith.subf %mul3A_2309, %div3A_2829 : vector<1x1024xf32>
    %div3A_2831 = arith.constant 2.000000e+00 : f32
    %div3A_2832 = vector.broadcast %div3A_2831 : f32 to vector<1x1024xf32>
    %div3A_2833 = arith.divf %mul3A_2336, %div3A_2832 : vector<1x1024xf32>
    %sub3A_2834 = arith.subf %mul3A_2320, %div3A_2833 : vector<1x1024xf32>
    %div3A_2835 = arith.constant 2.000000e+00 : f32
    %div3A_2836 = vector.broadcast %div3A_2835 : f32 to vector<1x1024xf32>
    %div3A_2837 = arith.divf %mul3A_2328, %div3A_2836 : vector<1x1024xf32>
    %add3A_2838 = arith.addf %mul3A_2309, %div3A_2837 : vector<1x1024xf32>
    %div3A_2839 = arith.constant 2.000000e+00 : f32
    %div3A_2840 = vector.broadcast %div3A_2839 : f32 to vector<1x1024xf32>
    %div3A_2841 = arith.divf %mul3A_2336, %div3A_2840 : vector<1x1024xf32>
    %add3A_2842 = arith.addf %mul3A_2320, %div3A_2841 : vector<1x1024xf32>
    %sub3A_2843 = arith.subf %add3A_2838, %sub3A_2830 : vector<1x1024xf32>
    %max3A_2844 = arith.constant 0.000000e+00 : f32
    %max3A_2845 = vector.broadcast %max3A_2844 : f32 to vector<1x1024xf32>
    %max3A_2846 = arith.maximumf %sub3A_2843, %max3A_2845 : vector<1x1024xf32>
    %sub3A_2847 = arith.subf %add3A_2842, %sub3A_2834 : vector<1x1024xf32>
    %max3A_2848 = arith.constant 0.000000e+00 : f32
    %max3A_2849 = vector.broadcast %max3A_2848 : f32 to vector<1x1024xf32>
    %max3A_2850 = arith.maximumf %sub3A_2847, %max3A_2849 : vector<1x1024xf32>
    %mul3A_2851 = arith.mulf %max3A_2846, %max3A_2850 : vector<1x1024xf32>
    %broadcast_in_dim3A_2852 = arith.constant 0.000000e+00 : f32
    %broadcast_in_dim3A_2853 = vector.broadcast %broadcast_in_dim3A_2852 : f32 to vector<117x1024xf32>
    %concatenate3A_2854 = tpu.concatenate %mul3A_2309, %mul3A_2320, %mul3A_2328, %mul3A_2336, %logistic3A_2343, %select_n3A_2826, %sub3A_2830, %sub3A_2834, %add3A_2838, %add3A_2842, %mul3A_2851, %broadcast_in_dim3A_2853 in 0 : vector<1x1024xf32>, vector<1x1024xf32>, vector<1x1024xf32>, vector<1x1024xf32>, vector<1x1024xf32>, vector<1x1024xf32>, vector<1x1024xf32>, vector<1x1024xf32>, vector<1x1024xf32>, vector<1x1024xf32>, vector<1x1024xf32>, vector<117x1024xf32> -> vector<128x1024xf32>
    %transpose3A_2855 = tpu.transpose %concatenate3A_2854, [1, 0] : vector<128x1024xf32> -> vector<1024x128xf32>
    %swap3A_2856 = arith.constant 4096 : index
    %swap3A_2857 = arith.constant 0 : index
    %swap3A_2858 = vector.load %arg1[%swap3A_2856, %swap3A_2857] : memref<5120x128xf32, #tpu.memory_space<vmem>>, vector<1024x128xf32>
    tpu.vector_store %arg1[%swap3A_2856, %swap3A_2857], %transpose3A_2855 {strides = array<i32>} : memref<5120x128xf32, #tpu.memory_space<vmem>>, vector<1024x128xf32>,
    %swap3A_2859 = arith.constant 0 : index
    %swap3A_2860 = arith.constant 4096 : index
    %swap3A_2861 = vector.load %arg2[%swap3A_2859, %swap3A_2860] : memref<1x5120xf32, #tpu.memory_space<vmem>>, vector<1x1024xf32>
    tpu.vector_store %arg2[%swap3A_2859, %swap3A_2860], %logistic3A_2343 {strides = array<i32>} : memref<1x5120xf32, #tpu.memory_space<vmem>>, vector<1x1024xf32>,
    return
  }
}

module attributes {stable_mosaic.version = 14 : i64} {
  func.func @_rank_kernel(%arg0: i32, %arg1: memref<1024x128xf32, #tpu.memory_space<vmem>>, %arg2: memref<1x5120xf32, #tpu.memory_space<vmem>>, %arg3: memref<1024x1xi32, #tpu.memory_space<vmem>>) attributes {dimension_semantics = [#tpu.dimension_semantics<arbitrary>], iteration_bounds = array<i64: 5>, scalar_prefetch = 0 : i64, scratch_operands = 0 : i64, tpu.core_type = #tpu.core_type<tc>, window_params = [{transform_indices = @transform_0, window_bounds = array<i64: 1024, 128>}, {pipeline_mode = #tpu.pipeline_mode<synchronous>, transform_indices = @transform_1, window_bounds = array<i64: 1, 5120>}, {transform_indices = @transform_2, window_bounds = array<i64: 1024, 1>}]} {
    %get3A = arith.constant 0 : index
    %get3A_0 = arith.constant 4 : index
    %get3A_1 = vector.load %arg1[%get3A, %get3A_0] : memref<1024x128xf32, #tpu.memory_space<vmem>>, vector<1024x1xf32>
    %iota3A = tpu.iota {dimensions = array<i32: 0>} : vector<1024x1xi32>
    %mul3A = arith.constant 1024 : i32
    %mul3A_2 = arith.muli %arg0, %mul3A : i32
    %add3A = vector.broadcast %mul3A_2 : i32 to vector<1024x1xi32>
    %add3A_3 = arith.addi %iota3A, %add3A : vector<1024x1xi32>
    %broadcast_in_dim3A = arith.constant 1.000000e+00 : f32
    %broadcast_in_dim3A_4 = vector.broadcast %broadcast_in_dim3A : f32 to vector<1024x1xf32>
    %broadcast_in_dim3A_5 = arith.constant 0.000000e+00 : f32
    %broadcast_in_dim3A_6 = vector.broadcast %broadcast_in_dim3A_5 : f32 to vector<1024x1xf32>
    %get3A_7 = arith.constant 0 : index
    %get3A_8 = arith.constant 0 : index
    %get3A_9 = vector.load %arg2[%get3A_7, %get3A_8] : memref<1x5120xf32, #tpu.memory_space<vmem>>, vector<1x1024xf32>
    %iota3A_10 = tpu.iota {dimensions = array<i32: 1>} : vector<1x1024xi32>
    %add3A_11 = arith.constant 0 : i32
    %add3A_12 = vector.broadcast %add3A_11 : i32 to vector<1x1024xi32>
    %add3A_13 = arith.addi %iota3A_10, %add3A_12 : vector<1x1024xi32>
    %gt3A = vector.broadcast %get3A_9 : vector<1x1024xf32> to vector<1024x1024xf32>
    %gt3A_14 = vector.broadcast %get3A_1 : vector<1024x1xf32> to vector<1024x1024xf32>
    %gt3A_15 = arith.cmpf ogt, %gt3A, %gt3A_14 : vector<1024x1024xf32>
    %eq3A = vector.broadcast %get3A_9 : vector<1x1024xf32> to vector<1024x1024xf32>
    %eq3A_16 = vector.broadcast %get3A_1 : vector<1024x1xf32> to vector<1024x1024xf32>
    %eq3A_17 = arith.cmpf oeq, %eq3A, %eq3A_16 : vector<1024x1024xf32>
    %lt3A = vector.broadcast %add3A_13 : vector<1x1024xi32> to vector<1024x1024xi32>
    %lt3A_18 = vector.broadcast %add3A_3 : vector<1024x1xi32> to vector<1024x1024xi32>
    %lt3A_19 = arith.cmpi slt, %lt3A, %lt3A_18 : vector<1024x1024xi32>
    %and3A = arith.andi %eq3A_17, %lt3A_19 : vector<1024x1024xi1>
    %or3A = arith.ori %gt3A_15, %and3A : vector<1024x1024xi1>
    %convert_element_type3A = arith.extui %or3A : vector<1024x1024xi1> to vector<1024x1024xi32>
    %convert_element_type3A_20 = arith.sitofp %convert_element_type3A : vector<1024x1024xi32> to vector<1024x1024xf32>
    %dot_general3A = arith.constant dense<0.000000e+00> : vector<1024x1xf32>
    %dot_general3A_21 = tpu.matmul %convert_element_type3A_20, %broadcast_in_dim3A_4, %dot_general3A {dimension_numbers = #tpu.dot_dimension_numbers<[1], [0], [0], [1], [0, 0, 1, 1], [], []>, transpose_lhs_hint = false} : vector<1024x1024xf32>, vector<1024x1xf32>, vector<1024x1xf32> -> vector<1024x1xf32>
    %add3A_22 = arith.addf %broadcast_in_dim3A_6, %dot_general3A_21 : vector<1024x1xf32>
    %get3A_23 = arith.constant 0 : index
    %get3A_24 = arith.constant 1024 : index
    %get3A_25 = vector.load %arg2[%get3A_23, %get3A_24] : memref<1x5120xf32, #tpu.memory_space<vmem>>, vector<1x1024xf32>
    %iota3A_26 = tpu.iota {dimensions = array<i32: 1>} : vector<1x1024xi32>
    %add3A_27 = arith.constant 1024 : i32
    %add3A_28 = vector.broadcast %add3A_27 : i32 to vector<1x1024xi32>
    %add3A_29 = arith.addi %iota3A_26, %add3A_28 : vector<1x1024xi32>
    %gt3A_30 = vector.broadcast %get3A_25 : vector<1x1024xf32> to vector<1024x1024xf32>
    %gt3A_31 = vector.broadcast %get3A_1 : vector<1024x1xf32> to vector<1024x1024xf32>
    %gt3A_32 = arith.cmpf ogt, %gt3A_30, %gt3A_31 : vector<1024x1024xf32>
    %eq3A_33 = vector.broadcast %get3A_25 : vector<1x1024xf32> to vector<1024x1024xf32>
    %eq3A_34 = vector.broadcast %get3A_1 : vector<1024x1xf32> to vector<1024x1024xf32>
    %eq3A_35 = arith.cmpf oeq, %eq3A_33, %eq3A_34 : vector<1024x1024xf32>
    %lt3A_36 = vector.broadcast %add3A_29 : vector<1x1024xi32> to vector<1024x1024xi32>
    %lt3A_37 = vector.broadcast %add3A_3 : vector<1024x1xi32> to vector<1024x1024xi32>
    %lt3A_38 = arith.cmpi slt, %lt3A_36, %lt3A_37 : vector<1024x1024xi32>
    %and3A_39 = arith.andi %eq3A_35, %lt3A_38 : vector<1024x1024xi1>
    %or3A_40 = arith.ori %gt3A_32, %and3A_39 : vector<1024x1024xi1>
    %convert_element_type3A_41 = arith.extui %or3A_40 : vector<1024x1024xi1> to vector<1024x1024xi32>
    %convert_element_type3A_42 = arith.sitofp %convert_element_type3A_41 : vector<1024x1024xi32> to vector<1024x1024xf32>
    %dot_general3A_43 = arith.constant dense<0.000000e+00> : vector<1024x1xf32>
    %dot_general3A_44 = tpu.matmul %convert_element_type3A_42, %broadcast_in_dim3A_4, %dot_general3A_43 {dimension_numbers = #tpu.dot_dimension_numbers<[1], [0], [0], [1], [0, 0, 1, 1], [], []>, transpose_lhs_hint = false} : vector<1024x1024xf32>, vector<1024x1xf32>, vector<1024x1xf32> -> vector<1024x1xf32>
    %add3A_45 = arith.addf %add3A_22, %dot_general3A_44 : vector<1024x1xf32>
    %get3A_46 = arith.constant 0 : index
    %get3A_47 = arith.constant 2048 : index
    %get3A_48 = vector.load %arg2[%get3A_46, %get3A_47] : memref<1x5120xf32, #tpu.memory_space<vmem>>, vector<1x1024xf32>
    %iota3A_49 = tpu.iota {dimensions = array<i32: 1>} : vector<1x1024xi32>
    %add3A_50 = arith.constant 2048 : i32
    %add3A_51 = vector.broadcast %add3A_50 : i32 to vector<1x1024xi32>
    %add3A_52 = arith.addi %iota3A_49, %add3A_51 : vector<1x1024xi32>
    %gt3A_53 = vector.broadcast %get3A_48 : vector<1x1024xf32> to vector<1024x1024xf32>
    %gt3A_54 = vector.broadcast %get3A_1 : vector<1024x1xf32> to vector<1024x1024xf32>
    %gt3A_55 = arith.cmpf ogt, %gt3A_53, %gt3A_54 : vector<1024x1024xf32>
    %eq3A_56 = vector.broadcast %get3A_48 : vector<1x1024xf32> to vector<1024x1024xf32>
    %eq3A_57 = vector.broadcast %get3A_1 : vector<1024x1xf32> to vector<1024x1024xf32>
    %eq3A_58 = arith.cmpf oeq, %eq3A_56, %eq3A_57 : vector<1024x1024xf32>
    %lt3A_59 = vector.broadcast %add3A_52 : vector<1x1024xi32> to vector<1024x1024xi32>
    %lt3A_60 = vector.broadcast %add3A_3 : vector<1024x1xi32> to vector<1024x1024xi32>
    %lt3A_61 = arith.cmpi slt, %lt3A_59, %lt3A_60 : vector<1024x1024xi32>
    %and3A_62 = arith.andi %eq3A_58, %lt3A_61 : vector<1024x1024xi1>
    %or3A_63 = arith.ori %gt3A_55, %and3A_62 : vector<1024x1024xi1>
    %convert_element_type3A_64 = arith.extui %or3A_63 : vector<1024x1024xi1> to vector<1024x1024xi32>
    %convert_element_type3A_65 = arith.sitofp %convert_element_type3A_64 : vector<1024x1024xi32> to vector<1024x1024xf32>
    %dot_general3A_66 = arith.constant dense<0.000000e+00> : vector<1024x1xf32>
    %dot_general3A_67 = tpu.matmul %convert_element_type3A_65, %broadcast_in_dim3A_4, %dot_general3A_66 {dimension_numbers = #tpu.dot_dimension_numbers<[1], [0], [0], [1], [0, 0, 1, 1], [], []>, transpose_lhs_hint = false} : vector<1024x1024xf32>, vector<1024x1xf32>, vector<1024x1xf32> -> vector<1024x1xf32>
    %add3A_68 = arith.addf %add3A_45, %dot_general3A_67 : vector<1024x1xf32>
    %get3A_69 = arith.constant 0 : index
    %get3A_70 = arith.constant 3072 : index
    %get3A_71 = vector.load %arg2[%get3A_69, %get3A_70] : memref<1x5120xf32, #tpu.memory_space<vmem>>, vector<1x1024xf32>
    %iota3A_72 = tpu.iota {dimensions = array<i32: 1>} : vector<1x1024xi32>
    %add3A_73 = arith.constant 3072 : i32
    %add3A_74 = vector.broadcast %add3A_73 : i32 to vector<1x1024xi32>
    %add3A_75 = arith.addi %iota3A_72, %add3A_74 : vector<1x1024xi32>
    %gt3A_76 = vector.broadcast %get3A_71 : vector<1x1024xf32> to vector<1024x1024xf32>
    %gt3A_77 = vector.broadcast %get3A_1 : vector<1024x1xf32> to vector<1024x1024xf32>
    %gt3A_78 = arith.cmpf ogt, %gt3A_76, %gt3A_77 : vector<1024x1024xf32>
    %eq3A_79 = vector.broadcast %get3A_71 : vector<1x1024xf32> to vector<1024x1024xf32>
    %eq3A_80 = vector.broadcast %get3A_1 : vector<1024x1xf32> to vector<1024x1024xf32>
    %eq3A_81 = arith.cmpf oeq, %eq3A_79, %eq3A_80 : vector<1024x1024xf32>
    %lt3A_82 = vector.broadcast %add3A_75 : vector<1x1024xi32> to vector<1024x1024xi32>
    %lt3A_83 = vector.broadcast %add3A_3 : vector<1024x1xi32> to vector<1024x1024xi32>
    %lt3A_84 = arith.cmpi slt, %lt3A_82, %lt3A_83 : vector<1024x1024xi32>
    %and3A_85 = arith.andi %eq3A_81, %lt3A_84 : vector<1024x1024xi1>
    %or3A_86 = arith.ori %gt3A_78, %and3A_85 : vector<1024x1024xi1>
    %convert_element_type3A_87 = arith.extui %or3A_86 : vector<1024x1024xi1> to vector<1024x1024xi32>
    %convert_element_type3A_88 = arith.sitofp %convert_element_type3A_87 : vector<1024x1024xi32> to vector<1024x1024xf32>
    %dot_general3A_89 = arith.constant dense<0.000000e+00> : vector<1024x1xf32>
    %dot_general3A_90 = tpu.matmul %convert_element_type3A_88, %broadcast_in_dim3A_4, %dot_general3A_89 {dimension_numbers = #tpu.dot_dimension_numbers<[1], [0], [0], [1], [0, 0, 1, 1], [], []>, transpose_lhs_hint = false} : vector<1024x1024xf32>, vector<1024x1xf32>, vector<1024x1xf32> -> vector<1024x1xf32>
    %add3A_91 = arith.addf %add3A_68, %dot_general3A_90 : vector<1024x1xf32>
    %get3A_92 = arith.constant 0 : index
    %get3A_93 = arith.constant 4096 : index
    %get3A_94 = vector.load %arg2[%get3A_92, %get3A_93] : memref<1x5120xf32, #tpu.memory_space<vmem>>, vector<1x1024xf32>
    %iota3A_95 = tpu.iota {dimensions = array<i32: 1>} : vector<1x1024xi32>
    %add3A_96 = arith.constant 4096 : i32
    %add3A_97 = vector.broadcast %add3A_96 : i32 to vector<1x1024xi32>
    %add3A_98 = arith.addi %iota3A_95, %add3A_97 : vector<1x1024xi32>
    %gt3A_99 = vector.broadcast %get3A_94 : vector<1x1024xf32> to vector<1024x1024xf32>
    %gt3A_100 = vector.broadcast %get3A_1 : vector<1024x1xf32> to vector<1024x1024xf32>
    %gt3A_101 = arith.cmpf ogt, %gt3A_99, %gt3A_100 : vector<1024x1024xf32>
    %eq3A_102 = vector.broadcast %get3A_94 : vector<1x1024xf32> to vector<1024x1024xf32>
    %eq3A_103 = vector.broadcast %get3A_1 : vector<1024x1xf32> to vector<1024x1024xf32>
    %eq3A_104 = arith.cmpf oeq, %eq3A_102, %eq3A_103 : vector<1024x1024xf32>
    %lt3A_105 = vector.broadcast %add3A_98 : vector<1x1024xi32> to vector<1024x1024xi32>
    %lt3A_106 = vector.broadcast %add3A_3 : vector<1024x1xi32> to vector<1024x1024xi32>
    %lt3A_107 = arith.cmpi slt, %lt3A_105, %lt3A_106 : vector<1024x1024xi32>
    %and3A_108 = arith.andi %eq3A_104, %lt3A_107 : vector<1024x1024xi1>
    %or3A_109 = arith.ori %gt3A_101, %and3A_108 : vector<1024x1024xi1>
    %convert_element_type3A_110 = arith.extui %or3A_109 : vector<1024x1024xi1> to vector<1024x1024xi32>
    %convert_element_type3A_111 = arith.sitofp %convert_element_type3A_110 : vector<1024x1024xi32> to vector<1024x1024xf32>
    %dot_general3A_112 = arith.constant dense<0.000000e+00> : vector<1024x1xf32>
    %dot_general3A_113 = tpu.matmul %convert_element_type3A_111, %broadcast_in_dim3A_4, %dot_general3A_112 {dimension_numbers = #tpu.dot_dimension_numbers<[1], [0], [0], [1], [0, 0, 1, 1], [], []>, transpose_lhs_hint = false} : vector<1024x1024xf32>, vector<1024x1xf32>, vector<1024x1xf32> -> vector<1024x1xf32>
    %add3A_114 = arith.addf %add3A_91, %dot_general3A_113 : vector<1024x1xf32>
    %convert_element_type3A_115 = arith.fptosi %add3A_114 : vector<1024x1xf32> to vector<1024x1xi32>
    %swap3A = arith.constant 0 : index
    %swap3A_116 = arith.constant 0 : index
    %swap3A_117 = vector.load %arg3[%swap3A, %swap3A_116] : memref<1024x1xi32, #tpu.memory_space<vmem>>, vector<1024x1xi32>
    tpu.vector_store %arg3[%swap3A, %swap3A_116], %convert_element_type3A_115 {strides = array<i32>} : memref<1024x1xi32, #tpu.memory_space<vmem>>, vector<1024x1xi32>,
    return
  }
  func.func @transform_0(%arg0: i32) -> (i32, i32) {
    %c0_i32 = arith.constant 0 : i32
    %c0_i32_0 = arith.constant 0 : i32
    return %arg0, %c0_i32 : i32, i32
  }
  func.func @transform_1(%arg0: i32) -> (i32, i32) {
    %c0_i32 = arith.constant 0 : i32
    %c0_i32_0 = arith.constant 0 : i32
    %c0_i32_1 = arith.constant 0 : i32
    return %c0_i32, %c0_i32_0 : i32, i32
  }
  func.func @transform_2(%arg0: i32) -> (i32, i32) {
    %c0_i32 = arith.constant 0 : i32
    %c0_i32_0 = arith.constant 0 : i32
    return %arg0, %c0_i32 : i32, i32
  }
}

module attributes {stable_mosaic.version = 14 : i64} {
  func.func @_nms_kernel(%arg0: i32, %arg1: memref<5120x128xf32, #tpu.memory_space<vmem>>, %arg2: memref<1024x6xf32, #tpu.memory_space<vmem>>, %arg3: memref<128x5120xf32, #tpu.memory_space<vmem>>, %arg4: memref<1024x1xf32, #tpu.memory_space<vmem>>, %arg5: memref<40x1024xf32, #tpu.memory_space<vmem>>, %arg6: memref<1x1xf32, #tpu.memory_space<smem>>) attributes {dimension_semantics = [#tpu.dimension_semantics<arbitrary>], iteration_bounds = array<i64: 15>, scalar_prefetch = 0 : i64, scratch_operands = 4 : i64, tpu.core_type = #tpu.core_type<tc>, window_params = [{pipeline_mode = #tpu.pipeline_mode<synchronous>, transform_indices = @transform_0, window_bounds = array<i64: 5120, 128>}, {transform_indices = @transform_1, window_bounds = array<i64: 1024, 6>}]} {
    %ge3A = arith.constant 5 : i32
    %ge3A_0 = arith.cmpi sge, %arg0, %ge3A : i32
    %convert_element_type3A = arith.extui %ge3A_0 : i1 to i32
    %add3A = arith.constant 0 : i32
    %add3A_1 = arith.addi %add3A, %convert_element_type3A : i32
    %ge3A_2 = arith.constant 9 : i32
    %ge3A_3 = arith.cmpi sge, %arg0, %ge3A_2 : i32
    %convert_element_type3A_4 = arith.extui %ge3A_3 : i1 to i32
    %add3A_5 = arith.addi %add3A_1, %convert_element_type3A_4 : i32
    %ge3A_6 = arith.constant 12 : i32
    %ge3A_7 = arith.cmpi sge, %arg0, %ge3A_6 : i32
    %convert_element_type3A_8 = arith.extui %ge3A_7 : i1 to i32
    %add3A_9 = arith.addi %add3A_5, %convert_element_type3A_8 : i32
    %ge3A_10 = arith.constant 14 : i32
    %ge3A_11 = arith.cmpi sge, %arg0, %ge3A_10 : i32
    %convert_element_type3A_12 = arith.extui %ge3A_11 : i1 to i32
    %add3A_13 = arith.addi %add3A_9, %convert_element_type3A_12 : i32
    %mul3A = arith.constant 5 : i32
    %mul3A_14 = arith.muli %add3A_13, %mul3A : i32
    %sub3A = arith.constant 1 : i32
    %sub3A_15 = arith.subi %add3A_13, %sub3A : i32
    %mul3A_16 = arith.muli %add3A_13, %sub3A_15 : i32
    %jit3A = arith.constant 2 : i32
    %div3A = arith.divsi %mul3A_16, %jit3A : i32
    %sign3A = arith.constant 0 : i32
    %sign3A_17 = arith.cmpi sgt, %mul3A_16, %sign3A : i32
    %sign3A_18 = arith.extui %sign3A_17 : i1 to i32
    %sign3A_19 = arith.constant 0 : i32
    %sign3A_20 = arith.cmpi slt, %mul3A_16, %sign3A_19 : i32
    %sign3A_21 = arith.extui %sign3A_20 : i1 to i32
    %sign3A_22 = arith.subi %sign3A_18, %sign3A_21 : i32
    %sign3A_23 = arith.constant 0 : i32
    %sign3A_24 = arith.cmpi sgt, %jit3A, %sign3A_23 : i32
    %sign3A_25 = arith.extui %sign3A_24 : i1 to i32
    %sign3A_26 = arith.constant 0 : i32
    %sign3A_27 = arith.cmpi slt, %jit3A, %sign3A_26 : i32
    %sign3A_28 = arith.extui %sign3A_27 : i1 to i32
    %sign3A_29 = arith.subi %sign3A_25, %sign3A_28 : i32
    %ne3A = arith.cmpi ne, %sign3A_22, %sign3A_29 : i32
    %rem3A = arith.remsi %mul3A_16, %jit3A : i32
    %ne3A_30 = arith.constant 0 : i32
    %ne3A_31 = arith.cmpi ne, %rem3A, %ne3A_30 : i32
    %and3A = arith.andi %ne3A, %ne3A_31 : i1
    %sub3A_32 = arith.constant 1 : i32
    %sub3A_33 = arith.subi %div3A, %sub3A_32 : i32
    %select_n3A = arith.select %and3A, %sub3A_33, %div3A : i32
    %sub3A_34 = arith.subi %mul3A_14, %select_n3A : i32
    %sub3A_35 = arith.subi %arg0, %sub3A_34 : i32
    %add3A_36 = arith.addi %sub3A_35, %add3A_13 : i32
    %eq3A = arith.constant 0 : i32
    %eq3A_37 = arith.cmpi eq, %arg0, %eq3A : i32
    %convert_element_type3A_38 = arith.extui %eq3A_37 : i1 to i32
    %cond3A = arith.constant 0 : i32
    %cond3A_39 = arith.cmpi ne, %convert_element_type3A_38, %cond3A : i32
    scf.if %cond3A_39 {
      %get3A_74 = arith.constant 0 : index
      %get3A_75 = arith.constant 0 : index
      %get3A_76 = vector.load %arg1[%get3A_74, %get3A_75] : memref<5120x128xf32, #tpu.memory_space<vmem>>, vector<1024x128xf32>
      %transpose3A = tpu.transpose %get3A_76, [1, 0] : vector<1024x128xf32> -> vector<128x1024xf32>
      %swap3A = arith.constant 0 : index
      %swap3A_77 = arith.constant 0 : index
      %swap3A_78 = vector.load %arg3[%swap3A, %swap3A_77] : memref<128x5120xf32, #tpu.memory_space<vmem>>, vector<128x1024xf32>
      tpu.vector_store %arg3[%swap3A, %swap3A_77], %transpose3A {strides = array<i32>} : memref<128x5120xf32, #tpu.memory_space<vmem>>, vector<128x1024xf32>,
      %get3A_79 = arith.constant 1024 : index
      %get3A_80 = arith.constant 0 : index
      %get3A_81 = vector.load %arg1[%get3A_79, %get3A_80] : memref<5120x128xf32, #tpu.memory_space<vmem>>, vector<1024x128xf32>
      %transpose3A_82 = tpu.transpose %get3A_81, [1, 0] : vector<1024x128xf32> -> vector<128x1024xf32>
      %swap3A_83 = arith.constant 0 : index
      %swap3A_84 = arith.constant 1024 : index
      %swap3A_85 = vector.load %arg3[%swap3A_83, %swap3A_84] : memref<128x5120xf32, #tpu.memory_space<vmem>>, vector<128x1024xf32>
      tpu.vector_store %arg3[%swap3A_83, %swap3A_84], %transpose3A_82 {strides = array<i32>} : memref<128x5120xf32, #tpu.memory_space<vmem>>, vector<128x1024xf32>,
      %get3A_86 = arith.constant 2048 : index
      %get3A_87 = arith.constant 0 : index
      %get3A_88 = vector.load %arg1[%get3A_86, %get3A_87] : memref<5120x128xf32, #tpu.memory_space<vmem>>, vector<1024x128xf32>
      %transpose3A_89 = tpu.transpose %get3A_88, [1, 0] : vector<1024x128xf32> -> vector<128x1024xf32>
      %swap3A_90 = arith.constant 0 : index
      %swap3A_91 = arith.constant 2048 : index
      %swap3A_92 = vector.load %arg3[%swap3A_90, %swap3A_91] : memref<128x5120xf32, #tpu.memory_space<vmem>>, vector<128x1024xf32>
      tpu.vector_store %arg3[%swap3A_90, %swap3A_91], %transpose3A_89 {strides = array<i32>} : memref<128x5120xf32, #tpu.memory_space<vmem>>, vector<128x1024xf32>,
      %get3A_93 = arith.constant 3072 : index
      %get3A_94 = arith.constant 0 : index
      %get3A_95 = vector.load %arg1[%get3A_93, %get3A_94] : memref<5120x128xf32, #tpu.memory_space<vmem>>, vector<1024x128xf32>
      %transpose3A_96 = tpu.transpose %get3A_95, [1, 0] : vector<1024x128xf32> -> vector<128x1024xf32>
      %swap3A_97 = arith.constant 0 : index
      %swap3A_98 = arith.constant 3072 : index
      %swap3A_99 = vector.load %arg3[%swap3A_97, %swap3A_98] : memref<128x5120xf32, #tpu.memory_space<vmem>>, vector<128x1024xf32>
      tpu.vector_store %arg3[%swap3A_97, %swap3A_98], %transpose3A_96 {strides = array<i32>} : memref<128x5120xf32, #tpu.memory_space<vmem>>, vector<128x1024xf32>,
      %get3A_100 = arith.constant 4096 : index
      %get3A_101 = arith.constant 0 : index
      %get3A_102 = vector.load %arg1[%get3A_100, %get3A_101] : memref<5120x128xf32, #tpu.memory_space<vmem>>, vector<1024x128xf32>
      %transpose3A_103 = tpu.transpose %get3A_102, [1, 0] : vector<1024x128xf32> -> vector<128x1024xf32>
      %swap3A_104 = arith.constant 0 : index
      %swap3A_105 = arith.constant 4096 : index
      %swap3A_106 = vector.load %arg3[%swap3A_104, %swap3A_105] : memref<128x5120xf32, #tpu.memory_space<vmem>>, vector<128x1024xf32>
      tpu.vector_store %arg3[%swap3A_104, %swap3A_105], %transpose3A_103 {strides = array<i32>} : memref<128x5120xf32, #tpu.memory_space<vmem>>, vector<128x1024xf32>,
      %get3A_107 = arith.constant 4 : index
      %get3A_108 = arith.constant 0 : index
      %get3A_109 = vector.load %arg3[%get3A_107, %get3A_108] : memref<128x5120xf32, #tpu.memory_space<vmem>>, vector<1x1024xf32>
      %gt3A_110 = arith.constant 5.000000e-01 : f32
      %gt3A_111 = vector.broadcast %gt3A_110 : f32 to vector<1x1024xf32>
      %gt3A_112 = arith.cmpf ogt, %get3A_109, %gt3A_111 : vector<1x1024xf32>
      %convert_element_type3A_113 = arith.extui %gt3A_112 : vector<1x1024xi1> to vector<1x1024xi32>
      %convert_element_type3A_114 = arith.sitofp %convert_element_type3A_113 : vector<1x1024xi32> to vector<1x1024xf32>
      %swap3A_115 = arith.constant 0 : index
      %swap3A_116 = arith.constant 0 : index
      %swap3A_117 = vector.load %arg5[%swap3A_115, %swap3A_116] : memref<40x1024xf32, #tpu.memory_space<vmem>>, vector<1x1024xf32>
      tpu.vector_store %arg5[%swap3A_115, %swap3A_116], %convert_element_type3A_114 {strides = array<i32>} : memref<40x1024xf32, #tpu.memory_space<vmem>>, vector<1x1024xf32>,
      %get3A_118 = arith.constant 4 : index
      %get3A_119 = arith.constant 1024 : index
      %get3A_120 = vector.load %arg3[%get3A_118, %get3A_119] : memref<128x5120xf32, #tpu.memory_space<vmem>>, vector<1x1024xf32>
      %gt3A_121 = arith.constant 5.000000e-01 : f32
      %gt3A_122 = vector.broadcast %gt3A_121 : f32 to vector<1x1024xf32>
      %gt3A_123 = arith.cmpf ogt, %get3A_120, %gt3A_122 : vector<1x1024xf32>
      %convert_element_type3A_124 = arith.extui %gt3A_123 : vector<1x1024xi1> to vector<1x1024xi32>
      %convert_element_type3A_125 = arith.sitofp %convert_element_type3A_124 : vector<1x1024xi32> to vector<1x1024xf32>
      %swap3A_126 = arith.constant 8 : index
      %swap3A_127 = arith.constant 0 : index
      %swap3A_128 = vector.load %arg5[%swap3A_126, %swap3A_127] : memref<40x1024xf32, #tpu.memory_space<vmem>>, vector<1x1024xf32>
      tpu.vector_store %arg5[%swap3A_126, %swap3A_127], %convert_element_type3A_125 {strides = array<i32>} : memref<40x1024xf32, #tpu.memory_space<vmem>>, vector<1x1024xf32>,
      %get3A_129 = arith.constant 4 : index
      %get3A_130 = arith.constant 2048 : index
      %get3A_131 = vector.load %arg3[%get3A_129, %get3A_130] : memref<128x5120xf32, #tpu.memory_space<vmem>>, vector<1x1024xf32>
      %gt3A_132 = arith.constant 5.000000e-01 : f32
      %gt3A_133 = vector.broadcast %gt3A_132 : f32 to vector<1x1024xf32>
      %gt3A_134 = arith.cmpf ogt, %get3A_131, %gt3A_133 : vector<1x1024xf32>
      %convert_element_type3A_135 = arith.extui %gt3A_134 : vector<1x1024xi1> to vector<1x1024xi32>
      %convert_element_type3A_136 = arith.sitofp %convert_element_type3A_135 : vector<1x1024xi32> to vector<1x1024xf32>
      %swap3A_137 = arith.constant 16 : index
      %swap3A_138 = arith.constant 0 : index
      %swap3A_139 = vector.load %arg5[%swap3A_137, %swap3A_138] : memref<40x1024xf32, #tpu.memory_space<vmem>>, vector<1x1024xf32>
      tpu.vector_store %arg5[%swap3A_137, %swap3A_138], %convert_element_type3A_136 {strides = array<i32>} : memref<40x1024xf32, #tpu.memory_space<vmem>>, vector<1x1024xf32>,
      %get3A_140 = arith.constant 4 : index
      %get3A_141 = arith.constant 3072 : index
      %get3A_142 = vector.load %arg3[%get3A_140, %get3A_141] : memref<128x5120xf32, #tpu.memory_space<vmem>>, vector<1x1024xf32>
      %gt3A_143 = arith.constant 5.000000e-01 : f32
      %gt3A_144 = vector.broadcast %gt3A_143 : f32 to vector<1x1024xf32>
      %gt3A_145 = arith.cmpf ogt, %get3A_142, %gt3A_144 : vector<1x1024xf32>
      %convert_element_type3A_146 = arith.extui %gt3A_145 : vector<1x1024xi1> to vector<1x1024xi32>
      %convert_element_type3A_147 = arith.sitofp %convert_element_type3A_146 : vector<1x1024xi32> to vector<1x1024xf32>
      %swap3A_148 = arith.constant 24 : index
      %swap3A_149 = arith.constant 0 : index
      %swap3A_150 = vector.load %arg5[%swap3A_148, %swap3A_149] : memref<40x1024xf32, #tpu.memory_space<vmem>>, vector<1x1024xf32>
      tpu.vector_store %arg5[%swap3A_148, %swap3A_149], %convert_element_type3A_147 {strides = array<i32>} : memref<40x1024xf32, #tpu.memory_space<vmem>>, vector<1x1024xf32>,
      %get3A_151 = arith.constant 4 : index
      %get3A_152 = arith.constant 4096 : index
      %get3A_153 = vector.load %arg3[%get3A_151, %get3A_152] : memref<128x5120xf32, #tpu.memory_space<vmem>>, vector<1x1024xf32>
      %gt3A_154 = arith.constant 5.000000e-01 : f32
      %gt3A_155 = vector.broadcast %gt3A_154 : f32 to vector<1x1024xf32>
      %gt3A_156 = arith.cmpf ogt, %get3A_153, %gt3A_155 : vector<1x1024xf32>
      %convert_element_type3A_157 = arith.extui %gt3A_156 : vector<1x1024xi1> to vector<1x1024xi32>
      %convert_element_type3A_158 = arith.sitofp %convert_element_type3A_157 : vector<1x1024xi32> to vector<1x1024xf32>
      %swap3A_159 = arith.constant 32 : index
      %swap3A_160 = arith.constant 0 : index
      %swap3A_161 = vector.load %arg5[%swap3A_159, %swap3A_160] : memref<40x1024xf32, #tpu.memory_space<vmem>>, vector<1x1024xf32>
      tpu.vector_store %arg5[%swap3A_159, %swap3A_160], %convert_element_type3A_158 {strides = array<i32>} : memref<40x1024xf32, #tpu.memory_space<vmem>>, vector<1x1024xf32>,
    } else {
    }
    %mul3A_40 = arith.constant 1024 : i32
    %mul3A_41 = arith.muli %add3A_13, %mul3A_40 : i32
    %get3A = arith.index_cast %mul3A_41 : i32 to index
    %get3A_42 = arith.constant 0 : index
    %get3A_43 = vector.load %arg1[%get3A, %get3A_42] : memref<5120x128xf32, #tpu.memory_space<vmem>>, vector<1024x128xf32>
    %eq3A_44 = arith.cmpi eq, %add3A_36, %add3A_13 : i32
    %convert_element_type3A_45 = arith.extui %eq3A_44 : i1 to i32
    %cond3A_46 = arith.constant 0 : i32
    %cond3A_47 = arith.cmpi ne, %convert_element_type3A_45, %cond3A_46 : i32
    scf.if %cond3A_47 {
      %mul3A_74 = arith.constant 8 : i32
      %mul3A_75 = arith.muli %mul3A_74, %add3A_13 : i32
      %get3A_76 = arith.index_cast %mul3A_75 : i32 to index
      %get3A_77 = arith.constant 0 : index
      %get3A_78 = vector.load %arg5[%get3A_76, %get3A_77] : memref<40x1024xf32, #tpu.memory_space<vmem>>, vector<8x1024xf32>
      %slice3A_79 = vector.extract_strided_slice %get3A_78 {offsets = [0, 0], sizes = [1, 1024], strides = [1, 1]} : vector<8x1024xf32> to vector<1x1024xf32>
      %broadcast_in_dim3A = arith.constant 0.000000e+00 : f32
      %broadcast_in_dim3A_80 = vector.broadcast %broadcast_in_dim3A : f32 to vector<1024x1xf32>
      %swap3A = arith.constant 0 : index
      %swap3A_81 = arith.constant 0 : index
      %swap3A_82 = vector.load %arg4[%swap3A, %swap3A_81] : memref<1024x1xf32, #tpu.memory_space<vmem>>, vector<1024x1xf32>
      tpu.vector_store %arg4[%swap3A, %swap3A_81], %broadcast_in_dim3A_80 {strides = array<i32>} : memref<1024x1xf32, #tpu.memory_space<vmem>>, vector<1024x1xf32>,
      %reduce_max3A_83 = vector.shape_cast %slice3A_79 : vector<1x1024xf32> to vector<1x1x1024xf32>
      %reduce_max3A_84 = arith.constant dense<0xFF800000> : vector<1xf32>
      %reduce_max3A_85 = vector.multi_reduction <maximumf>, %reduce_max3A_83, %reduce_max3A_84 [1, 2] : vector<1x1x1024xf32> to vector<1xf32>
      %reduce_max3A_86 = vector.shape_cast %reduce_max3A_85 : vector<1xf32> to vector<1x1x1xf32>
      %reduce_max3A_87 = vector.extract %reduce_max3A_86[0, 0, 0] : f32 from vector<1x1x1xf32>
      %swap3A_88 = arith.constant 0 : index
      %swap3A_89 = arith.constant 0 : index
      %swap3A_90 = memref.load %arg6[%swap3A_88, %swap3A_89] : memref<1x1xf32, #tpu.memory_space<smem>>
      memref.store %reduce_max3A_87, %arg6[%swap3A_88, %swap3A_89] : memref<1x1xf32, #tpu.memory_space<smem>>
      %get3A_91 = arith.constant 0 : index
      %get3A_92 = arith.constant 0 : index
      %get3A_93 = memref.load %arg6[%get3A_91, %get3A_92] : memref<1x1xf32, #tpu.memory_space<smem>>
      %gt3A_94 = arith.constant 0.000000e+00 : f32
      %gt3A_95 = arith.cmpf ogt, %get3A_93, %gt3A_94 : f32
      %convert_element_type3A_96 = arith.extui %gt3A_95 : i1 to i32
      %cond3A_97 = arith.constant 0 : i32
      %cond3A_98 = arith.cmpi ne, %convert_element_type3A_96, %cond3A_97 : i32
      scf.if %cond3A_98 {
        %mul3A_99 = arith.constant 1024 : i32
        %mul3A_100 = arith.muli %add3A_13, %mul3A_99 : i32
        %get3A_101 = arith.constant 6 : index
        %get3A_102 = arith.index_cast %mul3A_100 : i32 to index
        %get3A_103 = vector.load %arg3[%get3A_101, %get3A_102] : memref<128x5120xf32, #tpu.memory_space<vmem>>, vector<1x1024xf32>
        %mul3A_104 = arith.constant 1024 : i32
        %mul3A_105 = arith.muli %add3A_13, %mul3A_104 : i32
        %get3A_106 = arith.constant 7 : index
        %get3A_107 = arith.index_cast %mul3A_105 : i32 to index
        %get3A_108 = vector.load %arg3[%get3A_106, %get3A_107] : memref<128x5120xf32, #tpu.memory_space<vmem>>, vector<1x1024xf32>
        %mul3A_109 = arith.constant 1024 : i32
        %mul3A_110 = arith.muli %add3A_13, %mul3A_109 : i32
        %get3A_111 = arith.constant 8 : index
        %get3A_112 = arith.index_cast %mul3A_110 : i32 to index
        %get3A_113 = vector.load %arg3[%get3A_111, %get3A_112] : memref<128x5120xf32, #tpu.memory_space<vmem>>, vector<1x1024xf32>
        %mul3A_114 = arith.constant 1024 : i32
        %mul3A_115 = arith.muli %add3A_13, %mul3A_114 : i32
        %get3A_116 = arith.constant 9 : index
        %get3A_117 = arith.index_cast %mul3A_115 : i32 to index
        %get3A_118 = vector.load %arg3[%get3A_116, %get3A_117] : memref<128x5120xf32, #tpu.memory_space<vmem>>, vector<1x1024xf32>
        %mul3A_119 = arith.constant 1024 : i32
        %mul3A_120 = arith.muli %add3A_13, %mul3A_119 : i32
        %get3A_121 = arith.constant 10 : index
        %get3A_122 = arith.index_cast %mul3A_120 : i32 to index
        %get3A_123 = vector.load %arg3[%get3A_121, %get3A_122] : memref<128x5120xf32, #tpu.memory_space<vmem>>, vector<1x1024xf32>
        %slice3A_124 = vector.extract_strided_slice %get3A_43 {offsets = [0, 6], sizes = [1024, 1], strides = [1, 1]} : vector<1024x128xf32> to vector<1024x1xf32>
        %slice3A_125 = vector.extract_strided_slice %get3A_43 {offsets = [0, 7], sizes = [1024, 1], strides = [1, 1]} : vector<1024x128xf32> to vector<1024x1xf32>
        %slice3A_126 = vector.extract_strided_slice %get3A_43 {offsets = [0, 8], sizes = [1024, 1], strides = [1, 1]} : vector<1024x128xf32> to vector<1024x1xf32>
        %slice3A_127 = vector.extract_strided_slice %get3A_43 {offsets = [0, 9], sizes = [1024, 1], strides = [1, 1]} : vector<1024x128xf32> to vector<1024x1xf32>
        %slice3A_128 = vector.extract_strided_slice %get3A_43 {offsets = [0, 10], sizes = [1024, 1], strides = [1, 1]} : vector<1024x128xf32> to vector<1024x1xf32>
        %max3A = vector.broadcast %slice3A_124 : vector<1024x1xf32> to vector<1024x1024xf32>
        %max3A_129 = vector.broadcast %get3A_103 : vector<1x1024xf32> to vector<1024x1024xf32>
        %max3A_130 = arith.maximumf %max3A, %max3A_129 : vector<1024x1024xf32>
        %max3A_131 = vector.broadcast %slice3A_125 : vector<1024x1xf32> to vector<1024x1024xf32>
        %max3A_132 = vector.broadcast %get3A_108 : vector<1x1024xf32> to vector<1024x1024xf32>
        %max3A_133 = arith.maximumf %max3A_131, %max3A_132 : vector<1024x1024xf32>
        %min3A = vector.broadcast %slice3A_126 : vector<1024x1xf32> to vector<1024x1024xf32>
        %min3A_134 = vector.broadcast %get3A_113 : vector<1x1024xf32> to vector<1024x1024xf32>
        %min3A_135 = arith.minimumf %min3A, %min3A_134 : vector<1024x1024xf32>
        %min3A_136 = vector.broadcast %slice3A_127 : vector<1024x1xf32> to vector<1024x1024xf32>
        %min3A_137 = vector.broadcast %get3A_118 : vector<1x1024xf32> to vector<1024x1024xf32>
        %min3A_138 = arith.minimumf %min3A_136, %min3A_137 : vector<1024x1024xf32>
        %sub3A_139 = arith.subf %min3A_135, %max3A_130 : vector<1024x1024xf32>
        %max3A_140 = arith.constant 0.000000e+00 : f32
        %max3A_141 = vector.broadcast %max3A_140 : f32 to vector<1024x1024xf32>
        %max3A_142 = arith.maximumf %sub3A_139, %max3A_141 : vector<1024x1024xf32>
        %sub3A_143 = arith.subf %min3A_138, %max3A_133 : vector<1024x1024xf32>
        %max3A_144 = arith.constant 0.000000e+00 : f32
        %max3A_145 = vector.broadcast %max3A_144 : f32 to vector<1024x1024xf32>
        %max3A_146 = arith.maximumf %sub3A_143, %max3A_145 : vector<1024x1024xf32>
        %mul3A_147 = arith.mulf %max3A_142, %max3A_146 : vector<1024x1024xf32>
        %add3A_148 = vector.broadcast %slice3A_128 : vector<1024x1xf32> to vector<1024x1024xf32>
        %add3A_149 = vector.broadcast %get3A_123 : vector<1x1024xf32> to vector<1024x1024xf32>
        %add3A_150 = arith.addf %add3A_148, %add3A_149 : vector<1024x1024xf32>
        %sub3A_151 = arith.subf %add3A_150, %mul3A_147 : vector<1024x1024xf32>
        %add3A_152 = arith.constant 9.99999971E-10 : f32
        %add3A_153 = vector.broadcast %add3A_152 : f32 to vector<1024x1024xf32>
        %add3A_154 = arith.addf %sub3A_151, %add3A_153 : vector<1024x1024xf32>
        %div3A_155 = arith.divf %mul3A_147, %add3A_154 : vector<1024x1024xf32>
        %iota3A = tpu.iota {dimensions = array<i32: 0>} : vector<1024x1xi32>
        %iota3A_156 = tpu.iota {dimensions = array<i32: 1>} : vector<1x1024xi32>
        %lt3A = vector.broadcast %iota3A : vector<1024x1xi32> to vector<1024x1024xi32>
        %lt3A_157 = vector.broadcast %iota3A_156 : vector<1x1024xi32> to vector<1024x1024xi32>
        %lt3A_158 = arith.cmpi slt, %lt3A, %lt3A_157 : vector<1024x1024xi32>
        %convert_element_type3A_159 = arith.extui %lt3A_158 : vector<1024x1024xi1> to vector<1024x1024xi32>
        %convert_element_type3A_160 = arith.sitofp %convert_element_type3A_159 : vector<1024x1024xi32> to vector<1024x1024xf32>
        %mul3A_161 = arith.mulf %div3A_155, %convert_element_type3A_160 : vector<1024x1024xf32>
        %while3A = arith.constant 1.000000e+00 : f32
        %while3A_162:2 = scf.while (%while3A_166 = %slice3A_79, %while3A_167 = %while3A) : (vector<1x1024xf32>, f32) -> (vector<1x1024xf32>, f32) {
          %gt3A_168 = arith.constant 0.000000e+00 : f32
          %gt3A_169 = arith.cmpf ogt, %while3A_167, %gt3A_168 : f32
          scf.condition(%gt3A_169) %while3A_166, %while3A_167 : vector<1x1024xf32>, f32
        } do {
        ^bb0(%while3A_166: vector<1x1024xf32>, %while3A_167: f32):
          %transpose3A_168 = tpu.transpose %while3A_166, [1, 0] : vector<1x1024xf32> -> vector<1024x1xf32>
          %mul3A_169 = vector.broadcast %transpose3A_168 : vector<1024x1xf32> to vector<1024x1024xf32>
          %mul3A_170 = arith.mulf %mul3A_161, %mul3A_169 : vector<1024x1024xf32>
          %reduce_max3A_171 = arith.constant dense<0xFF800000> : vector<1024xf32>
          %reduce_max3A_172 = vector.multi_reduction <maximumf>, %mul3A_170, %reduce_max3A_171 [0] : vector<1024x1024xf32> to vector<1024xf32>
          %broadcast_in_dim3A_173 = vector.shape_cast %reduce_max3A_172 : vector<1024xf32> to vector<1x1024xf32>
          %gt3A_174 = arith.constant 4.500000e-01 : f32
          %gt3A_175 = vector.broadcast %gt3A_174 : f32 to vector<1x1024xf32>
          %gt3A_176 = arith.cmpf ogt, %broadcast_in_dim3A_173, %gt3A_175 : vector<1x1024xf32>
          %convert_element_type3A_177 = arith.extui %gt3A_176 : vector<1x1024xi1> to vector<1x1024xi32>
          %convert_element_type3A_178 = arith.sitofp %convert_element_type3A_177 : vector<1x1024xi32> to vector<1x1024xf32>
          %sub3A_179 = arith.constant 1.000000e+00 : f32
          %sub3A_180 = vector.broadcast %sub3A_179 : f32 to vector<1x1024xf32>
          %sub3A_181 = arith.subf %sub3A_180, %convert_element_type3A_178 : vector<1x1024xf32>
          %mul3A_182 = arith.mulf %slice3A_79, %sub3A_181 : vector<1x1024xf32>
          %sub3A_183 = arith.subf %mul3A_182, %while3A_166 : vector<1x1024xf32>
          %abs3A = math.absf %sub3A_183 : vector<1x1024xf32>
          %reduce_max3A_184 = vector.shape_cast %abs3A : vector<1x1024xf32> to vector<1x1x1024xf32>
          %reduce_max3A_185 = arith.constant dense<0xFF800000> : vector<1xf32>
          %reduce_max3A_186 = vector.multi_reduction <maximumf>, %reduce_max3A_184, %reduce_max3A_185 [1, 2] : vector<1x1x1024xf32> to vector<1xf32>
          %reduce_max3A_187 = vector.shape_cast %reduce_max3A_186 : vector<1xf32> to vector<1x1x1xf32>
          %reduce_max3A_188 = vector.extract %reduce_max3A_187[0, 0, 0] : f32 from vector<1x1x1xf32>
          scf.yield %mul3A_182, %reduce_max3A_188 : vector<1x1024xf32>, f32
        }
        %transpose3A = tpu.transpose %while3A_162#0, [1, 0] : vector<1x1024xf32> -> vector<1024x1xf32>
        %swap3A_163 = arith.constant 0 : index
        %swap3A_164 = arith.constant 0 : index
        %swap3A_165 = vector.load %arg4[%swap3A_163, %swap3A_164] : memref<1024x1xf32, #tpu.memory_space<vmem>>, vector<1024x1xf32>
        tpu.vector_store %arg4[%swap3A_163, %swap3A_164], %transpose3A {strides = array<i32>} : memref<1024x1xf32, #tpu.memory_space<vmem>>, vector<1024x1xf32>,
      } else {
      }
    } else {
    }
    %mul3A_48 = arith.constant 8 : i32
    %mul3A_49 = arith.muli %mul3A_48, %add3A_36 : i32
    %get3A_50 = arith.index_cast %mul3A_49 : i32 to index
    %get3A_51 = arith.constant 0 : index
    %get3A_52 = vector.load %arg5[%get3A_50, %get3A_51] : memref<40x1024xf32, #tpu.memory_space<vmem>>, vector<8x1024xf32>
    %slice3A = vector.extract_strided_slice %get3A_52 {offsets = [0, 0], sizes = [1, 1024], strides = [1, 1]} : vector<8x1024xf32> to vector<1x1024xf32>
    %reduce_max3A = vector.shape_cast %slice3A : vector<1x1024xf32> to vector<1x1x1024xf32>
    %reduce_max3A_53 = arith.constant dense<0xFF800000> : vector<1xf32>
    %reduce_max3A_54 = vector.multi_reduction <maximumf>, %reduce_max3A, %reduce_max3A_53 [1, 2] : vector<1x1x1024xf32> to vector<1xf32>
    %reduce_max3A_55 = vector.shape_cast %reduce_max3A_54 : vector<1xf32> to vector<1x1x1xf32>
    %reduce_max3A_56 = vector.extract %reduce_max3A_55[0, 0, 0] : f32 from vector<1x1x1xf32>
    %gt3A = arith.cmpi sgt, %add3A_36, %add3A_13 : i32
    %get3A_57 = arith.constant 0 : index
    %get3A_58 = arith.constant 0 : index
    %get3A_59 = memref.load %arg6[%get3A_57, %get3A_58] : memref<1x1xf32, #tpu.memory_space<smem>>
    %gt3A_60 = arith.constant 0.000000e+00 : f32
    %gt3A_61 = arith.cmpf ogt, %get3A_59, %gt3A_60 : f32
    %and3A_62 = arith.andi %gt3A, %gt3A_61 : i1
    %gt3A_63 = arith.constant 0.000000e+00 : f32
    %gt3A_64 = arith.cmpf ogt, %reduce_max3A_56, %gt3A_63 : f32
    %and3A_65 = arith.andi %and3A_62, %gt3A_64 : i1
    %convert_element_type3A_66 = arith.extui %and3A_65 : i1 to i32
    %cond3A_67 = arith.constant 0 : i32
    %cond3A_68 = arith.cmpi ne, %convert_element_type3A_66, %cond3A_67 : i32
    scf.if %cond3A_68 {
      %mul3A_74 = arith.constant 1024 : i32
      %mul3A_75 = arith.muli %add3A_36, %mul3A_74 : i32
      %get3A_76 = arith.constant 6 : index
      %get3A_77 = arith.index_cast %mul3A_75 : i32 to index
      %get3A_78 = vector.load %arg3[%get3A_76, %get3A_77] : memref<128x5120xf32, #tpu.memory_space<vmem>>, vector<1x1024xf32>
      %mul3A_79 = arith.constant 1024 : i32
      %mul3A_80 = arith.muli %add3A_36, %mul3A_79 : i32
      %get3A_81 = arith.constant 7 : index
      %get3A_82 = arith.index_cast %mul3A_80 : i32 to index
      %get3A_83 = vector.load %arg3[%get3A_81, %get3A_82] : memref<128x5120xf32, #tpu.memory_space<vmem>>, vector<1x1024xf32>
      %mul3A_84 = arith.constant 1024 : i32
      %mul3A_85 = arith.muli %add3A_36, %mul3A_84 : i32
      %get3A_86 = arith.constant 8 : index
      %get3A_87 = arith.index_cast %mul3A_85 : i32 to index
      %get3A_88 = vector.load %arg3[%get3A_86, %get3A_87] : memref<128x5120xf32, #tpu.memory_space<vmem>>, vector<1x1024xf32>
      %mul3A_89 = arith.constant 1024 : i32
      %mul3A_90 = arith.muli %add3A_36, %mul3A_89 : i32
      %get3A_91 = arith.constant 9 : index
      %get3A_92 = arith.index_cast %mul3A_90 : i32 to index
      %get3A_93 = vector.load %arg3[%get3A_91, %get3A_92] : memref<128x5120xf32, #tpu.memory_space<vmem>>, vector<1x1024xf32>
      %mul3A_94 = arith.constant 1024 : i32
      %mul3A_95 = arith.muli %add3A_36, %mul3A_94 : i32
      %get3A_96 = arith.constant 10 : index
      %get3A_97 = arith.index_cast %mul3A_95 : i32 to index
      %get3A_98 = vector.load %arg3[%get3A_96, %get3A_97] : memref<128x5120xf32, #tpu.memory_space<vmem>>, vector<1x1024xf32>
      %slice3A_99 = vector.extract_strided_slice %get3A_43 {offsets = [0, 6], sizes = [1024, 1], strides = [1, 1]} : vector<1024x128xf32> to vector<1024x1xf32>
      %slice3A_100 = vector.extract_strided_slice %get3A_43 {offsets = [0, 7], sizes = [1024, 1], strides = [1, 1]} : vector<1024x128xf32> to vector<1024x1xf32>
      %slice3A_101 = vector.extract_strided_slice %get3A_43 {offsets = [0, 8], sizes = [1024, 1], strides = [1, 1]} : vector<1024x128xf32> to vector<1024x1xf32>
      %slice3A_102 = vector.extract_strided_slice %get3A_43 {offsets = [0, 9], sizes = [1024, 1], strides = [1, 1]} : vector<1024x128xf32> to vector<1024x1xf32>
      %slice3A_103 = vector.extract_strided_slice %get3A_43 {offsets = [0, 10], sizes = [1024, 1], strides = [1, 1]} : vector<1024x128xf32> to vector<1024x1xf32>
      %max3A = vector.broadcast %slice3A_99 : vector<1024x1xf32> to vector<1024x1024xf32>
      %max3A_104 = vector.broadcast %get3A_78 : vector<1x1024xf32> to vector<1024x1024xf32>
      %max3A_105 = arith.maximumf %max3A, %max3A_104 : vector<1024x1024xf32>
      %max3A_106 = vector.broadcast %slice3A_100 : vector<1024x1xf32> to vector<1024x1024xf32>
      %max3A_107 = vector.broadcast %get3A_83 : vector<1x1024xf32> to vector<1024x1024xf32>
      %max3A_108 = arith.maximumf %max3A_106, %max3A_107 : vector<1024x1024xf32>
      %min3A = vector.broadcast %slice3A_101 : vector<1024x1xf32> to vector<1024x1024xf32>
      %min3A_109 = vector.broadcast %get3A_88 : vector<1x1024xf32> to vector<1024x1024xf32>
      %min3A_110 = arith.minimumf %min3A, %min3A_109 : vector<1024x1024xf32>
      %min3A_111 = vector.broadcast %slice3A_102 : vector<1024x1xf32> to vector<1024x1024xf32>
      %min3A_112 = vector.broadcast %get3A_93 : vector<1x1024xf32> to vector<1024x1024xf32>
      %min3A_113 = arith.minimumf %min3A_111, %min3A_112 : vector<1024x1024xf32>
      %sub3A_114 = arith.subf %min3A_110, %max3A_105 : vector<1024x1024xf32>
      %max3A_115 = arith.constant 0.000000e+00 : f32
      %max3A_116 = vector.broadcast %max3A_115 : f32 to vector<1024x1024xf32>
      %max3A_117 = arith.maximumf %sub3A_114, %max3A_116 : vector<1024x1024xf32>
      %sub3A_118 = arith.subf %min3A_113, %max3A_108 : vector<1024x1024xf32>
      %max3A_119 = arith.constant 0.000000e+00 : f32
      %max3A_120 = vector.broadcast %max3A_119 : f32 to vector<1024x1024xf32>
      %max3A_121 = arith.maximumf %sub3A_118, %max3A_120 : vector<1024x1024xf32>
      %mul3A_122 = arith.mulf %max3A_117, %max3A_121 : vector<1024x1024xf32>
      %add3A_123 = vector.broadcast %slice3A_103 : vector<1024x1xf32> to vector<1024x1024xf32>
      %add3A_124 = vector.broadcast %get3A_98 : vector<1x1024xf32> to vector<1024x1024xf32>
      %add3A_125 = arith.addf %add3A_123, %add3A_124 : vector<1024x1024xf32>
      %sub3A_126 = arith.subf %add3A_125, %mul3A_122 : vector<1024x1024xf32>
      %add3A_127 = arith.constant 9.99999971E-10 : f32
      %add3A_128 = vector.broadcast %add3A_127 : f32 to vector<1024x1024xf32>
      %add3A_129 = arith.addf %sub3A_126, %add3A_128 : vector<1024x1024xf32>
      %div3A_130 = arith.divf %mul3A_122, %add3A_129 : vector<1024x1024xf32>
      %get3A_131 = arith.constant 0 : index
      %get3A_132 = arith.constant 0 : index
      %get3A_133 = vector.load %arg4[%get3A_131, %get3A_132] : memref<1024x1xf32, #tpu.memory_space<vmem>>, vector<1024x1xf32>
      %mul3A_134 = vector.broadcast %get3A_133 : vector<1024x1xf32> to vector<1024x1024xf32>
      %mul3A_135 = arith.mulf %div3A_130, %mul3A_134 : vector<1024x1024xf32>
      %reduce_max3A_136 = arith.constant dense<0xFF800000> : vector<1024xf32>
      %reduce_max3A_137 = vector.multi_reduction <maximumf>, %mul3A_135, %reduce_max3A_136 [0] : vector<1024x1024xf32> to vector<1024xf32>
      %broadcast_in_dim3A = vector.shape_cast %reduce_max3A_137 : vector<1024xf32> to vector<1x1024xf32>
      %gt3A_138 = arith.constant 4.500000e-01 : f32
      %gt3A_139 = vector.broadcast %gt3A_138 : f32 to vector<1x1024xf32>
      %gt3A_140 = arith.cmpf ogt, %broadcast_in_dim3A, %gt3A_139 : vector<1x1024xf32>
      %convert_element_type3A_141 = arith.extui %gt3A_140 : vector<1x1024xi1> to vector<1x1024xi32>
      %convert_element_type3A_142 = arith.sitofp %convert_element_type3A_141 : vector<1x1024xi32> to vector<1x1024xf32>
      %sub3A_143 = arith.constant 1.000000e+00 : f32
      %sub3A_144 = vector.broadcast %sub3A_143 : f32 to vector<1x1024xf32>
      %sub3A_145 = arith.subf %sub3A_144, %convert_element_type3A_142 : vector<1x1024xf32>
      %mul3A_146 = vector.broadcast %sub3A_145 : vector<1x1024xf32> to vector<8x1024xf32>
      %mul3A_147 = arith.mulf %get3A_52, %mul3A_146 : vector<8x1024xf32>
      %mul3A_148 = arith.constant 8 : i32
      %mul3A_149 = arith.muli %mul3A_148, %add3A_36 : i32
      %swap3A = arith.index_cast %mul3A_149 : i32 to index
      %swap3A_150 = arith.constant 0 : index
      %swap3A_151 = vector.load %arg5[%swap3A, %swap3A_150] : memref<40x1024xf32, #tpu.memory_space<vmem>>, vector<8x1024xf32>
      tpu.vector_store %arg5[%swap3A, %swap3A_150], %mul3A_147 {strides = array<i32>} : memref<40x1024xf32, #tpu.memory_space<vmem>>, vector<8x1024xf32>,
    } else {
    }
    %eq3A_69 = arith.constant 4 : i32
    %eq3A_70 = arith.cmpi eq, %add3A_36, %eq3A_69 : i32
    %convert_element_type3A_71 = arith.extui %eq3A_70 : i1 to i32
    %cond3A_72 = arith.constant 0 : i32
    %cond3A_73 = arith.cmpi ne, %convert_element_type3A_71, %cond3A_72 : i32
    scf.if %cond3A_73 {
      %slice3A_74 = vector.extract_strided_slice %get3A_43 {offsets = [0, 0], sizes = [1024, 6], strides = [1, 1]} : vector<1024x128xf32> to vector<1024x6xf32>
      %get3A_75 = arith.constant 0 : index
      %get3A_76 = arith.constant 0 : index
      %get3A_77 = vector.load %arg4[%get3A_75, %get3A_76] : memref<1024x1xf32, #tpu.memory_space<vmem>>, vector<1024x1xf32>
      %mul3A_78 = vector.broadcast %get3A_77 : vector<1024x1xf32> to vector<1024x6xf32>
      %mul3A_79 = arith.mulf %slice3A_74, %mul3A_78 : vector<1024x6xf32>
      %swap3A = arith.constant 0 : index
      %swap3A_80 = arith.constant 0 : index
      %swap3A_81 = vector.load %arg2[%swap3A, %swap3A_80] : memref<1024x6xf32, #tpu.memory_space<vmem>>, vector<1024x6xf32>
      tpu.vector_store %arg2[%swap3A, %swap3A_80], %mul3A_79 {strides = array<i32>} : memref<1024x6xf32, #tpu.memory_space<vmem>>, vector<1024x6xf32>,
    } else {
    }
    return
  }
  func.func @transform_0(%arg0: i32) -> (i32, i32) {
    %c0_i32 = arith.constant 0 : i32
    %c0_i32_0 = arith.constant 0 : i32
    %c0_i32_1 = arith.constant 0 : i32
    return %c0_i32, %c0_i32_0 : i32, i32
  }
  func.func @transform_1(%arg0: i32) -> (i32, i32) {
    %ge3A = arith.constant 5 : i32
    %ge3A_0 = arith.cmpi sge, %arg0, %ge3A : i32
    %convert_element_type3A = arith.extui %ge3A_0 : i1 to i32
    %add3A = arith.constant 0 : i32
    %add3A_1 = arith.addi %add3A, %convert_element_type3A : i32
    %ge3A_2 = arith.constant 9 : i32
    %ge3A_3 = arith.cmpi sge, %arg0, %ge3A_2 : i32
    %convert_element_type3A_4 = arith.extui %ge3A_3 : i1 to i32
    %add3A_5 = arith.addi %add3A_1, %convert_element_type3A_4 : i32
    %ge3A_6 = arith.constant 12 : i32
    %ge3A_7 = arith.cmpi sge, %arg0, %ge3A_6 : i32
    %convert_element_type3A_8 = arith.extui %ge3A_7 : i1 to i32
    %add3A_9 = arith.addi %add3A_5, %convert_element_type3A_8 : i32
    %ge3A_10 = arith.constant 14 : i32
    %ge3A_11 = arith.cmpi sge, %arg0, %ge3A_10 : i32
    %convert_element_type3A_12 = arith.extui %ge3A_11 : i1 to i32
    %add3A_13 = arith.addi %add3A_9, %convert_element_type3A_12 : i32
    %c0_i32 = arith.constant 0 : i32
    %c0_i32_14 = arith.constant 0 : i32
    return %add3A_13, %c0_i32 : i32, i32
  }
}

</mosaic_0001>

<sc_bundles>
// kernel: kernel.6.cloned.1.call-start
scs
__scs_entry_jumppad:
0x0: {  	(pc) =	sbr.rel $0x88, $3  }
0x1: {  	(tag) =	ssettag $0x0;
	lr =	simm.s32 $0x1  }
0x2: {  	[smem:$0x3FA0] =	sst lr;
	_ =	strace $0xD0000000  }
0x3: {  	_ = 	snop  }
0x4: {  	_ = 	snop  }
0x5: {  	_ = 	snop  }
0x6: {  	_ = 	snop  }
0x7: {  	_ = 	snop  }
__scs_overlays_trampoline_lowered:
0x8: {  	[smem:$0x3FAF] =	sst s0  }
0x9: {  	[smem:$0x3FB0] =	sst s1  }
0xa: {  	[smem:$0x3FB1] =	sst s2  }
0xb: {  	[smem:$0x3FB2] =	sst s3  }
0xc: {  	[smem:$0x3FB3] =	sst s4  }
0xd: {  	[smem:$0x3FB4] =	sst s5  }
0xe: {  	[smem:$0x3FB5] =	sst s6  }
0xf: {  	[smem:$0x3FB6] =	sst s7  }
0x10: {  	[smem:$0x3FB7] =	sst s8  }
0x11: {  	[smem:$0x3FB8] =	sst s9;
	s0 =	simm.s32 @!p0 $0x0  }
0x12: {  	s1 =	sld [smem:$0x3F9E];
	s0 =	simm.s32 @p0 $0x1  }
0x13: {  	[smem:$0x3FB9] =	sst s0;
	s0 =	simm.s32 @!p1 $0x0  }
0x14: {  	s2 =	sld [smem:$0x3F9D];
	s0 =	simm.s32 @p1 $0x1  }
0x15: {  	[smem:$0x3FBA] =	sst s0;
	s0 =	simm.s32 @!p2 $0x0  }
0x16: {  	s3 =	sld [smem:$0x3FDB];
	s0 =	simm.s32 @p2 $0x1  }
0x17: {  	s4 =	simm.s32 $0x1BF5;
	[smem:$0x3FBC] =	sst s0  }
0x18: {  	s0 =	sld [smem:$0x3F9F];
	_ =	swait.ge [sflag:s4], $0x0  }
0x19: {  	s7 =	sld [smem:$0x3FA0]  }
0x1a: {  	s8 =	sadd.s32 $0xFFFFE003, lr  }
0x1b: {  	s9 =	sadd.s32 $0xFFFFFEF7, lr;
	s5 =	simm.s32 $0xFFFFFFFF;
	p2 =	slt.u32 s8, $0xFFFFF086  }
0x1c: {  	p1 =	slt.u32 s9, $0xF7A;
	s5 =	simm.s32 @!p2 $0x0  }
0x1d: {  	s5 =	simm.s32 @p1 $0x1;
	p0 =	seq.s32 s7, s2  }
0x1e: {  	s7 =	smul.u32 @!p0 $0xF7A, s2;
	p2 =	seq.s32 @!p0 s5, $0x0  }
0x1f: {  	s9 =	smul.u32 $0xF7A, s1;
	s8 =	simm.s32 @!p0 $0x1BF5;
	p2 =	por !p2, p0  }
0x20: {  	[sflag:s8] =	ssyncset.s32 @!p0 $0xFFFFF086;
	s6 =	sadd.s32 @!p0 s3, s7;
	s7 =	simm.s32 @!p0 $0x108  }
0x21: {  	s3 =	sadd.s32 s3, s9;
	s6 =	sadd.s32 @!p0 $0x88, s6;
	s7 =	simm.s32 @p2 $0x1082  }
0x22: {  	[simem:s7], [sflag:s8] =	dma.local @!p0 [hbm:s6], $0xF7A  }
0x23: {  	s9 =	sor.u32 $0xD0000000, s2;
	s6 =	simm.s32 $0x108;
	_ =	swait.ge @!p0 [sflag:s8], $0x0  }
0x24: {  	s3 =	sadd.s32 $0x88, s3;
	s6 =	simm.s32 @!p1 $0x1082;
	[sflag:s4] =	ssyncset.s32 $0xFFFFF086  }
0x25: {  	[simem:s6], [sflag:s4] =	dma.local [hbm:s3], $0xF7A  }
0x26: {  	[smem:$0x3FA0] =	sst s1;
	(tag) =	ssettag s2;
	_ =	strace s9  }
0x27: {  	s1 =	sld [smem:$0x3FB0]  }
0x28: {  	s2 =	sld [smem:$0x3FB1]  }
0x29: {  	s4 =	sld [smem:$0x3FB3]  }
0x2a: {  	p0 =	seq.s32 s5, $0x0;
	s5 =	sld [smem:$0x3FB4]  }
0x2b: {  	s6 =	sld [smem:$0x3FB5]  }
0x2c: {  	s7 =	sld [smem:$0x3FB6]  }
0x2d: {  	s3 =	simm.s32 $0x108;
	s8 =	sld [smem:$0x3FB7]  }
0x2e: {  	s3 =	simm.s32 @!p0 $0x1082;
	s9 =	sld [smem:$0x3FB8]  }
0x2f: {  	lr =	sadd.s32 s0, s3;
	s0 =	sld [smem:$0x3FAF]  }
0x30: {  	s3 =	sld [smem:$0x3FB2]  }
0x31: {  	[smem:$0x3FBB] =	sst s10  }
0x32: {  	s10 =	sld [smem:$0x3FB9];
	_ =	sdelay $0x3  }
0x33: {  	p0 =	seq.s32 s10, $0x1;
	s10 =	sld [smem:$0x3FBB];
	_ =	sdelay $0x3  }
0x34: {  	[smem:$0x3FBB] =	sst s10  }
0x35: {  	s10 =	sld [smem:$0x3FBA];
	_ =	sdelay $0x3  }
0x36: {  	p1 =	seq.s32 s10, $0x1;
	s10 =	sld [smem:$0x3FBB];
	_ =	sdelay $0x3  }
0x37: {  	[smem:$0x3FBB] =	sst s10  }
0x38: {  	s10 =	sld [smem:$0x3FBC]  }
0x39: {  	_ = 	snop;
	(pc) =	sbr.ind lr, $3  }
0x3a: {  	_ = 	snop  }
0x3b: {  	_ = 	snop  }
0x3c: {  	p2 =	seq.s32 s10, $0x1;
	s10 =	sld [smem:$0x3FBB]  }
0x3d: {  	_ =	shalt  }
0x3e: {  	_ =	shalt  }
0x3f: {  	_ =	shalt  }
0x40: {  	_ =	shalt  }
0x41: {  	_ =	shalt  }
0x42: {  	_ =	shalt  }
0x43: {  	_ =	shalt  }
0x44: {  	_ =	shalt  }
0x45: {  	_ =	shalt  }
0x46: {  	_ =	shalt  }
0x47: {  	_ =	shalt  }
0x48: {  	_ =	shalt  }
0x49: {  	_ =	shalt  }
0x4a: {  	_ =	shalt  }
0x4b: {  	_ =	shalt  }
0x4c: {  	_ =	shalt  }
0x4d: {  	_ =	shalt  }
0x4e: {  	_ =	shalt  }
0x4f: {  	_ =	shalt  }
0x50: {  	_ =	shalt  }
0x51: {  	_ =	shalt  }
0x52: {  	_ =	shalt  }
0x53: {  	_ =	shalt  }
0x54: {  	_ =	shalt  }
0x55: {  	_ =	shalt  }
0x56: {  	_ =	shalt  }
0x57: {  	_ =	shalt  }
0x58: {  	_ =	shalt  }
0x59: {  	_ =	shalt  }
0x5a: {  	_ =	shalt  }
0x5b: {  	_ =	shalt  }
0x5c: {  	_ =	shalt  }
0x5d: {  	_ =	shalt  }
0x5e: {  	_ =	shalt  }
0x5f: {  	_ =	shalt  }
0x60: {  	_ =	shalt  }
0x61: {  	_ =	shalt  }
0x62: {  	_ =	shalt  }
0x63: {  	_ =	shalt  }
0x64: {  	_ =	shalt  }
0x65: {  	_ =	shalt  }
0x66: {  	_ =	shalt  }
0x67: {  	_ =	shalt  }
0x68: {  	_ =	shalt  }
0x69: {  	_ =	shalt  }
0x6a: {  	_ =	shalt  }
0x6b: {  	_ =	shalt  }
0x6c: {  	_ =	shalt  }
0x6d: {  	_ =	shalt  }
0x6e: {  	_ =	shalt  }
0x6f: {  	_ =	shalt  }
0x70: {  	_ =	shalt  }
0x71: {  	_ =	shalt  }
0x72: {  	_ =	shalt  }
0x73: {  	_ =	shalt  }
0x74: {  	_ =	shalt  }
0x75: {  	_ =	shalt  }
0x76: {  	_ =	shalt  }
0x77: {  	_ =	shalt  }
0x78: {  	_ =	shalt  }
0x79: {  	_ =	shalt  }
0x7a: {  	_ =	shalt  }
0x7b: {  	_ =	shalt  }
0x7c: {  	_ =	shalt  }
0x7d: {  	_ =	shalt  }
0x7e: {  	_ =	shalt  }
0x7f: {  	_ =	shalt  }
0x80: {  	_ =	shalt  }
0x81: {  	_ =	shalt  }
0x82: {  	_ =	shalt  }
0x83: {  	_ =	shalt  }
0x84: {  	_ =	shalt  }
0x85: {  	_ =	shalt  }
0x86: {  	_ =	shalt  }
0x87: {  	_ =	shalt  }
.Lfunc_end0:
.L_simem_size_0:
called_computation_lowered:
.L_overlay_start_0:
0x88: {  	s2 =	sld [smem:$0x3FD9]  }
0x89: {  	s3 =	sld [smem:$0x3FFE];
	_ =	sdelay $0x1  }
0x8a: {  	s1 =	srdreg.scid  }
0x8b: {  	s0 =	sand.u32 $0x1, s1  }
0x8c: {  	s17 =	sshll.u32 s0, $0xA;
	s2 =	sadd.s32 s3, s2  }
0x8d: {  	s2 =	sadd.s32 s2, s17  }
0x8e: {  	[smem:$0x3FC7] =	sst s2  }
0x8f: {  	_ = 	snop  }
0x90: {  	s2 =	sld [smem:$0x3FD0];
	(tm) =	ssettm $0x1  }
0x91: {  	s18 =	sld [smem:$0x3FFB];
	_ =	sdelay $0x3  }
0x92: {  	_ =	strace s18  }
0x93: {  	s3 =	sld [smem:$0x3FFC];
	_ =	sdelay $0x3  }
0x94: {  	_ =	strace s3  }
0x95: {  	s3 =	sld [smem:$0x3FFD];
	_ =	sdelay $0x3  }
0x96: {  	_ =	strace s3  }
0x97: {  	_ =	strace $0x8FFFFFFF  }
0x98: {  	s19 =	sld [smem:$0x3FDB];
	_ =	sdelay $0x1  }
0x99: {  	s4 =	simm.s32 $_scs_section_size  }
0x9a: {  	s5 =	simm.s32 $_size__tile_overlayer_lowered;
	s6 =	simm.s32 $_tile_overlayer_lowered  }
0x9b: {  	s22 =	simm.s32 $0x1BFF;
	s21 =	sshll.u32 s6, $0x1;
	s3 =	sadd.s32 s4, s19  }
0x9c: {  	s7 =	simm.s32 $0x0;
	s20 =	sshll.u32 s5, $0x1;
	s5 =	sadd.s32 s21, s3  }
0x9d: {  	[timem:s7], [sflag:s22] =	dma.local [hbm:s5], s20  }
0x9e: {  	_ =	swait.ge [sflag:s22], s20  }
0x9f: {  	s4 =	ssub.s32 $0x0, s20;
	[sflag:s22] =	ssyncset.done $0x0  }
0xa0: {  	[sflag:s22] =	ssyncadd.s32 s4;
	_ =	sdelay $0x1  }
0xa1: {  	s23 =	simm.s32 $0x1B8B  }
0xa2: {  	_ =	swait.ge [sflag:s23], $0x1  }
0xa3: {  	[sflag:s23] =	ssyncset.done $0x0  }
0xa4: {  	s25 =	simm.s32 $0x1B8E;
	s24 =	sld [smem:$0x3FFE];
	[sflag:s23] =	ssyncadd.s32 $0xFFFFFFFF  }
0xa5: {  	s26 =	simm.s32 $execute0_lowered;
	[smem:$0x3FD2] =	sst s25  }
0xa6: {  	s5 =	sshll.u32 s26, $0x1;
	_ =	strace $0x80000046;
	[dreg:$0x1] =	wrdreg $0xFFFFFFFF  }
0xa7: {  	s28 =	simm.s32 $_size_execute0_lowered;
	s3 =	sadd.s32 s3, s5;
	[dreg:$0x0] =	wrdreg $0x0  }
0xa8: {  	s5 =	sshll.u32 s28, $0x1;
	[dreg:$0x2] =	wrdreg s3  }
0xa9: {  	[dreg:$0x3] =	wrdreg s5  }
0xaa: {  	[dreg:$0x4] =	wrdreg $0xC0  }
0xab: {  	_ =	task [dreg:s7], $0x5FFFF  }
0xac: {  	[dreg:$0x1] =	wrdreg $0xFFFFFFFF  }
0xad: {  	[dreg:$0x0] =	wrdreg $0x60  }
0xae: {  	[dreg:$0x2] =	wrdreg s2  }
0xaf: {  	[dreg:$0x3] =	wrdreg s24  }
0xb0: {  	[dreg:$0x4] =	wrdreg $0x9  }
0xb1: {  	_ =	task.clear_ibuf [dreg:s7], $0x5FFFF;
	_ =	strace $0x90000046  }
0xb2: {  	s29 =	simm.s32 $0x9;
	_ =	strace $0x80000048  }
0xb3: {  	_ =	swait.ge [sflag:s29], $0x1  }
0xb4: {  	[sflag:s29] =	ssyncadd.s32 $0xFFFFFFFF  }
0xb5: {  	_ =	strace $0x90000048  }
0xb6: {  	_ =	sfence  }
0xb7: {  	s30 =	sld [smem:$0x0];
	_ =	sdelay $0x2  }
0xb8: {  	s31 =	sshll.u32 s1, $0xD;
	s1 =	sshrl.u32 s1, $0x2  }
0xb9: {  	s3 =	sand.u32 $0x4000, s31;
	s1 =	sadd.s32 s1, s30  }
0xba: {  	s0 =	sor.u32 s3, s0;
	s1 =	sshll.u32 s1, $0x11  }
0xbb: {  	s0 =	sor.u32 s1, s0  }
0xbc: {  	s0 =	sadd.s32 $0x8F2B, s0  }
0xbd: {  	[sflag:s0] =	ssyncadd.remote.s32 $0x1  }
0xbe: {  	_ =	sfence.sel $0xFFFF  }
0xbf: {  	[dreg:$0x0] =	wrdreg $0xFFFFFFFF;
	(pc) =	sbr.abs _section_cstart, $3  }
0xc0: {  	[dreg:$0x1] =	wrdreg $0xFFFFFFFF  }
0xc1: {  	_ =	task.clear_ibuf [dreg:s7], $0x2FFFF;
	_ =	strace $0x9FFFFFFF  }
0xc2: {  	(tm) =	ssettm $0x7FFFFFFF  }
0xc3: {  	_ =	shalt  }
tec
execute0_lowered:
.L_overlay_start_1:
0x0: {  	(tag) =	ssettag $0x1  }
0x1: {  	s1 =	srdreg.scid;
	s0 =	stileid.u32  }
0x2: {  	s12 =	sand.u32 $0x1, s1;
	s29 =	sshll.u32 s0, $0x1  }
0x3: {  	s5 =	sor.u32 s12, s29  }
0x4: {  	s10 =	rddreg [dreg:$0x0];
	s11 =	smul.u32 $0xA0, s5  }
0x5: {  	s7 =	rddreg [dreg:$0x1];
	s2 =	simm.s32 $0x0  }
0x6: {  	s4 =	simm.s32 $0x2;
	[smem:$0x7FF] =	sst s2;
	s3 =	sshrl.u32 s11, $0x3  }
0x7: {  	s1 =	rddreg [dreg:$0x2];
	_ =	strace $0x80000047;
	s3 =	sadd.s32 s10, s3  }
0x8: {  	[tilespmem:s2], [sflag:$0x2] =	stream.linear.gather [hbm4b:s3+s2], $0x50, $0x38;
	[tilespmem:$0x5100] =	vst v63  }
0x9: {  	s5 =	smul.u32 $0xA00, s5;
	_ =	swait.ge [sflag:s4], $0x50  }
0xa: {  	s13 =	sadd.s32 $0x600, s7;
	[sflag:s4] =	ssyncset.done $0x0  }
0xb: {  	s6 =	simm.s32 $0x100;
	s5 =	sadd.s32 s13, s5;
	[sflag:s4] =	ssyncadd.s32 $0xFFFFFFB0  }
0xc: {  	[tilespmem:s6], [sflag:$0x2] =	stream.linear.gather [hbm4b:s5+s2], $0x2800, $0x38;
	[tilespmem:$0x5100] =	vst v63  }
0xd: {  	_ =	swait.ge [sflag:s4], $0x2800  }
0xe: {  	s9 =	simm.s32 $0x50;
	[sflag:s4] =	ssyncset.done $0x0  }
0xf: {  	s8 =	simm.s32 $0x1;
	s7 =	sadd.s32 $0x14600, s7;
	[sflag:s4] =	ssyncadd.s32 $0xFFFFD800  }
0x10: {  	[hbm4b:s7+s9] =	stream.indirect.scatter [tilespmem:s6], [sflag:$0x1], $0x80, s2, s9, $0xb8;
	[tilespmem:$0x5100] =	vst v63  }
0x11: {  	s14 =	sadd.s32 $0x50, s11;
	_ =	swait.ge [sflag:s8], $0x2800  }
0x12: {  	s15 =	ssub.s32 $0x2, s12;
	s11 =	sshrl.u32 s14, $0x3;
	[sflag:s8] =	ssyncset.done $0x0  }
0x13: {  	s10 =	sadd.s32 s10, s11;
	s11 =	simm.s32 $0x80;
	[sflag:s8] =	ssyncadd.s32 $0xFFFFD800  }
0x14: {  	[tilespmem:s11], [sflag:$0x2] =	stream.linear.gather [hbm4b:s10+s2], $0x50, $0x38;
	[tilespmem:$0x5100] =	vst v63  }
0x15: {  	s31 =	sshrl.u32 s15, $0x1;
	s30 =	sshll.u32 s14, $0x4;
	_ =	swait.ge [sflag:s4], $0x50  }
0x16: {  	s14 =	ssub.s32 s15, s31;
	s12 =	sadd.s32 s13, s30;
	[sflag:s4] =	ssyncset.done $0x0  }
0x17: {  	s13 =	simm.s32 $0x2900;
	s14 =	smax.u32 s14, $0x1;
	[sflag:s4] =	ssyncadd.s32 $0xFFFFFFB0  }
0x18: {  	[tilespmem:s13], [sflag:$0x2] =	stream.linear.gather [hbm4b:s12+s2], $0x2800, $0x38;
	[tilespmem:$0x5100] =	vst v63  }
0x19: {  	p0 =	sne.s32 s14, $0x1;
	_ =	swait.ge [sflag:s4], $0x2800  }
.Ltmp0:
0x1a: {  	[sflag:s4] =	ssyncset.done $0x0;
	(pc) =	sbr.rel @!p0 .LBB2_2-.Ltmp0, $4  }
0x1b: {  	[sflag:s4] =	ssyncadd.s32 $0xFFFFD800  }
0x1c: {  	[hbm4b:s7+s9] =	stream.indirect.scatter [tilespmem:s13], [sflag:$0x1], $0x80, s11, s9, $0xb8;
	[tilespmem:$0x5100] =	vst v63  }
0x1d: {  	_ =	swait.ge [sflag:s8], $0x2800  }
0x1e: {  	s14 =	sadd.s32 $0xFFFFFFFF, s14;
	[sflag:s8] =	ssyncset.done $0x0  }
.LBB2_1:
0x1f: {  	p0 =	sne.s32 s14, $0x1;
	s14 =	sadd.s32 $0xFFFFFFFF, s14;
	[sflag:s8] =	ssyncadd.s32 $0xFFFFD800  }
0x20: {  	[tilespmem:s2], [sflag:$0x2] =	stream.linear.gather [hbm4b:s3+s2], $0x50, $0x38;
	[tilespmem:$0x5100] =	vst v63  }
0x21: {  	_ =	swait.ge [sflag:s4], $0x50  }
0x22: {  	[sflag:s4] =	ssyncset.done $0x0  }
0x23: {  	[sflag:s4] =	ssyncadd.s32 $0xFFFFFFB0  }
0x24: {  	[tilespmem:s6], [sflag:$0x2] =	stream.linear.gather [hbm4b:s5+s2], $0x2800, $0x38;
	[tilespmem:$0x5100] =	vst v63  }
0x25: {  	_ =	swait.ge [sflag:s4], $0x2800  }
0x26: {  	[sflag:s4] =	ssyncset.done $0x0  }
0x27: {  	[sflag:s4] =	ssyncadd.s32 $0xFFFFD800  }
0x28: {  	[hbm4b:s7+s9] =	stream.indirect.scatter [tilespmem:s6], [sflag:$0x1], $0x80, s2, s9, $0xb8;
	[tilespmem:$0x5100] =	vst v63  }
0x29: {  	_ =	swait.ge [sflag:s8], $0x2800  }
0x2a: {  	[sflag:s8] =	ssyncset.done $0x0  }
0x2b: {  	[sflag:s8] =	ssyncadd.s32 $0xFFFFD800  }
0x2c: {  	[tilespmem:s11], [sflag:$0x2] =	stream.linear.gather [hbm4b:s10+s2], $0x50, $0x38;
	[tilespmem:$0x5100] =	vst v63  }
0x2d: {  	_ =	swait.ge [sflag:s4], $0x50  }
0x2e: {  	[sflag:s4] =	ssyncset.done $0x0  }
0x2f: {  	[sflag:s4] =	ssyncadd.s32 $0xFFFFFFB0  }
0x30: {  	[tilespmem:s13], [sflag:$0x2] =	stream.linear.gather [hbm4b:s12+s2], $0x2800, $0x38;
	[tilespmem:$0x5100] =	vst v63  }
0x31: {  	_ =	swait.ge [sflag:s4], $0x2800  }
.Ltmp1:
0x32: {  	[sflag:s4] =	ssyncset.done $0x0;
	(pc) =	sbr.rel @p0 .LBB2_1-.Ltmp1, $4  }
0x33: {  	[sflag:s4] =	ssyncadd.s32 $0xFFFFD800  }
0x34: {  	[hbm4b:s7+s9] =	stream.indirect.scatter [tilespmem:s13], [sflag:$0x1], $0x80, s11, s9, $0xb8;
	[tilespmem:$0x5100] =	vst v63  }
0x35: {  	_ =	swait.ge [sflag:s8], $0x2800  }
0x36: {  	[sflag:s8] =	ssyncset.done $0x0  }
.LBB2_2:
0x37: {  	[sflag:s8] =	ssyncadd.s32 $0xFFFFD800  }
0x38: {  	_ =	sfence.sel $0x180000  }
0x39: {  	[bflag:$0x0] =	sbarrier.arrive $0xFFFF  }
0x3a: {  	p0 =	sne.s32 s0, $0x0;
	_ =	strace $0x90000047  }
0x3b: {  	s0 =	sadd.s32 @!p0 $0x100000, s1;
	[bflag:$0x2] =	sbarrier.arrive $0xFFFF  }
0x3c: {  	[sflag:s0] =	ssyncadd.tile.s32 @!p0 $0x1;
	_ =	shalt  }
.Lfunc_end2:
_tile_overlayer_lowered:
.L_overlay_start_2:
0x3d: {  	(tag) =	ssettag $0x2  }
0x3e: {  	s0 =	rddreg [dreg:$0x0];
	s2 =	stileid.u32  }
0x3f: {  	s1 =	rddreg [dreg:$0x1];
	p0 =	sne.s32 s2, $0x0  }
0x40: {  	s3 =	rddreg [dreg:$0x2];
	[bflag:$0x3] =	sbarrier.arrive $0xFFFF;
	s2 =	simm.s32 @!p0 $0x1C02  }
0x41: {  	[timem:s3], [sflag:s2] =	dma.local @!p0 [hbm:s0], s1  }
0x42: {  	s0 =	simm.s32 @!p0 $0x2  }
0x43: {  	_ =	swait.ge @!p0 [sflag:s0], s1  }
0x44: {  	s1 =	ssub.s32 @!p0 $0x0, s1;
	[sflag:s0] =	ssyncset.done @!p0 $0x0  }
0x45: {  	[sflag:s0] =	ssyncadd.s32 @!p0 s1  }
0x46: {  	[bflag:$0x3] =	sbarrier.arrive $0xFFFF  }
0x47: {  	_ =	shalt  }

</sc_bundles>
